<compile_context>
chip_gen: v7x
topology: tpu7x:2x2x1
jax: 0.10.2.dev20260603
libtpu: 0.0.44.dev20260713+nightly
codegen_flags: <defaults>
</compile_context>

<pallas_src>
import functools

import jax
import jax.numpy as jnp
from jax import lax
from jax.experimental import pallas as pl
from jax.experimental.pallas import tpu as pltpu
from jax.experimental.pallas import tpu_sc as plsc

N_NODES = 10000
N_EDGES = 320000
F = 128

NC = 2
NS = 16
NW = NC * NS

E_PER_TILE = N_EDGES // NW
VREGS = E_PER_TILE // 16
CHUNK = 128
C_FULL = E_PER_TILE // CHUNK

C_SIZE = N_NODES * F
ACC = C_SIZE
ACC_PER_TILE = ACC // NS
ZCHUNK = ACC_PER_TILE // 10
DEG_PAD = 10016


def _sc_body(edge_ref, feat_ref, acc_out, deg_out,
             feat_v, ebuf_v, idx2d, ones_v, tvals_v, zbuf_v, deg_v,
             accsp, sem, semz, semw):
    cid = lax.axis_index("c")
    sid = lax.axis_index("s")
    wid = cid * NS + sid

    def zfill(i, carry):
        zbuf_v[pl.ds(i * 16, 16)] = jnp.zeros((16,), jnp.float32)
        return carry
    lax.fori_loop(0, ZCHUNK // 16, zfill, 0)
    def dzero(i, carry):
        deg_v[pl.ds(i * 16, 16)] = jnp.zeros((16,), jnp.float32)
        return carry
    lax.fori_loop(0, DEG_PAD // 16, dzero, 0)
    ones16 = jnp.ones((16,), jnp.float32)
    zeros16 = jnp.zeros((16,), jnp.float32)
    for k in range(CHUNK // 16):
        ones_v[pl.ds(k * 16, 16)] = ones16
        tvals_v[pl.ds(k * 16, 16)] = ones16 if k < 1 else zeros16

    nz = ACC_PER_TILE // ZCHUNK
    def zero_acc(k, carry):
        pltpu.async_copy(zbuf_v,
                         accsp.at[pl.ds(sid * ACC_PER_TILE + k * ZCHUNK,
                                        ZCHUNK)], semz)
        return carry
    lax.fori_loop(0, nz, zero_acc, 0)

    pltpu.sync_copy(feat_ref, feat_v)
    pltpu.sync_copy(edge_ref.at[pl.ds(wid * E_PER_TILE, E_PER_TILE)],
                    ebuf_v.at[pl.ds(0, E_PER_TILE)])
    pltpu.sync_copy(edge_ref.at[pl.ds(N_EDGES + wid * E_PER_TILE,
                                      E_PER_TILE)],
                    ebuf_v.at[pl.ds(E_PER_TILE, E_PER_TILE)])

    def dhist(j, carry):
        s16 = ebuf_v[pl.ds(j * 16, 16)]
        cnt, last = plsc.scan_count(s16)
        plsc.addupdate_scatter(deg_v, [s16], cnt.astype(jnp.float32),
                               mask=last)
        return carry
    lax.fori_loop(0, VREGS, dhist, 0)

    def c_key(i):
        s16 = ebuf_v[pl.ds(i * 16, 16)]
        d16 = ebuf_v[pl.ds(E_PER_TILE + i * 16, 16)]
        f16 = plsc.load_gather(feat_v, [s16])
        return d16 * F + f16

    def zdrain(k, carry):
        pltpu.make_async_copy(
            zbuf_v, accsp.at[pl.ds(sid * ACC_PER_TILE, ZCHUNK)], semz).wait()
        return carry
    lax.fori_loop(0, nz, zdrain, 0)
    plsc.subcore_barrier()

    def fire(slot, vals=None):
        pltpu.async_copy(ones_v if vals is None else vals,
                         accsp.at[idx2d.at[slot]], sem, add=True)

    def drain():
        pltpu.make_async_copy(ones_v, accsp.at[idx2d.at[0]], sem).wait()

    pad16 = jnp.zeros((16,), jnp.int32)

    for s in range(8):
        for v in range(8):
            idx2d[s, pl.ds(v * 16, 16)] = c_key(s * 8 + v)
        fire(s)

    def step(r, carry):
        drain()
        slot = r % 8
        for v in range(8):
            idx2d[slot, pl.ds(v * 16, 16)] = c_key(r * 8 + v)
        fire(slot)
        return carry
    lax.fori_loop(8, C_FULL, step, 0)

    drain()
    tslot = C_FULL % 8
    for v in range(8):
        idx2d[tslot, pl.ds(v * 16, 16)] = (c_key(C_FULL * 8 + v) if v < 1
                                           else pad16)
    fire(tslot, tvals_v)
    for _ in range(8):
        drain()

    plsc.subcore_barrier()

    pltpu.sync_copy(deg_v.at[pl.ds(0, N_NODES)],
                    deg_out.at[pl.ds(wid * N_NODES, N_NODES)])

    zh = ZCHUNK // 2
    nw = ACC_PER_TILE // zh

    def rd_slice(k):
        return (accsp.at[pl.ds(sid * ACC_PER_TILE + k * zh, zh)],
                zbuf_v.at[pl.ds((k % 2) * zh, zh)])

    def wr_slice(k):
        return (zbuf_v.at[pl.ds((k % 2) * zh, zh)],
                acc_out.at[pl.ds(cid * ACC + sid * ACC_PER_TILE + k * zh,
                                 zh)])

    pltpu.async_copy(*rd_slice(0), semz)
    for k in range(nw):
        pltpu.make_async_copy(*rd_slice(k), semz).wait()
        if k >= 1:
            pltpu.make_async_copy(*wr_slice(k - 1), semw).wait()
        if k + 1 < nw:
            pltpu.async_copy(*rd_slice(k + 1), semz)
        pltpu.async_copy(*wr_slice(k), semw)
    pltpu.make_async_copy(*wr_slice(nw - 1), semw).wait()


@functools.cache
def _sc_histograms():
  return pl.kernel(
    _sc_body,
    out_type=(jax.ShapeDtypeStruct((NC * ACC,), jnp.float32),
              jax.ShapeDtypeStruct((NW * N_NODES,), jnp.float32)),
    mesh=plsc.VectorSubcoreMesh(core_axis_name="c", subcore_axis_name="s"),
    scratch_types=[
        pltpu.VMEM((N_NODES,), jnp.int32),
        pltpu.VMEM((2 * E_PER_TILE,), jnp.int32),
        pltpu.VMEM((8, CHUNK), jnp.int32),
        pltpu.VMEM((CHUNK,), jnp.float32),
        pltpu.VMEM((CHUNK,), jnp.float32),
        pltpu.VMEM((ZCHUNK,), jnp.float32),
        pltpu.VMEM((DEG_PAD,), jnp.float32),
        pltpu.VMEM_SHARED((ACC,), jnp.float32),
        pltpu.SemaphoreType.DMA,
        pltpu.SemaphoreType.DMA,
        pltpu.SemaphoreType.DMA,
    ],
    compiler_params=pltpu.CompilerParams(needs_layout_passes=False),
  )


TC_BLOCKS = 5
TC_BN = N_NODES // TC_BLOCKS


def _tc_body(cp_ref, degp_ref, feat_ref, emb_ref, w1_ref, b1_ref,
             w2_ref, b2_ref, out_ref, s_acc):
    i = pl.program_id(0)
    hi = jax.lax.Precision.HIGHEST
    emb1 = jnp.dot(emb_ref[...], w1_ref[...], precision=hi)
    col = lax.broadcasted_iota(jnp.int32, (TC_BN, F), 1)
    oh = (feat_ref[...] == col).astype(jnp.float32)
    d = cp_ref[0] + cp_ref[1] + oh
    z = jnp.dot(d, emb1, precision=hi) + b1_ref[...]
    h1 = jnp.maximum(z, 0.0)
    deg = jnp.sum(degp_ref[0], axis=0, keepdims=True)
    wrow = (deg + 1.0) * (1.0 / N_NODES)
    s = jnp.dot(wrow, h1, precision=hi)
    @pl.when(i == 0)
    def _():
        s_acc[...] = s
    @pl.when(i > 0)
    def _():
        s_acc[...] += s
    @pl.when(i == TC_BLOCKS - 1)
    def _():
        out_ref[...] = (jnp.dot(s_acc[...], w2_ref[...], precision=hi)
                        + b2_ref[...])


_tc_dense = pl.pallas_call(
    _tc_body,
    grid=(TC_BLOCKS,),
    in_specs=[
        pl.BlockSpec((NC, TC_BN, F), lambda i: (0, i, 0)),
        pl.BlockSpec((1, NW, TC_BN), lambda i: (i, 0, 0)),
        pl.BlockSpec((TC_BN, 1), lambda i: (i, 0)),
        pl.BlockSpec((F, F), lambda i: (0, 0)),
        pl.BlockSpec((F, F), lambda i: (0, 0)),
        pl.BlockSpec((1, F), lambda i: (0, 0)),
        pl.BlockSpec((F, F), lambda i: (0, 0)),
        pl.BlockSpec((1, F), lambda i: (0, 0)),
    ],
    out_specs=pl.BlockSpec((1, F), lambda i: (0, 0)),
    out_shape=jax.ShapeDtypeStruct((1, F), jnp.float32),
    scratch_shapes=[pltpu.VMEM((1, F), jnp.float32)],
)


@jax.jit
def kernel(in_feat, edge_index, emb, W1, b1, W2, b2):
    feat = in_feat.astype(jnp.int32)
    edge_flat = edge_index.astype(jnp.int32).reshape(2 * N_EDGES)
    acc, deg = _sc_histograms()(edge_flat, feat)
    cp = acc.reshape(NC, N_NODES, F)
    degp = deg.reshape(NW, TC_BLOCKS, TC_BN).transpose(1, 0, 2)
    out = _tc_dense(cp, degp, feat.reshape(N_NODES, 1), emb, W1,
                    b1.reshape(1, F), W2, b2.reshape(1, F))
    return out.reshape(F)

# --- scband reference (transcript-rebuilt; emitter-appended) ---
"""Pipeline reference for scband-gin4drug-struc-64476049047830 (READ-ONLY COPY).

The authoritative reference and input builder live on the scoring server;
editing this copy changes nothing except your own understanding.
"""

import jax, jax.numpy as jnp
import numpy as np

N_NODES = 10000
IN_FEATS = 128
H_FEATS = 128
N_EDGES = 320000


def setup_inputs(seed: int = 0) -> dict:
    key = jax.random.key(seed)
    k1, k2, k3, k4, k5, k6, k7 = jax.random.split(key, 7)
    in_feat = jax.random.randint(k1, (N_NODES,), 0, IN_FEATS, dtype=jnp.int64) if jax.config.jax_enable_x64 else jax.random.randint(k1, (N_NODES,), 0, IN_FEATS, dtype=jnp.int32)
    edge_index = jax.random.randint(k2, (2, N_EDGES), 0, N_NODES, dtype=jnp.int32)
    emb = jax.random.normal(k3, (IN_FEATS, H_FEATS), dtype=jnp.float32)
    W1 = jax.random.normal(k4, (H_FEATS, H_FEATS), dtype=jnp.float32) * (1.0 / np.sqrt(H_FEATS))
    b1 = jax.random.normal(k5, (H_FEATS,), dtype=jnp.float32) * 0.01
    W2 = jax.random.normal(k6, (H_FEATS, H_FEATS), dtype=jnp.float32) * (1.0 / np.sqrt(H_FEATS))
    b2 = jax.random.normal(k7, (H_FEATS,), dtype=jnp.float32) * 0.01
    return {"in_feat": in_feat, "edge_index": edge_index, "emb": emb, "W1": W1, "b1": b1, "W2": W2, "b2": b2}


def _gin_conv(h, src, dst, W, b):
    # DGL GINConv with aggregator 'sum', init_eps=0 (default):
    # h' = apply_func((1 + eps) * h + sum_{j in N(i)} h_j) with eps=0
    msg = jnp.take(h, src, axis=0)                      # gather over edges
    agg = jax.ops.segment_sum(msg, dst, num_segments=N_NODES)  # scatter-add
    return (h + agg) @ W + b


def reference(in_feat, edge_index, emb, W1, b1, W2, b2):
    src = edge_index[0]
    dst = edge_index[1]
    h = jnp.take(emb, in_feat, axis=0)                  # embedding lookup
    h = _gin_conv(h, src, dst, W1, b1)
    h = jax.nn.relu(h)
    h = _gin_conv(h, src, dst, W2, b2)
    # dgl.mean_nodes over a single graph == mean over all nodes
    return jnp.mean(h, axis=0)

if __name__ == "__main__":
    import jax
    _d = setup_inputs()
    print(jax.jit(kernel)(*tuple(_d.values())))

</pallas_src>

<mosaic_0001>
#map = affine_map<(d0, d1) -> (0)>
module attributes {stable_mosaic.version = 14 : i64} {
  func.func @_sc_body(%arg0: i32, %arg1: i32, %arg2: memref<640000xi32, #tpu.memory_space<hbm>>, %arg3: memref<10000xi32, #tpu.memory_space<hbm>>, %arg4: memref<2560000xf32, #tpu.memory_space<hbm>>, %arg5: memref<320000xf32, #tpu.memory_space<hbm>>, %arg6: memref<10000xi32, #tpu.memory_space<vmem>>, %arg7: memref<20000xi32, #tpu.memory_space<vmem>>, %arg8: memref<8x128xi32, #tpu.memory_space<vmem>>, %arg9: memref<128xf32, #tpu.memory_space<vmem>>, %arg10: memref<128xf32, #tpu.memory_space<vmem>>, %arg11: memref<8000xf32, #tpu.memory_space<vmem>>, %arg12: memref<10016xf32, #tpu.memory_space<vmem>>, %arg13: memref<1280000xf32, #tpu.memory_space<vmem_shared>>, %arg14: memref<!tpu.dma_semaphore, #tpu.memory_space<semaphore_mem>>, %arg15: memref<!tpu.dma_semaphore, #tpu.memory_space<semaphore_mem>>, %arg16: memref<!tpu.dma_semaphore, #tpu.memory_space<semaphore_mem>>) attributes {dimension_semantics = [#tpu.dimension_semantics<core_parallel>, #tpu.dimension_semantics<subcore_parallel>], iteration_bounds = array<i64: 2, 16>, scalar_prefetch = 0 : i64, scratch_operands = 11 : i64, tpu.core_type = #tpu.core_type<sc_vector_subcore>, window_params = [{transform_indices = #map}, {transform_indices = #map}, {transform_indices = #map}, {transform_indices = #map}]} {
    %mul3A = arith.constant 16 : i32
    %mul3A_0 = arith.muli %arg0, %mul3A : i32
    %add3A = arith.addi %mul3A_0, %arg1 : i32
    %scan3A = arith.constant 0 : i32
    %scan3A_1 = arith.constant 0 : i32
    %scan3A_2 = arith.constant 500 : i32
    %scan3A_3 = arith.addi %scan3A_1, %scan3A_2 : i32
    %scan3A_4 = arith.constant 1 : i32
    scf.for %scan3A_1978 = %scan3A_1 to %scan3A_3 step %scan3A_4  : i32 {
      %broadcast_in_dim3A_1979 = arith.constant 0.000000e+00 : f32
      %broadcast_in_dim3A_1980 = vector.broadcast %broadcast_in_dim3A_1979 : f32 to vector<16xf32>
      %mul3A_1981 = arith.constant 16 : i32
      %mul3A_1982 = arith.muli %scan3A_1978, %mul3A_1981 : i32
      %swap3A_1983 = arith.index_cast %mul3A_1982 : i32 to index
      %swap3A_1984 = tpu.vector_load %arg11[%swap3A_1983] {strides = array<i32>} : memref<8000xf32, #tpu.memory_space<vmem>>, vector<16xf32>,
      tpu.vector_store %arg11[%swap3A_1983], %broadcast_in_dim3A_1980 {strides = array<i32>} : memref<8000xf32, #tpu.memory_space<vmem>>, vector<16xf32>,
    }
    %scan3A_5 = arith.constant 500 : i32
    %scan3A_6 = arith.constant 0 : i32
    %scan3A_7 = arith.constant 0 : i32
    %scan3A_8 = arith.constant 626 : i32
    %scan3A_9 = arith.addi %scan3A_7, %scan3A_8 : i32
    %scan3A_10 = arith.constant 1 : i32
    scf.for %scan3A_1978 = %scan3A_7 to %scan3A_9 step %scan3A_10  : i32 {
      %broadcast_in_dim3A_1979 = arith.constant 0.000000e+00 : f32
      %broadcast_in_dim3A_1980 = vector.broadcast %broadcast_in_dim3A_1979 : f32 to vector<16xf32>
      %mul3A_1981 = arith.constant 16 : i32
      %mul3A_1982 = arith.muli %scan3A_1978, %mul3A_1981 : i32
      %swap3A_1983 = arith.index_cast %mul3A_1982 : i32 to index
      %swap3A_1984 = tpu.vector_load %arg12[%swap3A_1983] {strides = array<i32>} : memref<10016xf32, #tpu.memory_space<vmem>>, vector<16xf32>,
      tpu.vector_store %arg12[%swap3A_1983], %broadcast_in_dim3A_1980 {strides = array<i32>} : memref<10016xf32, #tpu.memory_space<vmem>>, vector<16xf32>,
    }
    %scan3A_11 = arith.constant 626 : i32
    %broadcast_in_dim3A = arith.constant 1.000000e+00 : f32
    %broadcast_in_dim3A_12 = vector.broadcast %broadcast_in_dim3A : f32 to vector<16xf32>
    %broadcast_in_dim3A_13 = arith.constant 0.000000e+00 : f32
    %broadcast_in_dim3A_14 = vector.broadcast %broadcast_in_dim3A_13 : f32 to vector<16xf32>
    %swap3A = arith.constant 0 : index
    %swap3A_15 = tpu.vector_load %arg9[%swap3A] {strides = array<i32>} : memref<128xf32, #tpu.memory_space<vmem>>, vector<16xf32>,
    tpu.vector_store %arg9[%swap3A], %broadcast_in_dim3A_12 {strides = array<i32>} : memref<128xf32, #tpu.memory_space<vmem>>, vector<16xf32>,
    %swap3A_16 = arith.constant 0 : index
    %swap3A_17 = tpu.vector_load %arg10[%swap3A_16] {strides = array<i32>} : memref<128xf32, #tpu.memory_space<vmem>>, vector<16xf32>,
    tpu.vector_store %arg10[%swap3A_16], %broadcast_in_dim3A_12 {strides = array<i32>} : memref<128xf32, #tpu.memory_space<vmem>>, vector<16xf32>,
    %swap3A_18 = arith.constant 16 : index
    %swap3A_19 = tpu.vector_load %arg9[%swap3A_18] {strides = array<i32>} : memref<128xf32, #tpu.memory_space<vmem>>, vector<16xf32>,
    tpu.vector_store %arg9[%swap3A_18], %broadcast_in_dim3A_12 {strides = array<i32>} : memref<128xf32, #tpu.memory_space<vmem>>, vector<16xf32>,
    %swap3A_20 = arith.constant 16 : index
    %swap3A_21 = tpu.vector_load %arg10[%swap3A_20] {strides = array<i32>} : memref<128xf32, #tpu.memory_space<vmem>>, vector<16xf32>,
    tpu.vector_store %arg10[%swap3A_20], %broadcast_in_dim3A_14 {strides = array<i32>} : memref<128xf32, #tpu.memory_space<vmem>>, vector<16xf32>,
    %swap3A_22 = arith.constant 32 : index
    %swap3A_23 = tpu.vector_load %arg9[%swap3A_22] {strides = array<i32>} : memref<128xf32, #tpu.memory_space<vmem>>, vector<16xf32>,
    tpu.vector_store %arg9[%swap3A_22], %broadcast_in_dim3A_12 {strides = array<i32>} : memref<128xf32, #tpu.memory_space<vmem>>, vector<16xf32>,
    %swap3A_24 = arith.constant 32 : index
    %swap3A_25 = tpu.vector_load %arg10[%swap3A_24] {strides = array<i32>} : memref<128xf32, #tpu.memory_space<vmem>>, vector<16xf32>,
    tpu.vector_store %arg10[%swap3A_24], %broadcast_in_dim3A_14 {strides = array<i32>} : memref<128xf32, #tpu.memory_space<vmem>>, vector<16xf32>,
    %swap3A_26 = arith.constant 48 : index
    %swap3A_27 = tpu.vector_load %arg9[%swap3A_26] {strides = array<i32>} : memref<128xf32, #tpu.memory_space<vmem>>, vector<16xf32>,
    tpu.vector_store %arg9[%swap3A_26], %broadcast_in_dim3A_12 {strides = array<i32>} : memref<128xf32, #tpu.memory_space<vmem>>, vector<16xf32>,
    %swap3A_28 = arith.constant 48 : index
    %swap3A_29 = tpu.vector_load %arg10[%swap3A_28] {strides = array<i32>} : memref<128xf32, #tpu.memory_space<vmem>>, vector<16xf32>,
    tpu.vector_store %arg10[%swap3A_28], %broadcast_in_dim3A_14 {strides = array<i32>} : memref<128xf32, #tpu.memory_space<vmem>>, vector<16xf32>,
    %swap3A_30 = arith.constant 64 : index
    %swap3A_31 = tpu.vector_load %arg9[%swap3A_30] {strides = array<i32>} : memref<128xf32, #tpu.memory_space<vmem>>, vector<16xf32>,
    tpu.vector_store %arg9[%swap3A_30], %broadcast_in_dim3A_12 {strides = array<i32>} : memref<128xf32, #tpu.memory_space<vmem>>, vector<16xf32>,
    %swap3A_32 = arith.constant 64 : index
    %swap3A_33 = tpu.vector_load %arg10[%swap3A_32] {strides = array<i32>} : memref<128xf32, #tpu.memory_space<vmem>>, vector<16xf32>,
    tpu.vector_store %arg10[%swap3A_32], %broadcast_in_dim3A_14 {strides = array<i32>} : memref<128xf32, #tpu.memory_space<vmem>>, vector<16xf32>,
    %swap3A_34 = arith.constant 80 : index
    %swap3A_35 = tpu.vector_load %arg9[%swap3A_34] {strides = array<i32>} : memref<128xf32, #tpu.memory_space<vmem>>, vector<16xf32>,
    tpu.vector_store %arg9[%swap3A_34], %broadcast_in_dim3A_12 {strides = array<i32>} : memref<128xf32, #tpu.memory_space<vmem>>, vector<16xf32>,
    %swap3A_36 = arith.constant 80 : index
    %swap3A_37 = tpu.vector_load %arg10[%swap3A_36] {strides = array<i32>} : memref<128xf32, #tpu.memory_space<vmem>>, vector<16xf32>,
    tpu.vector_store %arg10[%swap3A_36], %broadcast_in_dim3A_14 {strides = array<i32>} : memref<128xf32, #tpu.memory_space<vmem>>, vector<16xf32>,
    %swap3A_38 = arith.constant 96 : index
    %swap3A_39 = tpu.vector_load %arg9[%swap3A_38] {strides = array<i32>} : memref<128xf32, #tpu.memory_space<vmem>>, vector<16xf32>,
    tpu.vector_store %arg9[%swap3A_38], %broadcast_in_dim3A_12 {strides = array<i32>} : memref<128xf32, #tpu.memory_space<vmem>>, vector<16xf32>,
    %swap3A_40 = arith.constant 96 : index
    %swap3A_41 = tpu.vector_load %arg10[%swap3A_40] {strides = array<i32>} : memref<128xf32, #tpu.memory_space<vmem>>, vector<16xf32>,
    tpu.vector_store %arg10[%swap3A_40], %broadcast_in_dim3A_14 {strides = array<i32>} : memref<128xf32, #tpu.memory_space<vmem>>, vector<16xf32>,
    %swap3A_42 = arith.constant 112 : index
    %swap3A_43 = tpu.vector_load %arg9[%swap3A_42] {strides = array<i32>} : memref<128xf32, #tpu.memory_space<vmem>>, vector<16xf32>,
    tpu.vector_store %arg9[%swap3A_42], %broadcast_in_dim3A_12 {strides = array<i32>} : memref<128xf32, #tpu.memory_space<vmem>>, vector<16xf32>,
    %swap3A_44 = arith.constant 112 : index
    %swap3A_45 = tpu.vector_load %arg10[%swap3A_44] {strides = array<i32>} : memref<128xf32, #tpu.memory_space<vmem>>, vector<16xf32>,
    tpu.vector_store %arg10[%swap3A_44], %broadcast_in_dim3A_14 {strides = array<i32>} : memref<128xf32, #tpu.memory_space<vmem>>, vector<16xf32>,
    %scan3A_46 = arith.constant 0 : i32
    %scan3A_47 = arith.constant 0 : i32
    %scan3A_48 = arith.constant 10 : i32
    %scan3A_49 = arith.addi %scan3A_47, %scan3A_48 : i32
    %scan3A_50 = arith.constant 1 : i32
    scf.for %scan3A_1978 = %scan3A_47 to %scan3A_49 step %scan3A_50  : i32 {
      %mul3A_1979 = arith.constant 80000 : i32
      %mul3A_1980 = arith.muli %arg1, %mul3A_1979 : i32
      %mul3A_1981 = arith.constant 8000 : i32
      %mul3A_1982 = arith.muli %scan3A_1978, %mul3A_1981 : i32
      %add3A_1983 = arith.addi %mul3A_1980, %mul3A_1982 : i32
      %dma_start3A_1984 = tpu.memref_slice %arg13[%add3A_1983] : memref<1280000xf32, #tpu.memory_space<vmem_shared>> -> memref<8000xf32, #tpu.memory_space<vmem_shared>>
      %dma_start3A_1985 = tpu.memref_slice %arg13[%add3A_1983] : memref<1280000xf32, #tpu.memory_space<vmem_shared>> -> memref<8000xf32, #tpu.memory_space<vmem_shared>>
      tpu.enqueue_dma source(%arg11 : memref<8000xf32, #tpu.memory_space<vmem>>) target(%dma_start3A_1985 : memref<8000xf32, #tpu.memory_space<vmem_shared>>) target_semaphore(%arg15 : memref<!tpu.dma_semaphore, #tpu.memory_space<semaphore_mem>>)
    }
    %scan3A_51 = arith.constant 10 : i32
    "tpu.region"() ({
      %run_scoped3A = tpu.sem_alloc : memref<!tpu.dma_semaphore, #tpu.memory_space<semaphore_mem>>
      tpu.enqueue_dma source(%arg3 : memref<10000xi32, #tpu.memory_space<hbm>>) target(%arg6 : memref<10000xi32, #tpu.memory_space<vmem>>) target_semaphore(%run_scoped3A : memref<!tpu.dma_semaphore, #tpu.memory_space<semaphore_mem>>)
      tpu.wait_dma2 semaphore(%run_scoped3A : memref<!tpu.dma_semaphore, #tpu.memory_space<semaphore_mem>>) src(%arg3 : memref<10000xi32, #tpu.memory_space<hbm>>) dst(%arg6 : memref<10000xi32, #tpu.memory_space<vmem>>)
      tpu.yield
    }) : () -> ()
    %mul3A_52 = arith.constant 10000 : i32
    %mul3A_53 = arith.muli %add3A, %mul3A_52 : i32
    "tpu.region"() ({
      %run_scoped3A = tpu.sem_alloc : memref<!tpu.dma_semaphore, #tpu.memory_space<semaphore_mem>>
      %dma_start3A_1978 = arith.constant 0 : i32
      %dma_start3A_1979 = tpu.memref_slice %arg7[%dma_start3A_1978] : memref<20000xi32, #tpu.memory_space<vmem>> -> memref<10000xi32, #tpu.memory_space<vmem>>
      %dma_start3A_1980 = tpu.memref_slice %arg2[%mul3A_53] : memref<640000xi32, #tpu.memory_space<hbm>> -> memref<10000xi32, #tpu.memory_space<hbm>>
      %dma_start3A_1981 = arith.constant 0 : i32
      %dma_start3A_1982 = tpu.memref_slice %arg7[%dma_start3A_1981] : memref<20000xi32, #tpu.memory_space<vmem>> -> memref<10000xi32, #tpu.memory_space<vmem>>
      %dma_start3A_1983 = tpu.memref_slice %arg2[%mul3A_53] : memref<640000xi32, #tpu.memory_space<hbm>> -> memref<10000xi32, #tpu.memory_space<hbm>>
      tpu.enqueue_dma source(%dma_start3A_1983 : memref<10000xi32, #tpu.memory_space<hbm>>) target(%dma_start3A_1982 : memref<10000xi32, #tpu.memory_space<vmem>>) target_semaphore(%run_scoped3A : memref<!tpu.dma_semaphore, #tpu.memory_space<semaphore_mem>>)
      %dma_wait3A_1984 = arith.constant 0 : i32
      %dma_wait3A_1985 = tpu.memref_slice %arg7[%dma_wait3A_1984] : memref<20000xi32, #tpu.memory_space<vmem>> -> memref<10000xi32, #tpu.memory_space<vmem>>
      %dma_wait3A_1986 = tpu.memref_slice %arg2[%mul3A_53] : memref<640000xi32, #tpu.memory_space<hbm>> -> memref<10000xi32, #tpu.memory_space<hbm>>
      %dma_wait3A_1987 = arith.constant 0 : i32
      %dma_wait3A_1988 = tpu.memref_slice %arg7[%dma_wait3A_1987] : memref<20000xi32, #tpu.memory_space<vmem>> -> memref<10000xi32, #tpu.memory_space<vmem>>
      %dma_wait3A_1989 = tpu.memref_slice %arg2[%mul3A_53] : memref<640000xi32, #tpu.memory_space<hbm>> -> memref<10000xi32, #tpu.memory_space<hbm>>
      tpu.wait_dma2 semaphore(%run_scoped3A : memref<!tpu.dma_semaphore, #tpu.memory_space<semaphore_mem>>) src(%dma_wait3A_1989 : memref<10000xi32, #tpu.memory_space<hbm>>) dst(%dma_wait3A_1988 : memref<10000xi32, #tpu.memory_space<vmem>>)
      tpu.yield
    }) : () -> ()
    %mul3A_54 = arith.constant 10000 : i32
    %mul3A_55 = arith.muli %add3A, %mul3A_54 : i32
    %add3A_56 = arith.constant 320000 : i32
    %add3A_57 = arith.addi %add3A_56, %mul3A_55 : i32
    "tpu.region"() ({
      %run_scoped3A = tpu.sem_alloc : memref<!tpu.dma_semaphore, #tpu.memory_space<semaphore_mem>>
      %dma_start3A_1978 = arith.constant 10000 : i32
      %dma_start3A_1979 = tpu.memref_slice %arg7[%dma_start3A_1978] : memref<20000xi32, #tpu.memory_space<vmem>> -> memref<10000xi32, #tpu.memory_space<vmem>>
      %dma_start3A_1980 = tpu.memref_slice %arg2[%add3A_57] : memref<640000xi32, #tpu.memory_space<hbm>> -> memref<10000xi32, #tpu.memory_space<hbm>>
      %dma_start3A_1981 = arith.constant 10000 : i32
      %dma_start3A_1982 = tpu.memref_slice %arg7[%dma_start3A_1981] : memref<20000xi32, #tpu.memory_space<vmem>> -> memref<10000xi32, #tpu.memory_space<vmem>>
      %dma_start3A_1983 = tpu.memref_slice %arg2[%add3A_57] : memref<640000xi32, #tpu.memory_space<hbm>> -> memref<10000xi32, #tpu.memory_space<hbm>>
      tpu.enqueue_dma source(%dma_start3A_1983 : memref<10000xi32, #tpu.memory_space<hbm>>) target(%dma_start3A_1982 : memref<10000xi32, #tpu.memory_space<vmem>>) target_semaphore(%run_scoped3A : memref<!tpu.dma_semaphore, #tpu.memory_space<semaphore_mem>>)
      %dma_wait3A_1984 = arith.constant 10000 : i32
      %dma_wait3A_1985 = tpu.memref_slice %arg7[%dma_wait3A_1984] : memref<20000xi32, #tpu.memory_space<vmem>> -> memref<10000xi32, #tpu.memory_space<vmem>>
      %dma_wait3A_1986 = tpu.memref_slice %arg2[%add3A_57] : memref<640000xi32, #tpu.memory_space<hbm>> -> memref<10000xi32, #tpu.memory_space<hbm>>
      %dma_wait3A_1987 = arith.constant 10000 : i32
      %dma_wait3A_1988 = tpu.memref_slice %arg7[%dma_wait3A_1987] : memref<20000xi32, #tpu.memory_space<vmem>> -> memref<10000xi32, #tpu.memory_space<vmem>>
      %dma_wait3A_1989 = tpu.memref_slice %arg2[%add3A_57] : memref<640000xi32, #tpu.memory_space<hbm>> -> memref<10000xi32, #tpu.memory_space<hbm>>
      tpu.wait_dma2 semaphore(%run_scoped3A : memref<!tpu.dma_semaphore, #tpu.memory_space<semaphore_mem>>) src(%dma_wait3A_1989 : memref<10000xi32, #tpu.memory_space<hbm>>) dst(%dma_wait3A_1988 : memref<10000xi32, #tpu.memory_space<vmem>>)
      tpu.yield
    }) : () -> ()
    %scan3A_58 = arith.constant 0 : i32
    %scan3A_59 = arith.constant 0 : i32
    %scan3A_60 = arith.constant 625 : i32
    %scan3A_61 = arith.addi %scan3A_59, %scan3A_60 : i32
    %scan3A_62 = arith.constant 1 : i32
    scf.for %scan3A_1978 = %scan3A_59 to %scan3A_61 step %scan3A_62  : i32 {
      %mul3A_1979 = arith.constant 16 : i32
      %mul3A_1980 = arith.muli %scan3A_1978, %mul3A_1979 : i32
      %get3A_1981 = arith.index_cast %mul3A_1980 : i32 to index
      %get3A_1982 = tpu.vector_load %arg7[%get3A_1981] {strides = array<i32>} : memref<20000xi32, #tpu.memory_space<vmem>>, vector<16xi32>,
      %broadcast_in_dim3A_1983 = arith.constant true
      %broadcast_in_dim3A_1984 = vector.broadcast %broadcast_in_dim3A_1983 : i1 to vector<16xi1>
      %unique3A, %unique3A_1985 = tpu.scan_count mask(%broadcast_in_dim3A_1984 : vector<16xi1>) value(%get3A_1982 : vector<16xi32>) : vector<16xi1>, vector<16xi32>
      %convert_element_type3A = arith.sitofp %unique3A_1985 : vector<16xi32> to vector<16xf32>
      tpu.vector_store_idx %arg12[%get3A_1982], %convert_element_type3A masked %unique3A {add = true} : memref<10016xf32, #tpu.memory_space<vmem>>[vector<16xi32>], vector<16xf32>, vector<16xi1>
    }
    %scan3A_63 = arith.constant 625 : i32
    %scan3A_64 = arith.constant 0 : i32
    %scan3A_65 = arith.constant 0 : i32
    %scan3A_66 = arith.constant 10 : i32
    %scan3A_67 = arith.addi %scan3A_65, %scan3A_66 : i32
    %scan3A_68 = arith.constant 1 : i32
    scf.for %scan3A_1978 = %scan3A_65 to %scan3A_67 step %scan3A_68  : i32 {
      %mul3A_1979 = arith.constant 80000 : i32
      %mul3A_1980 = arith.muli %arg1, %mul3A_1979 : i32
      %dma_wait3A_1981 = tpu.memref_slice %arg13[%mul3A_1980] : memref<1280000xf32, #tpu.memory_space<vmem_shared>> -> memref<8000xf32, #tpu.memory_space<vmem_shared>>
      %dma_wait3A_1982 = tpu.memref_slice %arg13[%mul3A_1980] : memref<1280000xf32, #tpu.memory_space<vmem_shared>> -> memref<8000xf32, #tpu.memory_space<vmem_shared>>
      tpu.wait_dma2 semaphore(%arg15 : memref<!tpu.dma_semaphore, #tpu.memory_space<semaphore_mem>>) src(%arg11 : memref<8000xf32, #tpu.memory_space<vmem>>) dst(%dma_wait3A_1982 : memref<8000xf32, #tpu.memory_space<vmem_shared>>)
    }
    %scan3A_69 = arith.constant 10 : i32
    %barrier3A = arith.constant 0 : index
    tpu.barrier barrier_id(%barrier3A)
    %broadcast_in_dim3A_70 = arith.constant 0 : i32
    %broadcast_in_dim3A_71 = vector.broadcast %broadcast_in_dim3A_70 : i32 to vector<16xi32>
    %get3A = arith.constant 0 : index
    %get3A_72 = tpu.vector_load %arg7[%get3A] {strides = array<i32>} : memref<20000xi32, #tpu.memory_space<vmem>>, vector<16xi32>,
    %get3A_73 = arith.constant 10000 : index
    %get3A_74 = tpu.vector_load %arg7[%get3A_73] {strides = array<i32>} : memref<20000xi32, #tpu.memory_space<vmem>>, vector<16xi32>,
    %gather3A = tpu.vector_load_idx %arg6[%get3A_72] : memref<10000xi32, #tpu.memory_space<vmem>>[vector<16xi32>], vector<16xi32>,
    %mul3A_75 = arith.constant 128 : i32
    %mul3A_76 = vector.broadcast %mul3A_75 : i32 to vector<16xi32>
    %mul3A_77 = arith.muli %get3A_74, %mul3A_76 : vector<16xi32>
    %add3A_78 = arith.addi %mul3A_77, %gather3A : vector<16xi32>
    %swap3A_79 = arith.constant 0 : i32
    %swap3A_80 = arith.index_cast %swap3A_79 : i32 to index
    %swap3A_81 = arith.constant 0 : index
    %swap3A_82 = tpu.vector_load %arg8[%swap3A_80, %swap3A_81] {strides = array<i32>} : memref<8x128xi32, #tpu.memory_space<vmem>>, vector<16xi32>,
    tpu.vector_store %arg8[%swap3A_80, %swap3A_81], %add3A_78 {strides = array<i32>} : memref<8x128xi32, #tpu.memory_space<vmem>>, vector<16xi32>,
    %get3A_83 = arith.constant 16 : index
    %get3A_84 = tpu.vector_load %arg7[%get3A_83] {strides = array<i32>} : memref<20000xi32, #tpu.memory_space<vmem>>, vector<16xi32>,
    %get3A_85 = arith.constant 10016 : index
    %get3A_86 = tpu.vector_load %arg7[%get3A_85] {strides = array<i32>} : memref<20000xi32, #tpu.memory_space<vmem>>, vector<16xi32>,
    %gather3A_87 = tpu.vector_load_idx %arg6[%get3A_84] : memref<10000xi32, #tpu.memory_space<vmem>>[vector<16xi32>], vector<16xi32>,
    %mul3A_88 = arith.constant 128 : i32
    %mul3A_89 = vector.broadcast %mul3A_88 : i32 to vector<16xi32>
    %mul3A_90 = arith.muli %get3A_86, %mul3A_89 : vector<16xi32>
    %add3A_91 = arith.addi %mul3A_90, %gather3A_87 : vector<16xi32>
    %swap3A_92 = arith.constant 0 : i32
    %swap3A_93 = arith.index_cast %swap3A_92 : i32 to index
    %swap3A_94 = arith.constant 16 : index
    %swap3A_95 = tpu.vector_load %arg8[%swap3A_93, %swap3A_94] {strides = array<i32>} : memref<8x128xi32, #tpu.memory_space<vmem>>, vector<16xi32>,
    tpu.vector_store %arg8[%swap3A_93, %swap3A_94], %add3A_91 {strides = array<i32>} : memref<8x128xi32, #tpu.memory_space<vmem>>, vector<16xi32>,
    %get3A_96 = arith.constant 32 : index
    %get3A_97 = tpu.vector_load %arg7[%get3A_96] {strides = array<i32>} : memref<20000xi32, #tpu.memory_space<vmem>>, vector<16xi32>,
    %get3A_98 = arith.constant 10032 : index
    %get3A_99 = tpu.vector_load %arg7[%get3A_98] {strides = array<i32>} : memref<20000xi32, #tpu.memory_space<vmem>>, vector<16xi32>,
    %gather3A_100 = tpu.vector_load_idx %arg6[%get3A_97] : memref<10000xi32, #tpu.memory_space<vmem>>[vector<16xi32>], vector<16xi32>,
    %mul3A_101 = arith.constant 128 : i32
    %mul3A_102 = vector.broadcast %mul3A_101 : i32 to vector<16xi32>
    %mul3A_103 = arith.muli %get3A_99, %mul3A_102 : vector<16xi32>
    %add3A_104 = arith.addi %mul3A_103, %gather3A_100 : vector<16xi32>
    %swap3A_105 = arith.constant 0 : i32
    %swap3A_106 = arith.index_cast %swap3A_105 : i32 to index
    %swap3A_107 = arith.constant 32 : index
    %swap3A_108 = tpu.vector_load %arg8[%swap3A_106, %swap3A_107] {strides = array<i32>} : memref<8x128xi32, #tpu.memory_space<vmem>>, vector<16xi32>,
    tpu.vector_store %arg8[%swap3A_106, %swap3A_107], %add3A_104 {strides = array<i32>} : memref<8x128xi32, #tpu.memory_space<vmem>>, vector<16xi32>,
    %get3A_109 = arith.constant 48 : index
    %get3A_110 = tpu.vector_load %arg7[%get3A_109] {strides = array<i32>} : memref<20000xi32, #tpu.memory_space<vmem>>, vector<16xi32>,
    %get3A_111 = arith.constant 10048 : index
    %get3A_112 = tpu.vector_load %arg7[%get3A_111] {strides = array<i32>} : memref<20000xi32, #tpu.memory_space<vmem>>, vector<16xi32>,
    %gather3A_113 = tpu.vector_load_idx %arg6[%get3A_110] : memref<10000xi32, #tpu.memory_space<vmem>>[vector<16xi32>], vector<16xi32>,
    %mul3A_114 = arith.constant 128 : i32
    %mul3A_115 = vector.broadcast %mul3A_114 : i32 to vector<16xi32>
    %mul3A_116 = arith.muli %get3A_112, %mul3A_115 : vector<16xi32>
    %add3A_117 = arith.addi %mul3A_116, %gather3A_113 : vector<16xi32>
    %swap3A_118 = arith.constant 0 : i32
    %swap3A_119 = arith.index_cast %swap3A_118 : i32 to index
    %swap3A_120 = arith.constant 48 : index
    %swap3A_121 = tpu.vector_load %arg8[%swap3A_119, %swap3A_120] {strides = array<i32>} : memref<8x128xi32, #tpu.memory_space<vmem>>, vector<16xi32>,
    tpu.vector_store %arg8[%swap3A_119, %swap3A_120], %add3A_117 {strides = array<i32>} : memref<8x128xi32, #tpu.memory_space<vmem>>, vector<16xi32>,
    %get3A_122 = arith.constant 64 : index
    %get3A_123 = tpu.vector_load %arg7[%get3A_122] {strides = array<i32>} : memref<20000xi32, #tpu.memory_space<vmem>>, vector<16xi32>,
    %get3A_124 = arith.constant 10064 : index
    %get3A_125 = tpu.vector_load %arg7[%get3A_124] {strides = array<i32>} : memref<20000xi32, #tpu.memory_space<vmem>>, vector<16xi32>,
    %gather3A_126 = tpu.vector_load_idx %arg6[%get3A_123] : memref<10000xi32, #tpu.memory_space<vmem>>[vector<16xi32>], vector<16xi32>,
    %mul3A_127 = arith.constant 128 : i32
    %mul3A_128 = vector.broadcast %mul3A_127 : i32 to vector<16xi32>
    %mul3A_129 = arith.muli %get3A_125, %mul3A_128 : vector<16xi32>
    %add3A_130 = arith.addi %mul3A_129, %gather3A_126 : vector<16xi32>
    %swap3A_131 = arith.constant 0 : i32
    %swap3A_132 = arith.index_cast %swap3A_131 : i32 to index
    %swap3A_133 = arith.constant 64 : index
    %swap3A_134 = tpu.vector_load %arg8[%swap3A_132, %swap3A_133] {strides = array<i32>} : memref<8x128xi32, #tpu.memory_space<vmem>>, vector<16xi32>,
    tpu.vector_store %arg8[%swap3A_132, %swap3A_133], %add3A_130 {strides = array<i32>} : memref<8x128xi32, #tpu.memory_space<vmem>>, vector<16xi32>,
    %get3A_135 = arith.constant 80 : index
    %get3A_136 = tpu.vector_load %arg7[%get3A_135] {strides = array<i32>} : memref<20000xi32, #tpu.memory_space<vmem>>, vector<16xi32>,
    %get3A_137 = arith.constant 10080 : index
    %get3A_138 = tpu.vector_load %arg7[%get3A_137] {strides = array<i32>} : memref<20000xi32, #tpu.memory_space<vmem>>, vector<16xi32>,
    %gather3A_139 = tpu.vector_load_idx %arg6[%get3A_136] : memref<10000xi32, #tpu.memory_space<vmem>>[vector<16xi32>], vector<16xi32>,
    %mul3A_140 = arith.constant 128 : i32
    %mul3A_141 = vector.broadcast %mul3A_140 : i32 to vector<16xi32>
    %mul3A_142 = arith.muli %get3A_138, %mul3A_141 : vector<16xi32>
    %add3A_143 = arith.addi %mul3A_142, %gather3A_139 : vector<16xi32>
    %swap3A_144 = arith.constant 0 : i32
    %swap3A_145 = arith.index_cast %swap3A_144 : i32 to index
    %swap3A_146 = arith.constant 80 : index
    %swap3A_147 = tpu.vector_load %arg8[%swap3A_145, %swap3A_146] {strides = array<i32>} : memref<8x128xi32, #tpu.memory_space<vmem>>, vector<16xi32>,
    tpu.vector_store %arg8[%swap3A_145, %swap3A_146], %add3A_143 {strides = array<i32>} : memref<8x128xi32, #tpu.memory_space<vmem>>, vector<16xi32>,
    %get3A_148 = arith.constant 96 : index
    %get3A_149 = tpu.vector_load %arg7[%get3A_148] {strides = array<i32>} : memref<20000xi32, #tpu.memory_space<vmem>>, vector<16xi32>,
    %get3A_150 = arith.constant 10096 : index
    %get3A_151 = tpu.vector_load %arg7[%get3A_150] {strides = array<i32>} : memref<20000xi32, #tpu.memory_space<vmem>>, vector<16xi32>,
    %gather3A_152 = tpu.vector_load_idx %arg6[%get3A_149] : memref<10000xi32, #tpu.memory_space<vmem>>[vector<16xi32>], vector<16xi32>,
    %mul3A_153 = arith.constant 128 : i32
    %mul3A_154 = vector.broadcast %mul3A_153 : i32 to vector<16xi32>
    %mul3A_155 = arith.muli %get3A_151, %mul3A_154 : vector<16xi32>
    %add3A_156 = arith.addi %mul3A_155, %gather3A_152 : vector<16xi32>
    %swap3A_157 = arith.constant 0 : i32
    %swap3A_158 = arith.index_cast %swap3A_157 : i32 to index
    %swap3A_159 = arith.constant 96 : index
    %swap3A_160 = tpu.vector_load %arg8[%swap3A_158, %swap3A_159] {strides = array<i32>} : memref<8x128xi32, #tpu.memory_space<vmem>>, vector<16xi32>,
    tpu.vector_store %arg8[%swap3A_158, %swap3A_159], %add3A_156 {strides = array<i32>} : memref<8x128xi32, #tpu.memory_space<vmem>>, vector<16xi32>,
    %get3A_161 = arith.constant 112 : index
    %get3A_162 = tpu.vector_load %arg7[%get3A_161] {strides = array<i32>} : memref<20000xi32, #tpu.memory_space<vmem>>, vector<16xi32>,
    %get3A_163 = arith.constant 10112 : index
    %get3A_164 = tpu.vector_load %arg7[%get3A_163] {strides = array<i32>} : memref<20000xi32, #tpu.memory_space<vmem>>, vector<16xi32>,
    %gather3A_165 = tpu.vector_load_idx %arg6[%get3A_162] : memref<10000xi32, #tpu.memory_space<vmem>>[vector<16xi32>], vector<16xi32>,
    %mul3A_166 = arith.constant 128 : i32
    %mul3A_167 = vector.broadcast %mul3A_166 : i32 to vector<16xi32>
    %mul3A_168 = arith.muli %get3A_164, %mul3A_167 : vector<16xi32>
    %add3A_169 = arith.addi %mul3A_168, %gather3A_165 : vector<16xi32>
    %swap3A_170 = arith.constant 0 : i32
    %swap3A_171 = arith.index_cast %swap3A_170 : i32 to index
    %swap3A_172 = arith.constant 112 : index
    %swap3A_173 = tpu.vector_load %arg8[%swap3A_171, %swap3A_172] {strides = array<i32>} : memref<8x128xi32, #tpu.memory_space<vmem>>, vector<16xi32>,
    tpu.vector_store %arg8[%swap3A_171, %swap3A_172], %add3A_169 {strides = array<i32>} : memref<8x128xi32, #tpu.memory_space<vmem>>, vector<16xi32>,
    %dma_start3A = arith.constant 0 : i32
    %dma_start3A_174 = arith.constant 0 : i32
    %dma_start3A_175 = tpu.memref_slice %arg8[%dma_start3A, %dma_start3A_174] : memref<8x128xi32, #tpu.memory_space<vmem>> -> memref<1x128xi32, #tpu.memory_space<vmem>>
    %dma_start3A_176 = tpu.memref_squeeze %dma_start3A_175 : memref<1x128xi32, #tpu.memory_space<vmem>> -> memref<128xi32, #tpu.memory_space<vmem>>
    %dma_start3A_177 = arith.constant 0 : i32
    %dma_start3A_178 = tpu.memref_slice %arg13[%dma_start3A_177] : memref<1280000xf32, #tpu.memory_space<vmem_shared>> -> memref<1280000xf32, #tpu.memory_space<vmem_shared>>
    tpu.enqueue_indirect_dma source(%arg9 : memref<128xf32, #tpu.memory_space<vmem>>) target(%dma_start3A_178 : memref<1280000xf32, #tpu.memory_space<vmem_shared>>) offsets(%dma_start3A_176 : memref<128xi32, #tpu.memory_space<vmem>>) semaphore(%arg14 : memref<!tpu.dma_semaphore, #tpu.memory_space<semaphore_mem>>) {add = true}
    %get3A_179 = arith.constant 128 : index
    %get3A_180 = tpu.vector_load %arg7[%get3A_179] {strides = array<i32>} : memref<20000xi32, #tpu.memory_space<vmem>>, vector<16xi32>,
    %get3A_181 = arith.constant 10128 : index
    %get3A_182 = tpu.vector_load %arg7[%get3A_181] {strides = array<i32>} : memref<20000xi32, #tpu.memory_space<vmem>>, vector<16xi32>,
    %gather3A_183 = tpu.vector_load_idx %arg6[%get3A_180] : memref<10000xi32, #tpu.memory_space<vmem>>[vector<16xi32>], vector<16xi32>,
    %mul3A_184 = arith.constant 128 : i32
    %mul3A_185 = vector.broadcast %mul3A_184 : i32 to vector<16xi32>
    %mul3A_186 = arith.muli %get3A_182, %mul3A_185 : vector<16xi32>
    %add3A_187 = arith.addi %mul3A_186, %gather3A_183 : vector<16xi32>
    %swap3A_188 = arith.constant 1 : i32
    %swap3A_189 = arith.index_cast %swap3A_188 : i32 to index
    %swap3A_190 = arith.constant 0 : index
    %swap3A_191 = tpu.vector_load %arg8[%swap3A_189, %swap3A_190] {strides = array<i32>} : memref<8x128xi32, #tpu.memory_space<vmem>>, vector<16xi32>,
    tpu.vector_store %arg8[%swap3A_189, %swap3A_190], %add3A_187 {strides = array<i32>} : memref<8x128xi32, #tpu.memory_space<vmem>>, vector<16xi32>,
    %get3A_192 = arith.constant 144 : index
    %get3A_193 = tpu.vector_load %arg7[%get3A_192] {strides = array<i32>} : memref<20000xi32, #tpu.memory_space<vmem>>, vector<16xi32>,
    %get3A_194 = arith.constant 10144 : index
    %get3A_195 = tpu.vector_load %arg7[%get3A_194] {strides = array<i32>} : memref<20000xi32, #tpu.memory_space<vmem>>, vector<16xi32>,
    %gather3A_196 = tpu.vector_load_idx %arg6[%get3A_193] : memref<10000xi32, #tpu.memory_space<vmem>>[vector<16xi32>], vector<16xi32>,
    %mul3A_197 = arith.constant 128 : i32
    %mul3A_198 = vector.broadcast %mul3A_197 : i32 to vector<16xi32>
    %mul3A_199 = arith.muli %get3A_195, %mul3A_198 : vector<16xi32>
    %add3A_200 = arith.addi %mul3A_199, %gather3A_196 : vector<16xi32>
    %swap3A_201 = arith.constant 1 : i32
    %swap3A_202 = arith.index_cast %swap3A_201 : i32 to index
    %swap3A_203 = arith.constant 16 : index
    %swap3A_204 = tpu.vector_load %arg8[%swap3A_202, %swap3A_203] {strides = array<i32>} : memref<8x128xi32, #tpu.memory_space<vmem>>, vector<16xi32>,
    tpu.vector_store %arg8[%swap3A_202, %swap3A_203], %add3A_200 {strides = array<i32>} : memref<8x128xi32, #tpu.memory_space<vmem>>, vector<16xi32>,
    %get3A_205 = arith.constant 160 : index
    %get3A_206 = tpu.vector_load %arg7[%get3A_205] {strides = array<i32>} : memref<20000xi32, #tpu.memory_space<vmem>>, vector<16xi32>,
    %get3A_207 = arith.constant 10160 : index
    %get3A_208 = tpu.vector_load %arg7[%get3A_207] {strides = array<i32>} : memref<20000xi32, #tpu.memory_space<vmem>>, vector<16xi32>,
    %gather3A_209 = tpu.vector_load_idx %arg6[%get3A_206] : memref<10000xi32, #tpu.memory_space<vmem>>[vector<16xi32>], vector<16xi32>,
    %mul3A_210 = arith.constant 128 : i32
    %mul3A_211 = vector.broadcast %mul3A_210 : i32 to vector<16xi32>
    %mul3A_212 = arith.muli %get3A_208, %mul3A_211 : vector<16xi32>
    %add3A_213 = arith.addi %mul3A_212, %gather3A_209 : vector<16xi32>
    %swap3A_214 = arith.constant 1 : i32
    %swap3A_215 = arith.index_cast %swap3A_214 : i32 to index
    %swap3A_216 = arith.constant 32 : index
    %swap3A_217 = tpu.vector_load %arg8[%swap3A_215, %swap3A_216] {strides = array<i32>} : memref<8x128xi32, #tpu.memory_space<vmem>>, vector<16xi32>,
    tpu.vector_store %arg8[%swap3A_215, %swap3A_216], %add3A_213 {strides = array<i32>} : memref<8x128xi32, #tpu.memory_space<vmem>>, vector<16xi32>,
    %get3A_218 = arith.constant 176 : index
    %get3A_219 = tpu.vector_load %arg7[%get3A_218] {strides = array<i32>} : memref<20000xi32, #tpu.memory_space<vmem>>, vector<16xi32>,
    %get3A_220 = arith.constant 10176 : index
    %get3A_221 = tpu.vector_load %arg7[%get3A_220] {strides = array<i32>} : memref<20000xi32, #tpu.memory_space<vmem>>, vector<16xi32>,
    %gather3A_222 = tpu.vector_load_idx %arg6[%get3A_219] : memref<10000xi32, #tpu.memory_space<vmem>>[vector<16xi32>], vector<16xi32>,
    %mul3A_223 = arith.constant 128 : i32
    %mul3A_224 = vector.broadcast %mul3A_223 : i32 to vector<16xi32>
    %mul3A_225 = arith.muli %get3A_221, %mul3A_224 : vector<16xi32>
    %add3A_226 = arith.addi %mul3A_225, %gather3A_222 : vector<16xi32>
    %swap3A_227 = arith.constant 1 : i32
    %swap3A_228 = arith.index_cast %swap3A_227 : i32 to index
    %swap3A_229 = arith.constant 48 : index
    %swap3A_230 = tpu.vector_load %arg8[%swap3A_228, %swap3A_229] {strides = array<i32>} : memref<8x128xi32, #tpu.memory_space<vmem>>, vector<16xi32>,
    tpu.vector_store %arg8[%swap3A_228, %swap3A_229], %add3A_226 {strides = array<i32>} : memref<8x128xi32, #tpu.memory_space<vmem>>, vector<16xi32>,
    %get3A_231 = arith.constant 192 : index
    %get3A_232 = tpu.vector_load %arg7[%get3A_231] {strides = array<i32>} : memref<20000xi32, #tpu.memory_space<vmem>>, vector<16xi32>,
    %get3A_233 = arith.constant 10192 : index
    %get3A_234 = tpu.vector_load %arg7[%get3A_233] {strides = array<i32>} : memref<20000xi32, #tpu.memory_space<vmem>>, vector<16xi32>,
    %gather3A_235 = tpu.vector_load_idx %arg6[%get3A_232] : memref<10000xi32, #tpu.memory_space<vmem>>[vector<16xi32>], vector<16xi32>,
    %mul3A_236 = arith.constant 128 : i32
    %mul3A_237 = vector.broadcast %mul3A_236 : i32 to vector<16xi32>
    %mul3A_238 = arith.muli %get3A_234, %mul3A_237 : vector<16xi32>
    %add3A_239 = arith.addi %mul3A_238, %gather3A_235 : vector<16xi32>
    %swap3A_240 = arith.constant 1 : i32
    %swap3A_241 = arith.index_cast %swap3A_240 : i32 to index
    %swap3A_242 = arith.constant 64 : index
    %swap3A_243 = tpu.vector_load %arg8[%swap3A_241, %swap3A_242] {strides = array<i32>} : memref<8x128xi32, #tpu.memory_space<vmem>>, vector<16xi32>,
    tpu.vector_store %arg8[%swap3A_241, %swap3A_242], %add3A_239 {strides = array<i32>} : memref<8x128xi32, #tpu.memory_space<vmem>>, vector<16xi32>,
    %get3A_244 = arith.constant 208 : index
    %get3A_245 = tpu.vector_load %arg7[%get3A_244] {strides = array<i32>} : memref<20000xi32, #tpu.memory_space<vmem>>, vector<16xi32>,
    %get3A_246 = arith.constant 10208 : index
    %get3A_247 = tpu.vector_load %arg7[%get3A_246] {strides = array<i32>} : memref<20000xi32, #tpu.memory_space<vmem>>, vector<16xi32>,
    %gather3A_248 = tpu.vector_load_idx %arg6[%get3A_245] : memref<10000xi32, #tpu.memory_space<vmem>>[vector<16xi32>], vector<16xi32>,
    %mul3A_249 = arith.constant 128 : i32
    %mul3A_250 = vector.broadcast %mul3A_249 : i32 to vector<16xi32>
    %mul3A_251 = arith.muli %get3A_247, %mul3A_250 : vector<16xi32>
    %add3A_252 = arith.addi %mul3A_251, %gather3A_248 : vector<16xi32>
    %swap3A_253 = arith.constant 1 : i32
    %swap3A_254 = arith.index_cast %swap3A_253 : i32 to index
    %swap3A_255 = arith.constant 80 : index
    %swap3A_256 = tpu.vector_load %arg8[%swap3A_254, %swap3A_255] {strides = array<i32>} : memref<8x128xi32, #tpu.memory_space<vmem>>, vector<16xi32>,
    tpu.vector_store %arg8[%swap3A_254, %swap3A_255], %add3A_252 {strides = array<i32>} : memref<8x128xi32, #tpu.memory_space<vmem>>, vector<16xi32>,
    %get3A_257 = arith.constant 224 : index
    %get3A_258 = tpu.vector_load %arg7[%get3A_257] {strides = array<i32>} : memref<20000xi32, #tpu.memory_space<vmem>>, vector<16xi32>,
    %get3A_259 = arith.constant 10224 : index
    %get3A_260 = tpu.vector_load %arg7[%get3A_259] {strides = array<i32>} : memref<20000xi32, #tpu.memory_space<vmem>>, vector<16xi32>,
    %gather3A_261 = tpu.vector_load_idx %arg6[%get3A_258] : memref<10000xi32, #tpu.memory_space<vmem>>[vector<16xi32>], vector<16xi32>,
    %mul3A_262 = arith.constant 128 : i32
    %mul3A_263 = vector.broadcast %mul3A_262 : i32 to vector<16xi32>
    %mul3A_264 = arith.muli %get3A_260, %mul3A_263 : vector<16xi32>
    %add3A_265 = arith.addi %mul3A_264, %gather3A_261 : vector<16xi32>
    %swap3A_266 = arith.constant 1 : i32
    %swap3A_267 = arith.index_cast %swap3A_266 : i32 to index
    %swap3A_268 = arith.constant 96 : index
    %swap3A_269 = tpu.vector_load %arg8[%swap3A_267, %swap3A_268] {strides = array<i32>} : memref<8x128xi32, #tpu.memory_space<vmem>>, vector<16xi32>,
    tpu.vector_store %arg8[%swap3A_267, %swap3A_268], %add3A_265 {strides = array<i32>} : memref<8x128xi32, #tpu.memory_space<vmem>>, vector<16xi32>,
    %get3A_270 = arith.constant 240 : index
    %get3A_271 = tpu.vector_load %arg7[%get3A_270] {strides = array<i32>} : memref<20000xi32, #tpu.memory_space<vmem>>, vector<16xi32>,
    %get3A_272 = arith.constant 10240 : index
    %get3A_273 = tpu.vector_load %arg7[%get3A_272] {strides = array<i32>} : memref<20000xi32, #tpu.memory_space<vmem>>, vector<16xi32>,
    %gather3A_274 = tpu.vector_load_idx %arg6[%get3A_271] : memref<10000xi32, #tpu.memory_space<vmem>>[vector<16xi32>], vector<16xi32>,
    %mul3A_275 = arith.constant 128 : i32
    %mul3A_276 = vector.broadcast %mul3A_275 : i32 to vector<16xi32>
    %mul3A_277 = arith.muli %get3A_273, %mul3A_276 : vector<16xi32>
    %add3A_278 = arith.addi %mul3A_277, %gather3A_274 : vector<16xi32>
    %swap3A_279 = arith.constant 1 : i32
    %swap3A_280 = arith.index_cast %swap3A_279 : i32 to index
    %swap3A_281 = arith.constant 112 : index
    %swap3A_282 = tpu.vector_load %arg8[%swap3A_280, %swap3A_281] {strides = array<i32>} : memref<8x128xi32, #tpu.memory_space<vmem>>, vector<16xi32>,
    tpu.vector_store %arg8[%swap3A_280, %swap3A_281], %add3A_278 {strides = array<i32>} : memref<8x128xi32, #tpu.memory_space<vmem>>, vector<16xi32>,
    %dma_start3A_283 = arith.constant 1 : i32
    %dma_start3A_284 = arith.constant 0 : i32
    %dma_start3A_285 = tpu.memref_slice %arg8[%dma_start3A_283, %dma_start3A_284] : memref<8x128xi32, #tpu.memory_space<vmem>> -> memref<1x128xi32, #tpu.memory_space<vmem>>
    %dma_start3A_286 = tpu.memref_squeeze %dma_start3A_285 : memref<1x128xi32, #tpu.memory_space<vmem>> -> memref<128xi32, #tpu.memory_space<vmem>>
    %dma_start3A_287 = arith.constant 0 : i32
    %dma_start3A_288 = tpu.memref_slice %arg13[%dma_start3A_287] : memref<1280000xf32, #tpu.memory_space<vmem_shared>> -> memref<1280000xf32, #tpu.memory_space<vmem_shared>>
    tpu.enqueue_indirect_dma source(%arg9 : memref<128xf32, #tpu.memory_space<vmem>>) target(%dma_start3A_288 : memref<1280000xf32, #tpu.memory_space<vmem_shared>>) offsets(%dma_start3A_286 : memref<128xi32, #tpu.memory_space<vmem>>) semaphore(%arg14 : memref<!tpu.dma_semaphore, #tpu.memory_space<semaphore_mem>>) {add = true}
    %get3A_289 = arith.constant 256 : index
    %get3A_290 = tpu.vector_load %arg7[%get3A_289] {strides = array<i32>} : memref<20000xi32, #tpu.memory_space<vmem>>, vector<16xi32>,
    %get3A_291 = arith.constant 10256 : index
    %get3A_292 = tpu.vector_load %arg7[%get3A_291] {strides = array<i32>} : memref<20000xi32, #tpu.memory_space<vmem>>, vector<16xi32>,
    %gather3A_293 = tpu.vector_load_idx %arg6[%get3A_290] : memref<10000xi32, #tpu.memory_space<vmem>>[vector<16xi32>], vector<16xi32>,
    %mul3A_294 = arith.constant 128 : i32
    %mul3A_295 = vector.broadcast %mul3A_294 : i32 to vector<16xi32>
    %mul3A_296 = arith.muli %get3A_292, %mul3A_295 : vector<16xi32>
    %add3A_297 = arith.addi %mul3A_296, %gather3A_293 : vector<16xi32>
    %swap3A_298 = arith.constant 2 : i32
    %swap3A_299 = arith.index_cast %swap3A_298 : i32 to index
    %swap3A_300 = arith.constant 0 : index
    %swap3A_301 = tpu.vector_load %arg8[%swap3A_299, %swap3A_300] {strides = array<i32>} : memref<8x128xi32, #tpu.memory_space<vmem>>, vector<16xi32>,
    tpu.vector_store %arg8[%swap3A_299, %swap3A_300], %add3A_297 {strides = array<i32>} : memref<8x128xi32, #tpu.memory_space<vmem>>, vector<16xi32>,
    %get3A_302 = arith.constant 272 : index
    %get3A_303 = tpu.vector_load %arg7[%get3A_302] {strides = array<i32>} : memref<20000xi32, #tpu.memory_space<vmem>>, vector<16xi32>,
    %get3A_304 = arith.constant 10272 : index
    %get3A_305 = tpu.vector_load %arg7[%get3A_304] {strides = array<i32>} : memref<20000xi32, #tpu.memory_space<vmem>>, vector<16xi32>,
    %gather3A_306 = tpu.vector_load_idx %arg6[%get3A_303] : memref<10000xi32, #tpu.memory_space<vmem>>[vector<16xi32>], vector<16xi32>,
    %mul3A_307 = arith.constant 128 : i32
    %mul3A_308 = vector.broadcast %mul3A_307 : i32 to vector<16xi32>
    %mul3A_309 = arith.muli %get3A_305, %mul3A_308 : vector<16xi32>
    %add3A_310 = arith.addi %mul3A_309, %gather3A_306 : vector<16xi32>
    %swap3A_311 = arith.constant 2 : i32
    %swap3A_312 = arith.index_cast %swap3A_311 : i32 to index
    %swap3A_313 = arith.constant 16 : index
    %swap3A_314 = tpu.vector_load %arg8[%swap3A_312, %swap3A_313] {strides = array<i32>} : memref<8x128xi32, #tpu.memory_space<vmem>>, vector<16xi32>,
    tpu.vector_store %arg8[%swap3A_312, %swap3A_313], %add3A_310 {strides = array<i32>} : memref<8x128xi32, #tpu.memory_space<vmem>>, vector<16xi32>,
    %get3A_315 = arith.constant 288 : index
    %get3A_316 = tpu.vector_load %arg7[%get3A_315] {strides = array<i32>} : memref<20000xi32, #tpu.memory_space<vmem>>, vector<16xi32>,
    %get3A_317 = arith.constant 10288 : index
    %get3A_318 = tpu.vector_load %arg7[%get3A_317] {strides = array<i32>} : memref<20000xi32, #tpu.memory_space<vmem>>, vector<16xi32>,
    %gather3A_319 = tpu.vector_load_idx %arg6[%get3A_316] : memref<10000xi32, #tpu.memory_space<vmem>>[vector<16xi32>], vector<16xi32>,
    %mul3A_320 = arith.constant 128 : i32
    %mul3A_321 = vector.broadcast %mul3A_320 : i32 to vector<16xi32>
    %mul3A_322 = arith.muli %get3A_318, %mul3A_321 : vector<16xi32>
    %add3A_323 = arith.addi %mul3A_322, %gather3A_319 : vector<16xi32>
    %swap3A_324 = arith.constant 2 : i32
    %swap3A_325 = arith.index_cast %swap3A_324 : i32 to index
    %swap3A_326 = arith.constant 32 : index
    %swap3A_327 = tpu.vector_load %arg8[%swap3A_325, %swap3A_326] {strides = array<i32>} : memref<8x128xi32, #tpu.memory_space<vmem>>, vector<16xi32>,
    tpu.vector_store %arg8[%swap3A_325, %swap3A_326], %add3A_323 {strides = array<i32>} : memref<8x128xi32, #tpu.memory_space<vmem>>, vector<16xi32>,
    %get3A_328 = arith.constant 304 : index
    %get3A_329 = tpu.vector_load %arg7[%get3A_328] {strides = array<i32>} : memref<20000xi32, #tpu.memory_space<vmem>>, vector<16xi32>,
    %get3A_330 = arith.constant 10304 : index
    %get3A_331 = tpu.vector_load %arg7[%get3A_330] {strides = array<i32>} : memref<20000xi32, #tpu.memory_space<vmem>>, vector<16xi32>,
    %gather3A_332 = tpu.vector_load_idx %arg6[%get3A_329] : memref<10000xi32, #tpu.memory_space<vmem>>[vector<16xi32>], vector<16xi32>,
    %mul3A_333 = arith.constant 128 : i32
    %mul3A_334 = vector.broadcast %mul3A_333 : i32 to vector<16xi32>
    %mul3A_335 = arith.muli %get3A_331, %mul3A_334 : vector<16xi32>
    %add3A_336 = arith.addi %mul3A_335, %gather3A_332 : vector<16xi32>
    %swap3A_337 = arith.constant 2 : i32
    %swap3A_338 = arith.index_cast %swap3A_337 : i32 to index
    %swap3A_339 = arith.constant 48 : index
    %swap3A_340 = tpu.vector_load %arg8[%swap3A_338, %swap3A_339] {strides = array<i32>} : memref<8x128xi32, #tpu.memory_space<vmem>>, vector<16xi32>,
    tpu.vector_store %arg8[%swap3A_338, %swap3A_339], %add3A_336 {strides = array<i32>} : memref<8x128xi32, #tpu.memory_space<vmem>>, vector<16xi32>,
    %get3A_341 = arith.constant 320 : index
    %get3A_342 = tpu.vector_load %arg7[%get3A_341] {strides = array<i32>} : memref<20000xi32, #tpu.memory_space<vmem>>, vector<16xi32>,
    %get3A_343 = arith.constant 10320 : index
    %get3A_344 = tpu.vector_load %arg7[%get3A_343] {strides = array<i32>} : memref<20000xi32, #tpu.memory_space<vmem>>, vector<16xi32>,
    %gather3A_345 = tpu.vector_load_idx %arg6[%get3A_342] : memref<10000xi32, #tpu.memory_space<vmem>>[vector<16xi32>], vector<16xi32>,
    %mul3A_346 = arith.constant 128 : i32
    %mul3A_347 = vector.broadcast %mul3A_346 : i32 to vector<16xi32>
    %mul3A_348 = arith.muli %get3A_344, %mul3A_347 : vector<16xi32>
    %add3A_349 = arith.addi %mul3A_348, %gather3A_345 : vector<16xi32>
    %swap3A_350 = arith.constant 2 : i32
    %swap3A_351 = arith.index_cast %swap3A_350 : i32 to index
    %swap3A_352 = arith.constant 64 : index
    %swap3A_353 = tpu.vector_load %arg8[%swap3A_351, %swap3A_352] {strides = array<i32>} : memref<8x128xi32, #tpu.memory_space<vmem>>, vector<16xi32>,
    tpu.vector_store %arg8[%swap3A_351, %swap3A_352], %add3A_349 {strides = array<i32>} : memref<8x128xi32, #tpu.memory_space<vmem>>, vector<16xi32>,
    %get3A_354 = arith.constant 336 : index
    %get3A_355 = tpu.vector_load %arg7[%get3A_354] {strides = array<i32>} : memref<20000xi32, #tpu.memory_space<vmem>>, vector<16xi32>,
    %get3A_356 = arith.constant 10336 : index
    %get3A_357 = tpu.vector_load %arg7[%get3A_356] {strides = array<i32>} : memref<20000xi32, #tpu.memory_space<vmem>>, vector<16xi32>,
    %gather3A_358 = tpu.vector_load_idx %arg6[%get3A_355] : memref<10000xi32, #tpu.memory_space<vmem>>[vector<16xi32>], vector<16xi32>,
    %mul3A_359 = arith.constant 128 : i32
    %mul3A_360 = vector.broadcast %mul3A_359 : i32 to vector<16xi32>
    %mul3A_361 = arith.muli %get3A_357, %mul3A_360 : vector<16xi32>
    %add3A_362 = arith.addi %mul3A_361, %gather3A_358 : vector<16xi32>
    %swap3A_363 = arith.constant 2 : i32
    %swap3A_364 = arith.index_cast %swap3A_363 : i32 to index
    %swap3A_365 = arith.constant 80 : index
    %swap3A_366 = tpu.vector_load %arg8[%swap3A_364, %swap3A_365] {strides = array<i32>} : memref<8x128xi32, #tpu.memory_space<vmem>>, vector<16xi32>,
    tpu.vector_store %arg8[%swap3A_364, %swap3A_365], %add3A_362 {strides = array<i32>} : memref<8x128xi32, #tpu.memory_space<vmem>>, vector<16xi32>,
    %get3A_367 = arith.constant 352 : index
    %get3A_368 = tpu.vector_load %arg7[%get3A_367] {strides = array<i32>} : memref<20000xi32, #tpu.memory_space<vmem>>, vector<16xi32>,
    %get3A_369 = arith.constant 10352 : index
    %get3A_370 = tpu.vector_load %arg7[%get3A_369] {strides = array<i32>} : memref<20000xi32, #tpu.memory_space<vmem>>, vector<16xi32>,
    %gather3A_371 = tpu.vector_load_idx %arg6[%get3A_368] : memref<10000xi32, #tpu.memory_space<vmem>>[vector<16xi32>], vector<16xi32>,
    %mul3A_372 = arith.constant 128 : i32
    %mul3A_373 = vector.broadcast %mul3A_372 : i32 to vector<16xi32>
    %mul3A_374 = arith.muli %get3A_370, %mul3A_373 : vector<16xi32>
    %add3A_375 = arith.addi %mul3A_374, %gather3A_371 : vector<16xi32>
    %swap3A_376 = arith.constant 2 : i32
    %swap3A_377 = arith.index_cast %swap3A_376 : i32 to index
    %swap3A_378 = arith.constant 96 : index
    %swap3A_379 = tpu.vector_load %arg8[%swap3A_377, %swap3A_378] {strides = array<i32>} : memref<8x128xi32, #tpu.memory_space<vmem>>, vector<16xi32>,
    tpu.vector_store %arg8[%swap3A_377, %swap3A_378], %add3A_375 {strides = array<i32>} : memref<8x128xi32, #tpu.memory_space<vmem>>, vector<16xi32>,
    %get3A_380 = arith.constant 368 : index
    %get3A_381 = tpu.vector_load %arg7[%get3A_380] {strides = array<i32>} : memref<20000xi32, #tpu.memory_space<vmem>>, vector<16xi32>,
    %get3A_382 = arith.constant 10368 : index
    %get3A_383 = tpu.vector_load %arg7[%get3A_382] {strides = array<i32>} : memref<20000xi32, #tpu.memory_space<vmem>>, vector<16xi32>,
    %gather3A_384 = tpu.vector_load_idx %arg6[%get3A_381] : memref<10000xi32, #tpu.memory_space<vmem>>[vector<16xi32>], vector<16xi32>,
    %mul3A_385 = arith.constant 128 : i32
    %mul3A_386 = vector.broadcast %mul3A_385 : i32 to vector<16xi32>
    %mul3A_387 = arith.muli %get3A_383, %mul3A_386 : vector<16xi32>
    %add3A_388 = arith.addi %mul3A_387, %gather3A_384 : vector<16xi32>
    %swap3A_389 = arith.constant 2 : i32
    %swap3A_390 = arith.index_cast %swap3A_389 : i32 to index
    %swap3A_391 = arith.constant 112 : index
    %swap3A_392 = tpu.vector_load %arg8[%swap3A_390, %swap3A_391] {strides = array<i32>} : memref<8x128xi32, #tpu.memory_space<vmem>>, vector<16xi32>,
    tpu.vector_store %arg8[%swap3A_390, %swap3A_391], %add3A_388 {strides = array<i32>} : memref<8x128xi32, #tpu.memory_space<vmem>>, vector<16xi32>,
    %dma_start3A_393 = arith.constant 2 : i32
    %dma_start3A_394 = arith.constant 0 : i32
    %dma_start3A_395 = tpu.memref_slice %arg8[%dma_start3A_393, %dma_start3A_394] : memref<8x128xi32, #tpu.memory_space<vmem>> -> memref<1x128xi32, #tpu.memory_space<vmem>>
    %dma_start3A_396 = tpu.memref_squeeze %dma_start3A_395 : memref<1x128xi32, #tpu.memory_space<vmem>> -> memref<128xi32, #tpu.memory_space<vmem>>
    %dma_start3A_397 = arith.constant 0 : i32
    %dma_start3A_398 = tpu.memref_slice %arg13[%dma_start3A_397] : memref<1280000xf32, #tpu.memory_space<vmem_shared>> -> memref<1280000xf32, #tpu.memory_space<vmem_shared>>
    tpu.enqueue_indirect_dma source(%arg9 : memref<128xf32, #tpu.memory_space<vmem>>) target(%dma_start3A_398 : memref<1280000xf32, #tpu.memory_space<vmem_shared>>) offsets(%dma_start3A_396 : memref<128xi32, #tpu.memory_space<vmem>>) semaphore(%arg14 : memref<!tpu.dma_semaphore, #tpu.memory_space<semaphore_mem>>) {add = true}
    %get3A_399 = arith.constant 384 : index
    %get3A_400 = tpu.vector_load %arg7[%get3A_399] {strides = array<i32>} : memref<20000xi32, #tpu.memory_space<vmem>>, vector<16xi32>,
    %get3A_401 = arith.constant 10384 : index
    %get3A_402 = tpu.vector_load %arg7[%get3A_401] {strides = array<i32>} : memref<20000xi32, #tpu.memory_space<vmem>>, vector<16xi32>,
    %gather3A_403 = tpu.vector_load_idx %arg6[%get3A_400] : memref<10000xi32, #tpu.memory_space<vmem>>[vector<16xi32>], vector<16xi32>,
    %mul3A_404 = arith.constant 128 : i32
    %mul3A_405 = vector.broadcast %mul3A_404 : i32 to vector<16xi32>
    %mul3A_406 = arith.muli %get3A_402, %mul3A_405 : vector<16xi32>
    %add3A_407 = arith.addi %mul3A_406, %gather3A_403 : vector<16xi32>
    %swap3A_408 = arith.constant 3 : i32
    %swap3A_409 = arith.index_cast %swap3A_408 : i32 to index
    %swap3A_410 = arith.constant 0 : index
    %swap3A_411 = tpu.vector_load %arg8[%swap3A_409, %swap3A_410] {strides = array<i32>} : memref<8x128xi32, #tpu.memory_space<vmem>>, vector<16xi32>,
    tpu.vector_store %arg8[%swap3A_409, %swap3A_410], %add3A_407 {strides = array<i32>} : memref<8x128xi32, #tpu.memory_space<vmem>>, vector<16xi32>,
    %get3A_412 = arith.constant 400 : index
    %get3A_413 = tpu.vector_load %arg7[%get3A_412] {strides = array<i32>} : memref<20000xi32, #tpu.memory_space<vmem>>, vector<16xi32>,
    %get3A_414 = arith.constant 10400 : index
    %get3A_415 = tpu.vector_load %arg7[%get3A_414] {strides = array<i32>} : memref<20000xi32, #tpu.memory_space<vmem>>, vector<16xi32>,
    %gather3A_416 = tpu.vector_load_idx %arg6[%get3A_413] : memref<10000xi32, #tpu.memory_space<vmem>>[vector<16xi32>], vector<16xi32>,
    %mul3A_417 = arith.constant 128 : i32
    %mul3A_418 = vector.broadcast %mul3A_417 : i32 to vector<16xi32>
    %mul3A_419 = arith.muli %get3A_415, %mul3A_418 : vector<16xi32>
    %add3A_420 = arith.addi %mul3A_419, %gather3A_416 : vector<16xi32>
    %swap3A_421 = arith.constant 3 : i32
    %swap3A_422 = arith.index_cast %swap3A_421 : i32 to index
    %swap3A_423 = arith.constant 16 : index
    %swap3A_424 = tpu.vector_load %arg8[%swap3A_422, %swap3A_423] {strides = array<i32>} : memref<8x128xi32, #tpu.memory_space<vmem>>, vector<16xi32>,
    tpu.vector_store %arg8[%swap3A_422, %swap3A_423], %add3A_420 {strides = array<i32>} : memref<8x128xi32, #tpu.memory_space<vmem>>, vector<16xi32>,
    %get3A_425 = arith.constant 416 : index
    %get3A_426 = tpu.vector_load %arg7[%get3A_425] {strides = array<i32>} : memref<20000xi32, #tpu.memory_space<vmem>>, vector<16xi32>,
    %get3A_427 = arith.constant 10416 : index
    %get3A_428 = tpu.vector_load %arg7[%get3A_427] {strides = array<i32>} : memref<20000xi32, #tpu.memory_space<vmem>>, vector<16xi32>,
    %gather3A_429 = tpu.vector_load_idx %arg6[%get3A_426] : memref<10000xi32, #tpu.memory_space<vmem>>[vector<16xi32>], vector<16xi32>,
    %mul3A_430 = arith.constant 128 : i32
    %mul3A_431 = vector.broadcast %mul3A_430 : i32 to vector<16xi32>
    %mul3A_432 = arith.muli %get3A_428, %mul3A_431 : vector<16xi32>
    %add3A_433 = arith.addi %mul3A_432, %gather3A_429 : vector<16xi32>
    %swap3A_434 = arith.constant 3 : i32
    %swap3A_435 = arith.index_cast %swap3A_434 : i32 to index
    %swap3A_436 = arith.constant 32 : index
    %swap3A_437 = tpu.vector_load %arg8[%swap3A_435, %swap3A_436] {strides = array<i32>} : memref<8x128xi32, #tpu.memory_space<vmem>>, vector<16xi32>,
    tpu.vector_store %arg8[%swap3A_435, %swap3A_436], %add3A_433 {strides = array<i32>} : memref<8x128xi32, #tpu.memory_space<vmem>>, vector<16xi32>,
    %get3A_438 = arith.constant 432 : index
    %get3A_439 = tpu.vector_load %arg7[%get3A_438] {strides = array<i32>} : memref<20000xi32, #tpu.memory_space<vmem>>, vector<16xi32>,
    %get3A_440 = arith.constant 10432 : index
    %get3A_441 = tpu.vector_load %arg7[%get3A_440] {strides = array<i32>} : memref<20000xi32, #tpu.memory_space<vmem>>, vector<16xi32>,
    %gather3A_442 = tpu.vector_load_idx %arg6[%get3A_439] : memref<10000xi32, #tpu.memory_space<vmem>>[vector<16xi32>], vector<16xi32>,
    %mul3A_443 = arith.constant 128 : i32
    %mul3A_444 = vector.broadcast %mul3A_443 : i32 to vector<16xi32>
    %mul3A_445 = arith.muli %get3A_441, %mul3A_444 : vector<16xi32>
    %add3A_446 = arith.addi %mul3A_445, %gather3A_442 : vector<16xi32>
    %swap3A_447 = arith.constant 3 : i32
    %swap3A_448 = arith.index_cast %swap3A_447 : i32 to index
    %swap3A_449 = arith.constant 48 : index
    %swap3A_450 = tpu.vector_load %arg8[%swap3A_448, %swap3A_449] {strides = array<i32>} : memref<8x128xi32, #tpu.memory_space<vmem>>, vector<16xi32>,
    tpu.vector_store %arg8[%swap3A_448, %swap3A_449], %add3A_446 {strides = array<i32>} : memref<8x128xi32, #tpu.memory_space<vmem>>, vector<16xi32>,
    %get3A_451 = arith.constant 448 : index
    %get3A_452 = tpu.vector_load %arg7[%get3A_451] {strides = array<i32>} : memref<20000xi32, #tpu.memory_space<vmem>>, vector<16xi32>,
    %get3A_453 = arith.constant 10448 : index
    %get3A_454 = tpu.vector_load %arg7[%get3A_453] {strides = array<i32>} : memref<20000xi32, #tpu.memory_space<vmem>>, vector<16xi32>,
    %gather3A_455 = tpu.vector_load_idx %arg6[%get3A_452] : memref<10000xi32, #tpu.memory_space<vmem>>[vector<16xi32>], vector<16xi32>,
    %mul3A_456 = arith.constant 128 : i32
    %mul3A_457 = vector.broadcast %mul3A_456 : i32 to vector<16xi32>
    %mul3A_458 = arith.muli %get3A_454, %mul3A_457 : vector<16xi32>
    %add3A_459 = arith.addi %mul3A_458, %gather3A_455 : vector<16xi32>
    %swap3A_460 = arith.constant 3 : i32
    %swap3A_461 = arith.index_cast %swap3A_460 : i32 to index
    %swap3A_462 = arith.constant 64 : index
    %swap3A_463 = tpu.vector_load %arg8[%swap3A_461, %swap3A_462] {strides = array<i32>} : memref<8x128xi32, #tpu.memory_space<vmem>>, vector<16xi32>,
    tpu.vector_store %arg8[%swap3A_461, %swap3A_462], %add3A_459 {strides = array<i32>} : memref<8x128xi32, #tpu.memory_space<vmem>>, vector<16xi32>,
    %get3A_464 = arith.constant 464 : index
    %get3A_465 = tpu.vector_load %arg7[%get3A_464] {strides = array<i32>} : memref<20000xi32, #tpu.memory_space<vmem>>, vector<16xi32>,
    %get3A_466 = arith.constant 10464 : index
    %get3A_467 = tpu.vector_load %arg7[%get3A_466] {strides = array<i32>} : memref<20000xi32, #tpu.memory_space<vmem>>, vector<16xi32>,
    %gather3A_468 = tpu.vector_load_idx %arg6[%get3A_465] : memref<10000xi32, #tpu.memory_space<vmem>>[vector<16xi32>], vector<16xi32>,
    %mul3A_469 = arith.constant 128 : i32
    %mul3A_470 = vector.broadcast %mul3A_469 : i32 to vector<16xi32>
    %mul3A_471 = arith.muli %get3A_467, %mul3A_470 : vector<16xi32>
    %add3A_472 = arith.addi %mul3A_471, %gather3A_468 : vector<16xi32>
    %swap3A_473 = arith.constant 3 : i32
    %swap3A_474 = arith.index_cast %swap3A_473 : i32 to index
    %swap3A_475 = arith.constant 80 : index
    %swap3A_476 = tpu.vector_load %arg8[%swap3A_474, %swap3A_475] {strides = array<i32>} : memref<8x128xi32, #tpu.memory_space<vmem>>, vector<16xi32>,
    tpu.vector_store %arg8[%swap3A_474, %swap3A_475], %add3A_472 {strides = array<i32>} : memref<8x128xi32, #tpu.memory_space<vmem>>, vector<16xi32>,
    %get3A_477 = arith.constant 480 : index
    %get3A_478 = tpu.vector_load %arg7[%get3A_477] {strides = array<i32>} : memref<20000xi32, #tpu.memory_space<vmem>>, vector<16xi32>,
    %get3A_479 = arith.constant 10480 : index
    %get3A_480 = tpu.vector_load %arg7[%get3A_479] {strides = array<i32>} : memref<20000xi32, #tpu.memory_space<vmem>>, vector<16xi32>,
    %gather3A_481 = tpu.vector_load_idx %arg6[%get3A_478] : memref<10000xi32, #tpu.memory_space<vmem>>[vector<16xi32>], vector<16xi32>,
    %mul3A_482 = arith.constant 128 : i32
    %mul3A_483 = vector.broadcast %mul3A_482 : i32 to vector<16xi32>
    %mul3A_484 = arith.muli %get3A_480, %mul3A_483 : vector<16xi32>
    %add3A_485 = arith.addi %mul3A_484, %gather3A_481 : vector<16xi32>
    %swap3A_486 = arith.constant 3 : i32
    %swap3A_487 = arith.index_cast %swap3A_486 : i32 to index
    %swap3A_488 = arith.constant 96 : index
    %swap3A_489 = tpu.vector_load %arg8[%swap3A_487, %swap3A_488] {strides = array<i32>} : memref<8x128xi32, #tpu.memory_space<vmem>>, vector<16xi32>,
    tpu.vector_store %arg8[%swap3A_487, %swap3A_488], %add3A_485 {strides = array<i32>} : memref<8x128xi32, #tpu.memory_space<vmem>>, vector<16xi32>,
    %get3A_490 = arith.constant 496 : index
    %get3A_491 = tpu.vector_load %arg7[%get3A_490] {strides = array<i32>} : memref<20000xi32, #tpu.memory_space<vmem>>, vector<16xi32>,
    %get3A_492 = arith.constant 10496 : index
    %get3A_493 = tpu.vector_load %arg7[%get3A_492] {strides = array<i32>} : memref<20000xi32, #tpu.memory_space<vmem>>, vector<16xi32>,
    %gather3A_494 = tpu.vector_load_idx %arg6[%get3A_491] : memref<10000xi32, #tpu.memory_space<vmem>>[vector<16xi32>], vector<16xi32>,
    %mul3A_495 = arith.constant 128 : i32
    %mul3A_496 = vector.broadcast %mul3A_495 : i32 to vector<16xi32>
    %mul3A_497 = arith.muli %get3A_493, %mul3A_496 : vector<16xi32>
    %add3A_498 = arith.addi %mul3A_497, %gather3A_494 : vector<16xi32>
    %swap3A_499 = arith.constant 3 : i32
    %swap3A_500 = arith.index_cast %swap3A_499 : i32 to index
    %swap3A_501 = arith.constant 112 : index
    %swap3A_502 = tpu.vector_load %arg8[%swap3A_500, %swap3A_501] {strides = array<i32>} : memref<8x128xi32, #tpu.memory_space<vmem>>, vector<16xi32>,
    tpu.vector_store %arg8[%swap3A_500, %swap3A_501], %add3A_498 {strides = array<i32>} : memref<8x128xi32, #tpu.memory_space<vmem>>, vector<16xi32>,
    %dma_start3A_503 = arith.constant 3 : i32
    %dma_start3A_504 = arith.constant 0 : i32
    %dma_start3A_505 = tpu.memref_slice %arg8[%dma_start3A_503, %dma_start3A_504] : memref<8x128xi32, #tpu.memory_space<vmem>> -> memref<1x128xi32, #tpu.memory_space<vmem>>
    %dma_start3A_506 = tpu.memref_squeeze %dma_start3A_505 : memref<1x128xi32, #tpu.memory_space<vmem>> -> memref<128xi32, #tpu.memory_space<vmem>>
    %dma_start3A_507 = arith.constant 0 : i32
    %dma_start3A_508 = tpu.memref_slice %arg13[%dma_start3A_507] : memref<1280000xf32, #tpu.memory_space<vmem_shared>> -> memref<1280000xf32, #tpu.memory_space<vmem_shared>>
    tpu.enqueue_indirect_dma source(%arg9 : memref<128xf32, #tpu.memory_space<vmem>>) target(%dma_start3A_508 : memref<1280000xf32, #tpu.memory_space<vmem_shared>>) offsets(%dma_start3A_506 : memref<128xi32, #tpu.memory_space<vmem>>) semaphore(%arg14 : memref<!tpu.dma_semaphore, #tpu.memory_space<semaphore_mem>>) {add = true}
    %get3A_509 = arith.constant 512 : index
    %get3A_510 = tpu.vector_load %arg7[%get3A_509] {strides = array<i32>} : memref<20000xi32, #tpu.memory_space<vmem>>, vector<16xi32>,
    %get3A_511 = arith.constant 10512 : index
    %get3A_512 = tpu.vector_load %arg7[%get3A_511] {strides = array<i32>} : memref<20000xi32, #tpu.memory_space<vmem>>, vector<16xi32>,
    %gather3A_513 = tpu.vector_load_idx %arg6[%get3A_510] : memref<10000xi32, #tpu.memory_space<vmem>>[vector<16xi32>], vector<16xi32>,
    %mul3A_514 = arith.constant 128 : i32
    %mul3A_515 = vector.broadcast %mul3A_514 : i32 to vector<16xi32>
    %mul3A_516 = arith.muli %get3A_512, %mul3A_515 : vector<16xi32>
    %add3A_517 = arith.addi %mul3A_516, %gather3A_513 : vector<16xi32>
    %swap3A_518 = arith.constant 4 : i32
    %swap3A_519 = arith.index_cast %swap3A_518 : i32 to index
    %swap3A_520 = arith.constant 0 : index
    %swap3A_521 = tpu.vector_load %arg8[%swap3A_519, %swap3A_520] {strides = array<i32>} : memref<8x128xi32, #tpu.memory_space<vmem>>, vector<16xi32>,
    tpu.vector_store %arg8[%swap3A_519, %swap3A_520], %add3A_517 {strides = array<i32>} : memref<8x128xi32, #tpu.memory_space<vmem>>, vector<16xi32>,
    %get3A_522 = arith.constant 528 : index
    %get3A_523 = tpu.vector_load %arg7[%get3A_522] {strides = array<i32>} : memref<20000xi32, #tpu.memory_space<vmem>>, vector<16xi32>,
    %get3A_524 = arith.constant 10528 : index
    %get3A_525 = tpu.vector_load %arg7[%get3A_524] {strides = array<i32>} : memref<20000xi32, #tpu.memory_space<vmem>>, vector<16xi32>,
    %gather3A_526 = tpu.vector_load_idx %arg6[%get3A_523] : memref<10000xi32, #tpu.memory_space<vmem>>[vector<16xi32>], vector<16xi32>,
    %mul3A_527 = arith.constant 128 : i32
    %mul3A_528 = vector.broadcast %mul3A_527 : i32 to vector<16xi32>
    %mul3A_529 = arith.muli %get3A_525, %mul3A_528 : vector<16xi32>
    %add3A_530 = arith.addi %mul3A_529, %gather3A_526 : vector<16xi32>
    %swap3A_531 = arith.constant 4 : i32
    %swap3A_532 = arith.index_cast %swap3A_531 : i32 to index
    %swap3A_533 = arith.constant 16 : index
    %swap3A_534 = tpu.vector_load %arg8[%swap3A_532, %swap3A_533] {strides = array<i32>} : memref<8x128xi32, #tpu.memory_space<vmem>>, vector<16xi32>,
    tpu.vector_store %arg8[%swap3A_532, %swap3A_533], %add3A_530 {strides = array<i32>} : memref<8x128xi32, #tpu.memory_space<vmem>>, vector<16xi32>,
    %get3A_535 = arith.constant 544 : index
    %get3A_536 = tpu.vector_load %arg7[%get3A_535] {strides = array<i32>} : memref<20000xi32, #tpu.memory_space<vmem>>, vector<16xi32>,
    %get3A_537 = arith.constant 10544 : index
    %get3A_538 = tpu.vector_load %arg7[%get3A_537] {strides = array<i32>} : memref<20000xi32, #tpu.memory_space<vmem>>, vector<16xi32>,
    %gather3A_539 = tpu.vector_load_idx %arg6[%get3A_536] : memref<10000xi32, #tpu.memory_space<vmem>>[vector<16xi32>], vector<16xi32>,
    %mul3A_540 = arith.constant 128 : i32
    %mul3A_541 = vector.broadcast %mul3A_540 : i32 to vector<16xi32>
    %mul3A_542 = arith.muli %get3A_538, %mul3A_541 : vector<16xi32>
    %add3A_543 = arith.addi %mul3A_542, %gather3A_539 : vector<16xi32>
    %swap3A_544 = arith.constant 4 : i32
    %swap3A_545 = arith.index_cast %swap3A_544 : i32 to index
    %swap3A_546 = arith.constant 32 : index
    %swap3A_547 = tpu.vector_load %arg8[%swap3A_545, %swap3A_546] {strides = array<i32>} : memref<8x128xi32, #tpu.memory_space<vmem>>, vector<16xi32>,
    tpu.vector_store %arg8[%swap3A_545, %swap3A_546], %add3A_543 {strides = array<i32>} : memref<8x128xi32, #tpu.memory_space<vmem>>, vector<16xi32>,
    %get3A_548 = arith.constant 560 : index
    %get3A_549 = tpu.vector_load %arg7[%get3A_548] {strides = array<i32>} : memref<20000xi32, #tpu.memory_space<vmem>>, vector<16xi32>,
    %get3A_550 = arith.constant 10560 : index
    %get3A_551 = tpu.vector_load %arg7[%get3A_550] {strides = array<i32>} : memref<20000xi32, #tpu.memory_space<vmem>>, vector<16xi32>,
    %gather3A_552 = tpu.vector_load_idx %arg6[%get3A_549] : memref<10000xi32, #tpu.memory_space<vmem>>[vector<16xi32>], vector<16xi32>,
    %mul3A_553 = arith.constant 128 : i32
    %mul3A_554 = vector.broadcast %mul3A_553 : i32 to vector<16xi32>
    %mul3A_555 = arith.muli %get3A_551, %mul3A_554 : vector<16xi32>
    %add3A_556 = arith.addi %mul3A_555, %gather3A_552 : vector<16xi32>
    %swap3A_557 = arith.constant 4 : i32
    %swap3A_558 = arith.index_cast %swap3A_557 : i32 to index
    %swap3A_559 = arith.constant 48 : index
    %swap3A_560 = tpu.vector_load %arg8[%swap3A_558, %swap3A_559] {strides = array<i32>} : memref<8x128xi32, #tpu.memory_space<vmem>>, vector<16xi32>,
    tpu.vector_store %arg8[%swap3A_558, %swap3A_559], %add3A_556 {strides = array<i32>} : memref<8x128xi32, #tpu.memory_space<vmem>>, vector<16xi32>,
    %get3A_561 = arith.constant 576 : index
    %get3A_562 = tpu.vector_load %arg7[%get3A_561] {strides = array<i32>} : memref<20000xi32, #tpu.memory_space<vmem>>, vector<16xi32>,
    %get3A_563 = arith.constant 10576 : index
    %get3A_564 = tpu.vector_load %arg7[%get3A_563] {strides = array<i32>} : memref<20000xi32, #tpu.memory_space<vmem>>, vector<16xi32>,
    %gather3A_565 = tpu.vector_load_idx %arg6[%get3A_562] : memref<10000xi32, #tpu.memory_space<vmem>>[vector<16xi32>], vector<16xi32>,
    %mul3A_566 = arith.constant 128 : i32
    %mul3A_567 = vector.broadcast %mul3A_566 : i32 to vector<16xi32>
    %mul3A_568 = arith.muli %get3A_564, %mul3A_567 : vector<16xi32>
    %add3A_569 = arith.addi %mul3A_568, %gather3A_565 : vector<16xi32>
    %swap3A_570 = arith.constant 4 : i32
    %swap3A_571 = arith.index_cast %swap3A_570 : i32 to index
    %swap3A_572 = arith.constant 64 : index
    %swap3A_573 = tpu.vector_load %arg8[%swap3A_571, %swap3A_572] {strides = array<i32>} : memref<8x128xi32, #tpu.memory_space<vmem>>, vector<16xi32>,
    tpu.vector_store %arg8[%swap3A_571, %swap3A_572], %add3A_569 {strides = array<i32>} : memref<8x128xi32, #tpu.memory_space<vmem>>, vector<16xi32>,
    %get3A_574 = arith.constant 592 : index
    %get3A_575 = tpu.vector_load %arg7[%get3A_574] {strides = array<i32>} : memref<20000xi32, #tpu.memory_space<vmem>>, vector<16xi32>,
    %get3A_576 = arith.constant 10592 : index
    %get3A_577 = tpu.vector_load %arg7[%get3A_576] {strides = array<i32>} : memref<20000xi32, #tpu.memory_space<vmem>>, vector<16xi32>,
    %gather3A_578 = tpu.vector_load_idx %arg6[%get3A_575] : memref<10000xi32, #tpu.memory_space<vmem>>[vector<16xi32>], vector<16xi32>,
    %mul3A_579 = arith.constant 128 : i32
    %mul3A_580 = vector.broadcast %mul3A_579 : i32 to vector<16xi32>
    %mul3A_581 = arith.muli %get3A_577, %mul3A_580 : vector<16xi32>
    %add3A_582 = arith.addi %mul3A_581, %gather3A_578 : vector<16xi32>
    %swap3A_583 = arith.constant 4 : i32
    %swap3A_584 = arith.index_cast %swap3A_583 : i32 to index
    %swap3A_585 = arith.constant 80 : index
    %swap3A_586 = tpu.vector_load %arg8[%swap3A_584, %swap3A_585] {strides = array<i32>} : memref<8x128xi32, #tpu.memory_space<vmem>>, vector<16xi32>,
    tpu.vector_store %arg8[%swap3A_584, %swap3A_585], %add3A_582 {strides = array<i32>} : memref<8x128xi32, #tpu.memory_space<vmem>>, vector<16xi32>,
    %get3A_587 = arith.constant 608 : index
    %get3A_588 = tpu.vector_load %arg7[%get3A_587] {strides = array<i32>} : memref<20000xi32, #tpu.memory_space<vmem>>, vector<16xi32>,
    %get3A_589 = arith.constant 10608 : index
    %get3A_590 = tpu.vector_load %arg7[%get3A_589] {strides = array<i32>} : memref<20000xi32, #tpu.memory_space<vmem>>, vector<16xi32>,
    %gather3A_591 = tpu.vector_load_idx %arg6[%get3A_588] : memref<10000xi32, #tpu.memory_space<vmem>>[vector<16xi32>], vector<16xi32>,
    %mul3A_592 = arith.constant 128 : i32
    %mul3A_593 = vector.broadcast %mul3A_592 : i32 to vector<16xi32>
    %mul3A_594 = arith.muli %get3A_590, %mul3A_593 : vector<16xi32>
    %add3A_595 = arith.addi %mul3A_594, %gather3A_591 : vector<16xi32>
    %swap3A_596 = arith.constant 4 : i32
    %swap3A_597 = arith.index_cast %swap3A_596 : i32 to index
    %swap3A_598 = arith.constant 96 : index
    %swap3A_599 = tpu.vector_load %arg8[%swap3A_597, %swap3A_598] {strides = array<i32>} : memref<8x128xi32, #tpu.memory_space<vmem>>, vector<16xi32>,
    tpu.vector_store %arg8[%swap3A_597, %swap3A_598], %add3A_595 {strides = array<i32>} : memref<8x128xi32, #tpu.memory_space<vmem>>, vector<16xi32>,
    %get3A_600 = arith.constant 624 : index
    %get3A_601 = tpu.vector_load %arg7[%get3A_600] {strides = array<i32>} : memref<20000xi32, #tpu.memory_space<vmem>>, vector<16xi32>,
    %get3A_602 = arith.constant 10624 : index
    %get3A_603 = tpu.vector_load %arg7[%get3A_602] {strides = array<i32>} : memref<20000xi32, #tpu.memory_space<vmem>>, vector<16xi32>,
    %gather3A_604 = tpu.vector_load_idx %arg6[%get3A_601] : memref<10000xi32, #tpu.memory_space<vmem>>[vector<16xi32>], vector<16xi32>,
    %mul3A_605 = arith.constant 128 : i32
    %mul3A_606 = vector.broadcast %mul3A_605 : i32 to vector<16xi32>
    %mul3A_607 = arith.muli %get3A_603, %mul3A_606 : vector<16xi32>
    %add3A_608 = arith.addi %mul3A_607, %gather3A_604 : vector<16xi32>
    %swap3A_609 = arith.constant 4 : i32
    %swap3A_610 = arith.index_cast %swap3A_609 : i32 to index
    %swap3A_611 = arith.constant 112 : index
    %swap3A_612 = tpu.vector_load %arg8[%swap3A_610, %swap3A_611] {strides = array<i32>} : memref<8x128xi32, #tpu.memory_space<vmem>>, vector<16xi32>,
    tpu.vector_store %arg8[%swap3A_610, %swap3A_611], %add3A_608 {strides = array<i32>} : memref<8x128xi32, #tpu.memory_space<vmem>>, vector<16xi32>,
    %dma_start3A_613 = arith.constant 4 : i32
    %dma_start3A_614 = arith.constant 0 : i32
    %dma_start3A_615 = tpu.memref_slice %arg8[%dma_start3A_613, %dma_start3A_614] : memref<8x128xi32, #tpu.memory_space<vmem>> -> memref<1x128xi32, #tpu.memory_space<vmem>>
    %dma_start3A_616 = tpu.memref_squeeze %dma_start3A_615 : memref<1x128xi32, #tpu.memory_space<vmem>> -> memref<128xi32, #tpu.memory_space<vmem>>
    %dma_start3A_617 = arith.constant 0 : i32
    %dma_start3A_618 = tpu.memref_slice %arg13[%dma_start3A_617] : memref<1280000xf32, #tpu.memory_space<vmem_shared>> -> memref<1280000xf32, #tpu.memory_space<vmem_shared>>
    tpu.enqueue_indirect_dma source(%arg9 : memref<128xf32, #tpu.memory_space<vmem>>) target(%dma_start3A_618 : memref<1280000xf32, #tpu.memory_space<vmem_shared>>) offsets(%dma_start3A_616 : memref<128xi32, #tpu.memory_space<vmem>>) semaphore(%arg14 : memref<!tpu.dma_semaphore, #tpu.memory_space<semaphore_mem>>) {add = true}
    %get3A_619 = arith.constant 640 : index
    %get3A_620 = tpu.vector_load %arg7[%get3A_619] {strides = array<i32>} : memref<20000xi32, #tpu.memory_space<vmem>>, vector<16xi32>,
    %get3A_621 = arith.constant 10640 : index
    %get3A_622 = tpu.vector_load %arg7[%get3A_621] {strides = array<i32>} : memref<20000xi32, #tpu.memory_space<vmem>>, vector<16xi32>,
    %gather3A_623 = tpu.vector_load_idx %arg6[%get3A_620] : memref<10000xi32, #tpu.memory_space<vmem>>[vector<16xi32>], vector<16xi32>,
    %mul3A_624 = arith.constant 128 : i32
    %mul3A_625 = vector.broadcast %mul3A_624 : i32 to vector<16xi32>
    %mul3A_626 = arith.muli %get3A_622, %mul3A_625 : vector<16xi32>
    %add3A_627 = arith.addi %mul3A_626, %gather3A_623 : vector<16xi32>
    %swap3A_628 = arith.constant 5 : i32
    %swap3A_629 = arith.index_cast %swap3A_628 : i32 to index
    %swap3A_630 = arith.constant 0 : index
    %swap3A_631 = tpu.vector_load %arg8[%swap3A_629, %swap3A_630] {strides = array<i32>} : memref<8x128xi32, #tpu.memory_space<vmem>>, vector<16xi32>,
    tpu.vector_store %arg8[%swap3A_629, %swap3A_630], %add3A_627 {strides = array<i32>} : memref<8x128xi32, #tpu.memory_space<vmem>>, vector<16xi32>,
    %get3A_632 = arith.constant 656 : index
    %get3A_633 = tpu.vector_load %arg7[%get3A_632] {strides = array<i32>} : memref<20000xi32, #tpu.memory_space<vmem>>, vector<16xi32>,
    %get3A_634 = arith.constant 10656 : index
    %get3A_635 = tpu.vector_load %arg7[%get3A_634] {strides = array<i32>} : memref<20000xi32, #tpu.memory_space<vmem>>, vector<16xi32>,
    %gather3A_636 = tpu.vector_load_idx %arg6[%get3A_633] : memref<10000xi32, #tpu.memory_space<vmem>>[vector<16xi32>], vector<16xi32>,
    %mul3A_637 = arith.constant 128 : i32
    %mul3A_638 = vector.broadcast %mul3A_637 : i32 to vector<16xi32>
    %mul3A_639 = arith.muli %get3A_635, %mul3A_638 : vector<16xi32>
    %add3A_640 = arith.addi %mul3A_639, %gather3A_636 : vector<16xi32>
    %swap3A_641 = arith.constant 5 : i32
    %swap3A_642 = arith.index_cast %swap3A_641 : i32 to index
    %swap3A_643 = arith.constant 16 : index
    %swap3A_644 = tpu.vector_load %arg8[%swap3A_642, %swap3A_643] {strides = array<i32>} : memref<8x128xi32, #tpu.memory_space<vmem>>, vector<16xi32>,
    tpu.vector_store %arg8[%swap3A_642, %swap3A_643], %add3A_640 {strides = array<i32>} : memref<8x128xi32, #tpu.memory_space<vmem>>, vector<16xi32>,
    %get3A_645 = arith.constant 672 : index
    %get3A_646 = tpu.vector_load %arg7[%get3A_645] {strides = array<i32>} : memref<20000xi32, #tpu.memory_space<vmem>>, vector<16xi32>,
    %get3A_647 = arith.constant 10672 : index
    %get3A_648 = tpu.vector_load %arg7[%get3A_647] {strides = array<i32>} : memref<20000xi32, #tpu.memory_space<vmem>>, vector<16xi32>,
    %gather3A_649 = tpu.vector_load_idx %arg6[%get3A_646] : memref<10000xi32, #tpu.memory_space<vmem>>[vector<16xi32>], vector<16xi32>,
    %mul3A_650 = arith.constant 128 : i32
    %mul3A_651 = vector.broadcast %mul3A_650 : i32 to vector<16xi32>
    %mul3A_652 = arith.muli %get3A_648, %mul3A_651 : vector<16xi32>
    %add3A_653 = arith.addi %mul3A_652, %gather3A_649 : vector<16xi32>
    %swap3A_654 = arith.constant 5 : i32
    %swap3A_655 = arith.index_cast %swap3A_654 : i32 to index
    %swap3A_656 = arith.constant 32 : index
    %swap3A_657 = tpu.vector_load %arg8[%swap3A_655, %swap3A_656] {strides = array<i32>} : memref<8x128xi32, #tpu.memory_space<vmem>>, vector<16xi32>,
    tpu.vector_store %arg8[%swap3A_655, %swap3A_656], %add3A_653 {strides = array<i32>} : memref<8x128xi32, #tpu.memory_space<vmem>>, vector<16xi32>,
    %get3A_658 = arith.constant 688 : index
    %get3A_659 = tpu.vector_load %arg7[%get3A_658] {strides = array<i32>} : memref<20000xi32, #tpu.memory_space<vmem>>, vector<16xi32>,
    %get3A_660 = arith.constant 10688 : index
    %get3A_661 = tpu.vector_load %arg7[%get3A_660] {strides = array<i32>} : memref<20000xi32, #tpu.memory_space<vmem>>, vector<16xi32>,
    %gather3A_662 = tpu.vector_load_idx %arg6[%get3A_659] : memref<10000xi32, #tpu.memory_space<vmem>>[vector<16xi32>], vector<16xi32>,
    %mul3A_663 = arith.constant 128 : i32
    %mul3A_664 = vector.broadcast %mul3A_663 : i32 to vector<16xi32>
    %mul3A_665 = arith.muli %get3A_661, %mul3A_664 : vector<16xi32>
    %add3A_666 = arith.addi %mul3A_665, %gather3A_662 : vector<16xi32>
    %swap3A_667 = arith.constant 5 : i32
    %swap3A_668 = arith.index_cast %swap3A_667 : i32 to index
    %swap3A_669 = arith.constant 48 : index
    %swap3A_670 = tpu.vector_load %arg8[%swap3A_668, %swap3A_669] {strides = array<i32>} : memref<8x128xi32, #tpu.memory_space<vmem>>, vector<16xi32>,
    tpu.vector_store %arg8[%swap3A_668, %swap3A_669], %add3A_666 {strides = array<i32>} : memref<8x128xi32, #tpu.memory_space<vmem>>, vector<16xi32>,
    %get3A_671 = arith.constant 704 : index
    %get3A_672 = tpu.vector_load %arg7[%get3A_671] {strides = array<i32>} : memref<20000xi32, #tpu.memory_space<vmem>>, vector<16xi32>,
    %get3A_673 = arith.constant 10704 : index
    %get3A_674 = tpu.vector_load %arg7[%get3A_673] {strides = array<i32>} : memref<20000xi32, #tpu.memory_space<vmem>>, vector<16xi32>,
    %gather3A_675 = tpu.vector_load_idx %arg6[%get3A_672] : memref<10000xi32, #tpu.memory_space<vmem>>[vector<16xi32>], vector<16xi32>,
    %mul3A_676 = arith.constant 128 : i32
    %mul3A_677 = vector.broadcast %mul3A_676 : i32 to vector<16xi32>
    %mul3A_678 = arith.muli %get3A_674, %mul3A_677 : vector<16xi32>
    %add3A_679 = arith.addi %mul3A_678, %gather3A_675 : vector<16xi32>
    %swap3A_680 = arith.constant 5 : i32
    %swap3A_681 = arith.index_cast %swap3A_680 : i32 to index
    %swap3A_682 = arith.constant 64 : index
    %swap3A_683 = tpu.vector_load %arg8[%swap3A_681, %swap3A_682] {strides = array<i32>} : memref<8x128xi32, #tpu.memory_space<vmem>>, vector<16xi32>,
    tpu.vector_store %arg8[%swap3A_681, %swap3A_682], %add3A_679 {strides = array<i32>} : memref<8x128xi32, #tpu.memory_space<vmem>>, vector<16xi32>,
    %get3A_684 = arith.constant 720 : index
    %get3A_685 = tpu.vector_load %arg7[%get3A_684] {strides = array<i32>} : memref<20000xi32, #tpu.memory_space<vmem>>, vector<16xi32>,
    %get3A_686 = arith.constant 10720 : index
    %get3A_687 = tpu.vector_load %arg7[%get3A_686] {strides = array<i32>} : memref<20000xi32, #tpu.memory_space<vmem>>, vector<16xi32>,
    %gather3A_688 = tpu.vector_load_idx %arg6[%get3A_685] : memref<10000xi32, #tpu.memory_space<vmem>>[vector<16xi32>], vector<16xi32>,
    %mul3A_689 = arith.constant 128 : i32
    %mul3A_690 = vector.broadcast %mul3A_689 : i32 to vector<16xi32>
    %mul3A_691 = arith.muli %get3A_687, %mul3A_690 : vector<16xi32>
    %add3A_692 = arith.addi %mul3A_691, %gather3A_688 : vector<16xi32>
    %swap3A_693 = arith.constant 5 : i32
    %swap3A_694 = arith.index_cast %swap3A_693 : i32 to index
    %swap3A_695 = arith.constant 80 : index
    %swap3A_696 = tpu.vector_load %arg8[%swap3A_694, %swap3A_695] {strides = array<i32>} : memref<8x128xi32, #tpu.memory_space<vmem>>, vector<16xi32>,
    tpu.vector_store %arg8[%swap3A_694, %swap3A_695], %add3A_692 {strides = array<i32>} : memref<8x128xi32, #tpu.memory_space<vmem>>, vector<16xi32>,
    %get3A_697 = arith.constant 736 : index
    %get3A_698 = tpu.vector_load %arg7[%get3A_697] {strides = array<i32>} : memref<20000xi32, #tpu.memory_space<vmem>>, vector<16xi32>,
    %get3A_699 = arith.constant 10736 : index
    %get3A_700 = tpu.vector_load %arg7[%get3A_699] {strides = array<i32>} : memref<20000xi32, #tpu.memory_space<vmem>>, vector<16xi32>,
    %gather3A_701 = tpu.vector_load_idx %arg6[%get3A_698] : memref<10000xi32, #tpu.memory_space<vmem>>[vector<16xi32>], vector<16xi32>,
    %mul3A_702 = arith.constant 128 : i32
    %mul3A_703 = vector.broadcast %mul3A_702 : i32 to vector<16xi32>
    %mul3A_704 = arith.muli %get3A_700, %mul3A_703 : vector<16xi32>
    %add3A_705 = arith.addi %mul3A_704, %gather3A_701 : vector<16xi32>
    %swap3A_706 = arith.constant 5 : i32
    %swap3A_707 = arith.index_cast %swap3A_706 : i32 to index
    %swap3A_708 = arith.constant 96 : index
    %swap3A_709 = tpu.vector_load %arg8[%swap3A_707, %swap3A_708] {strides = array<i32>} : memref<8x128xi32, #tpu.memory_space<vmem>>, vector<16xi32>,
    tpu.vector_store %arg8[%swap3A_707, %swap3A_708], %add3A_705 {strides = array<i32>} : memref<8x128xi32, #tpu.memory_space<vmem>>, vector<16xi32>,
    %get3A_710 = arith.constant 752 : index
    %get3A_711 = tpu.vector_load %arg7[%get3A_710] {strides = array<i32>} : memref<20000xi32, #tpu.memory_space<vmem>>, vector<16xi32>,
    %get3A_712 = arith.constant 10752 : index
    %get3A_713 = tpu.vector_load %arg7[%get3A_712] {strides = array<i32>} : memref<20000xi32, #tpu.memory_space<vmem>>, vector<16xi32>,
    %gather3A_714 = tpu.vector_load_idx %arg6[%get3A_711] : memref<10000xi32, #tpu.memory_space<vmem>>[vector<16xi32>], vector<16xi32>,
    %mul3A_715 = arith.constant 128 : i32
    %mul3A_716 = vector.broadcast %mul3A_715 : i32 to vector<16xi32>
    %mul3A_717 = arith.muli %get3A_713, %mul3A_716 : vector<16xi32>
    %add3A_718 = arith.addi %mul3A_717, %gather3A_714 : vector<16xi32>
    %swap3A_719 = arith.constant 5 : i32
    %swap3A_720 = arith.index_cast %swap3A_719 : i32 to index
    %swap3A_721 = arith.constant 112 : index
    %swap3A_722 = tpu.vector_load %arg8[%swap3A_720, %swap3A_721] {strides = array<i32>} : memref<8x128xi32, #tpu.memory_space<vmem>>, vector<16xi32>,
    tpu.vector_store %arg8[%swap3A_720, %swap3A_721], %add3A_718 {strides = array<i32>} : memref<8x128xi32, #tpu.memory_space<vmem>>, vector<16xi32>,
    %dma_start3A_723 = arith.constant 5 : i32
    %dma_start3A_724 = arith.constant 0 : i32
    %dma_start3A_725 = tpu.memref_slice %arg8[%dma_start3A_723, %dma_start3A_724] : memref<8x128xi32, #tpu.memory_space<vmem>> -> memref<1x128xi32, #tpu.memory_space<vmem>>
    %dma_start3A_726 = tpu.memref_squeeze %dma_start3A_725 : memref<1x128xi32, #tpu.memory_space<vmem>> -> memref<128xi32, #tpu.memory_space<vmem>>
    %dma_start3A_727 = arith.constant 0 : i32
    %dma_start3A_728 = tpu.memref_slice %arg13[%dma_start3A_727] : memref<1280000xf32, #tpu.memory_space<vmem_shared>> -> memref<1280000xf32, #tpu.memory_space<vmem_shared>>
    tpu.enqueue_indirect_dma source(%arg9 : memref<128xf32, #tpu.memory_space<vmem>>) target(%dma_start3A_728 : memref<1280000xf32, #tpu.memory_space<vmem_shared>>) offsets(%dma_start3A_726 : memref<128xi32, #tpu.memory_space<vmem>>) semaphore(%arg14 : memref<!tpu.dma_semaphore, #tpu.memory_space<semaphore_mem>>) {add = true}
    %get3A_729 = arith.constant 768 : index
    %get3A_730 = tpu.vector_load %arg7[%get3A_729] {strides = array<i32>} : memref<20000xi32, #tpu.memory_space<vmem>>, vector<16xi32>,
    %get3A_731 = arith.constant 10768 : index
    %get3A_732 = tpu.vector_load %arg7[%get3A_731] {strides = array<i32>} : memref<20000xi32, #tpu.memory_space<vmem>>, vector<16xi32>,
    %gather3A_733 = tpu.vector_load_idx %arg6[%get3A_730] : memref<10000xi32, #tpu.memory_space<vmem>>[vector<16xi32>], vector<16xi32>,
    %mul3A_734 = arith.constant 128 : i32
    %mul3A_735 = vector.broadcast %mul3A_734 : i32 to vector<16xi32>
    %mul3A_736 = arith.muli %get3A_732, %mul3A_735 : vector<16xi32>
    %add3A_737 = arith.addi %mul3A_736, %gather3A_733 : vector<16xi32>
    %swap3A_738 = arith.constant 6 : i32
    %swap3A_739 = arith.index_cast %swap3A_738 : i32 to index
    %swap3A_740 = arith.constant 0 : index
    %swap3A_741 = tpu.vector_load %arg8[%swap3A_739, %swap3A_740] {strides = array<i32>} : memref<8x128xi32, #tpu.memory_space<vmem>>, vector<16xi32>,
    tpu.vector_store %arg8[%swap3A_739, %swap3A_740], %add3A_737 {strides = array<i32>} : memref<8x128xi32, #tpu.memory_space<vmem>>, vector<16xi32>,
    %get3A_742 = arith.constant 784 : index
    %get3A_743 = tpu.vector_load %arg7[%get3A_742] {strides = array<i32>} : memref<20000xi32, #tpu.memory_space<vmem>>, vector<16xi32>,
    %get3A_744 = arith.constant 10784 : index
    %get3A_745 = tpu.vector_load %arg7[%get3A_744] {strides = array<i32>} : memref<20000xi32, #tpu.memory_space<vmem>>, vector<16xi32>,
    %gather3A_746 = tpu.vector_load_idx %arg6[%get3A_743] : memref<10000xi32, #tpu.memory_space<vmem>>[vector<16xi32>], vector<16xi32>,
    %mul3A_747 = arith.constant 128 : i32
    %mul3A_748 = vector.broadcast %mul3A_747 : i32 to vector<16xi32>
    %mul3A_749 = arith.muli %get3A_745, %mul3A_748 : vector<16xi32>
    %add3A_750 = arith.addi %mul3A_749, %gather3A_746 : vector<16xi32>
    %swap3A_751 = arith.constant 6 : i32
    %swap3A_752 = arith.index_cast %swap3A_751 : i32 to index
    %swap3A_753 = arith.constant 16 : index
    %swap3A_754 = tpu.vector_load %arg8[%swap3A_752, %swap3A_753] {strides = array<i32>} : memref<8x128xi32, #tpu.memory_space<vmem>>, vector<16xi32>,
    tpu.vector_store %arg8[%swap3A_752, %swap3A_753], %add3A_750 {strides = array<i32>} : memref<8x128xi32, #tpu.memory_space<vmem>>, vector<16xi32>,
    %get3A_755 = arith.constant 800 : index
    %get3A_756 = tpu.vector_load %arg7[%get3A_755] {strides = array<i32>} : memref<20000xi32, #tpu.memory_space<vmem>>, vector<16xi32>,
    %get3A_757 = arith.constant 10800 : index
    %get3A_758 = tpu.vector_load %arg7[%get3A_757] {strides = array<i32>} : memref<20000xi32, #tpu.memory_space<vmem>>, vector<16xi32>,
    %gather3A_759 = tpu.vector_load_idx %arg6[%get3A_756] : memref<10000xi32, #tpu.memory_space<vmem>>[vector<16xi32>], vector<16xi32>,
    %mul3A_760 = arith.constant 128 : i32
    %mul3A_761 = vector.broadcast %mul3A_760 : i32 to vector<16xi32>
    %mul3A_762 = arith.muli %get3A_758, %mul3A_761 : vector<16xi32>
    %add3A_763 = arith.addi %mul3A_762, %gather3A_759 : vector<16xi32>
    %swap3A_764 = arith.constant 6 : i32
    %swap3A_765 = arith.index_cast %swap3A_764 : i32 to index
    %swap3A_766 = arith.constant 32 : index
    %swap3A_767 = tpu.vector_load %arg8[%swap3A_765, %swap3A_766] {strides = array<i32>} : memref<8x128xi32, #tpu.memory_space<vmem>>, vector<16xi32>,
    tpu.vector_store %arg8[%swap3A_765, %swap3A_766], %add3A_763 {strides = array<i32>} : memref<8x128xi32, #tpu.memory_space<vmem>>, vector<16xi32>,
    %get3A_768 = arith.constant 816 : index
    %get3A_769 = tpu.vector_load %arg7[%get3A_768] {strides = array<i32>} : memref<20000xi32, #tpu.memory_space<vmem>>, vector<16xi32>,
    %get3A_770 = arith.constant 10816 : index
    %get3A_771 = tpu.vector_load %arg7[%get3A_770] {strides = array<i32>} : memref<20000xi32, #tpu.memory_space<vmem>>, vector<16xi32>,
    %gather3A_772 = tpu.vector_load_idx %arg6[%get3A_769] : memref<10000xi32, #tpu.memory_space<vmem>>[vector<16xi32>], vector<16xi32>,
    %mul3A_773 = arith.constant 128 : i32
    %mul3A_774 = vector.broadcast %mul3A_773 : i32 to vector<16xi32>
    %mul3A_775 = arith.muli %get3A_771, %mul3A_774 : vector<16xi32>
    %add3A_776 = arith.addi %mul3A_775, %gather3A_772 : vector<16xi32>
    %swap3A_777 = arith.constant 6 : i32
    %swap3A_778 = arith.index_cast %swap3A_777 : i32 to index
    %swap3A_779 = arith.constant 48 : index
    %swap3A_780 = tpu.vector_load %arg8[%swap3A_778, %swap3A_779] {strides = array<i32>} : memref<8x128xi32, #tpu.memory_space<vmem>>, vector<16xi32>,
    tpu.vector_store %arg8[%swap3A_778, %swap3A_779], %add3A_776 {strides = array<i32>} : memref<8x128xi32, #tpu.memory_space<vmem>>, vector<16xi32>,
    %get3A_781 = arith.constant 832 : index
    %get3A_782 = tpu.vector_load %arg7[%get3A_781] {strides = array<i32>} : memref<20000xi32, #tpu.memory_space<vmem>>, vector<16xi32>,
    %get3A_783 = arith.constant 10832 : index
    %get3A_784 = tpu.vector_load %arg7[%get3A_783] {strides = array<i32>} : memref<20000xi32, #tpu.memory_space<vmem>>, vector<16xi32>,
    %gather3A_785 = tpu.vector_load_idx %arg6[%get3A_782] : memref<10000xi32, #tpu.memory_space<vmem>>[vector<16xi32>], vector<16xi32>,
    %mul3A_786 = arith.constant 128 : i32
    %mul3A_787 = vector.broadcast %mul3A_786 : i32 to vector<16xi32>
    %mul3A_788 = arith.muli %get3A_784, %mul3A_787 : vector<16xi32>
    %add3A_789 = arith.addi %mul3A_788, %gather3A_785 : vector<16xi32>
    %swap3A_790 = arith.constant 6 : i32
    %swap3A_791 = arith.index_cast %swap3A_790 : i32 to index
    %swap3A_792 = arith.constant 64 : index
    %swap3A_793 = tpu.vector_load %arg8[%swap3A_791, %swap3A_792] {strides = array<i32>} : memref<8x128xi32, #tpu.memory_space<vmem>>, vector<16xi32>,
    tpu.vector_store %arg8[%swap3A_791, %swap3A_792], %add3A_789 {strides = array<i32>} : memref<8x128xi32, #tpu.memory_space<vmem>>, vector<16xi32>,
    %get3A_794 = arith.constant 848 : index
    %get3A_795 = tpu.vector_load %arg7[%get3A_794] {strides = array<i32>} : memref<20000xi32, #tpu.memory_space<vmem>>, vector<16xi32>,
    %get3A_796 = arith.constant 10848 : index
    %get3A_797 = tpu.vector_load %arg7[%get3A_796] {strides = array<i32>} : memref<20000xi32, #tpu.memory_space<vmem>>, vector<16xi32>,
    %gather3A_798 = tpu.vector_load_idx %arg6[%get3A_795] : memref<10000xi32, #tpu.memory_space<vmem>>[vector<16xi32>], vector<16xi32>,
    %mul3A_799 = arith.constant 128 : i32
    %mul3A_800 = vector.broadcast %mul3A_799 : i32 to vector<16xi32>
    %mul3A_801 = arith.muli %get3A_797, %mul3A_800 : vector<16xi32>
    %add3A_802 = arith.addi %mul3A_801, %gather3A_798 : vector<16xi32>
    %swap3A_803 = arith.constant 6 : i32
    %swap3A_804 = arith.index_cast %swap3A_803 : i32 to index
    %swap3A_805 = arith.constant 80 : index
    %swap3A_806 = tpu.vector_load %arg8[%swap3A_804, %swap3A_805] {strides = array<i32>} : memref<8x128xi32, #tpu.memory_space<vmem>>, vector<16xi32>,
    tpu.vector_store %arg8[%swap3A_804, %swap3A_805], %add3A_802 {strides = array<i32>} : memref<8x128xi32, #tpu.memory_space<vmem>>, vector<16xi32>,
    %get3A_807 = arith.constant 864 : index
    %get3A_808 = tpu.vector_load %arg7[%get3A_807] {strides = array<i32>} : memref<20000xi32, #tpu.memory_space<vmem>>, vector<16xi32>,
    %get3A_809 = arith.constant 10864 : index
    %get3A_810 = tpu.vector_load %arg7[%get3A_809] {strides = array<i32>} : memref<20000xi32, #tpu.memory_space<vmem>>, vector<16xi32>,
    %gather3A_811 = tpu.vector_load_idx %arg6[%get3A_808] : memref<10000xi32, #tpu.memory_space<vmem>>[vector<16xi32>], vector<16xi32>,
    %mul3A_812 = arith.constant 128 : i32
    %mul3A_813 = vector.broadcast %mul3A_812 : i32 to vector<16xi32>
    %mul3A_814 = arith.muli %get3A_810, %mul3A_813 : vector<16xi32>
    %add3A_815 = arith.addi %mul3A_814, %gather3A_811 : vector<16xi32>
    %swap3A_816 = arith.constant 6 : i32
    %swap3A_817 = arith.index_cast %swap3A_816 : i32 to index
    %swap3A_818 = arith.constant 96 : index
    %swap3A_819 = tpu.vector_load %arg8[%swap3A_817, %swap3A_818] {strides = array<i32>} : memref<8x128xi32, #tpu.memory_space<vmem>>, vector<16xi32>,
    tpu.vector_store %arg8[%swap3A_817, %swap3A_818], %add3A_815 {strides = array<i32>} : memref<8x128xi32, #tpu.memory_space<vmem>>, vector<16xi32>,
    %get3A_820 = arith.constant 880 : index
    %get3A_821 = tpu.vector_load %arg7[%get3A_820] {strides = array<i32>} : memref<20000xi32, #tpu.memory_space<vmem>>, vector<16xi32>,
    %get3A_822 = arith.constant 10880 : index
    %get3A_823 = tpu.vector_load %arg7[%get3A_822] {strides = array<i32>} : memref<20000xi32, #tpu.memory_space<vmem>>, vector<16xi32>,
    %gather3A_824 = tpu.vector_load_idx %arg6[%get3A_821] : memref<10000xi32, #tpu.memory_space<vmem>>[vector<16xi32>], vector<16xi32>,
    %mul3A_825 = arith.constant 128 : i32
    %mul3A_826 = vector.broadcast %mul3A_825 : i32 to vector<16xi32>
    %mul3A_827 = arith.muli %get3A_823, %mul3A_826 : vector<16xi32>
    %add3A_828 = arith.addi %mul3A_827, %gather3A_824 : vector<16xi32>
    %swap3A_829 = arith.constant 6 : i32
    %swap3A_830 = arith.index_cast %swap3A_829 : i32 to index
    %swap3A_831 = arith.constant 112 : index
    %swap3A_832 = tpu.vector_load %arg8[%swap3A_830, %swap3A_831] {strides = array<i32>} : memref<8x128xi32, #tpu.memory_space<vmem>>, vector<16xi32>,
    tpu.vector_store %arg8[%swap3A_830, %swap3A_831], %add3A_828 {strides = array<i32>} : memref<8x128xi32, #tpu.memory_space<vmem>>, vector<16xi32>,
    %dma_start3A_833 = arith.constant 6 : i32
    %dma_start3A_834 = arith.constant 0 : i32
    %dma_start3A_835 = tpu.memref_slice %arg8[%dma_start3A_833, %dma_start3A_834] : memref<8x128xi32, #tpu.memory_space<vmem>> -> memref<1x128xi32, #tpu.memory_space<vmem>>
    %dma_start3A_836 = tpu.memref_squeeze %dma_start3A_835 : memref<1x128xi32, #tpu.memory_space<vmem>> -> memref<128xi32, #tpu.memory_space<vmem>>
    %dma_start3A_837 = arith.constant 0 : i32
    %dma_start3A_838 = tpu.memref_slice %arg13[%dma_start3A_837] : memref<1280000xf32, #tpu.memory_space<vmem_shared>> -> memref<1280000xf32, #tpu.memory_space<vmem_shared>>
    tpu.enqueue_indirect_dma source(%arg9 : memref<128xf32, #tpu.memory_space<vmem>>) target(%dma_start3A_838 : memref<1280000xf32, #tpu.memory_space<vmem_shared>>) offsets(%dma_start3A_836 : memref<128xi32, #tpu.memory_space<vmem>>) semaphore(%arg14 : memref<!tpu.dma_semaphore, #tpu.memory_space<semaphore_mem>>) {add = true}
    %get3A_839 = arith.constant 896 : index
    %get3A_840 = tpu.vector_load %arg7[%get3A_839] {strides = array<i32>} : memref<20000xi32, #tpu.memory_space<vmem>>, vector<16xi32>,
    %get3A_841 = arith.constant 10896 : index
    %get3A_842 = tpu.vector_load %arg7[%get3A_841] {strides = array<i32>} : memref<20000xi32, #tpu.memory_space<vmem>>, vector<16xi32>,
    %gather3A_843 = tpu.vector_load_idx %arg6[%get3A_840] : memref<10000xi32, #tpu.memory_space<vmem>>[vector<16xi32>], vector<16xi32>,
    %mul3A_844 = arith.constant 128 : i32
    %mul3A_845 = vector.broadcast %mul3A_844 : i32 to vector<16xi32>
    %mul3A_846 = arith.muli %get3A_842, %mul3A_845 : vector<16xi32>
    %add3A_847 = arith.addi %mul3A_846, %gather3A_843 : vector<16xi32>
    %swap3A_848 = arith.constant 7 : i32
    %swap3A_849 = arith.index_cast %swap3A_848 : i32 to index
    %swap3A_850 = arith.constant 0 : index
    %swap3A_851 = tpu.vector_load %arg8[%swap3A_849, %swap3A_850] {strides = array<i32>} : memref<8x128xi32, #tpu.memory_space<vmem>>, vector<16xi32>,
    tpu.vector_store %arg8[%swap3A_849, %swap3A_850], %add3A_847 {strides = array<i32>} : memref<8x128xi32, #tpu.memory_space<vmem>>, vector<16xi32>,
    %get3A_852 = arith.constant 912 : index
    %get3A_853 = tpu.vector_load %arg7[%get3A_852] {strides = array<i32>} : memref<20000xi32, #tpu.memory_space<vmem>>, vector<16xi32>,
    %get3A_854 = arith.constant 10912 : index
    %get3A_855 = tpu.vector_load %arg7[%get3A_854] {strides = array<i32>} : memref<20000xi32, #tpu.memory_space<vmem>>, vector<16xi32>,
    %gather3A_856 = tpu.vector_load_idx %arg6[%get3A_853] : memref<10000xi32, #tpu.memory_space<vmem>>[vector<16xi32>], vector<16xi32>,
    %mul3A_857 = arith.constant 128 : i32
    %mul3A_858 = vector.broadcast %mul3A_857 : i32 to vector<16xi32>
    %mul3A_859 = arith.muli %get3A_855, %mul3A_858 : vector<16xi32>
    %add3A_860 = arith.addi %mul3A_859, %gather3A_856 : vector<16xi32>
    %swap3A_861 = arith.constant 7 : i32
    %swap3A_862 = arith.index_cast %swap3A_861 : i32 to index
    %swap3A_863 = arith.constant 16 : index
    %swap3A_864 = tpu.vector_load %arg8[%swap3A_862, %swap3A_863] {strides = array<i32>} : memref<8x128xi32, #tpu.memory_space<vmem>>, vector<16xi32>,
    tpu.vector_store %arg8[%swap3A_862, %swap3A_863], %add3A_860 {strides = array<i32>} : memref<8x128xi32, #tpu.memory_space<vmem>>, vector<16xi32>,
    %get3A_865 = arith.constant 928 : index
    %get3A_866 = tpu.vector_load %arg7[%get3A_865] {strides = array<i32>} : memref<20000xi32, #tpu.memory_space<vmem>>, vector<16xi32>,
    %get3A_867 = arith.constant 10928 : index
    %get3A_868 = tpu.vector_load %arg7[%get3A_867] {strides = array<i32>} : memref<20000xi32, #tpu.memory_space<vmem>>, vector<16xi32>,
    %gather3A_869 = tpu.vector_load_idx %arg6[%get3A_866] : memref<10000xi32, #tpu.memory_space<vmem>>[vector<16xi32>], vector<16xi32>,
    %mul3A_870 = arith.constant 128 : i32
    %mul3A_871 = vector.broadcast %mul3A_870 : i32 to vector<16xi32>
    %mul3A_872 = arith.muli %get3A_868, %mul3A_871 : vector<16xi32>
    %add3A_873 = arith.addi %mul3A_872, %gather3A_869 : vector<16xi32>
    %swap3A_874 = arith.constant 7 : i32
    %swap3A_875 = arith.index_cast %swap3A_874 : i32 to index
    %swap3A_876 = arith.constant 32 : index
    %swap3A_877 = tpu.vector_load %arg8[%swap3A_875, %swap3A_876] {strides = array<i32>} : memref<8x128xi32, #tpu.memory_space<vmem>>, vector<16xi32>,
    tpu.vector_store %arg8[%swap3A_875, %swap3A_876], %add3A_873 {strides = array<i32>} : memref<8x128xi32, #tpu.memory_space<vmem>>, vector<16xi32>,
    %get3A_878 = arith.constant 944 : index
    %get3A_879 = tpu.vector_load %arg7[%get3A_878] {strides = array<i32>} : memref<20000xi32, #tpu.memory_space<vmem>>, vector<16xi32>,
    %get3A_880 = arith.constant 10944 : index
    %get3A_881 = tpu.vector_load %arg7[%get3A_880] {strides = array<i32>} : memref<20000xi32, #tpu.memory_space<vmem>>, vector<16xi32>,
    %gather3A_882 = tpu.vector_load_idx %arg6[%get3A_879] : memref<10000xi32, #tpu.memory_space<vmem>>[vector<16xi32>], vector<16xi32>,
    %mul3A_883 = arith.constant 128 : i32
    %mul3A_884 = vector.broadcast %mul3A_883 : i32 to vector<16xi32>
    %mul3A_885 = arith.muli %get3A_881, %mul3A_884 : vector<16xi32>
    %add3A_886 = arith.addi %mul3A_885, %gather3A_882 : vector<16xi32>
    %swap3A_887 = arith.constant 7 : i32
    %swap3A_888 = arith.index_cast %swap3A_887 : i32 to index
    %swap3A_889 = arith.constant 48 : index
    %swap3A_890 = tpu.vector_load %arg8[%swap3A_888, %swap3A_889] {strides = array<i32>} : memref<8x128xi32, #tpu.memory_space<vmem>>, vector<16xi32>,
    tpu.vector_store %arg8[%swap3A_888, %swap3A_889], %add3A_886 {strides = array<i32>} : memref<8x128xi32, #tpu.memory_space<vmem>>, vector<16xi32>,
    %get3A_891 = arith.constant 960 : index
    %get3A_892 = tpu.vector_load %arg7[%get3A_891] {strides = array<i32>} : memref<20000xi32, #tpu.memory_space<vmem>>, vector<16xi32>,
    %get3A_893 = arith.constant 10960 : index
    %get3A_894 = tpu.vector_load %arg7[%get3A_893] {strides = array<i32>} : memref<20000xi32, #tpu.memory_space<vmem>>, vector<16xi32>,
    %gather3A_895 = tpu.vector_load_idx %arg6[%get3A_892] : memref<10000xi32, #tpu.memory_space<vmem>>[vector<16xi32>], vector<16xi32>,
    %mul3A_896 = arith.constant 128 : i32
    %mul3A_897 = vector.broadcast %mul3A_896 : i32 to vector<16xi32>
    %mul3A_898 = arith.muli %get3A_894, %mul3A_897 : vector<16xi32>
    %add3A_899 = arith.addi %mul3A_898, %gather3A_895 : vector<16xi32>
    %swap3A_900 = arith.constant 7 : i32
    %swap3A_901 = arith.index_cast %swap3A_900 : i32 to index
    %swap3A_902 = arith.constant 64 : index
    %swap3A_903 = tpu.vector_load %arg8[%swap3A_901, %swap3A_902] {strides = array<i32>} : memref<8x128xi32, #tpu.memory_space<vmem>>, vector<16xi32>,
    tpu.vector_store %arg8[%swap3A_901, %swap3A_902], %add3A_899 {strides = array<i32>} : memref<8x128xi32, #tpu.memory_space<vmem>>, vector<16xi32>,
    %get3A_904 = arith.constant 976 : index
    %get3A_905 = tpu.vector_load %arg7[%get3A_904] {strides = array<i32>} : memref<20000xi32, #tpu.memory_space<vmem>>, vector<16xi32>,
    %get3A_906 = arith.constant 10976 : index
    %get3A_907 = tpu.vector_load %arg7[%get3A_906] {strides = array<i32>} : memref<20000xi32, #tpu.memory_space<vmem>>, vector<16xi32>,
    %gather3A_908 = tpu.vector_load_idx %arg6[%get3A_905] : memref<10000xi32, #tpu.memory_space<vmem>>[vector<16xi32>], vector<16xi32>,
    %mul3A_909 = arith.constant 128 : i32
    %mul3A_910 = vector.broadcast %mul3A_909 : i32 to vector<16xi32>
    %mul3A_911 = arith.muli %get3A_907, %mul3A_910 : vector<16xi32>
    %add3A_912 = arith.addi %mul3A_911, %gather3A_908 : vector<16xi32>
    %swap3A_913 = arith.constant 7 : i32
    %swap3A_914 = arith.index_cast %swap3A_913 : i32 to index
    %swap3A_915 = arith.constant 80 : index
    %swap3A_916 = tpu.vector_load %arg8[%swap3A_914, %swap3A_915] {strides = array<i32>} : memref<8x128xi32, #tpu.memory_space<vmem>>, vector<16xi32>,
    tpu.vector_store %arg8[%swap3A_914, %swap3A_915], %add3A_912 {strides = array<i32>} : memref<8x128xi32, #tpu.memory_space<vmem>>, vector<16xi32>,
    %get3A_917 = arith.constant 992 : index
    %get3A_918 = tpu.vector_load %arg7[%get3A_917] {strides = array<i32>} : memref<20000xi32, #tpu.memory_space<vmem>>, vector<16xi32>,
    %get3A_919 = arith.constant 10992 : index
    %get3A_920 = tpu.vector_load %arg7[%get3A_919] {strides = array<i32>} : memref<20000xi32, #tpu.memory_space<vmem>>, vector<16xi32>,
    %gather3A_921 = tpu.vector_load_idx %arg6[%get3A_918] : memref<10000xi32, #tpu.memory_space<vmem>>[vector<16xi32>], vector<16xi32>,
    %mul3A_922 = arith.constant 128 : i32
    %mul3A_923 = vector.broadcast %mul3A_922 : i32 to vector<16xi32>
    %mul3A_924 = arith.muli %get3A_920, %mul3A_923 : vector<16xi32>
    %add3A_925 = arith.addi %mul3A_924, %gather3A_921 : vector<16xi32>
    %swap3A_926 = arith.constant 7 : i32
    %swap3A_927 = arith.index_cast %swap3A_926 : i32 to index
    %swap3A_928 = arith.constant 96 : index
    %swap3A_929 = tpu.vector_load %arg8[%swap3A_927, %swap3A_928] {strides = array<i32>} : memref<8x128xi32, #tpu.memory_space<vmem>>, vector<16xi32>,
    tpu.vector_store %arg8[%swap3A_927, %swap3A_928], %add3A_925 {strides = array<i32>} : memref<8x128xi32, #tpu.memory_space<vmem>>, vector<16xi32>,
    %get3A_930 = arith.constant 1008 : index
    %get3A_931 = tpu.vector_load %arg7[%get3A_930] {strides = array<i32>} : memref<20000xi32, #tpu.memory_space<vmem>>, vector<16xi32>,
    %get3A_932 = arith.constant 11008 : index
    %get3A_933 = tpu.vector_load %arg7[%get3A_932] {strides = array<i32>} : memref<20000xi32, #tpu.memory_space<vmem>>, vector<16xi32>,
    %gather3A_934 = tpu.vector_load_idx %arg6[%get3A_931] : memref<10000xi32, #tpu.memory_space<vmem>>[vector<16xi32>], vector<16xi32>,
    %mul3A_935 = arith.constant 128 : i32
    %mul3A_936 = vector.broadcast %mul3A_935 : i32 to vector<16xi32>
    %mul3A_937 = arith.muli %get3A_933, %mul3A_936 : vector<16xi32>
    %add3A_938 = arith.addi %mul3A_937, %gather3A_934 : vector<16xi32>
    %swap3A_939 = arith.constant 7 : i32
    %swap3A_940 = arith.index_cast %swap3A_939 : i32 to index
    %swap3A_941 = arith.constant 112 : index
    %swap3A_942 = tpu.vector_load %arg8[%swap3A_940, %swap3A_941] {strides = array<i32>} : memref<8x128xi32, #tpu.memory_space<vmem>>, vector<16xi32>,
    tpu.vector_store %arg8[%swap3A_940, %swap3A_941], %add3A_938 {strides = array<i32>} : memref<8x128xi32, #tpu.memory_space<vmem>>, vector<16xi32>,
    %dma_start3A_943 = arith.constant 7 : i32
    %dma_start3A_944 = arith.constant 0 : i32
    %dma_start3A_945 = tpu.memref_slice %arg8[%dma_start3A_943, %dma_start3A_944] : memref<8x128xi32, #tpu.memory_space<vmem>> -> memref<1x128xi32, #tpu.memory_space<vmem>>
    %dma_start3A_946 = tpu.memref_squeeze %dma_start3A_945 : memref<1x128xi32, #tpu.memory_space<vmem>> -> memref<128xi32, #tpu.memory_space<vmem>>
    %dma_start3A_947 = arith.constant 0 : i32
    %dma_start3A_948 = tpu.memref_slice %arg13[%dma_start3A_947] : memref<1280000xf32, #tpu.memory_space<vmem_shared>> -> memref<1280000xf32, #tpu.memory_space<vmem_shared>>
    tpu.enqueue_indirect_dma source(%arg9 : memref<128xf32, #tpu.memory_space<vmem>>) target(%dma_start3A_948 : memref<1280000xf32, #tpu.memory_space<vmem_shared>>) offsets(%dma_start3A_946 : memref<128xi32, #tpu.memory_space<vmem>>) semaphore(%arg14 : memref<!tpu.dma_semaphore, #tpu.memory_space<semaphore_mem>>) {add = true}
    %scan3A_949 = arith.constant 0 : i32
    %scan3A_950 = arith.constant 8 : i32
    %scan3A_951 = arith.constant 70 : i32
    %scan3A_952 = arith.addi %scan3A_950, %scan3A_951 : i32
    %scan3A_953 = arith.constant 1 : i32
    scf.for %scan3A_1978 = %scan3A_950 to %scan3A_952 step %scan3A_953  : i32 {
      %dma_wait3A_1979 = arith.constant 0 : i32
      %dma_wait3A_1980 = arith.constant 0 : i32
      %dma_wait3A_1981 = tpu.memref_slice %arg8[%dma_wait3A_1979, %dma_wait3A_1980] : memref<8x128xi32, #tpu.memory_space<vmem>> -> memref<1x128xi32, #tpu.memory_space<vmem>>
      %dma_wait3A_1982 = tpu.memref_squeeze %dma_wait3A_1981 : memref<1x128xi32, #tpu.memory_space<vmem>> -> memref<128xi32, #tpu.memory_space<vmem>>
      %dma_wait3A_1983 = arith.constant 0 : i32
      %dma_wait3A_1984 = tpu.memref_slice %arg13[%dma_wait3A_1983] : memref<1280000xf32, #tpu.memory_space<vmem_shared>> -> memref<1280000xf32, #tpu.memory_space<vmem_shared>>
      tpu.wait_indirect_dma semaphore(%arg14 : memref<!tpu.dma_semaphore, #tpu.memory_space<semaphore_mem>>) src(%arg9 : memref<128xf32, #tpu.memory_space<vmem>>) dst(%dma_wait3A_1984 : memref<1280000xf32, #tpu.memory_space<vmem_shared>>)
      %jit3A = arith.constant 8 : i32
      %eq3A = arith.constant 0 : i32
      %eq3A_1985 = arith.cmpi eq, %jit3A, %eq3A : i32
      %jit3A_1986 = arith.constant 1 : i32
      %select_n3A = arith.select %eq3A_1985, %jit3A_1986, %jit3A : i32
      %rem3A = arith.remsi %scan3A_1978, %select_n3A : i32
      %ne3A = arith.constant 0 : i32
      %ne3A_1987 = arith.cmpi ne, %rem3A, %ne3A : i32
      %lt3A = arith.constant 0 : i32
      %lt3A_1988 = arith.cmpi slt, %rem3A, %lt3A : i32
      %lt3A_1989 = arith.constant 0 : i32
      %lt3A_1990 = arith.cmpi slt, %select_n3A, %lt3A_1989 : i32
      %ne3A_1991 = arith.xori %lt3A_1988, %lt3A_1990 : i1
      %and3A = arith.andi %ne3A_1991, %ne3A_1987 : i1
      %add3A_1992 = arith.addi %rem3A, %select_n3A : i32
      %select_n3A_1993 = arith.select %and3A, %add3A_1992, %rem3A : i32
      %mul3A_1994 = arith.constant 8 : i32
      %mul3A_1995 = arith.muli %scan3A_1978, %mul3A_1994 : i32
      %add3A_1996 = arith.constant 0 : i32
      %add3A_1997 = arith.addi %mul3A_1995, %add3A_1996 : i32
      %mul3A_1998 = arith.constant 16 : i32
      %mul3A_1999 = arith.muli %add3A_1997, %mul3A_1998 : i32
      %get3A_2000 = arith.index_cast %mul3A_1999 : i32 to index
      %get3A_2001 = tpu.vector_load %arg7[%get3A_2000] {strides = array<i32>} : memref<20000xi32, #tpu.memory_space<vmem>>, vector<16xi32>,
      %mul3A_2002 = arith.constant 16 : i32
      %mul3A_2003 = arith.muli %add3A_1997, %mul3A_2002 : i32
      %add3A_2004 = arith.constant 10000 : i32
      %add3A_2005 = arith.addi %add3A_2004, %mul3A_2003 : i32
      %get3A_2006 = arith.index_cast %add3A_2005 : i32 to index
      %get3A_2007 = tpu.vector_load %arg7[%get3A_2006] {strides = array<i32>} : memref<20000xi32, #tpu.memory_space<vmem>>, vector<16xi32>,
      %gather3A_2008 = tpu.vector_load_idx %arg6[%get3A_2001] : memref<10000xi32, #tpu.memory_space<vmem>>[vector<16xi32>], vector<16xi32>,
      %mul3A_2009 = arith.constant 128 : i32
      %mul3A_2010 = vector.broadcast %mul3A_2009 : i32 to vector<16xi32>
      %mul3A_2011 = arith.muli %get3A_2007, %mul3A_2010 : vector<16xi32>
      %add3A_2012 = arith.addi %mul3A_2011, %gather3A_2008 : vector<16xi32>
      %swap3A_2013 = arith.index_cast %select_n3A_1993 : i32 to index
      %swap3A_2014 = arith.constant 0 : index
      %swap3A_2015 = tpu.vector_load %arg8[%swap3A_2013, %swap3A_2014] {strides = array<i32>} : memref<8x128xi32, #tpu.memory_space<vmem>>, vector<16xi32>,
      tpu.vector_store %arg8[%swap3A_2013, %swap3A_2014], %add3A_2012 {strides = array<i32>} : memref<8x128xi32, #tpu.memory_space<vmem>>, vector<16xi32>,
      %mul3A_2016 = arith.constant 8 : i32
      %mul3A_2017 = arith.muli %scan3A_1978, %mul3A_2016 : i32
      %add3A_2018 = arith.constant 1 : i32
      %add3A_2019 = arith.addi %mul3A_2017, %add3A_2018 : i32
      %mul3A_2020 = arith.constant 16 : i32
      %mul3A_2021 = arith.muli %add3A_2019, %mul3A_2020 : i32
      %get3A_2022 = arith.index_cast %mul3A_2021 : i32 to index
      %get3A_2023 = tpu.vector_load %arg7[%get3A_2022] {strides = array<i32>} : memref<20000xi32, #tpu.memory_space<vmem>>, vector<16xi32>,
      %mul3A_2024 = arith.constant 16 : i32
      %mul3A_2025 = arith.muli %add3A_2019, %mul3A_2024 : i32
      %add3A_2026 = arith.constant 10000 : i32
      %add3A_2027 = arith.addi %add3A_2026, %mul3A_2025 : i32
      %get3A_2028 = arith.index_cast %add3A_2027 : i32 to index
      %get3A_2029 = tpu.vector_load %arg7[%get3A_2028] {strides = array<i32>} : memref<20000xi32, #tpu.memory_space<vmem>>, vector<16xi32>,
      %gather3A_2030 = tpu.vector_load_idx %arg6[%get3A_2023] : memref<10000xi32, #tpu.memory_space<vmem>>[vector<16xi32>], vector<16xi32>,
      %mul3A_2031 = arith.constant 128 : i32
      %mul3A_2032 = vector.broadcast %mul3A_2031 : i32 to vector<16xi32>
      %mul3A_2033 = arith.muli %get3A_2029, %mul3A_2032 : vector<16xi32>
      %add3A_2034 = arith.addi %mul3A_2033, %gather3A_2030 : vector<16xi32>
      %swap3A_2035 = arith.index_cast %select_n3A_1993 : i32 to index
      %swap3A_2036 = arith.constant 16 : index
      %swap3A_2037 = tpu.vector_load %arg8[%swap3A_2035, %swap3A_2036] {strides = array<i32>} : memref<8x128xi32, #tpu.memory_space<vmem>>, vector<16xi32>,
      tpu.vector_store %arg8[%swap3A_2035, %swap3A_2036], %add3A_2034 {strides = array<i32>} : memref<8x128xi32, #tpu.memory_space<vmem>>, vector<16xi32>,
      %mul3A_2038 = arith.constant 8 : i32
      %mul3A_2039 = arith.muli %scan3A_1978, %mul3A_2038 : i32
      %add3A_2040 = arith.constant 2 : i32
      %add3A_2041 = arith.addi %mul3A_2039, %add3A_2040 : i32
      %mul3A_2042 = arith.constant 16 : i32
      %mul3A_2043 = arith.muli %add3A_2041, %mul3A_2042 : i32
      %get3A_2044 = arith.index_cast %mul3A_2043 : i32 to index
      %get3A_2045 = tpu.vector_load %arg7[%get3A_2044] {strides = array<i32>} : memref<20000xi32, #tpu.memory_space<vmem>>, vector<16xi32>,
      %mul3A_2046 = arith.constant 16 : i32
      %mul3A_2047 = arith.muli %add3A_2041, %mul3A_2046 : i32
      %add3A_2048 = arith.constant 10000 : i32
      %add3A_2049 = arith.addi %add3A_2048, %mul3A_2047 : i32
      %get3A_2050 = arith.index_cast %add3A_2049 : i32 to index
      %get3A_2051 = tpu.vector_load %arg7[%get3A_2050] {strides = array<i32>} : memref<20000xi32, #tpu.memory_space<vmem>>, vector<16xi32>,
      %gather3A_2052 = tpu.vector_load_idx %arg6[%get3A_2045] : memref<10000xi32, #tpu.memory_space<vmem>>[vector<16xi32>], vector<16xi32>,
      %mul3A_2053 = arith.constant 128 : i32
      %mul3A_2054 = vector.broadcast %mul3A_2053 : i32 to vector<16xi32>
      %mul3A_2055 = arith.muli %get3A_2051, %mul3A_2054 : vector<16xi32>
      %add3A_2056 = arith.addi %mul3A_2055, %gather3A_2052 : vector<16xi32>
      %swap3A_2057 = arith.index_cast %select_n3A_1993 : i32 to index
      %swap3A_2058 = arith.constant 32 : index
      %swap3A_2059 = tpu.vector_load %arg8[%swap3A_2057, %swap3A_2058] {strides = array<i32>} : memref<8x128xi32, #tpu.memory_space<vmem>>, vector<16xi32>,
      tpu.vector_store %arg8[%swap3A_2057, %swap3A_2058], %add3A_2056 {strides = array<i32>} : memref<8x128xi32, #tpu.memory_space<vmem>>, vector<16xi32>,
      %mul3A_2060 = arith.constant 8 : i32
      %mul3A_2061 = arith.muli %scan3A_1978, %mul3A_2060 : i32
      %add3A_2062 = arith.constant 3 : i32
      %add3A_2063 = arith.addi %mul3A_2061, %add3A_2062 : i32
      %mul3A_2064 = arith.constant 16 : i32
      %mul3A_2065 = arith.muli %add3A_2063, %mul3A_2064 : i32
      %get3A_2066 = arith.index_cast %mul3A_2065 : i32 to index
      %get3A_2067 = tpu.vector_load %arg7[%get3A_2066] {strides = array<i32>} : memref<20000xi32, #tpu.memory_space<vmem>>, vector<16xi32>,
      %mul3A_2068 = arith.constant 16 : i32
      %mul3A_2069 = arith.muli %add3A_2063, %mul3A_2068 : i32
      %add3A_2070 = arith.constant 10000 : i32
      %add3A_2071 = arith.addi %add3A_2070, %mul3A_2069 : i32
      %get3A_2072 = arith.index_cast %add3A_2071 : i32 to index
      %get3A_2073 = tpu.vector_load %arg7[%get3A_2072] {strides = array<i32>} : memref<20000xi32, #tpu.memory_space<vmem>>, vector<16xi32>,
      %gather3A_2074 = tpu.vector_load_idx %arg6[%get3A_2067] : memref<10000xi32, #tpu.memory_space<vmem>>[vector<16xi32>], vector<16xi32>,
      %mul3A_2075 = arith.constant 128 : i32
      %mul3A_2076 = vector.broadcast %mul3A_2075 : i32 to vector<16xi32>
      %mul3A_2077 = arith.muli %get3A_2073, %mul3A_2076 : vector<16xi32>
      %add3A_2078 = arith.addi %mul3A_2077, %gather3A_2074 : vector<16xi32>
      %swap3A_2079 = arith.index_cast %select_n3A_1993 : i32 to index
      %swap3A_2080 = arith.constant 48 : index
      %swap3A_2081 = tpu.vector_load %arg8[%swap3A_2079, %swap3A_2080] {strides = array<i32>} : memref<8x128xi32, #tpu.memory_space<vmem>>, vector<16xi32>,
      tpu.vector_store %arg8[%swap3A_2079, %swap3A_2080], %add3A_2078 {strides = array<i32>} : memref<8x128xi32, #tpu.memory_space<vmem>>, vector<16xi32>,
      %mul3A_2082 = arith.constant 8 : i32
      %mul3A_2083 = arith.muli %scan3A_1978, %mul3A_2082 : i32
      %add3A_2084 = arith.constant 4 : i32
      %add3A_2085 = arith.addi %mul3A_2083, %add3A_2084 : i32
      %mul3A_2086 = arith.constant 16 : i32
      %mul3A_2087 = arith.muli %add3A_2085, %mul3A_2086 : i32
      %get3A_2088 = arith.index_cast %mul3A_2087 : i32 to index
      %get3A_2089 = tpu.vector_load %arg7[%get3A_2088] {strides = array<i32>} : memref<20000xi32, #tpu.memory_space<vmem>>, vector<16xi32>,
      %mul3A_2090 = arith.constant 16 : i32
      %mul3A_2091 = arith.muli %add3A_2085, %mul3A_2090 : i32
      %add3A_2092 = arith.constant 10000 : i32
      %add3A_2093 = arith.addi %add3A_2092, %mul3A_2091 : i32
      %get3A_2094 = arith.index_cast %add3A_2093 : i32 to index
      %get3A_2095 = tpu.vector_load %arg7[%get3A_2094] {strides = array<i32>} : memref<20000xi32, #tpu.memory_space<vmem>>, vector<16xi32>,
      %gather3A_2096 = tpu.vector_load_idx %arg6[%get3A_2089] : memref<10000xi32, #tpu.memory_space<vmem>>[vector<16xi32>], vector<16xi32>,
      %mul3A_2097 = arith.constant 128 : i32
      %mul3A_2098 = vector.broadcast %mul3A_2097 : i32 to vector<16xi32>
      %mul3A_2099 = arith.muli %get3A_2095, %mul3A_2098 : vector<16xi32>
      %add3A_2100 = arith.addi %mul3A_2099, %gather3A_2096 : vector<16xi32>
      %swap3A_2101 = arith.index_cast %select_n3A_1993 : i32 to index
      %swap3A_2102 = arith.constant 64 : index
      %swap3A_2103 = tpu.vector_load %arg8[%swap3A_2101, %swap3A_2102] {strides = array<i32>} : memref<8x128xi32, #tpu.memory_space<vmem>>, vector<16xi32>,
      tpu.vector_store %arg8[%swap3A_2101, %swap3A_2102], %add3A_2100 {strides = array<i32>} : memref<8x128xi32, #tpu.memory_space<vmem>>, vector<16xi32>,
      %mul3A_2104 = arith.constant 8 : i32
      %mul3A_2105 = arith.muli %scan3A_1978, %mul3A_2104 : i32
      %add3A_2106 = arith.constant 5 : i32
      %add3A_2107 = arith.addi %mul3A_2105, %add3A_2106 : i32
      %mul3A_2108 = arith.constant 16 : i32
      %mul3A_2109 = arith.muli %add3A_2107, %mul3A_2108 : i32
      %get3A_2110 = arith.index_cast %mul3A_2109 : i32 to index
      %get3A_2111 = tpu.vector_load %arg7[%get3A_2110] {strides = array<i32>} : memref<20000xi32, #tpu.memory_space<vmem>>, vector<16xi32>,
      %mul3A_2112 = arith.constant 16 : i32
      %mul3A_2113 = arith.muli %add3A_2107, %mul3A_2112 : i32
      %add3A_2114 = arith.constant 10000 : i32
      %add3A_2115 = arith.addi %add3A_2114, %mul3A_2113 : i32
      %get3A_2116 = arith.index_cast %add3A_2115 : i32 to index
      %get3A_2117 = tpu.vector_load %arg7[%get3A_2116] {strides = array<i32>} : memref<20000xi32, #tpu.memory_space<vmem>>, vector<16xi32>,
      %gather3A_2118 = tpu.vector_load_idx %arg6[%get3A_2111] : memref<10000xi32, #tpu.memory_space<vmem>>[vector<16xi32>], vector<16xi32>,
      %mul3A_2119 = arith.constant 128 : i32
      %mul3A_2120 = vector.broadcast %mul3A_2119 : i32 to vector<16xi32>
      %mul3A_2121 = arith.muli %get3A_2117, %mul3A_2120 : vector<16xi32>
      %add3A_2122 = arith.addi %mul3A_2121, %gather3A_2118 : vector<16xi32>
      %swap3A_2123 = arith.index_cast %select_n3A_1993 : i32 to index
      %swap3A_2124 = arith.constant 80 : index
      %swap3A_2125 = tpu.vector_load %arg8[%swap3A_2123, %swap3A_2124] {strides = array<i32>} : memref<8x128xi32, #tpu.memory_space<vmem>>, vector<16xi32>,
      tpu.vector_store %arg8[%swap3A_2123, %swap3A_2124], %add3A_2122 {strides = array<i32>} : memref<8x128xi32, #tpu.memory_space<vmem>>, vector<16xi32>,
      %mul3A_2126 = arith.constant 8 : i32
      %mul3A_2127 = arith.muli %scan3A_1978, %mul3A_2126 : i32
      %add3A_2128 = arith.constant 6 : i32
      %add3A_2129 = arith.addi %mul3A_2127, %add3A_2128 : i32
      %mul3A_2130 = arith.constant 16 : i32
      %mul3A_2131 = arith.muli %add3A_2129, %mul3A_2130 : i32
      %get3A_2132 = arith.index_cast %mul3A_2131 : i32 to index
      %get3A_2133 = tpu.vector_load %arg7[%get3A_2132] {strides = array<i32>} : memref<20000xi32, #tpu.memory_space<vmem>>, vector<16xi32>,
      %mul3A_2134 = arith.constant 16 : i32
      %mul3A_2135 = arith.muli %add3A_2129, %mul3A_2134 : i32
      %add3A_2136 = arith.constant 10000 : i32
      %add3A_2137 = arith.addi %add3A_2136, %mul3A_2135 : i32
      %get3A_2138 = arith.index_cast %add3A_2137 : i32 to index
      %get3A_2139 = tpu.vector_load %arg7[%get3A_2138] {strides = array<i32>} : memref<20000xi32, #tpu.memory_space<vmem>>, vector<16xi32>,
      %gather3A_2140 = tpu.vector_load_idx %arg6[%get3A_2133] : memref<10000xi32, #tpu.memory_space<vmem>>[vector<16xi32>], vector<16xi32>,
      %mul3A_2141 = arith.constant 128 : i32
      %mul3A_2142 = vector.broadcast %mul3A_2141 : i32 to vector<16xi32>
      %mul3A_2143 = arith.muli %get3A_2139, %mul3A_2142 : vector<16xi32>
      %add3A_2144 = arith.addi %mul3A_2143, %gather3A_2140 : vector<16xi32>
      %swap3A_2145 = arith.index_cast %select_n3A_1993 : i32 to index
      %swap3A_2146 = arith.constant 96 : index
      %swap3A_2147 = tpu.vector_load %arg8[%swap3A_2145, %swap3A_2146] {strides = array<i32>} : memref<8x128xi32, #tpu.memory_space<vmem>>, vector<16xi32>,
      tpu.vector_store %arg8[%swap3A_2145, %swap3A_2146], %add3A_2144 {strides = array<i32>} : memref<8x128xi32, #tpu.memory_space<vmem>>, vector<16xi32>,
      %mul3A_2148 = arith.constant 8 : i32
      %mul3A_2149 = arith.muli %scan3A_1978, %mul3A_2148 : i32
      %add3A_2150 = arith.constant 7 : i32
      %add3A_2151 = arith.addi %mul3A_2149, %add3A_2150 : i32
      %mul3A_2152 = arith.constant 16 : i32
      %mul3A_2153 = arith.muli %add3A_2151, %mul3A_2152 : i32
      %get3A_2154 = arith.index_cast %mul3A_2153 : i32 to index
      %get3A_2155 = tpu.vector_load %arg7[%get3A_2154] {strides = array<i32>} : memref<20000xi32, #tpu.memory_space<vmem>>, vector<16xi32>,
      %mul3A_2156 = arith.constant 16 : i32
      %mul3A_2157 = arith.muli %add3A_2151, %mul3A_2156 : i32
      %add3A_2158 = arith.constant 10000 : i32
      %add3A_2159 = arith.addi %add3A_2158, %mul3A_2157 : i32
      %get3A_2160 = arith.index_cast %add3A_2159 : i32 to index
      %get3A_2161 = tpu.vector_load %arg7[%get3A_2160] {strides = array<i32>} : memref<20000xi32, #tpu.memory_space<vmem>>, vector<16xi32>,
      %gather3A_2162 = tpu.vector_load_idx %arg6[%get3A_2155] : memref<10000xi32, #tpu.memory_space<vmem>>[vector<16xi32>], vector<16xi32>,
      %mul3A_2163 = arith.constant 128 : i32
      %mul3A_2164 = vector.broadcast %mul3A_2163 : i32 to vector<16xi32>
      %mul3A_2165 = arith.muli %get3A_2161, %mul3A_2164 : vector<16xi32>
      %add3A_2166 = arith.addi %mul3A_2165, %gather3A_2162 : vector<16xi32>
      %swap3A_2167 = arith.index_cast %select_n3A_1993 : i32 to index
      %swap3A_2168 = arith.constant 112 : index
      %swap3A_2169 = tpu.vector_load %arg8[%swap3A_2167, %swap3A_2168] {strides = array<i32>} : memref<8x128xi32, #tpu.memory_space<vmem>>, vector<16xi32>,
      tpu.vector_store %arg8[%swap3A_2167, %swap3A_2168], %add3A_2166 {strides = array<i32>} : memref<8x128xi32, #tpu.memory_space<vmem>>, vector<16xi32>,
      %dma_start3A_2170 = arith.constant 0 : i32
      %dma_start3A_2171 = tpu.memref_slice %arg8[%select_n3A_1993, %dma_start3A_2170] : memref<8x128xi32, #tpu.memory_space<vmem>> -> memref<1x128xi32, #tpu.memory_space<vmem>>
      %dma_start3A_2172 = tpu.memref_squeeze %dma_start3A_2171 : memref<1x128xi32, #tpu.memory_space<vmem>> -> memref<128xi32, #tpu.memory_space<vmem>>
      %dma_start3A_2173 = arith.constant 0 : i32
      %dma_start3A_2174 = tpu.memref_slice %arg13[%dma_start3A_2173] : memref<1280000xf32, #tpu.memory_space<vmem_shared>> -> memref<1280000xf32, #tpu.memory_space<vmem_shared>>
      tpu.enqueue_indirect_dma source(%arg9 : memref<128xf32, #tpu.memory_space<vmem>>) target(%dma_start3A_2174 : memref<1280000xf32, #tpu.memory_space<vmem_shared>>) offsets(%dma_start3A_2172 : memref<128xi32, #tpu.memory_space<vmem>>) semaphore(%arg14 : memref<!tpu.dma_semaphore, #tpu.memory_space<semaphore_mem>>) {add = true}
    }
    %scan3A_954 = arith.constant 70 : i32
    %dma_wait3A = arith.constant 0 : i32
    %dma_wait3A_955 = arith.constant 0 : i32
    %dma_wait3A_956 = tpu.memref_slice %arg8[%dma_wait3A, %dma_wait3A_955] : memref<8x128xi32, #tpu.memory_space<vmem>> -> memref<1x128xi32, #tpu.memory_space<vmem>>
    %dma_wait3A_957 = tpu.memref_squeeze %dma_wait3A_956 : memref<1x128xi32, #tpu.memory_space<vmem>> -> memref<128xi32, #tpu.memory_space<vmem>>
    %dma_wait3A_958 = arith.constant 0 : i32
    %dma_wait3A_959 = tpu.memref_slice %arg13[%dma_wait3A_958] : memref<1280000xf32, #tpu.memory_space<vmem_shared>> -> memref<1280000xf32, #tpu.memory_space<vmem_shared>>
    tpu.wait_indirect_dma semaphore(%arg14 : memref<!tpu.dma_semaphore, #tpu.memory_space<semaphore_mem>>) src(%arg9 : memref<128xf32, #tpu.memory_space<vmem>>) dst(%dma_wait3A_959 : memref<1280000xf32, #tpu.memory_space<vmem_shared>>)
    %get3A_960 = arith.constant 9984 : index
    %get3A_961 = tpu.vector_load %arg7[%get3A_960] {strides = array<i32>} : memref<20000xi32, #tpu.memory_space<vmem>>, vector<16xi32>,
    %get3A_962 = arith.constant 19984 : index
    %get3A_963 = tpu.vector_load %arg7[%get3A_962] {strides = array<i32>} : memref<20000xi32, #tpu.memory_space<vmem>>, vector<16xi32>,
    %gather3A_964 = tpu.vector_load_idx %arg6[%get3A_961] : memref<10000xi32, #tpu.memory_space<vmem>>[vector<16xi32>], vector<16xi32>,
    %mul3A_965 = arith.constant 128 : i32
    %mul3A_966 = vector.broadcast %mul3A_965 : i32 to vector<16xi32>
    %mul3A_967 = arith.muli %get3A_963, %mul3A_966 : vector<16xi32>
    %add3A_968 = arith.addi %mul3A_967, %gather3A_964 : vector<16xi32>
    %swap3A_969 = arith.constant 6 : i32
    %swap3A_970 = arith.index_cast %swap3A_969 : i32 to index
    %swap3A_971 = arith.constant 0 : index
    %swap3A_972 = tpu.vector_load %arg8[%swap3A_970, %swap3A_971] {strides = array<i32>} : memref<8x128xi32, #tpu.memory_space<vmem>>, vector<16xi32>,
    tpu.vector_store %arg8[%swap3A_970, %swap3A_971], %add3A_968 {strides = array<i32>} : memref<8x128xi32, #tpu.memory_space<vmem>>, vector<16xi32>,
    %swap3A_973 = arith.constant 6 : i32
    %swap3A_974 = arith.index_cast %swap3A_973 : i32 to index
    %swap3A_975 = arith.constant 16 : index
    %swap3A_976 = tpu.vector_load %arg8[%swap3A_974, %swap3A_975] {strides = array<i32>} : memref<8x128xi32, #tpu.memory_space<vmem>>, vector<16xi32>,
    tpu.vector_store %arg8[%swap3A_974, %swap3A_975], %broadcast_in_dim3A_71 {strides = array<i32>} : memref<8x128xi32, #tpu.memory_space<vmem>>, vector<16xi32>,
    %swap3A_977 = arith.constant 6 : i32
    %swap3A_978 = arith.index_cast %swap3A_977 : i32 to index
    %swap3A_979 = arith.constant 32 : index
    %swap3A_980 = tpu.vector_load %arg8[%swap3A_978, %swap3A_979] {strides = array<i32>} : memref<8x128xi32, #tpu.memory_space<vmem>>, vector<16xi32>,
    tpu.vector_store %arg8[%swap3A_978, %swap3A_979], %broadcast_in_dim3A_71 {strides = array<i32>} : memref<8x128xi32, #tpu.memory_space<vmem>>, vector<16xi32>,
    %swap3A_981 = arith.constant 6 : i32
    %swap3A_982 = arith.index_cast %swap3A_981 : i32 to index
    %swap3A_983 = arith.constant 48 : index
    %swap3A_984 = tpu.vector_load %arg8[%swap3A_982, %swap3A_983] {strides = array<i32>} : memref<8x128xi32, #tpu.memory_space<vmem>>, vector<16xi32>,
    tpu.vector_store %arg8[%swap3A_982, %swap3A_983], %broadcast_in_dim3A_71 {strides = array<i32>} : memref<8x128xi32, #tpu.memory_space<vmem>>, vector<16xi32>,
    %swap3A_985 = arith.constant 6 : i32
    %swap3A_986 = arith.index_cast %swap3A_985 : i32 to index
    %swap3A_987 = arith.constant 64 : index
    %swap3A_988 = tpu.vector_load %arg8[%swap3A_986, %swap3A_987] {strides = array<i32>} : memref<8x128xi32, #tpu.memory_space<vmem>>, vector<16xi32>,
    tpu.vector_store %arg8[%swap3A_986, %swap3A_987], %broadcast_in_dim3A_71 {strides = array<i32>} : memref<8x128xi32, #tpu.memory_space<vmem>>, vector<16xi32>,
    %swap3A_989 = arith.constant 6 : i32
    %swap3A_990 = arith.index_cast %swap3A_989 : i32 to index
    %swap3A_991 = arith.constant 80 : index
    %swap3A_992 = tpu.vector_load %arg8[%swap3A_990, %swap3A_991] {strides = array<i32>} : memref<8x128xi32, #tpu.memory_space<vmem>>, vector<16xi32>,
    tpu.vector_store %arg8[%swap3A_990, %swap3A_991], %broadcast_in_dim3A_71 {strides = array<i32>} : memref<8x128xi32, #tpu.memory_space<vmem>>, vector<16xi32>,
    %swap3A_993 = arith.constant 6 : i32
    %swap3A_994 = arith.index_cast %swap3A_993 : i32 to index
    %swap3A_995 = arith.constant 96 : index
    %swap3A_996 = tpu.vector_load %arg8[%swap3A_994, %swap3A_995] {strides = array<i32>} : memref<8x128xi32, #tpu.memory_space<vmem>>, vector<16xi32>,
    tpu.vector_store %arg8[%swap3A_994, %swap3A_995], %broadcast_in_dim3A_71 {strides = array<i32>} : memref<8x128xi32, #tpu.memory_space<vmem>>, vector<16xi32>,
    %swap3A_997 = arith.constant 6 : i32
    %swap3A_998 = arith.index_cast %swap3A_997 : i32 to index
    %swap3A_999 = arith.constant 112 : index
    %swap3A_1000 = tpu.vector_load %arg8[%swap3A_998, %swap3A_999] {strides = array<i32>} : memref<8x128xi32, #tpu.memory_space<vmem>>, vector<16xi32>,
    tpu.vector_store %arg8[%swap3A_998, %swap3A_999], %broadcast_in_dim3A_71 {strides = array<i32>} : memref<8x128xi32, #tpu.memory_space<vmem>>, vector<16xi32>,
    %dma_start3A_1001 = arith.constant 6 : i32
    %dma_start3A_1002 = arith.constant 0 : i32
    %dma_start3A_1003 = tpu.memref_slice %arg8[%dma_start3A_1001, %dma_start3A_1002] : memref<8x128xi32, #tpu.memory_space<vmem>> -> memref<1x128xi32, #tpu.memory_space<vmem>>
    %dma_start3A_1004 = tpu.memref_squeeze %dma_start3A_1003 : memref<1x128xi32, #tpu.memory_space<vmem>> -> memref<128xi32, #tpu.memory_space<vmem>>
    %dma_start3A_1005 = arith.constant 0 : i32
    %dma_start3A_1006 = tpu.memref_slice %arg13[%dma_start3A_1005] : memref<1280000xf32, #tpu.memory_space<vmem_shared>> -> memref<1280000xf32, #tpu.memory_space<vmem_shared>>
    tpu.enqueue_indirect_dma source(%arg10 : memref<128xf32, #tpu.memory_space<vmem>>) target(%dma_start3A_1006 : memref<1280000xf32, #tpu.memory_space<vmem_shared>>) offsets(%dma_start3A_1004 : memref<128xi32, #tpu.memory_space<vmem>>) semaphore(%arg14 : memref<!tpu.dma_semaphore, #tpu.memory_space<semaphore_mem>>) {add = true}
    %dma_wait3A_1007 = arith.constant 0 : i32
    %dma_wait3A_1008 = arith.constant 0 : i32
    %dma_wait3A_1009 = tpu.memref_slice %arg8[%dma_wait3A_1007, %dma_wait3A_1008] : memref<8x128xi32, #tpu.memory_space<vmem>> -> memref<1x128xi32, #tpu.memory_space<vmem>>
    %dma_wait3A_1010 = tpu.memref_squeeze %dma_wait3A_1009 : memref<1x128xi32, #tpu.memory_space<vmem>> -> memref<128xi32, #tpu.memory_space<vmem>>
    %dma_wait3A_1011 = arith.constant 0 : i32
    %dma_wait3A_1012 = tpu.memref_slice %arg13[%dma_wait3A_1011] : memref<1280000xf32, #tpu.memory_space<vmem_shared>> -> memref<1280000xf32, #tpu.memory_space<vmem_shared>>
    tpu.wait_indirect_dma semaphore(%arg14 : memref<!tpu.dma_semaphore, #tpu.memory_space<semaphore_mem>>) src(%arg9 : memref<128xf32, #tpu.memory_space<vmem>>) dst(%dma_wait3A_1012 : memref<1280000xf32, #tpu.memory_space<vmem_shared>>)
    %dma_wait3A_1013 = arith.constant 0 : i32
    %dma_wait3A_1014 = arith.constant 0 : i32
    %dma_wait3A_1015 = tpu.memref_slice %arg8[%dma_wait3A_1013, %dma_wait3A_1014] : memref<8x128xi32, #tpu.memory_space<vmem>> -> memref<1x128xi32, #tpu.memory_space<vmem>>
    %dma_wait3A_1016 = tpu.memref_squeeze %dma_wait3A_1015 : memref<1x128xi32, #tpu.memory_space<vmem>> -> memref<128xi32, #tpu.memory_space<vmem>>
    %dma_wait3A_1017 = arith.constant 0 : i32
    %dma_wait3A_1018 = tpu.memref_slice %arg13[%dma_wait3A_1017] : memref<1280000xf32, #tpu.memory_space<vmem_shared>> -> memref<1280000xf32, #tpu.memory_space<vmem_shared>>
    tpu.wait_indirect_dma semaphore(%arg14 : memref<!tpu.dma_semaphore, #tpu.memory_space<semaphore_mem>>) src(%arg9 : memref<128xf32, #tpu.memory_space<vmem>>) dst(%dma_wait3A_1018 : memref<1280000xf32, #tpu.memory_space<vmem_shared>>)
    %dma_wait3A_1019 = arith.constant 0 : i32
    %dma_wait3A_1020 = arith.constant 0 : i32
    %dma_wait3A_1021 = tpu.memref_slice %arg8[%dma_wait3A_1019, %dma_wait3A_1020] : memref<8x128xi32, #tpu.memory_space<vmem>> -> memref<1x128xi32, #tpu.memory_space<vmem>>
    %dma_wait3A_1022 = tpu.memref_squeeze %dma_wait3A_1021 : memref<1x128xi32, #tpu.memory_space<vmem>> -> memref<128xi32, #tpu.memory_space<vmem>>
    %dma_wait3A_1023 = arith.constant 0 : i32
    %dma_wait3A_1024 = tpu.memref_slice %arg13[%dma_wait3A_1023] : memref<1280000xf32, #tpu.memory_space<vmem_shared>> -> memref<1280000xf32, #tpu.memory_space<vmem_shared>>
    tpu.wait_indirect_dma semaphore(%arg14 : memref<!tpu.dma_semaphore, #tpu.memory_space<semaphore_mem>>) src(%arg9 : memref<128xf32, #tpu.memory_space<vmem>>) dst(%dma_wait3A_1024 : memref<1280000xf32, #tpu.memory_space<vmem_shared>>)
    %dma_wait3A_1025 = arith.constant 0 : i32
    %dma_wait3A_1026 = arith.constant 0 : i32
    %dma_wait3A_1027 = tpu.memref_slice %arg8[%dma_wait3A_1025, %dma_wait3A_1026] : memref<8x128xi32, #tpu.memory_space<vmem>> -> memref<1x128xi32, #tpu.memory_space<vmem>>
    %dma_wait3A_1028 = tpu.memref_squeeze %dma_wait3A_1027 : memref<1x128xi32, #tpu.memory_space<vmem>> -> memref<128xi32, #tpu.memory_space<vmem>>
    %dma_wait3A_1029 = arith.constant 0 : i32
    %dma_wait3A_1030 = tpu.memref_slice %arg13[%dma_wait3A_1029] : memref<1280000xf32, #tpu.memory_space<vmem_shared>> -> memref<1280000xf32, #tpu.memory_space<vmem_shared>>
    tpu.wait_indirect_dma semaphore(%arg14 : memref<!tpu.dma_semaphore, #tpu.memory_space<semaphore_mem>>) src(%arg9 : memref<128xf32, #tpu.memory_space<vmem>>) dst(%dma_wait3A_1030 : memref<1280000xf32, #tpu.memory_space<vmem_shared>>)
    %dma_wait3A_1031 = arith.constant 0 : i32
    %dma_wait3A_1032 = arith.constant 0 : i32
    %dma_wait3A_1033 = tpu.memref_slice %arg8[%dma_wait3A_1031, %dma_wait3A_1032] : memref<8x128xi32, #tpu.memory_space<vmem>> -> memref<1x128xi32, #tpu.memory_space<vmem>>
    %dma_wait3A_1034 = tpu.memref_squeeze %dma_wait3A_1033 : memref<1x128xi32, #tpu.memory_space<vmem>> -> memref<128xi32, #tpu.memory_space<vmem>>
    %dma_wait3A_1035 = arith.constant 0 : i32
    %dma_wait3A_1036 = tpu.memref_slice %arg13[%dma_wait3A_1035] : memref<1280000xf32, #tpu.memory_space<vmem_shared>> -> memref<1280000xf32, #tpu.memory_space<vmem_shared>>
    tpu.wait_indirect_dma semaphore(%arg14 : memref<!tpu.dma_semaphore, #tpu.memory_space<semaphore_mem>>) src(%arg9 : memref<128xf32, #tpu.memory_space<vmem>>) dst(%dma_wait3A_1036 : memref<1280000xf32, #tpu.memory_space<vmem_shared>>)
    %dma_wait3A_1037 = arith.constant 0 : i32
    %dma_wait3A_1038 = arith.constant 0 : i32
    %dma_wait3A_1039 = tpu.memref_slice %arg8[%dma_wait3A_1037, %dma_wait3A_1038] : memref<8x128xi32, #tpu.memory_space<vmem>> -> memref<1x128xi32, #tpu.memory_space<vmem>>
    %dma_wait3A_1040 = tpu.memref_squeeze %dma_wait3A_1039 : memref<1x128xi32, #tpu.memory_space<vmem>> -> memref<128xi32, #tpu.memory_space<vmem>>
    %dma_wait3A_1041 = arith.constant 0 : i32
    %dma_wait3A_1042 = tpu.memref_slice %arg13[%dma_wait3A_1041] : memref<1280000xf32, #tpu.memory_space<vmem_shared>> -> memref<1280000xf32, #tpu.memory_space<vmem_shared>>
    tpu.wait_indirect_dma semaphore(%arg14 : memref<!tpu.dma_semaphore, #tpu.memory_space<semaphore_mem>>) src(%arg9 : memref<128xf32, #tpu.memory_space<vmem>>) dst(%dma_wait3A_1042 : memref<1280000xf32, #tpu.memory_space<vmem_shared>>)
    %dma_wait3A_1043 = arith.constant 0 : i32
    %dma_wait3A_1044 = arith.constant 0 : i32
    %dma_wait3A_1045 = tpu.memref_slice %arg8[%dma_wait3A_1043, %dma_wait3A_1044] : memref<8x128xi32, #tpu.memory_space<vmem>> -> memref<1x128xi32, #tpu.memory_space<vmem>>
    %dma_wait3A_1046 = tpu.memref_squeeze %dma_wait3A_1045 : memref<1x128xi32, #tpu.memory_space<vmem>> -> memref<128xi32, #tpu.memory_space<vmem>>
    %dma_wait3A_1047 = arith.constant 0 : i32
    %dma_wait3A_1048 = tpu.memref_slice %arg13[%dma_wait3A_1047] : memref<1280000xf32, #tpu.memory_space<vmem_shared>> -> memref<1280000xf32, #tpu.memory_space<vmem_shared>>
    tpu.wait_indirect_dma semaphore(%arg14 : memref<!tpu.dma_semaphore, #tpu.memory_space<semaphore_mem>>) src(%arg9 : memref<128xf32, #tpu.memory_space<vmem>>) dst(%dma_wait3A_1048 : memref<1280000xf32, #tpu.memory_space<vmem_shared>>)
    %dma_wait3A_1049 = arith.constant 0 : i32
    %dma_wait3A_1050 = arith.constant 0 : i32
    %dma_wait3A_1051 = tpu.memref_slice %arg8[%dma_wait3A_1049, %dma_wait3A_1050] : memref<8x128xi32, #tpu.memory_space<vmem>> -> memref<1x128xi32, #tpu.memory_space<vmem>>
    %dma_wait3A_1052 = tpu.memref_squeeze %dma_wait3A_1051 : memref<1x128xi32, #tpu.memory_space<vmem>> -> memref<128xi32, #tpu.memory_space<vmem>>
    %dma_wait3A_1053 = arith.constant 0 : i32
    %dma_wait3A_1054 = tpu.memref_slice %arg13[%dma_wait3A_1053] : memref<1280000xf32, #tpu.memory_space<vmem_shared>> -> memref<1280000xf32, #tpu.memory_space<vmem_shared>>
    tpu.wait_indirect_dma semaphore(%arg14 : memref<!tpu.dma_semaphore, #tpu.memory_space<semaphore_mem>>) src(%arg9 : memref<128xf32, #tpu.memory_space<vmem>>) dst(%dma_wait3A_1054 : memref<1280000xf32, #tpu.memory_space<vmem_shared>>)
    %barrier3A_1055 = arith.constant 0 : index
    tpu.barrier barrier_id(%barrier3A_1055)
    %mul3A_1056 = arith.constant 10000 : i32
    %mul3A_1057 = arith.muli %add3A, %mul3A_1056 : i32
    "tpu.region"() ({
      %run_scoped3A = tpu.sem_alloc : memref<!tpu.dma_semaphore, #tpu.memory_space<semaphore_mem>>
      %dma_start3A_1978 = arith.constant 0 : i32
      %dma_start3A_1979 = tpu.memref_slice %arg12[%dma_start3A_1978] : memref<10016xf32, #tpu.memory_space<vmem>> -> memref<10000xf32, #tpu.memory_space<vmem>>
      %dma_start3A_1980 = tpu.memref_slice %arg5[%mul3A_1057] : memref<320000xf32, #tpu.memory_space<hbm>> -> memref<10000xf32, #tpu.memory_space<hbm>>
      %dma_start3A_1981 = tpu.memref_slice %arg5[%mul3A_1057] : memref<320000xf32, #tpu.memory_space<hbm>> -> memref<10000xf32, #tpu.memory_space<hbm>>
      %dma_start3A_1982 = arith.constant 0 : i32
      %dma_start3A_1983 = tpu.memref_slice %arg12[%dma_start3A_1982] : memref<10016xf32, #tpu.memory_space<vmem>> -> memref<10000xf32, #tpu.memory_space<vmem>>
      tpu.enqueue_dma source(%dma_start3A_1983 : memref<10000xf32, #tpu.memory_space<vmem>>) target(%dma_start3A_1981 : memref<10000xf32, #tpu.memory_space<hbm>>) target_semaphore(%run_scoped3A : memref<!tpu.dma_semaphore, #tpu.memory_space<semaphore_mem>>)
      %dma_wait3A_1984 = arith.constant 0 : i32
      %dma_wait3A_1985 = tpu.memref_slice %arg12[%dma_wait3A_1984] : memref<10016xf32, #tpu.memory_space<vmem>> -> memref<10000xf32, #tpu.memory_space<vmem>>
      %dma_wait3A_1986 = tpu.memref_slice %arg5[%mul3A_1057] : memref<320000xf32, #tpu.memory_space<hbm>> -> memref<10000xf32, #tpu.memory_space<hbm>>
      %dma_wait3A_1987 = tpu.memref_slice %arg5[%mul3A_1057] : memref<320000xf32, #tpu.memory_space<hbm>> -> memref<10000xf32, #tpu.memory_space<hbm>>
      %dma_wait3A_1988 = arith.constant 0 : i32
      %dma_wait3A_1989 = tpu.memref_slice %arg12[%dma_wait3A_1988] : memref<10016xf32, #tpu.memory_space<vmem>> -> memref<10000xf32, #tpu.memory_space<vmem>>
      tpu.wait_dma2 semaphore(%run_scoped3A : memref<!tpu.dma_semaphore, #tpu.memory_space<semaphore_mem>>) src(%dma_wait3A_1989 : memref<10000xf32, #tpu.memory_space<vmem>>) dst(%dma_wait3A_1987 : memref<10000xf32, #tpu.memory_space<hbm>>)
      tpu.yield
    }) : () -> ()
    %mul3A_1058 = arith.constant 80000 : i32
    %mul3A_1059 = arith.muli %arg1, %mul3A_1058 : i32
    %add3A_1060 = arith.constant 0 : i32
    %add3A_1061 = arith.addi %mul3A_1059, %add3A_1060 : i32
    %dma_start3A_1062 = arith.constant 0 : i32
    %dma_start3A_1063 = tpu.memref_slice %arg11[%dma_start3A_1062] : memref<8000xf32, #tpu.memory_space<vmem>> -> memref<4000xf32, #tpu.memory_space<vmem>>
    %dma_start3A_1064 = tpu.memref_slice %arg13[%add3A_1061] : memref<1280000xf32, #tpu.memory_space<vmem_shared>> -> memref<4000xf32, #tpu.memory_space<vmem_shared>>
    %dma_start3A_1065 = arith.constant 0 : i32
    %dma_start3A_1066 = tpu.memref_slice %arg11[%dma_start3A_1065] : memref<8000xf32, #tpu.memory_space<vmem>> -> memref<4000xf32, #tpu.memory_space<vmem>>
    %dma_start3A_1067 = tpu.memref_slice %arg13[%add3A_1061] : memref<1280000xf32, #tpu.memory_space<vmem_shared>> -> memref<4000xf32, #tpu.memory_space<vmem_shared>>
    tpu.enqueue_dma source(%dma_start3A_1067 : memref<4000xf32, #tpu.memory_space<vmem_shared>>) target(%dma_start3A_1066 : memref<4000xf32, #tpu.memory_space<vmem>>) target_semaphore(%arg15 : memref<!tpu.dma_semaphore, #tpu.memory_space<semaphore_mem>>)
    %mul3A_1068 = arith.constant 80000 : i32
    %mul3A_1069 = arith.muli %arg1, %mul3A_1068 : i32
    %add3A_1070 = arith.constant 0 : i32
    %add3A_1071 = arith.addi %mul3A_1069, %add3A_1070 : i32
    %dma_wait3A_1072 = arith.constant 0 : i32
    %dma_wait3A_1073 = tpu.memref_slice %arg11[%dma_wait3A_1072] : memref<8000xf32, #tpu.memory_space<vmem>> -> memref<4000xf32, #tpu.memory_space<vmem>>
    %dma_wait3A_1074 = tpu.memref_slice %arg13[%add3A_1071] : memref<1280000xf32, #tpu.memory_space<vmem_shared>> -> memref<4000xf32, #tpu.memory_space<vmem_shared>>
    %dma_wait3A_1075 = arith.constant 0 : i32
    %dma_wait3A_1076 = tpu.memref_slice %arg11[%dma_wait3A_1075] : memref<8000xf32, #tpu.memory_space<vmem>> -> memref<4000xf32, #tpu.memory_space<vmem>>
    %dma_wait3A_1077 = tpu.memref_slice %arg13[%add3A_1071] : memref<1280000xf32, #tpu.memory_space<vmem_shared>> -> memref<4000xf32, #tpu.memory_space<vmem_shared>>
    tpu.wait_dma2 semaphore(%arg15 : memref<!tpu.dma_semaphore, #tpu.memory_space<semaphore_mem>>) src(%dma_wait3A_1077 : memref<4000xf32, #tpu.memory_space<vmem_shared>>) dst(%dma_wait3A_1076 : memref<4000xf32, #tpu.memory_space<vmem>>)
    %mul3A_1078 = arith.constant 80000 : i32
    %mul3A_1079 = arith.muli %arg1, %mul3A_1078 : i32
    %add3A_1080 = arith.constant 4000 : i32
    %add3A_1081 = arith.addi %mul3A_1079, %add3A_1080 : i32
    %dma_start3A_1082 = arith.constant 4000 : i32
    %dma_start3A_1083 = tpu.memref_slice %arg11[%dma_start3A_1082] : memref<8000xf32, #tpu.memory_space<vmem>> -> memref<4000xf32, #tpu.memory_space<vmem>>
    %dma_start3A_1084 = tpu.memref_slice %arg13[%add3A_1081] : memref<1280000xf32, #tpu.memory_space<vmem_shared>> -> memref<4000xf32, #tpu.memory_space<vmem_shared>>
    %dma_start3A_1085 = arith.constant 4000 : i32
    %dma_start3A_1086 = tpu.memref_slice %arg11[%dma_start3A_1085] : memref<8000xf32, #tpu.memory_space<vmem>> -> memref<4000xf32, #tpu.memory_space<vmem>>
    %dma_start3A_1087 = tpu.memref_slice %arg13[%add3A_1081] : memref<1280000xf32, #tpu.memory_space<vmem_shared>> -> memref<4000xf32, #tpu.memory_space<vmem_shared>>
    tpu.enqueue_dma source(%dma_start3A_1087 : memref<4000xf32, #tpu.memory_space<vmem_shared>>) target(%dma_start3A_1086 : memref<4000xf32, #tpu.memory_space<vmem>>) target_semaphore(%arg15 : memref<!tpu.dma_semaphore, #tpu.memory_space<semaphore_mem>>)
    %mul3A_1088 = arith.constant 1280000 : i32
    %mul3A_1089 = arith.muli %arg0, %mul3A_1088 : i32
    %mul3A_1090 = arith.constant 80000 : i32
    %mul3A_1091 = arith.muli %arg1, %mul3A_1090 : i32
    %add3A_1092 = arith.addi %mul3A_1089, %mul3A_1091 : i32
    %add3A_1093 = arith.constant 0 : i32
    %add3A_1094 = arith.addi %add3A_1092, %add3A_1093 : i32
    %dma_start3A_1095 = arith.constant 0 : i32
    %dma_start3A_1096 = tpu.memref_slice %arg11[%dma_start3A_1095] : memref<8000xf32, #tpu.memory_space<vmem>> -> memref<4000xf32, #tpu.memory_space<vmem>>
    %dma_start3A_1097 = tpu.memref_slice %arg4[%add3A_1094] : memref<2560000xf32, #tpu.memory_space<hbm>> -> memref<4000xf32, #tpu.memory_space<hbm>>
    %dma_start3A_1098 = tpu.memref_slice %arg4[%add3A_1094] : memref<2560000xf32, #tpu.memory_space<hbm>> -> memref<4000xf32, #tpu.memory_space<hbm>>
    %dma_start3A_1099 = arith.constant 0 : i32
    %dma_start3A_1100 = tpu.memref_slice %arg11[%dma_start3A_1099] : memref<8000xf32, #tpu.memory_space<vmem>> -> memref<4000xf32, #tpu.memory_space<vmem>>
    tpu.enqueue_dma source(%dma_start3A_1100 : memref<4000xf32, #tpu.memory_space<vmem>>) target(%dma_start3A_1098 : memref<4000xf32, #tpu.memory_space<hbm>>) target_semaphore(%arg16 : memref<!tpu.dma_semaphore, #tpu.memory_space<semaphore_mem>>)
    %mul3A_1101 = arith.constant 80000 : i32
    %mul3A_1102 = arith.muli %arg1, %mul3A_1101 : i32
    %add3A_1103 = arith.constant 4000 : i32
    %add3A_1104 = arith.addi %mul3A_1102, %add3A_1103 : i32
    %dma_wait3A_1105 = arith.constant 4000 : i32
    %dma_wait3A_1106 = tpu.memref_slice %arg11[%dma_wait3A_1105] : memref<8000xf32, #tpu.memory_space<vmem>> -> memref<4000xf32, #tpu.memory_space<vmem>>
    %dma_wait3A_1107 = tpu.memref_slice %arg13[%add3A_1104] : memref<1280000xf32, #tpu.memory_space<vmem_shared>> -> memref<4000xf32, #tpu.memory_space<vmem_shared>>
    %dma_wait3A_1108 = arith.constant 4000 : i32
    %dma_wait3A_1109 = tpu.memref_slice %arg11[%dma_wait3A_1108] : memref<8000xf32, #tpu.memory_space<vmem>> -> memref<4000xf32, #tpu.memory_space<vmem>>
    %dma_wait3A_1110 = tpu.memref_slice %arg13[%add3A_1104] : memref<1280000xf32, #tpu.memory_space<vmem_shared>> -> memref<4000xf32, #tpu.memory_space<vmem_shared>>
    tpu.wait_dma2 semaphore(%arg15 : memref<!tpu.dma_semaphore, #tpu.memory_space<semaphore_mem>>) src(%dma_wait3A_1110 : memref<4000xf32, #tpu.memory_space<vmem_shared>>) dst(%dma_wait3A_1109 : memref<4000xf32, #tpu.memory_space<vmem>>)
    %mul3A_1111 = arith.constant 1280000 : i32
    %mul3A_1112 = arith.muli %arg0, %mul3A_1111 : i32
    %mul3A_1113 = arith.constant 80000 : i32
    %mul3A_1114 = arith.muli %arg1, %mul3A_1113 : i32
    %add3A_1115 = arith.addi %mul3A_1112, %mul3A_1114 : i32
    %add3A_1116 = arith.constant 0 : i32
    %add3A_1117 = arith.addi %add3A_1115, %add3A_1116 : i32
    %dma_wait3A_1118 = arith.constant 0 : i32
    %dma_wait3A_1119 = tpu.memref_slice %arg11[%dma_wait3A_1118] : memref<8000xf32, #tpu.memory_space<vmem>> -> memref<4000xf32, #tpu.memory_space<vmem>>
    %dma_wait3A_1120 = tpu.memref_slice %arg4[%add3A_1117] : memref<2560000xf32, #tpu.memory_space<hbm>> -> memref<4000xf32, #tpu.memory_space<hbm>>
    %dma_wait3A_1121 = tpu.memref_slice %arg4[%add3A_1117] : memref<2560000xf32, #tpu.memory_space<hbm>> -> memref<4000xf32, #tpu.memory_space<hbm>>
    %dma_wait3A_1122 = arith.constant 0 : i32
    %dma_wait3A_1123 = tpu.memref_slice %arg11[%dma_wait3A_1122] : memref<8000xf32, #tpu.memory_space<vmem>> -> memref<4000xf32, #tpu.memory_space<vmem>>
    tpu.wait_dma2 semaphore(%arg16 : memref<!tpu.dma_semaphore, #tpu.memory_space<semaphore_mem>>) src(%dma_wait3A_1123 : memref<4000xf32, #tpu.memory_space<vmem>>) dst(%dma_wait3A_1121 : memref<4000xf32, #tpu.memory_space<hbm>>)
    %mul3A_1124 = arith.constant 80000 : i32
    %mul3A_1125 = arith.muli %arg1, %mul3A_1124 : i32
    %add3A_1126 = arith.constant 8000 : i32
    %add3A_1127 = arith.addi %mul3A_1125, %add3A_1126 : i32
    %dma_start3A_1128 = arith.constant 0 : i32
    %dma_start3A_1129 = tpu.memref_slice %arg11[%dma_start3A_1128] : memref<8000xf32, #tpu.memory_space<vmem>> -> memref<4000xf32, #tpu.memory_space<vmem>>
    %dma_start3A_1130 = tpu.memref_slice %arg13[%add3A_1127] : memref<1280000xf32, #tpu.memory_space<vmem_shared>> -> memref<4000xf32, #tpu.memory_space<vmem_shared>>
    %dma_start3A_1131 = arith.constant 0 : i32
    %dma_start3A_1132 = tpu.memref_slice %arg11[%dma_start3A_1131] : memref<8000xf32, #tpu.memory_space<vmem>> -> memref<4000xf32, #tpu.memory_space<vmem>>
    %dma_start3A_1133 = tpu.memref_slice %arg13[%add3A_1127] : memref<1280000xf32, #tpu.memory_space<vmem_shared>> -> memref<4000xf32, #tpu.memory_space<vmem_shared>>
    tpu.enqueue_dma source(%dma_start3A_1133 : memref<4000xf32, #tpu.memory_space<vmem_shared>>) target(%dma_start3A_1132 : memref<4000xf32, #tpu.memory_space<vmem>>) target_semaphore(%arg15 : memref<!tpu.dma_semaphore, #tpu.memory_space<semaphore_mem>>)
    %mul3A_1134 = arith.constant 1280000 : i32
    %mul3A_1135 = arith.muli %arg0, %mul3A_1134 : i32
    %mul3A_1136 = arith.constant 80000 : i32
    %mul3A_1137 = arith.muli %arg1, %mul3A_1136 : i32
    %add3A_1138 = arith.addi %mul3A_1135, %mul3A_1137 : i32
    %add3A_1139 = arith.constant 4000 : i32
    %add3A_1140 = arith.addi %add3A_1138, %add3A_1139 : i32
    %dma_start3A_1141 = arith.constant 4000 : i32
    %dma_start3A_1142 = tpu.memref_slice %arg11[%dma_start3A_1141] : memref<8000xf32, #tpu.memory_space<vmem>> -> memref<4000xf32, #tpu.memory_space<vmem>>
    %dma_start3A_1143 = tpu.memref_slice %arg4[%add3A_1140] : memref<2560000xf32, #tpu.memory_space<hbm>> -> memref<4000xf32, #tpu.memory_space<hbm>>
    %dma_start3A_1144 = tpu.memref_slice %arg4[%add3A_1140] : memref<2560000xf32, #tpu.memory_space<hbm>> -> memref<4000xf32, #tpu.memory_space<hbm>>
    %dma_start3A_1145 = arith.constant 4000 : i32
    %dma_start3A_1146 = tpu.memref_slice %arg11[%dma_start3A_1145] : memref<8000xf32, #tpu.memory_space<vmem>> -> memref<4000xf32, #tpu.memory_space<vmem>>
    tpu.enqueue_dma source(%dma_start3A_1146 : memref<4000xf32, #tpu.memory_space<vmem>>) target(%dma_start3A_1144 : memref<4000xf32, #tpu.memory_space<hbm>>) target_semaphore(%arg16 : memref<!tpu.dma_semaphore, #tpu.memory_space<semaphore_mem>>)
    %mul3A_1147 = arith.constant 80000 : i32
    %mul3A_1148 = arith.muli %arg1, %mul3A_1147 : i32
    %add3A_1149 = arith.constant 8000 : i32
    %add3A_1150 = arith.addi %mul3A_1148, %add3A_1149 : i32
    %dma_wait3A_1151 = arith.constant 0 : i32
    %dma_wait3A_1152 = tpu.memref_slice %arg11[%dma_wait3A_1151] : memref<8000xf32, #tpu.memory_space<vmem>> -> memref<4000xf32, #tpu.memory_space<vmem>>
    %dma_wait3A_1153 = tpu.memref_slice %arg13[%add3A_1150] : memref<1280000xf32, #tpu.memory_space<vmem_shared>> -> memref<4000xf32, #tpu.memory_space<vmem_shared>>
    %dma_wait3A_1154 = arith.constant 0 : i32
    %dma_wait3A_1155 = tpu.memref_slice %arg11[%dma_wait3A_1154] : memref<8000xf32, #tpu.memory_space<vmem>> -> memref<4000xf32, #tpu.memory_space<vmem>>
    %dma_wait3A_1156 = tpu.memref_slice %arg13[%add3A_1150] : memref<1280000xf32, #tpu.memory_space<vmem_shared>> -> memref<4000xf32, #tpu.memory_space<vmem_shared>>
    tpu.wait_dma2 semaphore(%arg15 : memref<!tpu.dma_semaphore, #tpu.memory_space<semaphore_mem>>) src(%dma_wait3A_1156 : memref<4000xf32, #tpu.memory_space<vmem_shared>>) dst(%dma_wait3A_1155 : memref<4000xf32, #tpu.memory_space<vmem>>)
    %mul3A_1157 = arith.constant 1280000 : i32
    %mul3A_1158 = arith.muli %arg0, %mul3A_1157 : i32
    %mul3A_1159 = arith.constant 80000 : i32
    %mul3A_1160 = arith.muli %arg1, %mul3A_1159 : i32
    %add3A_1161 = arith.addi %mul3A_1158, %mul3A_1160 : i32
    %add3A_1162 = arith.constant 4000 : i32
    %add3A_1163 = arith.addi %add3A_1161, %add3A_1162 : i32
    %dma_wait3A_1164 = arith.constant 4000 : i32
    %dma_wait3A_1165 = tpu.memref_slice %arg11[%dma_wait3A_1164] : memref<8000xf32, #tpu.memory_space<vmem>> -> memref<4000xf32, #tpu.memory_space<vmem>>
    %dma_wait3A_1166 = tpu.memref_slice %arg4[%add3A_1163] : memref<2560000xf32, #tpu.memory_space<hbm>> -> memref<4000xf32, #tpu.memory_space<hbm>>
    %dma_wait3A_1167 = tpu.memref_slice %arg4[%add3A_1163] : memref<2560000xf32, #tpu.memory_space<hbm>> -> memref<4000xf32, #tpu.memory_space<hbm>>
    %dma_wait3A_1168 = arith.constant 4000 : i32
    %dma_wait3A_1169 = tpu.memref_slice %arg11[%dma_wait3A_1168] : memref<8000xf32, #tpu.memory_space<vmem>> -> memref<4000xf32, #tpu.memory_space<vmem>>
    tpu.wait_dma2 semaphore(%arg16 : memref<!tpu.dma_semaphore, #tpu.memory_space<semaphore_mem>>) src(%dma_wait3A_1169 : memref<4000xf32, #tpu.memory_space<vmem>>) dst(%dma_wait3A_1167 : memref<4000xf32, #tpu.memory_space<hbm>>)
    %mul3A_1170 = arith.constant 80000 : i32
    %mul3A_1171 = arith.muli %arg1, %mul3A_1170 : i32
    %add3A_1172 = arith.constant 12000 : i32
    %add3A_1173 = arith.addi %mul3A_1171, %add3A_1172 : i32
    %dma_start3A_1174 = arith.constant 4000 : i32
    %dma_start3A_1175 = tpu.memref_slice %arg11[%dma_start3A_1174] : memref<8000xf32, #tpu.memory_space<vmem>> -> memref<4000xf32, #tpu.memory_space<vmem>>
    %dma_start3A_1176 = tpu.memref_slice %arg13[%add3A_1173] : memref<1280000xf32, #tpu.memory_space<vmem_shared>> -> memref<4000xf32, #tpu.memory_space<vmem_shared>>
    %dma_start3A_1177 = arith.constant 4000 : i32
    %dma_start3A_1178 = tpu.memref_slice %arg11[%dma_start3A_1177] : memref<8000xf32, #tpu.memory_space<vmem>> -> memref<4000xf32, #tpu.memory_space<vmem>>
    %dma_start3A_1179 = tpu.memref_slice %arg13[%add3A_1173] : memref<1280000xf32, #tpu.memory_space<vmem_shared>> -> memref<4000xf32, #tpu.memory_space<vmem_shared>>
    tpu.enqueue_dma source(%dma_start3A_1179 : memref<4000xf32, #tpu.memory_space<vmem_shared>>) target(%dma_start3A_1178 : memref<4000xf32, #tpu.memory_space<vmem>>) target_semaphore(%arg15 : memref<!tpu.dma_semaphore, #tpu.memory_space<semaphore_mem>>)
    %mul3A_1180 = arith.constant 1280000 : i32
    %mul3A_1181 = arith.muli %arg0, %mul3A_1180 : i32
    %mul3A_1182 = arith.constant 80000 : i32
    %mul3A_1183 = arith.muli %arg1, %mul3A_1182 : i32
    %add3A_1184 = arith.addi %mul3A_1181, %mul3A_1183 : i32
    %add3A_1185 = arith.constant 8000 : i32
    %add3A_1186 = arith.addi %add3A_1184, %add3A_1185 : i32
    %dma_start3A_1187 = arith.constant 0 : i32
    %dma_start3A_1188 = tpu.memref_slice %arg11[%dma_start3A_1187] : memref<8000xf32, #tpu.memory_space<vmem>> -> memref<4000xf32, #tpu.memory_space<vmem>>
    %dma_start3A_1189 = tpu.memref_slice %arg4[%add3A_1186] : memref<2560000xf32, #tpu.memory_space<hbm>> -> memref<4000xf32, #tpu.memory_space<hbm>>
    %dma_start3A_1190 = tpu.memref_slice %arg4[%add3A_1186] : memref<2560000xf32, #tpu.memory_space<hbm>> -> memref<4000xf32, #tpu.memory_space<hbm>>
    %dma_start3A_1191 = arith.constant 0 : i32
    %dma_start3A_1192 = tpu.memref_slice %arg11[%dma_start3A_1191] : memref<8000xf32, #tpu.memory_space<vmem>> -> memref<4000xf32, #tpu.memory_space<vmem>>
    tpu.enqueue_dma source(%dma_start3A_1192 : memref<4000xf32, #tpu.memory_space<vmem>>) target(%dma_start3A_1190 : memref<4000xf32, #tpu.memory_space<hbm>>) target_semaphore(%arg16 : memref<!tpu.dma_semaphore, #tpu.memory_space<semaphore_mem>>)
    %mul3A_1193 = arith.constant 80000 : i32
    %mul3A_1194 = arith.muli %arg1, %mul3A_1193 : i32
    %add3A_1195 = arith.constant 12000 : i32
    %add3A_1196 = arith.addi %mul3A_1194, %add3A_1195 : i32
    %dma_wait3A_1197 = arith.constant 4000 : i32
    %dma_wait3A_1198 = tpu.memref_slice %arg11[%dma_wait3A_1197] : memref<8000xf32, #tpu.memory_space<vmem>> -> memref<4000xf32, #tpu.memory_space<vmem>>
    %dma_wait3A_1199 = tpu.memref_slice %arg13[%add3A_1196] : memref<1280000xf32, #tpu.memory_space<vmem_shared>> -> memref<4000xf32, #tpu.memory_space<vmem_shared>>
    %dma_wait3A_1200 = arith.constant 4000 : i32
    %dma_wait3A_1201 = tpu.memref_slice %arg11[%dma_wait3A_1200] : memref<8000xf32, #tpu.memory_space<vmem>> -> memref<4000xf32, #tpu.memory_space<vmem>>
    %dma_wait3A_1202 = tpu.memref_slice %arg13[%add3A_1196] : memref<1280000xf32, #tpu.memory_space<vmem_shared>> -> memref<4000xf32, #tpu.memory_space<vmem_shared>>
    tpu.wait_dma2 semaphore(%arg15 : memref<!tpu.dma_semaphore, #tpu.memory_space<semaphore_mem>>) src(%dma_wait3A_1202 : memref<4000xf32, #tpu.memory_space<vmem_shared>>) dst(%dma_wait3A_1201 : memref<4000xf32, #tpu.memory_space<vmem>>)
    %mul3A_1203 = arith.constant 1280000 : i32
    %mul3A_1204 = arith.muli %arg0, %mul3A_1203 : i32
    %mul3A_1205 = arith.constant 80000 : i32
    %mul3A_1206 = arith.muli %arg1, %mul3A_1205 : i32
    %add3A_1207 = arith.addi %mul3A_1204, %mul3A_1206 : i32
    %add3A_1208 = arith.constant 8000 : i32
    %add3A_1209 = arith.addi %add3A_1207, %add3A_1208 : i32
    %dma_wait3A_1210 = arith.constant 0 : i32
    %dma_wait3A_1211 = tpu.memref_slice %arg11[%dma_wait3A_1210] : memref<8000xf32, #tpu.memory_space<vmem>> -> memref<4000xf32, #tpu.memory_space<vmem>>
    %dma_wait3A_1212 = tpu.memref_slice %arg4[%add3A_1209] : memref<2560000xf32, #tpu.memory_space<hbm>> -> memref<4000xf32, #tpu.memory_space<hbm>>
    %dma_wait3A_1213 = tpu.memref_slice %arg4[%add3A_1209] : memref<2560000xf32, #tpu.memory_space<hbm>> -> memref<4000xf32, #tpu.memory_space<hbm>>
    %dma_wait3A_1214 = arith.constant 0 : i32
    %dma_wait3A_1215 = tpu.memref_slice %arg11[%dma_wait3A_1214] : memref<8000xf32, #tpu.memory_space<vmem>> -> memref<4000xf32, #tpu.memory_space<vmem>>
    tpu.wait_dma2 semaphore(%arg16 : memref<!tpu.dma_semaphore, #tpu.memory_space<semaphore_mem>>) src(%dma_wait3A_1215 : memref<4000xf32, #tpu.memory_space<vmem>>) dst(%dma_wait3A_1213 : memref<4000xf32, #tpu.memory_space<hbm>>)
    %mul3A_1216 = arith.constant 80000 : i32
    %mul3A_1217 = arith.muli %arg1, %mul3A_1216 : i32
    %add3A_1218 = arith.constant 16000 : i32
    %add3A_1219 = arith.addi %mul3A_1217, %add3A_1218 : i32
    %dma_start3A_1220 = arith.constant 0 : i32
    %dma_start3A_1221 = tpu.memref_slice %arg11[%dma_start3A_1220] : memref<8000xf32, #tpu.memory_space<vmem>> -> memref<4000xf32, #tpu.memory_space<vmem>>
    %dma_start3A_1222 = tpu.memref_slice %arg13[%add3A_1219] : memref<1280000xf32, #tpu.memory_space<vmem_shared>> -> memref<4000xf32, #tpu.memory_space<vmem_shared>>
    %dma_start3A_1223 = arith.constant 0 : i32
    %dma_start3A_1224 = tpu.memref_slice %arg11[%dma_start3A_1223] : memref<8000xf32, #tpu.memory_space<vmem>> -> memref<4000xf32, #tpu.memory_space<vmem>>
    %dma_start3A_1225 = tpu.memref_slice %arg13[%add3A_1219] : memref<1280000xf32, #tpu.memory_space<vmem_shared>> -> memref<4000xf32, #tpu.memory_space<vmem_shared>>
    tpu.enqueue_dma source(%dma_start3A_1225 : memref<4000xf32, #tpu.memory_space<vmem_shared>>) target(%dma_start3A_1224 : memref<4000xf32, #tpu.memory_space<vmem>>) target_semaphore(%arg15 : memref<!tpu.dma_semaphore, #tpu.memory_space<semaphore_mem>>)
    %mul3A_1226 = arith.constant 1280000 : i32
    %mul3A_1227 = arith.muli %arg0, %mul3A_1226 : i32
    %mul3A_1228 = arith.constant 80000 : i32
    %mul3A_1229 = arith.muli %arg1, %mul3A_1228 : i32
    %add3A_1230 = arith.addi %mul3A_1227, %mul3A_1229 : i32
    %add3A_1231 = arith.constant 12000 : i32
    %add3A_1232 = arith.addi %add3A_1230, %add3A_1231 : i32
    %dma_start3A_1233 = arith.constant 4000 : i32
    %dma_start3A_1234 = tpu.memref_slice %arg11[%dma_start3A_1233] : memref<8000xf32, #tpu.memory_space<vmem>> -> memref<4000xf32, #tpu.memory_space<vmem>>
    %dma_start3A_1235 = tpu.memref_slice %arg4[%add3A_1232] : memref<2560000xf32, #tpu.memory_space<hbm>> -> memref<4000xf32, #tpu.memory_space<hbm>>
    %dma_start3A_1236 = tpu.memref_slice %arg4[%add3A_1232] : memref<2560000xf32, #tpu.memory_space<hbm>> -> memref<4000xf32, #tpu.memory_space<hbm>>
    %dma_start3A_1237 = arith.constant 4000 : i32
    %dma_start3A_1238 = tpu.memref_slice %arg11[%dma_start3A_1237] : memref<8000xf32, #tpu.memory_space<vmem>> -> memref<4000xf32, #tpu.memory_space<vmem>>
    tpu.enqueue_dma source(%dma_start3A_1238 : memref<4000xf32, #tpu.memory_space<vmem>>) target(%dma_start3A_1236 : memref<4000xf32, #tpu.memory_space<hbm>>) target_semaphore(%arg16 : memref<!tpu.dma_semaphore, #tpu.memory_space<semaphore_mem>>)
    %mul3A_1239 = arith.constant 80000 : i32
    %mul3A_1240 = arith.muli %arg1, %mul3A_1239 : i32
    %add3A_1241 = arith.constant 16000 : i32
    %add3A_1242 = arith.addi %mul3A_1240, %add3A_1241 : i32
    %dma_wait3A_1243 = arith.constant 0 : i32
    %dma_wait3A_1244 = tpu.memref_slice %arg11[%dma_wait3A_1243] : memref<8000xf32, #tpu.memory_space<vmem>> -> memref<4000xf32, #tpu.memory_space<vmem>>
    %dma_wait3A_1245 = tpu.memref_slice %arg13[%add3A_1242] : memref<1280000xf32, #tpu.memory_space<vmem_shared>> -> memref<4000xf32, #tpu.memory_space<vmem_shared>>
    %dma_wait3A_1246 = arith.constant 0 : i32
    %dma_wait3A_1247 = tpu.memref_slice %arg11[%dma_wait3A_1246] : memref<8000xf32, #tpu.memory_space<vmem>> -> memref<4000xf32, #tpu.memory_space<vmem>>
    %dma_wait3A_1248 = tpu.memref_slice %arg13[%add3A_1242] : memref<1280000xf32, #tpu.memory_space<vmem_shared>> -> memref<4000xf32, #tpu.memory_space<vmem_shared>>
    tpu.wait_dma2 semaphore(%arg15 : memref<!tpu.dma_semaphore, #tpu.memory_space<semaphore_mem>>) src(%dma_wait3A_1248 : memref<4000xf32, #tpu.memory_space<vmem_shared>>) dst(%dma_wait3A_1247 : memref<4000xf32, #tpu.memory_space<vmem>>)
    %mul3A_1249 = arith.constant 1280000 : i32
    %mul3A_1250 = arith.muli %arg0, %mul3A_1249 : i32
    %mul3A_1251 = arith.constant 80000 : i32
    %mul3A_1252 = arith.muli %arg1, %mul3A_1251 : i32
    %add3A_1253 = arith.addi %mul3A_1250, %mul3A_1252 : i32
    %add3A_1254 = arith.constant 12000 : i32
    %add3A_1255 = arith.addi %add3A_1253, %add3A_1254 : i32
    %dma_wait3A_1256 = arith.constant 4000 : i32
    %dma_wait3A_1257 = tpu.memref_slice %arg11[%dma_wait3A_1256] : memref<8000xf32, #tpu.memory_space<vmem>> -> memref<4000xf32, #tpu.memory_space<vmem>>
    %dma_wait3A_1258 = tpu.memref_slice %arg4[%add3A_1255] : memref<2560000xf32, #tpu.memory_space<hbm>> -> memref<4000xf32, #tpu.memory_space<hbm>>
    %dma_wait3A_1259 = tpu.memref_slice %arg4[%add3A_1255] : memref<2560000xf32, #tpu.memory_space<hbm>> -> memref<4000xf32, #tpu.memory_space<hbm>>
    %dma_wait3A_1260 = arith.constant 4000 : i32
    %dma_wait3A_1261 = tpu.memref_slice %arg11[%dma_wait3A_1260] : memref<8000xf32, #tpu.memory_space<vmem>> -> memref<4000xf32, #tpu.memory_space<vmem>>
    tpu.wait_dma2 semaphore(%arg16 : memref<!tpu.dma_semaphore, #tpu.memory_space<semaphore_mem>>) src(%dma_wait3A_1261 : memref<4000xf32, #tpu.memory_space<vmem>>) dst(%dma_wait3A_1259 : memref<4000xf32, #tpu.memory_space<hbm>>)
    %mul3A_1262 = arith.constant 80000 : i32
    %mul3A_1263 = arith.muli %arg1, %mul3A_1262 : i32
    %add3A_1264 = arith.constant 20000 : i32
    %add3A_1265 = arith.addi %mul3A_1263, %add3A_1264 : i32
    %dma_start3A_1266 = arith.constant 4000 : i32
    %dma_start3A_1267 = tpu.memref_slice %arg11[%dma_start3A_1266] : memref<8000xf32, #tpu.memory_space<vmem>> -> memref<4000xf32, #tpu.memory_space<vmem>>
    %dma_start3A_1268 = tpu.memref_slice %arg13[%add3A_1265] : memref<1280000xf32, #tpu.memory_space<vmem_shared>> -> memref<4000xf32, #tpu.memory_space<vmem_shared>>
    %dma_start3A_1269 = arith.constant 4000 : i32
    %dma_start3A_1270 = tpu.memref_slice %arg11[%dma_start3A_1269] : memref<8000xf32, #tpu.memory_space<vmem>> -> memref<4000xf32, #tpu.memory_space<vmem>>
    %dma_start3A_1271 = tpu.memref_slice %arg13[%add3A_1265] : memref<1280000xf32, #tpu.memory_space<vmem_shared>> -> memref<4000xf32, #tpu.memory_space<vmem_shared>>
    tpu.enqueue_dma source(%dma_start3A_1271 : memref<4000xf32, #tpu.memory_space<vmem_shared>>) target(%dma_start3A_1270 : memref<4000xf32, #tpu.memory_space<vmem>>) target_semaphore(%arg15 : memref<!tpu.dma_semaphore, #tpu.memory_space<semaphore_mem>>)
    %mul3A_1272 = arith.constant 1280000 : i32
    %mul3A_1273 = arith.muli %arg0, %mul3A_1272 : i32
    %mul3A_1274 = arith.constant 80000 : i32
    %mul3A_1275 = arith.muli %arg1, %mul3A_1274 : i32
    %add3A_1276 = arith.addi %mul3A_1273, %mul3A_1275 : i32
    %add3A_1277 = arith.constant 16000 : i32
    %add3A_1278 = arith.addi %add3A_1276, %add3A_1277 : i32
    %dma_start3A_1279 = arith.constant 0 : i32
    %dma_start3A_1280 = tpu.memref_slice %arg11[%dma_start3A_1279] : memref<8000xf32, #tpu.memory_space<vmem>> -> memref<4000xf32, #tpu.memory_space<vmem>>
    %dma_start3A_1281 = tpu.memref_slice %arg4[%add3A_1278] : memref<2560000xf32, #tpu.memory_space<hbm>> -> memref<4000xf32, #tpu.memory_space<hbm>>
    %dma_start3A_1282 = tpu.memref_slice %arg4[%add3A_1278] : memref<2560000xf32, #tpu.memory_space<hbm>> -> memref<4000xf32, #tpu.memory_space<hbm>>
    %dma_start3A_1283 = arith.constant 0 : i32
    %dma_start3A_1284 = tpu.memref_slice %arg11[%dma_start3A_1283] : memref<8000xf32, #tpu.memory_space<vmem>> -> memref<4000xf32, #tpu.memory_space<vmem>>
    tpu.enqueue_dma source(%dma_start3A_1284 : memref<4000xf32, #tpu.memory_space<vmem>>) target(%dma_start3A_1282 : memref<4000xf32, #tpu.memory_space<hbm>>) target_semaphore(%arg16 : memref<!tpu.dma_semaphore, #tpu.memory_space<semaphore_mem>>)
    %mul3A_1285 = arith.constant 80000 : i32
    %mul3A_1286 = arith.muli %arg1, %mul3A_1285 : i32
    %add3A_1287 = arith.constant 20000 : i32
    %add3A_1288 = arith.addi %mul3A_1286, %add3A_1287 : i32
    %dma_wait3A_1289 = arith.constant 4000 : i32
    %dma_wait3A_1290 = tpu.memref_slice %arg11[%dma_wait3A_1289] : memref<8000xf32, #tpu.memory_space<vmem>> -> memref<4000xf32, #tpu.memory_space<vmem>>
    %dma_wait3A_1291 = tpu.memref_slice %arg13[%add3A_1288] : memref<1280000xf32, #tpu.memory_space<vmem_shared>> -> memref<4000xf32, #tpu.memory_space<vmem_shared>>
    %dma_wait3A_1292 = arith.constant 4000 : i32
    %dma_wait3A_1293 = tpu.memref_slice %arg11[%dma_wait3A_1292] : memref<8000xf32, #tpu.memory_space<vmem>> -> memref<4000xf32, #tpu.memory_space<vmem>>
    %dma_wait3A_1294 = tpu.memref_slice %arg13[%add3A_1288] : memref<1280000xf32, #tpu.memory_space<vmem_shared>> -> memref<4000xf32, #tpu.memory_space<vmem_shared>>
    tpu.wait_dma2 semaphore(%arg15 : memref<!tpu.dma_semaphore, #tpu.memory_space<semaphore_mem>>) src(%dma_wait3A_1294 : memref<4000xf32, #tpu.memory_space<vmem_shared>>) dst(%dma_wait3A_1293 : memref<4000xf32, #tpu.memory_space<vmem>>)
    %mul3A_1295 = arith.constant 1280000 : i32
    %mul3A_1296 = arith.muli %arg0, %mul3A_1295 : i32
    %mul3A_1297 = arith.constant 80000 : i32
    %mul3A_1298 = arith.muli %arg1, %mul3A_1297 : i32
    %add3A_1299 = arith.addi %mul3A_1296, %mul3A_1298 : i32
    %add3A_1300 = arith.constant 16000 : i32
    %add3A_1301 = arith.addi %add3A_1299, %add3A_1300 : i32
    %dma_wait3A_1302 = arith.constant 0 : i32
    %dma_wait3A_1303 = tpu.memref_slice %arg11[%dma_wait3A_1302] : memref<8000xf32, #tpu.memory_space<vmem>> -> memref<4000xf32, #tpu.memory_space<vmem>>
    %dma_wait3A_1304 = tpu.memref_slice %arg4[%add3A_1301] : memref<2560000xf32, #tpu.memory_space<hbm>> -> memref<4000xf32, #tpu.memory_space<hbm>>
    %dma_wait3A_1305 = tpu.memref_slice %arg4[%add3A_1301] : memref<2560000xf32, #tpu.memory_space<hbm>> -> memref<4000xf32, #tpu.memory_space<hbm>>
    %dma_wait3A_1306 = arith.constant 0 : i32
    %dma_wait3A_1307 = tpu.memref_slice %arg11[%dma_wait3A_1306] : memref<8000xf32, #tpu.memory_space<vmem>> -> memref<4000xf32, #tpu.memory_space<vmem>>
    tpu.wait_dma2 semaphore(%arg16 : memref<!tpu.dma_semaphore, #tpu.memory_space<semaphore_mem>>) src(%dma_wait3A_1307 : memref<4000xf32, #tpu.memory_space<vmem>>) dst(%dma_wait3A_1305 : memref<4000xf32, #tpu.memory_space<hbm>>)
    %mul3A_1308 = arith.constant 80000 : i32
    %mul3A_1309 = arith.muli %arg1, %mul3A_1308 : i32
    %add3A_1310 = arith.constant 24000 : i32
    %add3A_1311 = arith.addi %mul3A_1309, %add3A_1310 : i32
    %dma_start3A_1312 = arith.constant 0 : i32
    %dma_start3A_1313 = tpu.memref_slice %arg11[%dma_start3A_1312] : memref<8000xf32, #tpu.memory_space<vmem>> -> memref<4000xf32, #tpu.memory_space<vmem>>
    %dma_start3A_1314 = tpu.memref_slice %arg13[%add3A_1311] : memref<1280000xf32, #tpu.memory_space<vmem_shared>> -> memref<4000xf32, #tpu.memory_space<vmem_shared>>
    %dma_start3A_1315 = arith.constant 0 : i32
    %dma_start3A_1316 = tpu.memref_slice %arg11[%dma_start3A_1315] : memref<8000xf32, #tpu.memory_space<vmem>> -> memref<4000xf32, #tpu.memory_space<vmem>>
    %dma_start3A_1317 = tpu.memref_slice %arg13[%add3A_1311] : memref<1280000xf32, #tpu.memory_space<vmem_shared>> -> memref<4000xf32, #tpu.memory_space<vmem_shared>>
    tpu.enqueue_dma source(%dma_start3A_1317 : memref<4000xf32, #tpu.memory_space<vmem_shared>>) target(%dma_start3A_1316 : memref<4000xf32, #tpu.memory_space<vmem>>) target_semaphore(%arg15 : memref<!tpu.dma_semaphore, #tpu.memory_space<semaphore_mem>>)
    %mul3A_1318 = arith.constant 1280000 : i32
    %mul3A_1319 = arith.muli %arg0, %mul3A_1318 : i32
    %mul3A_1320 = arith.constant 80000 : i32
    %mul3A_1321 = arith.muli %arg1, %mul3A_1320 : i32
    %add3A_1322 = arith.addi %mul3A_1319, %mul3A_1321 : i32
    %add3A_1323 = arith.constant 20000 : i32
    %add3A_1324 = arith.addi %add3A_1322, %add3A_1323 : i32
    %dma_start3A_1325 = arith.constant 4000 : i32
    %dma_start3A_1326 = tpu.memref_slice %arg11[%dma_start3A_1325] : memref<8000xf32, #tpu.memory_space<vmem>> -> memref<4000xf32, #tpu.memory_space<vmem>>
    %dma_start3A_1327 = tpu.memref_slice %arg4[%add3A_1324] : memref<2560000xf32, #tpu.memory_space<hbm>> -> memref<4000xf32, #tpu.memory_space<hbm>>
    %dma_start3A_1328 = tpu.memref_slice %arg4[%add3A_1324] : memref<2560000xf32, #tpu.memory_space<hbm>> -> memref<4000xf32, #tpu.memory_space<hbm>>
    %dma_start3A_1329 = arith.constant 4000 : i32
    %dma_start3A_1330 = tpu.memref_slice %arg11[%dma_start3A_1329] : memref<8000xf32, #tpu.memory_space<vmem>> -> memref<4000xf32, #tpu.memory_space<vmem>>
    tpu.enqueue_dma source(%dma_start3A_1330 : memref<4000xf32, #tpu.memory_space<vmem>>) target(%dma_start3A_1328 : memref<4000xf32, #tpu.memory_space<hbm>>) target_semaphore(%arg16 : memref<!tpu.dma_semaphore, #tpu.memory_space<semaphore_mem>>)
    %mul3A_1331 = arith.constant 80000 : i32
    %mul3A_1332 = arith.muli %arg1, %mul3A_1331 : i32
    %add3A_1333 = arith.constant 24000 : i32
    %add3A_1334 = arith.addi %mul3A_1332, %add3A_1333 : i32
    %dma_wait3A_1335 = arith.constant 0 : i32
    %dma_wait3A_1336 = tpu.memref_slice %arg11[%dma_wait3A_1335] : memref<8000xf32, #tpu.memory_space<vmem>> -> memref<4000xf32, #tpu.memory_space<vmem>>
    %dma_wait3A_1337 = tpu.memref_slice %arg13[%add3A_1334] : memref<1280000xf32, #tpu.memory_space<vmem_shared>> -> memref<4000xf32, #tpu.memory_space<vmem_shared>>
    %dma_wait3A_1338 = arith.constant 0 : i32
    %dma_wait3A_1339 = tpu.memref_slice %arg11[%dma_wait3A_1338] : memref<8000xf32, #tpu.memory_space<vmem>> -> memref<4000xf32, #tpu.memory_space<vmem>>
    %dma_wait3A_1340 = tpu.memref_slice %arg13[%add3A_1334] : memref<1280000xf32, #tpu.memory_space<vmem_shared>> -> memref<4000xf32, #tpu.memory_space<vmem_shared>>
    tpu.wait_dma2 semaphore(%arg15 : memref<!tpu.dma_semaphore, #tpu.memory_space<semaphore_mem>>) src(%dma_wait3A_1340 : memref<4000xf32, #tpu.memory_space<vmem_shared>>) dst(%dma_wait3A_1339 : memref<4000xf32, #tpu.memory_space<vmem>>)
    %mul3A_1341 = arith.constant 1280000 : i32
    %mul3A_1342 = arith.muli %arg0, %mul3A_1341 : i32
    %mul3A_1343 = arith.constant 80000 : i32
    %mul3A_1344 = arith.muli %arg1, %mul3A_1343 : i32
    %add3A_1345 = arith.addi %mul3A_1342, %mul3A_1344 : i32
    %add3A_1346 = arith.constant 20000 : i32
    %add3A_1347 = arith.addi %add3A_1345, %add3A_1346 : i32
    %dma_wait3A_1348 = arith.constant 4000 : i32
    %dma_wait3A_1349 = tpu.memref_slice %arg11[%dma_wait3A_1348] : memref<8000xf32, #tpu.memory_space<vmem>> -> memref<4000xf32, #tpu.memory_space<vmem>>
    %dma_wait3A_1350 = tpu.memref_slice %arg4[%add3A_1347] : memref<2560000xf32, #tpu.memory_space<hbm>> -> memref<4000xf32, #tpu.memory_space<hbm>>
    %dma_wait3A_1351 = tpu.memref_slice %arg4[%add3A_1347] : memref<2560000xf32, #tpu.memory_space<hbm>> -> memref<4000xf32, #tpu.memory_space<hbm>>
    %dma_wait3A_1352 = arith.constant 4000 : i32
    %dma_wait3A_1353 = tpu.memref_slice %arg11[%dma_wait3A_1352] : memref<8000xf32, #tpu.memory_space<vmem>> -> memref<4000xf32, #tpu.memory_space<vmem>>
    tpu.wait_dma2 semaphore(%arg16 : memref<!tpu.dma_semaphore, #tpu.memory_space<semaphore_mem>>) src(%dma_wait3A_1353 : memref<4000xf32, #tpu.memory_space<vmem>>) dst(%dma_wait3A_1351 : memref<4000xf32, #tpu.memory_space<hbm>>)
    %mul3A_1354 = arith.constant 80000 : i32
    %mul3A_1355 = arith.muli %arg1, %mul3A_1354 : i32
    %add3A_1356 = arith.constant 28000 : i32
    %add3A_1357 = arith.addi %mul3A_1355, %add3A_1356 : i32
    %dma_start3A_1358 = arith.constant 4000 : i32
    %dma_start3A_1359 = tpu.memref_slice %arg11[%dma_start3A_1358] : memref<8000xf32, #tpu.memory_space<vmem>> -> memref<4000xf32, #tpu.memory_space<vmem>>
    %dma_start3A_1360 = tpu.memref_slice %arg13[%add3A_1357] : memref<1280000xf32, #tpu.memory_space<vmem_shared>> -> memref<4000xf32, #tpu.memory_space<vmem_shared>>
    %dma_start3A_1361 = arith.constant 4000 : i32
    %dma_start3A_1362 = tpu.memref_slice %arg11[%dma_start3A_1361] : memref<8000xf32, #tpu.memory_space<vmem>> -> memref<4000xf32, #tpu.memory_space<vmem>>
    %dma_start3A_1363 = tpu.memref_slice %arg13[%add3A_1357] : memref<1280000xf32, #tpu.memory_space<vmem_shared>> -> memref<4000xf32, #tpu.memory_space<vmem_shared>>
    tpu.enqueue_dma source(%dma_start3A_1363 : memref<4000xf32, #tpu.memory_space<vmem_shared>>) target(%dma_start3A_1362 : memref<4000xf32, #tpu.memory_space<vmem>>) target_semaphore(%arg15 : memref<!tpu.dma_semaphore, #tpu.memory_space<semaphore_mem>>)
    %mul3A_1364 = arith.constant 1280000 : i32
    %mul3A_1365 = arith.muli %arg0, %mul3A_1364 : i32
    %mul3A_1366 = arith.constant 80000 : i32
    %mul3A_1367 = arith.muli %arg1, %mul3A_1366 : i32
    %add3A_1368 = arith.addi %mul3A_1365, %mul3A_1367 : i32
    %add3A_1369 = arith.constant 24000 : i32
    %add3A_1370 = arith.addi %add3A_1368, %add3A_1369 : i32
    %dma_start3A_1371 = arith.constant 0 : i32
    %dma_start3A_1372 = tpu.memref_slice %arg11[%dma_start3A_1371] : memref<8000xf32, #tpu.memory_space<vmem>> -> memref<4000xf32, #tpu.memory_space<vmem>>
    %dma_start3A_1373 = tpu.memref_slice %arg4[%add3A_1370] : memref<2560000xf32, #tpu.memory_space<hbm>> -> memref<4000xf32, #tpu.memory_space<hbm>>
    %dma_start3A_1374 = tpu.memref_slice %arg4[%add3A_1370] : memref<2560000xf32, #tpu.memory_space<hbm>> -> memref<4000xf32, #tpu.memory_space<hbm>>
    %dma_start3A_1375 = arith.constant 0 : i32
    %dma_start3A_1376 = tpu.memref_slice %arg11[%dma_start3A_1375] : memref<8000xf32, #tpu.memory_space<vmem>> -> memref<4000xf32, #tpu.memory_space<vmem>>
    tpu.enqueue_dma source(%dma_start3A_1376 : memref<4000xf32, #tpu.memory_space<vmem>>) target(%dma_start3A_1374 : memref<4000xf32, #tpu.memory_space<hbm>>) target_semaphore(%arg16 : memref<!tpu.dma_semaphore, #tpu.memory_space<semaphore_mem>>)
    %mul3A_1377 = arith.constant 80000 : i32
    %mul3A_1378 = arith.muli %arg1, %mul3A_1377 : i32
    %add3A_1379 = arith.constant 28000 : i32
    %add3A_1380 = arith.addi %mul3A_1378, %add3A_1379 : i32
    %dma_wait3A_1381 = arith.constant 4000 : i32
    %dma_wait3A_1382 = tpu.memref_slice %arg11[%dma_wait3A_1381] : memref<8000xf32, #tpu.memory_space<vmem>> -> memref<4000xf32, #tpu.memory_space<vmem>>
    %dma_wait3A_1383 = tpu.memref_slice %arg13[%add3A_1380] : memref<1280000xf32, #tpu.memory_space<vmem_shared>> -> memref<4000xf32, #tpu.memory_space<vmem_shared>>
    %dma_wait3A_1384 = arith.constant 4000 : i32
    %dma_wait3A_1385 = tpu.memref_slice %arg11[%dma_wait3A_1384] : memref<8000xf32, #tpu.memory_space<vmem>> -> memref<4000xf32, #tpu.memory_space<vmem>>
    %dma_wait3A_1386 = tpu.memref_slice %arg13[%add3A_1380] : memref<1280000xf32, #tpu.memory_space<vmem_shared>> -> memref<4000xf32, #tpu.memory_space<vmem_shared>>
    tpu.wait_dma2 semaphore(%arg15 : memref<!tpu.dma_semaphore, #tpu.memory_space<semaphore_mem>>) src(%dma_wait3A_1386 : memref<4000xf32, #tpu.memory_space<vmem_shared>>) dst(%dma_wait3A_1385 : memref<4000xf32, #tpu.memory_space<vmem>>)
    %mul3A_1387 = arith.constant 1280000 : i32
    %mul3A_1388 = arith.muli %arg0, %mul3A_1387 : i32
    %mul3A_1389 = arith.constant 80000 : i32
    %mul3A_1390 = arith.muli %arg1, %mul3A_1389 : i32
    %add3A_1391 = arith.addi %mul3A_1388, %mul3A_1390 : i32
    %add3A_1392 = arith.constant 24000 : i32
    %add3A_1393 = arith.addi %add3A_1391, %add3A_1392 : i32
    %dma_wait3A_1394 = arith.constant 0 : i32
    %dma_wait3A_1395 = tpu.memref_slice %arg11[%dma_wait3A_1394] : memref<8000xf32, #tpu.memory_space<vmem>> -> memref<4000xf32, #tpu.memory_space<vmem>>
    %dma_wait3A_1396 = tpu.memref_slice %arg4[%add3A_1393] : memref<2560000xf32, #tpu.memory_space<hbm>> -> memref<4000xf32, #tpu.memory_space<hbm>>
    %dma_wait3A_1397 = tpu.memref_slice %arg4[%add3A_1393] : memref<2560000xf32, #tpu.memory_space<hbm>> -> memref<4000xf32, #tpu.memory_space<hbm>>
    %dma_wait3A_1398 = arith.constant 0 : i32
    %dma_wait3A_1399 = tpu.memref_slice %arg11[%dma_wait3A_1398] : memref<8000xf32, #tpu.memory_space<vmem>> -> memref<4000xf32, #tpu.memory_space<vmem>>
    tpu.wait_dma2 semaphore(%arg16 : memref<!tpu.dma_semaphore, #tpu.memory_space<semaphore_mem>>) src(%dma_wait3A_1399 : memref<4000xf32, #tpu.memory_space<vmem>>) dst(%dma_wait3A_1397 : memref<4000xf32, #tpu.memory_space<hbm>>)
    %mul3A_1400 = arith.constant 80000 : i32
    %mul3A_1401 = arith.muli %arg1, %mul3A_1400 : i32
    %add3A_1402 = arith.constant 32000 : i32
    %add3A_1403 = arith.addi %mul3A_1401, %add3A_1402 : i32
    %dma_start3A_1404 = arith.constant 0 : i32
    %dma_start3A_1405 = tpu.memref_slice %arg11[%dma_start3A_1404] : memref<8000xf32, #tpu.memory_space<vmem>> -> memref<4000xf32, #tpu.memory_space<vmem>>
    %dma_start3A_1406 = tpu.memref_slice %arg13[%add3A_1403] : memref<1280000xf32, #tpu.memory_space<vmem_shared>> -> memref<4000xf32, #tpu.memory_space<vmem_shared>>
    %dma_start3A_1407 = arith.constant 0 : i32
    %dma_start3A_1408 = tpu.memref_slice %arg11[%dma_start3A_1407] : memref<8000xf32, #tpu.memory_space<vmem>> -> memref<4000xf32, #tpu.memory_space<vmem>>
    %dma_start3A_1409 = tpu.memref_slice %arg13[%add3A_1403] : memref<1280000xf32, #tpu.memory_space<vmem_shared>> -> memref<4000xf32, #tpu.memory_space<vmem_shared>>
    tpu.enqueue_dma source(%dma_start3A_1409 : memref<4000xf32, #tpu.memory_space<vmem_shared>>) target(%dma_start3A_1408 : memref<4000xf32, #tpu.memory_space<vmem>>) target_semaphore(%arg15 : memref<!tpu.dma_semaphore, #tpu.memory_space<semaphore_mem>>)
    %mul3A_1410 = arith.constant 1280000 : i32
    %mul3A_1411 = arith.muli %arg0, %mul3A_1410 : i32
    %mul3A_1412 = arith.constant 80000 : i32
    %mul3A_1413 = arith.muli %arg1, %mul3A_1412 : i32
    %add3A_1414 = arith.addi %mul3A_1411, %mul3A_1413 : i32
    %add3A_1415 = arith.constant 28000 : i32
    %add3A_1416 = arith.addi %add3A_1414, %add3A_1415 : i32
    %dma_start3A_1417 = arith.constant 4000 : i32
    %dma_start3A_1418 = tpu.memref_slice %arg11[%dma_start3A_1417] : memref<8000xf32, #tpu.memory_space<vmem>> -> memref<4000xf32, #tpu.memory_space<vmem>>
    %dma_start3A_1419 = tpu.memref_slice %arg4[%add3A_1416] : memref<2560000xf32, #tpu.memory_space<hbm>> -> memref<4000xf32, #tpu.memory_space<hbm>>
    %dma_start3A_1420 = tpu.memref_slice %arg4[%add3A_1416] : memref<2560000xf32, #tpu.memory_space<hbm>> -> memref<4000xf32, #tpu.memory_space<hbm>>
    %dma_start3A_1421 = arith.constant 4000 : i32
    %dma_start3A_1422 = tpu.memref_slice %arg11[%dma_start3A_1421] : memref<8000xf32, #tpu.memory_space<vmem>> -> memref<4000xf32, #tpu.memory_space<vmem>>
    tpu.enqueue_dma source(%dma_start3A_1422 : memref<4000xf32, #tpu.memory_space<vmem>>) target(%dma_start3A_1420 : memref<4000xf32, #tpu.memory_space<hbm>>) target_semaphore(%arg16 : memref<!tpu.dma_semaphore, #tpu.memory_space<semaphore_mem>>)
    %mul3A_1423 = arith.constant 80000 : i32
    %mul3A_1424 = arith.muli %arg1, %mul3A_1423 : i32
    %add3A_1425 = arith.constant 32000 : i32
    %add3A_1426 = arith.addi %mul3A_1424, %add3A_1425 : i32
    %dma_wait3A_1427 = arith.constant 0 : i32
    %dma_wait3A_1428 = tpu.memref_slice %arg11[%dma_wait3A_1427] : memref<8000xf32, #tpu.memory_space<vmem>> -> memref<4000xf32, #tpu.memory_space<vmem>>
    %dma_wait3A_1429 = tpu.memref_slice %arg13[%add3A_1426] : memref<1280000xf32, #tpu.memory_space<vmem_shared>> -> memref<4000xf32, #tpu.memory_space<vmem_shared>>
    %dma_wait3A_1430 = arith.constant 0 : i32
    %dma_wait3A_1431 = tpu.memref_slice %arg11[%dma_wait3A_1430] : memref<8000xf32, #tpu.memory_space<vmem>> -> memref<4000xf32, #tpu.memory_space<vmem>>
    %dma_wait3A_1432 = tpu.memref_slice %arg13[%add3A_1426] : memref<1280000xf32, #tpu.memory_space<vmem_shared>> -> memref<4000xf32, #tpu.memory_space<vmem_shared>>
    tpu.wait_dma2 semaphore(%arg15 : memref<!tpu.dma_semaphore, #tpu.memory_space<semaphore_mem>>) src(%dma_wait3A_1432 : memref<4000xf32, #tpu.memory_space<vmem_shared>>) dst(%dma_wait3A_1431 : memref<4000xf32, #tpu.memory_space<vmem>>)
    %mul3A_1433 = arith.constant 1280000 : i32
    %mul3A_1434 = arith.muli %arg0, %mul3A_1433 : i32
    %mul3A_1435 = arith.constant 80000 : i32
    %mul3A_1436 = arith.muli %arg1, %mul3A_1435 : i32
    %add3A_1437 = arith.addi %mul3A_1434, %mul3A_1436 : i32
    %add3A_1438 = arith.constant 28000 : i32
    %add3A_1439 = arith.addi %add3A_1437, %add3A_1438 : i32
    %dma_wait3A_1440 = arith.constant 4000 : i32
    %dma_wait3A_1441 = tpu.memref_slice %arg11[%dma_wait3A_1440] : memref<8000xf32, #tpu.memory_space<vmem>> -> memref<4000xf32, #tpu.memory_space<vmem>>
    %dma_wait3A_1442 = tpu.memref_slice %arg4[%add3A_1439] : memref<2560000xf32, #tpu.memory_space<hbm>> -> memref<4000xf32, #tpu.memory_space<hbm>>
    %dma_wait3A_1443 = tpu.memref_slice %arg4[%add3A_1439] : memref<2560000xf32, #tpu.memory_space<hbm>> -> memref<4000xf32, #tpu.memory_space<hbm>>
    %dma_wait3A_1444 = arith.constant 4000 : i32
    %dma_wait3A_1445 = tpu.memref_slice %arg11[%dma_wait3A_1444] : memref<8000xf32, #tpu.memory_space<vmem>> -> memref<4000xf32, #tpu.memory_space<vmem>>
    tpu.wait_dma2 semaphore(%arg16 : memref<!tpu.dma_semaphore, #tpu.memory_space<semaphore_mem>>) src(%dma_wait3A_1445 : memref<4000xf32, #tpu.memory_space<vmem>>) dst(%dma_wait3A_1443 : memref<4000xf32, #tpu.memory_space<hbm>>)
    %mul3A_1446 = arith.constant 80000 : i32
    %mul3A_1447 = arith.muli %arg1, %mul3A_1446 : i32
    %add3A_1448 = arith.constant 36000 : i32
    %add3A_1449 = arith.addi %mul3A_1447, %add3A_1448 : i32
    %dma_start3A_1450 = arith.constant 4000 : i32
    %dma_start3A_1451 = tpu.memref_slice %arg11[%dma_start3A_1450] : memref<8000xf32, #tpu.memory_space<vmem>> -> memref<4000xf32, #tpu.memory_space<vmem>>
    %dma_start3A_1452 = tpu.memref_slice %arg13[%add3A_1449] : memref<1280000xf32, #tpu.memory_space<vmem_shared>> -> memref<4000xf32, #tpu.memory_space<vmem_shared>>
    %dma_start3A_1453 = arith.constant 4000 : i32
    %dma_start3A_1454 = tpu.memref_slice %arg11[%dma_start3A_1453] : memref<8000xf32, #tpu.memory_space<vmem>> -> memref<4000xf32, #tpu.memory_space<vmem>>
    %dma_start3A_1455 = tpu.memref_slice %arg13[%add3A_1449] : memref<1280000xf32, #tpu.memory_space<vmem_shared>> -> memref<4000xf32, #tpu.memory_space<vmem_shared>>
    tpu.enqueue_dma source(%dma_start3A_1455 : memref<4000xf32, #tpu.memory_space<vmem_shared>>) target(%dma_start3A_1454 : memref<4000xf32, #tpu.memory_space<vmem>>) target_semaphore(%arg15 : memref<!tpu.dma_semaphore, #tpu.memory_space<semaphore_mem>>)
    %mul3A_1456 = arith.constant 1280000 : i32
    %mul3A_1457 = arith.muli %arg0, %mul3A_1456 : i32
    %mul3A_1458 = arith.constant 80000 : i32
    %mul3A_1459 = arith.muli %arg1, %mul3A_1458 : i32
    %add3A_1460 = arith.addi %mul3A_1457, %mul3A_1459 : i32
    %add3A_1461 = arith.constant 32000 : i32
    %add3A_1462 = arith.addi %add3A_1460, %add3A_1461 : i32
    %dma_start3A_1463 = arith.constant 0 : i32
    %dma_start3A_1464 = tpu.memref_slice %arg11[%dma_start3A_1463] : memref<8000xf32, #tpu.memory_space<vmem>> -> memref<4000xf32, #tpu.memory_space<vmem>>
    %dma_start3A_1465 = tpu.memref_slice %arg4[%add3A_1462] : memref<2560000xf32, #tpu.memory_space<hbm>> -> memref<4000xf32, #tpu.memory_space<hbm>>
    %dma_start3A_1466 = tpu.memref_slice %arg4[%add3A_1462] : memref<2560000xf32, #tpu.memory_space<hbm>> -> memref<4000xf32, #tpu.memory_space<hbm>>
    %dma_start3A_1467 = arith.constant 0 : i32
    %dma_start3A_1468 = tpu.memref_slice %arg11[%dma_start3A_1467] : memref<8000xf32, #tpu.memory_space<vmem>> -> memref<4000xf32, #tpu.memory_space<vmem>>
    tpu.enqueue_dma source(%dma_start3A_1468 : memref<4000xf32, #tpu.memory_space<vmem>>) target(%dma_start3A_1466 : memref<4000xf32, #tpu.memory_space<hbm>>) target_semaphore(%arg16 : memref<!tpu.dma_semaphore, #tpu.memory_space<semaphore_mem>>)
    %mul3A_1469 = arith.constant 80000 : i32
    %mul3A_1470 = arith.muli %arg1, %mul3A_1469 : i32
    %add3A_1471 = arith.constant 36000 : i32
    %add3A_1472 = arith.addi %mul3A_1470, %add3A_1471 : i32
    %dma_wait3A_1473 = arith.constant 4000 : i32
    %dma_wait3A_1474 = tpu.memref_slice %arg11[%dma_wait3A_1473] : memref<8000xf32, #tpu.memory_space<vmem>> -> memref<4000xf32, #tpu.memory_space<vmem>>
    %dma_wait3A_1475 = tpu.memref_slice %arg13[%add3A_1472] : memref<1280000xf32, #tpu.memory_space<vmem_shared>> -> memref<4000xf32, #tpu.memory_space<vmem_shared>>
    %dma_wait3A_1476 = arith.constant 4000 : i32
    %dma_wait3A_1477 = tpu.memref_slice %arg11[%dma_wait3A_1476] : memref<8000xf32, #tpu.memory_space<vmem>> -> memref<4000xf32, #tpu.memory_space<vmem>>
    %dma_wait3A_1478 = tpu.memref_slice %arg13[%add3A_1472] : memref<1280000xf32, #tpu.memory_space<vmem_shared>> -> memref<4000xf32, #tpu.memory_space<vmem_shared>>
    tpu.wait_dma2 semaphore(%arg15 : memref<!tpu.dma_semaphore, #tpu.memory_space<semaphore_mem>>) src(%dma_wait3A_1478 : memref<4000xf32, #tpu.memory_space<vmem_shared>>) dst(%dma_wait3A_1477 : memref<4000xf32, #tpu.memory_space<vmem>>)
    %mul3A_1479 = arith.constant 1280000 : i32
    %mul3A_1480 = arith.muli %arg0, %mul3A_1479 : i32
    %mul3A_1481 = arith.constant 80000 : i32
    %mul3A_1482 = arith.muli %arg1, %mul3A_1481 : i32
    %add3A_1483 = arith.addi %mul3A_1480, %mul3A_1482 : i32
    %add3A_1484 = arith.constant 32000 : i32
    %add3A_1485 = arith.addi %add3A_1483, %add3A_1484 : i32
    %dma_wait3A_1486 = arith.constant 0 : i32
    %dma_wait3A_1487 = tpu.memref_slice %arg11[%dma_wait3A_1486] : memref<8000xf32, #tpu.memory_space<vmem>> -> memref<4000xf32, #tpu.memory_space<vmem>>
    %dma_wait3A_1488 = tpu.memref_slice %arg4[%add3A_1485] : memref<2560000xf32, #tpu.memory_space<hbm>> -> memref<4000xf32, #tpu.memory_space<hbm>>
    %dma_wait3A_1489 = tpu.memref_slice %arg4[%add3A_1485] : memref<2560000xf32, #tpu.memory_space<hbm>> -> memref<4000xf32, #tpu.memory_space<hbm>>
    %dma_wait3A_1490 = arith.constant 0 : i32
    %dma_wait3A_1491 = tpu.memref_slice %arg11[%dma_wait3A_1490] : memref<8000xf32, #tpu.memory_space<vmem>> -> memref<4000xf32, #tpu.memory_space<vmem>>
    tpu.wait_dma2 semaphore(%arg16 : memref<!tpu.dma_semaphore, #tpu.memory_space<semaphore_mem>>) src(%dma_wait3A_1491 : memref<4000xf32, #tpu.memory_space<vmem>>) dst(%dma_wait3A_1489 : memref<4000xf32, #tpu.memory_space<hbm>>)
    %mul3A_1492 = arith.constant 80000 : i32
    %mul3A_1493 = arith.muli %arg1, %mul3A_1492 : i32
    %add3A_1494 = arith.constant 40000 : i32
    %add3A_1495 = arith.addi %mul3A_1493, %add3A_1494 : i32
    %dma_start3A_1496 = arith.constant 0 : i32
    %dma_start3A_1497 = tpu.memref_slice %arg11[%dma_start3A_1496] : memref<8000xf32, #tpu.memory_space<vmem>> -> memref<4000xf32, #tpu.memory_space<vmem>>
    %dma_start3A_1498 = tpu.memref_slice %arg13[%add3A_1495] : memref<1280000xf32, #tpu.memory_space<vmem_shared>> -> memref<4000xf32, #tpu.memory_space<vmem_shared>>
    %dma_start3A_1499 = arith.constant 0 : i32
    %dma_start3A_1500 = tpu.memref_slice %arg11[%dma_start3A_1499] : memref<8000xf32, #tpu.memory_space<vmem>> -> memref<4000xf32, #tpu.memory_space<vmem>>
    %dma_start3A_1501 = tpu.memref_slice %arg13[%add3A_1495] : memref<1280000xf32, #tpu.memory_space<vmem_shared>> -> memref<4000xf32, #tpu.memory_space<vmem_shared>>
    tpu.enqueue_dma source(%dma_start3A_1501 : memref<4000xf32, #tpu.memory_space<vmem_shared>>) target(%dma_start3A_1500 : memref<4000xf32, #tpu.memory_space<vmem>>) target_semaphore(%arg15 : memref<!tpu.dma_semaphore, #tpu.memory_space<semaphore_mem>>)
    %mul3A_1502 = arith.constant 1280000 : i32
    %mul3A_1503 = arith.muli %arg0, %mul3A_1502 : i32
    %mul3A_1504 = arith.constant 80000 : i32
    %mul3A_1505 = arith.muli %arg1, %mul3A_1504 : i32
    %add3A_1506 = arith.addi %mul3A_1503, %mul3A_1505 : i32
    %add3A_1507 = arith.constant 36000 : i32
    %add3A_1508 = arith.addi %add3A_1506, %add3A_1507 : i32
    %dma_start3A_1509 = arith.constant 4000 : i32
    %dma_start3A_1510 = tpu.memref_slice %arg11[%dma_start3A_1509] : memref<8000xf32, #tpu.memory_space<vmem>> -> memref<4000xf32, #tpu.memory_space<vmem>>
    %dma_start3A_1511 = tpu.memref_slice %arg4[%add3A_1508] : memref<2560000xf32, #tpu.memory_space<hbm>> -> memref<4000xf32, #tpu.memory_space<hbm>>
    %dma_start3A_1512 = tpu.memref_slice %arg4[%add3A_1508] : memref<2560000xf32, #tpu.memory_space<hbm>> -> memref<4000xf32, #tpu.memory_space<hbm>>
    %dma_start3A_1513 = arith.constant 4000 : i32
    %dma_start3A_1514 = tpu.memref_slice %arg11[%dma_start3A_1513] : memref<8000xf32, #tpu.memory_space<vmem>> -> memref<4000xf32, #tpu.memory_space<vmem>>
    tpu.enqueue_dma source(%dma_start3A_1514 : memref<4000xf32, #tpu.memory_space<vmem>>) target(%dma_start3A_1512 : memref<4000xf32, #tpu.memory_space<hbm>>) target_semaphore(%arg16 : memref<!tpu.dma_semaphore, #tpu.memory_space<semaphore_mem>>)
    %mul3A_1515 = arith.constant 80000 : i32
    %mul3A_1516 = arith.muli %arg1, %mul3A_1515 : i32
    %add3A_1517 = arith.constant 40000 : i32
    %add3A_1518 = arith.addi %mul3A_1516, %add3A_1517 : i32
    %dma_wait3A_1519 = arith.constant 0 : i32
    %dma_wait3A_1520 = tpu.memref_slice %arg11[%dma_wait3A_1519] : memref<8000xf32, #tpu.memory_space<vmem>> -> memref<4000xf32, #tpu.memory_space<vmem>>
    %dma_wait3A_1521 = tpu.memref_slice %arg13[%add3A_1518] : memref<1280000xf32, #tpu.memory_space<vmem_shared>> -> memref<4000xf32, #tpu.memory_space<vmem_shared>>
    %dma_wait3A_1522 = arith.constant 0 : i32
    %dma_wait3A_1523 = tpu.memref_slice %arg11[%dma_wait3A_1522] : memref<8000xf32, #tpu.memory_space<vmem>> -> memref<4000xf32, #tpu.memory_space<vmem>>
    %dma_wait3A_1524 = tpu.memref_slice %arg13[%add3A_1518] : memref<1280000xf32, #tpu.memory_space<vmem_shared>> -> memref<4000xf32, #tpu.memory_space<vmem_shared>>
    tpu.wait_dma2 semaphore(%arg15 : memref<!tpu.dma_semaphore, #tpu.memory_space<semaphore_mem>>) src(%dma_wait3A_1524 : memref<4000xf32, #tpu.memory_space<vmem_shared>>) dst(%dma_wait3A_1523 : memref<4000xf32, #tpu.memory_space<vmem>>)
    %mul3A_1525 = arith.constant 1280000 : i32
    %mul3A_1526 = arith.muli %arg0, %mul3A_1525 : i32
    %mul3A_1527 = arith.constant 80000 : i32
    %mul3A_1528 = arith.muli %arg1, %mul3A_1527 : i32
    %add3A_1529 = arith.addi %mul3A_1526, %mul3A_1528 : i32
    %add3A_1530 = arith.constant 36000 : i32
    %add3A_1531 = arith.addi %add3A_1529, %add3A_1530 : i32
    %dma_wait3A_1532 = arith.constant 4000 : i32
    %dma_wait3A_1533 = tpu.memref_slice %arg11[%dma_wait3A_1532] : memref<8000xf32, #tpu.memory_space<vmem>> -> memref<4000xf32, #tpu.memory_space<vmem>>
    %dma_wait3A_1534 = tpu.memref_slice %arg4[%add3A_1531] : memref<2560000xf32, #tpu.memory_space<hbm>> -> memref<4000xf32, #tpu.memory_space<hbm>>
    %dma_wait3A_1535 = tpu.memref_slice %arg4[%add3A_1531] : memref<2560000xf32, #tpu.memory_space<hbm>> -> memref<4000xf32, #tpu.memory_space<hbm>>
    %dma_wait3A_1536 = arith.constant 4000 : i32
    %dma_wait3A_1537 = tpu.memref_slice %arg11[%dma_wait3A_1536] : memref<8000xf32, #tpu.memory_space<vmem>> -> memref<4000xf32, #tpu.memory_space<vmem>>
    tpu.wait_dma2 semaphore(%arg16 : memref<!tpu.dma_semaphore, #tpu.memory_space<semaphore_mem>>) src(%dma_wait3A_1537 : memref<4000xf32, #tpu.memory_space<vmem>>) dst(%dma_wait3A_1535 : memref<4000xf32, #tpu.memory_space<hbm>>)
    %mul3A_1538 = arith.constant 80000 : i32
    %mul3A_1539 = arith.muli %arg1, %mul3A_1538 : i32
    %add3A_1540 = arith.constant 44000 : i32
    %add3A_1541 = arith.addi %mul3A_1539, %add3A_1540 : i32
    %dma_start3A_1542 = arith.constant 4000 : i32
    %dma_start3A_1543 = tpu.memref_slice %arg11[%dma_start3A_1542] : memref<8000xf32, #tpu.memory_space<vmem>> -> memref<4000xf32, #tpu.memory_space<vmem>>
    %dma_start3A_1544 = tpu.memref_slice %arg13[%add3A_1541] : memref<1280000xf32, #tpu.memory_space<vmem_shared>> -> memref<4000xf32, #tpu.memory_space<vmem_shared>>
    %dma_start3A_1545 = arith.constant 4000 : i32
    %dma_start3A_1546 = tpu.memref_slice %arg11[%dma_start3A_1545] : memref<8000xf32, #tpu.memory_space<vmem>> -> memref<4000xf32, #tpu.memory_space<vmem>>
    %dma_start3A_1547 = tpu.memref_slice %arg13[%add3A_1541] : memref<1280000xf32, #tpu.memory_space<vmem_shared>> -> memref<4000xf32, #tpu.memory_space<vmem_shared>>
    tpu.enqueue_dma source(%dma_start3A_1547 : memref<4000xf32, #tpu.memory_space<vmem_shared>>) target(%dma_start3A_1546 : memref<4000xf32, #tpu.memory_space<vmem>>) target_semaphore(%arg15 : memref<!tpu.dma_semaphore, #tpu.memory_space<semaphore_mem>>)
    %mul3A_1548 = arith.constant 1280000 : i32
    %mul3A_1549 = arith.muli %arg0, %mul3A_1548 : i32
    %mul3A_1550 = arith.constant 80000 : i32
    %mul3A_1551 = arith.muli %arg1, %mul3A_1550 : i32
    %add3A_1552 = arith.addi %mul3A_1549, %mul3A_1551 : i32
    %add3A_1553 = arith.constant 40000 : i32
    %add3A_1554 = arith.addi %add3A_1552, %add3A_1553 : i32
    %dma_start3A_1555 = arith.constant 0 : i32
    %dma_start3A_1556 = tpu.memref_slice %arg11[%dma_start3A_1555] : memref<8000xf32, #tpu.memory_space<vmem>> -> memref<4000xf32, #tpu.memory_space<vmem>>
    %dma_start3A_1557 = tpu.memref_slice %arg4[%add3A_1554] : memref<2560000xf32, #tpu.memory_space<hbm>> -> memref<4000xf32, #tpu.memory_space<hbm>>
    %dma_start3A_1558 = tpu.memref_slice %arg4[%add3A_1554] : memref<2560000xf32, #tpu.memory_space<hbm>> -> memref<4000xf32, #tpu.memory_space<hbm>>
    %dma_start3A_1559 = arith.constant 0 : i32
    %dma_start3A_1560 = tpu.memref_slice %arg11[%dma_start3A_1559] : memref<8000xf32, #tpu.memory_space<vmem>> -> memref<4000xf32, #tpu.memory_space<vmem>>
    tpu.enqueue_dma source(%dma_start3A_1560 : memref<4000xf32, #tpu.memory_space<vmem>>) target(%dma_start3A_1558 : memref<4000xf32, #tpu.memory_space<hbm>>) target_semaphore(%arg16 : memref<!tpu.dma_semaphore, #tpu.memory_space<semaphore_mem>>)
    %mul3A_1561 = arith.constant 80000 : i32
    %mul3A_1562 = arith.muli %arg1, %mul3A_1561 : i32
    %add3A_1563 = arith.constant 44000 : i32
    %add3A_1564 = arith.addi %mul3A_1562, %add3A_1563 : i32
    %dma_wait3A_1565 = arith.constant 4000 : i32
    %dma_wait3A_1566 = tpu.memref_slice %arg11[%dma_wait3A_1565] : memref<8000xf32, #tpu.memory_space<vmem>> -> memref<4000xf32, #tpu.memory_space<vmem>>
    %dma_wait3A_1567 = tpu.memref_slice %arg13[%add3A_1564] : memref<1280000xf32, #tpu.memory_space<vmem_shared>> -> memref<4000xf32, #tpu.memory_space<vmem_shared>>
    %dma_wait3A_1568 = arith.constant 4000 : i32
    %dma_wait3A_1569 = tpu.memref_slice %arg11[%dma_wait3A_1568] : memref<8000xf32, #tpu.memory_space<vmem>> -> memref<4000xf32, #tpu.memory_space<vmem>>
    %dma_wait3A_1570 = tpu.memref_slice %arg13[%add3A_1564] : memref<1280000xf32, #tpu.memory_space<vmem_shared>> -> memref<4000xf32, #tpu.memory_space<vmem_shared>>
    tpu.wait_dma2 semaphore(%arg15 : memref<!tpu.dma_semaphore, #tpu.memory_space<semaphore_mem>>) src(%dma_wait3A_1570 : memref<4000xf32, #tpu.memory_space<vmem_shared>>) dst(%dma_wait3A_1569 : memref<4000xf32, #tpu.memory_space<vmem>>)
    %mul3A_1571 = arith.constant 1280000 : i32
    %mul3A_1572 = arith.muli %arg0, %mul3A_1571 : i32
    %mul3A_1573 = arith.constant 80000 : i32
    %mul3A_1574 = arith.muli %arg1, %mul3A_1573 : i32
    %add3A_1575 = arith.addi %mul3A_1572, %mul3A_1574 : i32
    %add3A_1576 = arith.constant 40000 : i32
    %add3A_1577 = arith.addi %add3A_1575, %add3A_1576 : i32
    %dma_wait3A_1578 = arith.constant 0 : i32
    %dma_wait3A_1579 = tpu.memref_slice %arg11[%dma_wait3A_1578] : memref<8000xf32, #tpu.memory_space<vmem>> -> memref<4000xf32, #tpu.memory_space<vmem>>
    %dma_wait3A_1580 = tpu.memref_slice %arg4[%add3A_1577] : memref<2560000xf32, #tpu.memory_space<hbm>> -> memref<4000xf32, #tpu.memory_space<hbm>>
    %dma_wait3A_1581 = tpu.memref_slice %arg4[%add3A_1577] : memref<2560000xf32, #tpu.memory_space<hbm>> -> memref<4000xf32, #tpu.memory_space<hbm>>
    %dma_wait3A_1582 = arith.constant 0 : i32
    %dma_wait3A_1583 = tpu.memref_slice %arg11[%dma_wait3A_1582] : memref<8000xf32, #tpu.memory_space<vmem>> -> memref<4000xf32, #tpu.memory_space<vmem>>
    tpu.wait_dma2 semaphore(%arg16 : memref<!tpu.dma_semaphore, #tpu.memory_space<semaphore_mem>>) src(%dma_wait3A_1583 : memref<4000xf32, #tpu.memory_space<vmem>>) dst(%dma_wait3A_1581 : memref<4000xf32, #tpu.memory_space<hbm>>)
    %mul3A_1584 = arith.constant 80000 : i32
    %mul3A_1585 = arith.muli %arg1, %mul3A_1584 : i32
    %add3A_1586 = arith.constant 48000 : i32
    %add3A_1587 = arith.addi %mul3A_1585, %add3A_1586 : i32
    %dma_start3A_1588 = arith.constant 0 : i32
    %dma_start3A_1589 = tpu.memref_slice %arg11[%dma_start3A_1588] : memref<8000xf32, #tpu.memory_space<vmem>> -> memref<4000xf32, #tpu.memory_space<vmem>>
    %dma_start3A_1590 = tpu.memref_slice %arg13[%add3A_1587] : memref<1280000xf32, #tpu.memory_space<vmem_shared>> -> memref<4000xf32, #tpu.memory_space<vmem_shared>>
    %dma_start3A_1591 = arith.constant 0 : i32
    %dma_start3A_1592 = tpu.memref_slice %arg11[%dma_start3A_1591] : memref<8000xf32, #tpu.memory_space<vmem>> -> memref<4000xf32, #tpu.memory_space<vmem>>
    %dma_start3A_1593 = tpu.memref_slice %arg13[%add3A_1587] : memref<1280000xf32, #tpu.memory_space<vmem_shared>> -> memref<4000xf32, #tpu.memory_space<vmem_shared>>
    tpu.enqueue_dma source(%dma_start3A_1593 : memref<4000xf32, #tpu.memory_space<vmem_shared>>) target(%dma_start3A_1592 : memref<4000xf32, #tpu.memory_space<vmem>>) target_semaphore(%arg15 : memref<!tpu.dma_semaphore, #tpu.memory_space<semaphore_mem>>)
    %mul3A_1594 = arith.constant 1280000 : i32
    %mul3A_1595 = arith.muli %arg0, %mul3A_1594 : i32
    %mul3A_1596 = arith.constant 80000 : i32
    %mul3A_1597 = arith.muli %arg1, %mul3A_1596 : i32
    %add3A_1598 = arith.addi %mul3A_1595, %mul3A_1597 : i32
    %add3A_1599 = arith.constant 44000 : i32
    %add3A_1600 = arith.addi %add3A_1598, %add3A_1599 : i32
    %dma_start3A_1601 = arith.constant 4000 : i32
    %dma_start3A_1602 = tpu.memref_slice %arg11[%dma_start3A_1601] : memref<8000xf32, #tpu.memory_space<vmem>> -> memref<4000xf32, #tpu.memory_space<vmem>>
    %dma_start3A_1603 = tpu.memref_slice %arg4[%add3A_1600] : memref<2560000xf32, #tpu.memory_space<hbm>> -> memref<4000xf32, #tpu.memory_space<hbm>>
    %dma_start3A_1604 = tpu.memref_slice %arg4[%add3A_1600] : memref<2560000xf32, #tpu.memory_space<hbm>> -> memref<4000xf32, #tpu.memory_space<hbm>>
    %dma_start3A_1605 = arith.constant 4000 : i32
    %dma_start3A_1606 = tpu.memref_slice %arg11[%dma_start3A_1605] : memref<8000xf32, #tpu.memory_space<vmem>> -> memref<4000xf32, #tpu.memory_space<vmem>>
    tpu.enqueue_dma source(%dma_start3A_1606 : memref<4000xf32, #tpu.memory_space<vmem>>) target(%dma_start3A_1604 : memref<4000xf32, #tpu.memory_space<hbm>>) target_semaphore(%arg16 : memref<!tpu.dma_semaphore, #tpu.memory_space<semaphore_mem>>)
    %mul3A_1607 = arith.constant 80000 : i32
    %mul3A_1608 = arith.muli %arg1, %mul3A_1607 : i32
    %add3A_1609 = arith.constant 48000 : i32
    %add3A_1610 = arith.addi %mul3A_1608, %add3A_1609 : i32
    %dma_wait3A_1611 = arith.constant 0 : i32
    %dma_wait3A_1612 = tpu.memref_slice %arg11[%dma_wait3A_1611] : memref<8000xf32, #tpu.memory_space<vmem>> -> memref<4000xf32, #tpu.memory_space<vmem>>
    %dma_wait3A_1613 = tpu.memref_slice %arg13[%add3A_1610] : memref<1280000xf32, #tpu.memory_space<vmem_shared>> -> memref<4000xf32, #tpu.memory_space<vmem_shared>>
    %dma_wait3A_1614 = arith.constant 0 : i32
    %dma_wait3A_1615 = tpu.memref_slice %arg11[%dma_wait3A_1614] : memref<8000xf32, #tpu.memory_space<vmem>> -> memref<4000xf32, #tpu.memory_space<vmem>>
    %dma_wait3A_1616 = tpu.memref_slice %arg13[%add3A_1610] : memref<1280000xf32, #tpu.memory_space<vmem_shared>> -> memref<4000xf32, #tpu.memory_space<vmem_shared>>
    tpu.wait_dma2 semaphore(%arg15 : memref<!tpu.dma_semaphore, #tpu.memory_space<semaphore_mem>>) src(%dma_wait3A_1616 : memref<4000xf32, #tpu.memory_space<vmem_shared>>) dst(%dma_wait3A_1615 : memref<4000xf32, #tpu.memory_space<vmem>>)
    %mul3A_1617 = arith.constant 1280000 : i32
    %mul3A_1618 = arith.muli %arg0, %mul3A_1617 : i32
    %mul3A_1619 = arith.constant 80000 : i32
    %mul3A_1620 = arith.muli %arg1, %mul3A_1619 : i32
    %add3A_1621 = arith.addi %mul3A_1618, %mul3A_1620 : i32
    %add3A_1622 = arith.constant 44000 : i32
    %add3A_1623 = arith.addi %add3A_1621, %add3A_1622 : i32
    %dma_wait3A_1624 = arith.constant 4000 : i32
    %dma_wait3A_1625 = tpu.memref_slice %arg11[%dma_wait3A_1624] : memref<8000xf32, #tpu.memory_space<vmem>> -> memref<4000xf32, #tpu.memory_space<vmem>>
    %dma_wait3A_1626 = tpu.memref_slice %arg4[%add3A_1623] : memref<2560000xf32, #tpu.memory_space<hbm>> -> memref<4000xf32, #tpu.memory_space<hbm>>
    %dma_wait3A_1627 = tpu.memref_slice %arg4[%add3A_1623] : memref<2560000xf32, #tpu.memory_space<hbm>> -> memref<4000xf32, #tpu.memory_space<hbm>>
    %dma_wait3A_1628 = arith.constant 4000 : i32
    %dma_wait3A_1629 = tpu.memref_slice %arg11[%dma_wait3A_1628] : memref<8000xf32, #tpu.memory_space<vmem>> -> memref<4000xf32, #tpu.memory_space<vmem>>
    tpu.wait_dma2 semaphore(%arg16 : memref<!tpu.dma_semaphore, #tpu.memory_space<semaphore_mem>>) src(%dma_wait3A_1629 : memref<4000xf32, #tpu.memory_space<vmem>>) dst(%dma_wait3A_1627 : memref<4000xf32, #tpu.memory_space<hbm>>)
    %mul3A_1630 = arith.constant 80000 : i32
    %mul3A_1631 = arith.muli %arg1, %mul3A_1630 : i32
    %add3A_1632 = arith.constant 52000 : i32
    %add3A_1633 = arith.addi %mul3A_1631, %add3A_1632 : i32
    %dma_start3A_1634 = arith.constant 4000 : i32
    %dma_start3A_1635 = tpu.memref_slice %arg11[%dma_start3A_1634] : memref<8000xf32, #tpu.memory_space<vmem>> -> memref<4000xf32, #tpu.memory_space<vmem>>
    %dma_start3A_1636 = tpu.memref_slice %arg13[%add3A_1633] : memref<1280000xf32, #tpu.memory_space<vmem_shared>> -> memref<4000xf32, #tpu.memory_space<vmem_shared>>
    %dma_start3A_1637 = arith.constant 4000 : i32
    %dma_start3A_1638 = tpu.memref_slice %arg11[%dma_start3A_1637] : memref<8000xf32, #tpu.memory_space<vmem>> -> memref<4000xf32, #tpu.memory_space<vmem>>
    %dma_start3A_1639 = tpu.memref_slice %arg13[%add3A_1633] : memref<1280000xf32, #tpu.memory_space<vmem_shared>> -> memref<4000xf32, #tpu.memory_space<vmem_shared>>
    tpu.enqueue_dma source(%dma_start3A_1639 : memref<4000xf32, #tpu.memory_space<vmem_shared>>) target(%dma_start3A_1638 : memref<4000xf32, #tpu.memory_space<vmem>>) target_semaphore(%arg15 : memref<!tpu.dma_semaphore, #tpu.memory_space<semaphore_mem>>)
    %mul3A_1640 = arith.constant 1280000 : i32
    %mul3A_1641 = arith.muli %arg0, %mul3A_1640 : i32
    %mul3A_1642 = arith.constant 80000 : i32
    %mul3A_1643 = arith.muli %arg1, %mul3A_1642 : i32
    %add3A_1644 = arith.addi %mul3A_1641, %mul3A_1643 : i32
    %add3A_1645 = arith.constant 48000 : i32
    %add3A_1646 = arith.addi %add3A_1644, %add3A_1645 : i32
    %dma_start3A_1647 = arith.constant 0 : i32
    %dma_start3A_1648 = tpu.memref_slice %arg11[%dma_start3A_1647] : memref<8000xf32, #tpu.memory_space<vmem>> -> memref<4000xf32, #tpu.memory_space<vmem>>
    %dma_start3A_1649 = tpu.memref_slice %arg4[%add3A_1646] : memref<2560000xf32, #tpu.memory_space<hbm>> -> memref<4000xf32, #tpu.memory_space<hbm>>
    %dma_start3A_1650 = tpu.memref_slice %arg4[%add3A_1646] : memref<2560000xf32, #tpu.memory_space<hbm>> -> memref<4000xf32, #tpu.memory_space<hbm>>
    %dma_start3A_1651 = arith.constant 0 : i32
    %dma_start3A_1652 = tpu.memref_slice %arg11[%dma_start3A_1651] : memref<8000xf32, #tpu.memory_space<vmem>> -> memref<4000xf32, #tpu.memory_space<vmem>>
    tpu.enqueue_dma source(%dma_start3A_1652 : memref<4000xf32, #tpu.memory_space<vmem>>) target(%dma_start3A_1650 : memref<4000xf32, #tpu.memory_space<hbm>>) target_semaphore(%arg16 : memref<!tpu.dma_semaphore, #tpu.memory_space<semaphore_mem>>)
    %mul3A_1653 = arith.constant 80000 : i32
    %mul3A_1654 = arith.muli %arg1, %mul3A_1653 : i32
    %add3A_1655 = arith.constant 52000 : i32
    %add3A_1656 = arith.addi %mul3A_1654, %add3A_1655 : i32
    %dma_wait3A_1657 = arith.constant 4000 : i32
    %dma_wait3A_1658 = tpu.memref_slice %arg11[%dma_wait3A_1657] : memref<8000xf32, #tpu.memory_space<vmem>> -> memref<4000xf32, #tpu.memory_space<vmem>>
    %dma_wait3A_1659 = tpu.memref_slice %arg13[%add3A_1656] : memref<1280000xf32, #tpu.memory_space<vmem_shared>> -> memref<4000xf32, #tpu.memory_space<vmem_shared>>
    %dma_wait3A_1660 = arith.constant 4000 : i32
    %dma_wait3A_1661 = tpu.memref_slice %arg11[%dma_wait3A_1660] : memref<8000xf32, #tpu.memory_space<vmem>> -> memref<4000xf32, #tpu.memory_space<vmem>>
    %dma_wait3A_1662 = tpu.memref_slice %arg13[%add3A_1656] : memref<1280000xf32, #tpu.memory_space<vmem_shared>> -> memref<4000xf32, #tpu.memory_space<vmem_shared>>
    tpu.wait_dma2 semaphore(%arg15 : memref<!tpu.dma_semaphore, #tpu.memory_space<semaphore_mem>>) src(%dma_wait3A_1662 : memref<4000xf32, #tpu.memory_space<vmem_shared>>) dst(%dma_wait3A_1661 : memref<4000xf32, #tpu.memory_space<vmem>>)
    %mul3A_1663 = arith.constant 1280000 : i32
    %mul3A_1664 = arith.muli %arg0, %mul3A_1663 : i32
    %mul3A_1665 = arith.constant 80000 : i32
    %mul3A_1666 = arith.muli %arg1, %mul3A_1665 : i32
    %add3A_1667 = arith.addi %mul3A_1664, %mul3A_1666 : i32
    %add3A_1668 = arith.constant 48000 : i32
    %add3A_1669 = arith.addi %add3A_1667, %add3A_1668 : i32
    %dma_wait3A_1670 = arith.constant 0 : i32
    %dma_wait3A_1671 = tpu.memref_slice %arg11[%dma_wait3A_1670] : memref<8000xf32, #tpu.memory_space<vmem>> -> memref<4000xf32, #tpu.memory_space<vmem>>
    %dma_wait3A_1672 = tpu.memref_slice %arg4[%add3A_1669] : memref<2560000xf32, #tpu.memory_space<hbm>> -> memref<4000xf32, #tpu.memory_space<hbm>>
    %dma_wait3A_1673 = tpu.memref_slice %arg4[%add3A_1669] : memref<2560000xf32, #tpu.memory_space<hbm>> -> memref<4000xf32, #tpu.memory_space<hbm>>
    %dma_wait3A_1674 = arith.constant 0 : i32
    %dma_wait3A_1675 = tpu.memref_slice %arg11[%dma_wait3A_1674] : memref<8000xf32, #tpu.memory_space<vmem>> -> memref<4000xf32, #tpu.memory_space<vmem>>
    tpu.wait_dma2 semaphore(%arg16 : memref<!tpu.dma_semaphore, #tpu.memory_space<semaphore_mem>>) src(%dma_wait3A_1675 : memref<4000xf32, #tpu.memory_space<vmem>>) dst(%dma_wait3A_1673 : memref<4000xf32, #tpu.memory_space<hbm>>)
    %mul3A_1676 = arith.constant 80000 : i32
    %mul3A_1677 = arith.muli %arg1, %mul3A_1676 : i32
    %add3A_1678 = arith.constant 56000 : i32
    %add3A_1679 = arith.addi %mul3A_1677, %add3A_1678 : i32
    %dma_start3A_1680 = arith.constant 0 : i32
    %dma_start3A_1681 = tpu.memref_slice %arg11[%dma_start3A_1680] : memref<8000xf32, #tpu.memory_space<vmem>> -> memref<4000xf32, #tpu.memory_space<vmem>>
    %dma_start3A_1682 = tpu.memref_slice %arg13[%add3A_1679] : memref<1280000xf32, #tpu.memory_space<vmem_shared>> -> memref<4000xf32, #tpu.memory_space<vmem_shared>>
    %dma_start3A_1683 = arith.constant 0 : i32
    %dma_start3A_1684 = tpu.memref_slice %arg11[%dma_start3A_1683] : memref<8000xf32, #tpu.memory_space<vmem>> -> memref<4000xf32, #tpu.memory_space<vmem>>
    %dma_start3A_1685 = tpu.memref_slice %arg13[%add3A_1679] : memref<1280000xf32, #tpu.memory_space<vmem_shared>> -> memref<4000xf32, #tpu.memory_space<vmem_shared>>
    tpu.enqueue_dma source(%dma_start3A_1685 : memref<4000xf32, #tpu.memory_space<vmem_shared>>) target(%dma_start3A_1684 : memref<4000xf32, #tpu.memory_space<vmem>>) target_semaphore(%arg15 : memref<!tpu.dma_semaphore, #tpu.memory_space<semaphore_mem>>)
    %mul3A_1686 = arith.constant 1280000 : i32
    %mul3A_1687 = arith.muli %arg0, %mul3A_1686 : i32
    %mul3A_1688 = arith.constant 80000 : i32
    %mul3A_1689 = arith.muli %arg1, %mul3A_1688 : i32
    %add3A_1690 = arith.addi %mul3A_1687, %mul3A_1689 : i32
    %add3A_1691 = arith.constant 52000 : i32
    %add3A_1692 = arith.addi %add3A_1690, %add3A_1691 : i32
    %dma_start3A_1693 = arith.constant 4000 : i32
    %dma_start3A_1694 = tpu.memref_slice %arg11[%dma_start3A_1693] : memref<8000xf32, #tpu.memory_space<vmem>> -> memref<4000xf32, #tpu.memory_space<vmem>>
    %dma_start3A_1695 = tpu.memref_slice %arg4[%add3A_1692] : memref<2560000xf32, #tpu.memory_space<hbm>> -> memref<4000xf32, #tpu.memory_space<hbm>>
    %dma_start3A_1696 = tpu.memref_slice %arg4[%add3A_1692] : memref<2560000xf32, #tpu.memory_space<hbm>> -> memref<4000xf32, #tpu.memory_space<hbm>>
    %dma_start3A_1697 = arith.constant 4000 : i32
    %dma_start3A_1698 = tpu.memref_slice %arg11[%dma_start3A_1697] : memref<8000xf32, #tpu.memory_space<vmem>> -> memref<4000xf32, #tpu.memory_space<vmem>>
    tpu.enqueue_dma source(%dma_start3A_1698 : memref<4000xf32, #tpu.memory_space<vmem>>) target(%dma_start3A_1696 : memref<4000xf32, #tpu.memory_space<hbm>>) target_semaphore(%arg16 : memref<!tpu.dma_semaphore, #tpu.memory_space<semaphore_mem>>)
    %mul3A_1699 = arith.constant 80000 : i32
    %mul3A_1700 = arith.muli %arg1, %mul3A_1699 : i32
    %add3A_1701 = arith.constant 56000 : i32
    %add3A_1702 = arith.addi %mul3A_1700, %add3A_1701 : i32
    %dma_wait3A_1703 = arith.constant 0 : i32
    %dma_wait3A_1704 = tpu.memref_slice %arg11[%dma_wait3A_1703] : memref<8000xf32, #tpu.memory_space<vmem>> -> memref<4000xf32, #tpu.memory_space<vmem>>
    %dma_wait3A_1705 = tpu.memref_slice %arg13[%add3A_1702] : memref<1280000xf32, #tpu.memory_space<vmem_shared>> -> memref<4000xf32, #tpu.memory_space<vmem_shared>>
    %dma_wait3A_1706 = arith.constant 0 : i32
    %dma_wait3A_1707 = tpu.memref_slice %arg11[%dma_wait3A_1706] : memref<8000xf32, #tpu.memory_space<vmem>> -> memref<4000xf32, #tpu.memory_space<vmem>>
    %dma_wait3A_1708 = tpu.memref_slice %arg13[%add3A_1702] : memref<1280000xf32, #tpu.memory_space<vmem_shared>> -> memref<4000xf32, #tpu.memory_space<vmem_shared>>
    tpu.wait_dma2 semaphore(%arg15 : memref<!tpu.dma_semaphore, #tpu.memory_space<semaphore_mem>>) src(%dma_wait3A_1708 : memref<4000xf32, #tpu.memory_space<vmem_shared>>) dst(%dma_wait3A_1707 : memref<4000xf32, #tpu.memory_space<vmem>>)
    %mul3A_1709 = arith.constant 1280000 : i32
    %mul3A_1710 = arith.muli %arg0, %mul3A_1709 : i32
    %mul3A_1711 = arith.constant 80000 : i32
    %mul3A_1712 = arith.muli %arg1, %mul3A_1711 : i32
    %add3A_1713 = arith.addi %mul3A_1710, %mul3A_1712 : i32
    %add3A_1714 = arith.constant 52000 : i32
    %add3A_1715 = arith.addi %add3A_1713, %add3A_1714 : i32
    %dma_wait3A_1716 = arith.constant 4000 : i32
    %dma_wait3A_1717 = tpu.memref_slice %arg11[%dma_wait3A_1716] : memref<8000xf32, #tpu.memory_space<vmem>> -> memref<4000xf32, #tpu.memory_space<vmem>>
    %dma_wait3A_1718 = tpu.memref_slice %arg4[%add3A_1715] : memref<2560000xf32, #tpu.memory_space<hbm>> -> memref<4000xf32, #tpu.memory_space<hbm>>
    %dma_wait3A_1719 = tpu.memref_slice %arg4[%add3A_1715] : memref<2560000xf32, #tpu.memory_space<hbm>> -> memref<4000xf32, #tpu.memory_space<hbm>>
    %dma_wait3A_1720 = arith.constant 4000 : i32
    %dma_wait3A_1721 = tpu.memref_slice %arg11[%dma_wait3A_1720] : memref<8000xf32, #tpu.memory_space<vmem>> -> memref<4000xf32, #tpu.memory_space<vmem>>
    tpu.wait_dma2 semaphore(%arg16 : memref<!tpu.dma_semaphore, #tpu.memory_space<semaphore_mem>>) src(%dma_wait3A_1721 : memref<4000xf32, #tpu.memory_space<vmem>>) dst(%dma_wait3A_1719 : memref<4000xf32, #tpu.memory_space<hbm>>)
    %mul3A_1722 = arith.constant 80000 : i32
    %mul3A_1723 = arith.muli %arg1, %mul3A_1722 : i32
    %add3A_1724 = arith.constant 60000 : i32
    %add3A_1725 = arith.addi %mul3A_1723, %add3A_1724 : i32
    %dma_start3A_1726 = arith.constant 4000 : i32
    %dma_start3A_1727 = tpu.memref_slice %arg11[%dma_start3A_1726] : memref<8000xf32, #tpu.memory_space<vmem>> -> memref<4000xf32, #tpu.memory_space<vmem>>
    %dma_start3A_1728 = tpu.memref_slice %arg13[%add3A_1725] : memref<1280000xf32, #tpu.memory_space<vmem_shared>> -> memref<4000xf32, #tpu.memory_space<vmem_shared>>
    %dma_start3A_1729 = arith.constant 4000 : i32
    %dma_start3A_1730 = tpu.memref_slice %arg11[%dma_start3A_1729] : memref<8000xf32, #tpu.memory_space<vmem>> -> memref<4000xf32, #tpu.memory_space<vmem>>
    %dma_start3A_1731 = tpu.memref_slice %arg13[%add3A_1725] : memref<1280000xf32, #tpu.memory_space<vmem_shared>> -> memref<4000xf32, #tpu.memory_space<vmem_shared>>
    tpu.enqueue_dma source(%dma_start3A_1731 : memref<4000xf32, #tpu.memory_space<vmem_shared>>) target(%dma_start3A_1730 : memref<4000xf32, #tpu.memory_space<vmem>>) target_semaphore(%arg15 : memref<!tpu.dma_semaphore, #tpu.memory_space<semaphore_mem>>)
    %mul3A_1732 = arith.constant 1280000 : i32
    %mul3A_1733 = arith.muli %arg0, %mul3A_1732 : i32
    %mul3A_1734 = arith.constant 80000 : i32
    %mul3A_1735 = arith.muli %arg1, %mul3A_1734 : i32
    %add3A_1736 = arith.addi %mul3A_1733, %mul3A_1735 : i32
    %add3A_1737 = arith.constant 56000 : i32
    %add3A_1738 = arith.addi %add3A_1736, %add3A_1737 : i32
    %dma_start3A_1739 = arith.constant 0 : i32
    %dma_start3A_1740 = tpu.memref_slice %arg11[%dma_start3A_1739] : memref<8000xf32, #tpu.memory_space<vmem>> -> memref<4000xf32, #tpu.memory_space<vmem>>
    %dma_start3A_1741 = tpu.memref_slice %arg4[%add3A_1738] : memref<2560000xf32, #tpu.memory_space<hbm>> -> memref<4000xf32, #tpu.memory_space<hbm>>
    %dma_start3A_1742 = tpu.memref_slice %arg4[%add3A_1738] : memref<2560000xf32, #tpu.memory_space<hbm>> -> memref<4000xf32, #tpu.memory_space<hbm>>
    %dma_start3A_1743 = arith.constant 0 : i32
    %dma_start3A_1744 = tpu.memref_slice %arg11[%dma_start3A_1743] : memref<8000xf32, #tpu.memory_space<vmem>> -> memref<4000xf32, #tpu.memory_space<vmem>>
    tpu.enqueue_dma source(%dma_start3A_1744 : memref<4000xf32, #tpu.memory_space<vmem>>) target(%dma_start3A_1742 : memref<4000xf32, #tpu.memory_space<hbm>>) target_semaphore(%arg16 : memref<!tpu.dma_semaphore, #tpu.memory_space<semaphore_mem>>)
    %mul3A_1745 = arith.constant 80000 : i32
    %mul3A_1746 = arith.muli %arg1, %mul3A_1745 : i32
    %add3A_1747 = arith.constant 60000 : i32
    %add3A_1748 = arith.addi %mul3A_1746, %add3A_1747 : i32
    %dma_wait3A_1749 = arith.constant 4000 : i32
    %dma_wait3A_1750 = tpu.memref_slice %arg11[%dma_wait3A_1749] : memref<8000xf32, #tpu.memory_space<vmem>> -> memref<4000xf32, #tpu.memory_space<vmem>>
    %dma_wait3A_1751 = tpu.memref_slice %arg13[%add3A_1748] : memref<1280000xf32, #tpu.memory_space<vmem_shared>> -> memref<4000xf32, #tpu.memory_space<vmem_shared>>
    %dma_wait3A_1752 = arith.constant 4000 : i32
    %dma_wait3A_1753 = tpu.memref_slice %arg11[%dma_wait3A_1752] : memref<8000xf32, #tpu.memory_space<vmem>> -> memref<4000xf32, #tpu.memory_space<vmem>>
    %dma_wait3A_1754 = tpu.memref_slice %arg13[%add3A_1748] : memref<1280000xf32, #tpu.memory_space<vmem_shared>> -> memref<4000xf32, #tpu.memory_space<vmem_shared>>
    tpu.wait_dma2 semaphore(%arg15 : memref<!tpu.dma_semaphore, #tpu.memory_space<semaphore_mem>>) src(%dma_wait3A_1754 : memref<4000xf32, #tpu.memory_space<vmem_shared>>) dst(%dma_wait3A_1753 : memref<4000xf32, #tpu.memory_space<vmem>>)
    %mul3A_1755 = arith.constant 1280000 : i32
    %mul3A_1756 = arith.muli %arg0, %mul3A_1755 : i32
    %mul3A_1757 = arith.constant 80000 : i32
    %mul3A_1758 = arith.muli %arg1, %mul3A_1757 : i32
    %add3A_1759 = arith.addi %mul3A_1756, %mul3A_1758 : i32
    %add3A_1760 = arith.constant 56000 : i32
    %add3A_1761 = arith.addi %add3A_1759, %add3A_1760 : i32
    %dma_wait3A_1762 = arith.constant 0 : i32
    %dma_wait3A_1763 = tpu.memref_slice %arg11[%dma_wait3A_1762] : memref<8000xf32, #tpu.memory_space<vmem>> -> memref<4000xf32, #tpu.memory_space<vmem>>
    %dma_wait3A_1764 = tpu.memref_slice %arg4[%add3A_1761] : memref<2560000xf32, #tpu.memory_space<hbm>> -> memref<4000xf32, #tpu.memory_space<hbm>>
    %dma_wait3A_1765 = tpu.memref_slice %arg4[%add3A_1761] : memref<2560000xf32, #tpu.memory_space<hbm>> -> memref<4000xf32, #tpu.memory_space<hbm>>
    %dma_wait3A_1766 = arith.constant 0 : i32
    %dma_wait3A_1767 = tpu.memref_slice %arg11[%dma_wait3A_1766] : memref<8000xf32, #tpu.memory_space<vmem>> -> memref<4000xf32, #tpu.memory_space<vmem>>
    tpu.wait_dma2 semaphore(%arg16 : memref<!tpu.dma_semaphore, #tpu.memory_space<semaphore_mem>>) src(%dma_wait3A_1767 : memref<4000xf32, #tpu.memory_space<vmem>>) dst(%dma_wait3A_1765 : memref<4000xf32, #tpu.memory_space<hbm>>)
    %mul3A_1768 = arith.constant 80000 : i32
    %mul3A_1769 = arith.muli %arg1, %mul3A_1768 : i32
    %add3A_1770 = arith.constant 64000 : i32
    %add3A_1771 = arith.addi %mul3A_1769, %add3A_1770 : i32
    %dma_start3A_1772 = arith.constant 0 : i32
    %dma_start3A_1773 = tpu.memref_slice %arg11[%dma_start3A_1772] : memref<8000xf32, #tpu.memory_space<vmem>> -> memref<4000xf32, #tpu.memory_space<vmem>>
    %dma_start3A_1774 = tpu.memref_slice %arg13[%add3A_1771] : memref<1280000xf32, #tpu.memory_space<vmem_shared>> -> memref<4000xf32, #tpu.memory_space<vmem_shared>>
    %dma_start3A_1775 = arith.constant 0 : i32
    %dma_start3A_1776 = tpu.memref_slice %arg11[%dma_start3A_1775] : memref<8000xf32, #tpu.memory_space<vmem>> -> memref<4000xf32, #tpu.memory_space<vmem>>
    %dma_start3A_1777 = tpu.memref_slice %arg13[%add3A_1771] : memref<1280000xf32, #tpu.memory_space<vmem_shared>> -> memref<4000xf32, #tpu.memory_space<vmem_shared>>
    tpu.enqueue_dma source(%dma_start3A_1777 : memref<4000xf32, #tpu.memory_space<vmem_shared>>) target(%dma_start3A_1776 : memref<4000xf32, #tpu.memory_space<vmem>>) target_semaphore(%arg15 : memref<!tpu.dma_semaphore, #tpu.memory_space<semaphore_mem>>)
    %mul3A_1778 = arith.constant 1280000 : i32
    %mul3A_1779 = arith.muli %arg0, %mul3A_1778 : i32
    %mul3A_1780 = arith.constant 80000 : i32
    %mul3A_1781 = arith.muli %arg1, %mul3A_1780 : i32
    %add3A_1782 = arith.addi %mul3A_1779, %mul3A_1781 : i32
    %add3A_1783 = arith.constant 60000 : i32
    %add3A_1784 = arith.addi %add3A_1782, %add3A_1783 : i32
    %dma_start3A_1785 = arith.constant 4000 : i32
    %dma_start3A_1786 = tpu.memref_slice %arg11[%dma_start3A_1785] : memref<8000xf32, #tpu.memory_space<vmem>> -> memref<4000xf32, #tpu.memory_space<vmem>>
    %dma_start3A_1787 = tpu.memref_slice %arg4[%add3A_1784] : memref<2560000xf32, #tpu.memory_space<hbm>> -> memref<4000xf32, #tpu.memory_space<hbm>>
    %dma_start3A_1788 = tpu.memref_slice %arg4[%add3A_1784] : memref<2560000xf32, #tpu.memory_space<hbm>> -> memref<4000xf32, #tpu.memory_space<hbm>>
    %dma_start3A_1789 = arith.constant 4000 : i32
    %dma_start3A_1790 = tpu.memref_slice %arg11[%dma_start3A_1789] : memref<8000xf32, #tpu.memory_space<vmem>> -> memref<4000xf32, #tpu.memory_space<vmem>>
    tpu.enqueue_dma source(%dma_start3A_1790 : memref<4000xf32, #tpu.memory_space<vmem>>) target(%dma_start3A_1788 : memref<4000xf32, #tpu.memory_space<hbm>>) target_semaphore(%arg16 : memref<!tpu.dma_semaphore, #tpu.memory_space<semaphore_mem>>)
    %mul3A_1791 = arith.constant 80000 : i32
    %mul3A_1792 = arith.muli %arg1, %mul3A_1791 : i32
    %add3A_1793 = arith.constant 64000 : i32
    %add3A_1794 = arith.addi %mul3A_1792, %add3A_1793 : i32
    %dma_wait3A_1795 = arith.constant 0 : i32
    %dma_wait3A_1796 = tpu.memref_slice %arg11[%dma_wait3A_1795] : memref<8000xf32, #tpu.memory_space<vmem>> -> memref<4000xf32, #tpu.memory_space<vmem>>
    %dma_wait3A_1797 = tpu.memref_slice %arg13[%add3A_1794] : memref<1280000xf32, #tpu.memory_space<vmem_shared>> -> memref<4000xf32, #tpu.memory_space<vmem_shared>>
    %dma_wait3A_1798 = arith.constant 0 : i32
    %dma_wait3A_1799 = tpu.memref_slice %arg11[%dma_wait3A_1798] : memref<8000xf32, #tpu.memory_space<vmem>> -> memref<4000xf32, #tpu.memory_space<vmem>>
    %dma_wait3A_1800 = tpu.memref_slice %arg13[%add3A_1794] : memref<1280000xf32, #tpu.memory_space<vmem_shared>> -> memref<4000xf32, #tpu.memory_space<vmem_shared>>
    tpu.wait_dma2 semaphore(%arg15 : memref<!tpu.dma_semaphore, #tpu.memory_space<semaphore_mem>>) src(%dma_wait3A_1800 : memref<4000xf32, #tpu.memory_space<vmem_shared>>) dst(%dma_wait3A_1799 : memref<4000xf32, #tpu.memory_space<vmem>>)
    %mul3A_1801 = arith.constant 1280000 : i32
    %mul3A_1802 = arith.muli %arg0, %mul3A_1801 : i32
    %mul3A_1803 = arith.constant 80000 : i32
    %mul3A_1804 = arith.muli %arg1, %mul3A_1803 : i32
    %add3A_1805 = arith.addi %mul3A_1802, %mul3A_1804 : i32
    %add3A_1806 = arith.constant 60000 : i32
    %add3A_1807 = arith.addi %add3A_1805, %add3A_1806 : i32
    %dma_wait3A_1808 = arith.constant 4000 : i32
    %dma_wait3A_1809 = tpu.memref_slice %arg11[%dma_wait3A_1808] : memref<8000xf32, #tpu.memory_space<vmem>> -> memref<4000xf32, #tpu.memory_space<vmem>>
    %dma_wait3A_1810 = tpu.memref_slice %arg4[%add3A_1807] : memref<2560000xf32, #tpu.memory_space<hbm>> -> memref<4000xf32, #tpu.memory_space<hbm>>
    %dma_wait3A_1811 = tpu.memref_slice %arg4[%add3A_1807] : memref<2560000xf32, #tpu.memory_space<hbm>> -> memref<4000xf32, #tpu.memory_space<hbm>>
    %dma_wait3A_1812 = arith.constant 4000 : i32
    %dma_wait3A_1813 = tpu.memref_slice %arg11[%dma_wait3A_1812] : memref<8000xf32, #tpu.memory_space<vmem>> -> memref<4000xf32, #tpu.memory_space<vmem>>
    tpu.wait_dma2 semaphore(%arg16 : memref<!tpu.dma_semaphore, #tpu.memory_space<semaphore_mem>>) src(%dma_wait3A_1813 : memref<4000xf32, #tpu.memory_space<vmem>>) dst(%dma_wait3A_1811 : memref<4000xf32, #tpu.memory_space<hbm>>)
    %mul3A_1814 = arith.constant 80000 : i32
    %mul3A_1815 = arith.muli %arg1, %mul3A_1814 : i32
    %add3A_1816 = arith.constant 68000 : i32
    %add3A_1817 = arith.addi %mul3A_1815, %add3A_1816 : i32
    %dma_start3A_1818 = arith.constant 4000 : i32
    %dma_start3A_1819 = tpu.memref_slice %arg11[%dma_start3A_1818] : memref<8000xf32, #tpu.memory_space<vmem>> -> memref<4000xf32, #tpu.memory_space<vmem>>
    %dma_start3A_1820 = tpu.memref_slice %arg13[%add3A_1817] : memref<1280000xf32, #tpu.memory_space<vmem_shared>> -> memref<4000xf32, #tpu.memory_space<vmem_shared>>
    %dma_start3A_1821 = arith.constant 4000 : i32
    %dma_start3A_1822 = tpu.memref_slice %arg11[%dma_start3A_1821] : memref<8000xf32, #tpu.memory_space<vmem>> -> memref<4000xf32, #tpu.memory_space<vmem>>
    %dma_start3A_1823 = tpu.memref_slice %arg13[%add3A_1817] : memref<1280000xf32, #tpu.memory_space<vmem_shared>> -> memref<4000xf32, #tpu.memory_space<vmem_shared>>
    tpu.enqueue_dma source(%dma_start3A_1823 : memref<4000xf32, #tpu.memory_space<vmem_shared>>) target(%dma_start3A_1822 : memref<4000xf32, #tpu.memory_space<vmem>>) target_semaphore(%arg15 : memref<!tpu.dma_semaphore, #tpu.memory_space<semaphore_mem>>)
    %mul3A_1824 = arith.constant 1280000 : i32
    %mul3A_1825 = arith.muli %arg0, %mul3A_1824 : i32
    %mul3A_1826 = arith.constant 80000 : i32
    %mul3A_1827 = arith.muli %arg1, %mul3A_1826 : i32
    %add3A_1828 = arith.addi %mul3A_1825, %mul3A_1827 : i32
    %add3A_1829 = arith.constant 64000 : i32
    %add3A_1830 = arith.addi %add3A_1828, %add3A_1829 : i32
    %dma_start3A_1831 = arith.constant 0 : i32
    %dma_start3A_1832 = tpu.memref_slice %arg11[%dma_start3A_1831] : memref<8000xf32, #tpu.memory_space<vmem>> -> memref<4000xf32, #tpu.memory_space<vmem>>
    %dma_start3A_1833 = tpu.memref_slice %arg4[%add3A_1830] : memref<2560000xf32, #tpu.memory_space<hbm>> -> memref<4000xf32, #tpu.memory_space<hbm>>
    %dma_start3A_1834 = tpu.memref_slice %arg4[%add3A_1830] : memref<2560000xf32, #tpu.memory_space<hbm>> -> memref<4000xf32, #tpu.memory_space<hbm>>
    %dma_start3A_1835 = arith.constant 0 : i32
    %dma_start3A_1836 = tpu.memref_slice %arg11[%dma_start3A_1835] : memref<8000xf32, #tpu.memory_space<vmem>> -> memref<4000xf32, #tpu.memory_space<vmem>>
    tpu.enqueue_dma source(%dma_start3A_1836 : memref<4000xf32, #tpu.memory_space<vmem>>) target(%dma_start3A_1834 : memref<4000xf32, #tpu.memory_space<hbm>>) target_semaphore(%arg16 : memref<!tpu.dma_semaphore, #tpu.memory_space<semaphore_mem>>)
    %mul3A_1837 = arith.constant 80000 : i32
    %mul3A_1838 = arith.muli %arg1, %mul3A_1837 : i32
    %add3A_1839 = arith.constant 68000 : i32
    %add3A_1840 = arith.addi %mul3A_1838, %add3A_1839 : i32
    %dma_wait3A_1841 = arith.constant 4000 : i32
    %dma_wait3A_1842 = tpu.memref_slice %arg11[%dma_wait3A_1841] : memref<8000xf32, #tpu.memory_space<vmem>> -> memref<4000xf32, #tpu.memory_space<vmem>>
    %dma_wait3A_1843 = tpu.memref_slice %arg13[%add3A_1840] : memref<1280000xf32, #tpu.memory_space<vmem_shared>> -> memref<4000xf32, #tpu.memory_space<vmem_shared>>
    %dma_wait3A_1844 = arith.constant 4000 : i32
    %dma_wait3A_1845 = tpu.memref_slice %arg11[%dma_wait3A_1844] : memref<8000xf32, #tpu.memory_space<vmem>> -> memref<4000xf32, #tpu.memory_space<vmem>>
    %dma_wait3A_1846 = tpu.memref_slice %arg13[%add3A_1840] : memref<1280000xf32, #tpu.memory_space<vmem_shared>> -> memref<4000xf32, #tpu.memory_space<vmem_shared>>
    tpu.wait_dma2 semaphore(%arg15 : memref<!tpu.dma_semaphore, #tpu.memory_space<semaphore_mem>>) src(%dma_wait3A_1846 : memref<4000xf32, #tpu.memory_space<vmem_shared>>) dst(%dma_wait3A_1845 : memref<4000xf32, #tpu.memory_space<vmem>>)
    %mul3A_1847 = arith.constant 1280000 : i32
    %mul3A_1848 = arith.muli %arg0, %mul3A_1847 : i32
    %mul3A_1849 = arith.constant 80000 : i32
    %mul3A_1850 = arith.muli %arg1, %mul3A_1849 : i32
    %add3A_1851 = arith.addi %mul3A_1848, %mul3A_1850 : i32
    %add3A_1852 = arith.constant 64000 : i32
    %add3A_1853 = arith.addi %add3A_1851, %add3A_1852 : i32
    %dma_wait3A_1854 = arith.constant 0 : i32
    %dma_wait3A_1855 = tpu.memref_slice %arg11[%dma_wait3A_1854] : memref<8000xf32, #tpu.memory_space<vmem>> -> memref<4000xf32, #tpu.memory_space<vmem>>
    %dma_wait3A_1856 = tpu.memref_slice %arg4[%add3A_1853] : memref<2560000xf32, #tpu.memory_space<hbm>> -> memref<4000xf32, #tpu.memory_space<hbm>>
    %dma_wait3A_1857 = tpu.memref_slice %arg4[%add3A_1853] : memref<2560000xf32, #tpu.memory_space<hbm>> -> memref<4000xf32, #tpu.memory_space<hbm>>
    %dma_wait3A_1858 = arith.constant 0 : i32
    %dma_wait3A_1859 = tpu.memref_slice %arg11[%dma_wait3A_1858] : memref<8000xf32, #tpu.memory_space<vmem>> -> memref<4000xf32, #tpu.memory_space<vmem>>
    tpu.wait_dma2 semaphore(%arg16 : memref<!tpu.dma_semaphore, #tpu.memory_space<semaphore_mem>>) src(%dma_wait3A_1859 : memref<4000xf32, #tpu.memory_space<vmem>>) dst(%dma_wait3A_1857 : memref<4000xf32, #tpu.memory_space<hbm>>)
    %mul3A_1860 = arith.constant 80000 : i32
    %mul3A_1861 = arith.muli %arg1, %mul3A_1860 : i32
    %add3A_1862 = arith.constant 72000 : i32
    %add3A_1863 = arith.addi %mul3A_1861, %add3A_1862 : i32
    %dma_start3A_1864 = arith.constant 0 : i32
    %dma_start3A_1865 = tpu.memref_slice %arg11[%dma_start3A_1864] : memref<8000xf32, #tpu.memory_space<vmem>> -> memref<4000xf32, #tpu.memory_space<vmem>>
    %dma_start3A_1866 = tpu.memref_slice %arg13[%add3A_1863] : memref<1280000xf32, #tpu.memory_space<vmem_shared>> -> memref<4000xf32, #tpu.memory_space<vmem_shared>>
    %dma_start3A_1867 = arith.constant 0 : i32
    %dma_start3A_1868 = tpu.memref_slice %arg11[%dma_start3A_1867] : memref<8000xf32, #tpu.memory_space<vmem>> -> memref<4000xf32, #tpu.memory_space<vmem>>
    %dma_start3A_1869 = tpu.memref_slice %arg13[%add3A_1863] : memref<1280000xf32, #tpu.memory_space<vmem_shared>> -> memref<4000xf32, #tpu.memory_space<vmem_shared>>
    tpu.enqueue_dma source(%dma_start3A_1869 : memref<4000xf32, #tpu.memory_space<vmem_shared>>) target(%dma_start3A_1868 : memref<4000xf32, #tpu.memory_space<vmem>>) target_semaphore(%arg15 : memref<!tpu.dma_semaphore, #tpu.memory_space<semaphore_mem>>)
    %mul3A_1870 = arith.constant 1280000 : i32
    %mul3A_1871 = arith.muli %arg0, %mul3A_1870 : i32
    %mul3A_1872 = arith.constant 80000 : i32
    %mul3A_1873 = arith.muli %arg1, %mul3A_1872 : i32
    %add3A_1874 = arith.addi %mul3A_1871, %mul3A_1873 : i32
    %add3A_1875 = arith.constant 68000 : i32
    %add3A_1876 = arith.addi %add3A_1874, %add3A_1875 : i32
    %dma_start3A_1877 = arith.constant 4000 : i32
    %dma_start3A_1878 = tpu.memref_slice %arg11[%dma_start3A_1877] : memref<8000xf32, #tpu.memory_space<vmem>> -> memref<4000xf32, #tpu.memory_space<vmem>>
    %dma_start3A_1879 = tpu.memref_slice %arg4[%add3A_1876] : memref<2560000xf32, #tpu.memory_space<hbm>> -> memref<4000xf32, #tpu.memory_space<hbm>>
    %dma_start3A_1880 = tpu.memref_slice %arg4[%add3A_1876] : memref<2560000xf32, #tpu.memory_space<hbm>> -> memref<4000xf32, #tpu.memory_space<hbm>>
    %dma_start3A_1881 = arith.constant 4000 : i32
    %dma_start3A_1882 = tpu.memref_slice %arg11[%dma_start3A_1881] : memref<8000xf32, #tpu.memory_space<vmem>> -> memref<4000xf32, #tpu.memory_space<vmem>>
    tpu.enqueue_dma source(%dma_start3A_1882 : memref<4000xf32, #tpu.memory_space<vmem>>) target(%dma_start3A_1880 : memref<4000xf32, #tpu.memory_space<hbm>>) target_semaphore(%arg16 : memref<!tpu.dma_semaphore, #tpu.memory_space<semaphore_mem>>)
    %mul3A_1883 = arith.constant 80000 : i32
    %mul3A_1884 = arith.muli %arg1, %mul3A_1883 : i32
    %add3A_1885 = arith.constant 72000 : i32
    %add3A_1886 = arith.addi %mul3A_1884, %add3A_1885 : i32
    %dma_wait3A_1887 = arith.constant 0 : i32
    %dma_wait3A_1888 = tpu.memref_slice %arg11[%dma_wait3A_1887] : memref<8000xf32, #tpu.memory_space<vmem>> -> memref<4000xf32, #tpu.memory_space<vmem>>
    %dma_wait3A_1889 = tpu.memref_slice %arg13[%add3A_1886] : memref<1280000xf32, #tpu.memory_space<vmem_shared>> -> memref<4000xf32, #tpu.memory_space<vmem_shared>>
    %dma_wait3A_1890 = arith.constant 0 : i32
    %dma_wait3A_1891 = tpu.memref_slice %arg11[%dma_wait3A_1890] : memref<8000xf32, #tpu.memory_space<vmem>> -> memref<4000xf32, #tpu.memory_space<vmem>>
    %dma_wait3A_1892 = tpu.memref_slice %arg13[%add3A_1886] : memref<1280000xf32, #tpu.memory_space<vmem_shared>> -> memref<4000xf32, #tpu.memory_space<vmem_shared>>
    tpu.wait_dma2 semaphore(%arg15 : memref<!tpu.dma_semaphore, #tpu.memory_space<semaphore_mem>>) src(%dma_wait3A_1892 : memref<4000xf32, #tpu.memory_space<vmem_shared>>) dst(%dma_wait3A_1891 : memref<4000xf32, #tpu.memory_space<vmem>>)
    %mul3A_1893 = arith.constant 1280000 : i32
    %mul3A_1894 = arith.muli %arg0, %mul3A_1893 : i32
    %mul3A_1895 = arith.constant 80000 : i32
    %mul3A_1896 = arith.muli %arg1, %mul3A_1895 : i32
    %add3A_1897 = arith.addi %mul3A_1894, %mul3A_1896 : i32
    %add3A_1898 = arith.constant 68000 : i32
    %add3A_1899 = arith.addi %add3A_1897, %add3A_1898 : i32
    %dma_wait3A_1900 = arith.constant 4000 : i32
    %dma_wait3A_1901 = tpu.memref_slice %arg11[%dma_wait3A_1900] : memref<8000xf32, #tpu.memory_space<vmem>> -> memref<4000xf32, #tpu.memory_space<vmem>>
    %dma_wait3A_1902 = tpu.memref_slice %arg4[%add3A_1899] : memref<2560000xf32, #tpu.memory_space<hbm>> -> memref<4000xf32, #tpu.memory_space<hbm>>
    %dma_wait3A_1903 = tpu.memref_slice %arg4[%add3A_1899] : memref<2560000xf32, #tpu.memory_space<hbm>> -> memref<4000xf32, #tpu.memory_space<hbm>>
    %dma_wait3A_1904 = arith.constant 4000 : i32
    %dma_wait3A_1905 = tpu.memref_slice %arg11[%dma_wait3A_1904] : memref<8000xf32, #tpu.memory_space<vmem>> -> memref<4000xf32, #tpu.memory_space<vmem>>
    tpu.wait_dma2 semaphore(%arg16 : memref<!tpu.dma_semaphore, #tpu.memory_space<semaphore_mem>>) src(%dma_wait3A_1905 : memref<4000xf32, #tpu.memory_space<vmem>>) dst(%dma_wait3A_1903 : memref<4000xf32, #tpu.memory_space<hbm>>)
    %mul3A_1906 = arith.constant 80000 : i32
    %mul3A_1907 = arith.muli %arg1, %mul3A_1906 : i32
    %add3A_1908 = arith.constant 76000 : i32
    %add3A_1909 = arith.addi %mul3A_1907, %add3A_1908 : i32
    %dma_start3A_1910 = arith.constant 4000 : i32
    %dma_start3A_1911 = tpu.memref_slice %arg11[%dma_start3A_1910] : memref<8000xf32, #tpu.memory_space<vmem>> -> memref<4000xf32, #tpu.memory_space<vmem>>
    %dma_start3A_1912 = tpu.memref_slice %arg13[%add3A_1909] : memref<1280000xf32, #tpu.memory_space<vmem_shared>> -> memref<4000xf32, #tpu.memory_space<vmem_shared>>
    %dma_start3A_1913 = arith.constant 4000 : i32
    %dma_start3A_1914 = tpu.memref_slice %arg11[%dma_start3A_1913] : memref<8000xf32, #tpu.memory_space<vmem>> -> memref<4000xf32, #tpu.memory_space<vmem>>
    %dma_start3A_1915 = tpu.memref_slice %arg13[%add3A_1909] : memref<1280000xf32, #tpu.memory_space<vmem_shared>> -> memref<4000xf32, #tpu.memory_space<vmem_shared>>
    tpu.enqueue_dma source(%dma_start3A_1915 : memref<4000xf32, #tpu.memory_space<vmem_shared>>) target(%dma_start3A_1914 : memref<4000xf32, #tpu.memory_space<vmem>>) target_semaphore(%arg15 : memref<!tpu.dma_semaphore, #tpu.memory_space<semaphore_mem>>)
    %mul3A_1916 = arith.constant 1280000 : i32
    %mul3A_1917 = arith.muli %arg0, %mul3A_1916 : i32
    %mul3A_1918 = arith.constant 80000 : i32
    %mul3A_1919 = arith.muli %arg1, %mul3A_1918 : i32
    %add3A_1920 = arith.addi %mul3A_1917, %mul3A_1919 : i32
    %add3A_1921 = arith.constant 72000 : i32
    %add3A_1922 = arith.addi %add3A_1920, %add3A_1921 : i32
    %dma_start3A_1923 = arith.constant 0 : i32
    %dma_start3A_1924 = tpu.memref_slice %arg11[%dma_start3A_1923] : memref<8000xf32, #tpu.memory_space<vmem>> -> memref<4000xf32, #tpu.memory_space<vmem>>
    %dma_start3A_1925 = tpu.memref_slice %arg4[%add3A_1922] : memref<2560000xf32, #tpu.memory_space<hbm>> -> memref<4000xf32, #tpu.memory_space<hbm>>
    %dma_start3A_1926 = tpu.memref_slice %arg4[%add3A_1922] : memref<2560000xf32, #tpu.memory_space<hbm>> -> memref<4000xf32, #tpu.memory_space<hbm>>
    %dma_start3A_1927 = arith.constant 0 : i32
    %dma_start3A_1928 = tpu.memref_slice %arg11[%dma_start3A_1927] : memref<8000xf32, #tpu.memory_space<vmem>> -> memref<4000xf32, #tpu.memory_space<vmem>>
    tpu.enqueue_dma source(%dma_start3A_1928 : memref<4000xf32, #tpu.memory_space<vmem>>) target(%dma_start3A_1926 : memref<4000xf32, #tpu.memory_space<hbm>>) target_semaphore(%arg16 : memref<!tpu.dma_semaphore, #tpu.memory_space<semaphore_mem>>)
    %mul3A_1929 = arith.constant 80000 : i32
    %mul3A_1930 = arith.muli %arg1, %mul3A_1929 : i32
    %add3A_1931 = arith.constant 76000 : i32
    %add3A_1932 = arith.addi %mul3A_1930, %add3A_1931 : i32
    %dma_wait3A_1933 = arith.constant 4000 : i32
    %dma_wait3A_1934 = tpu.memref_slice %arg11[%dma_wait3A_1933] : memref<8000xf32, #tpu.memory_space<vmem>> -> memref<4000xf32, #tpu.memory_space<vmem>>
    %dma_wait3A_1935 = tpu.memref_slice %arg13[%add3A_1932] : memref<1280000xf32, #tpu.memory_space<vmem_shared>> -> memref<4000xf32, #tpu.memory_space<vmem_shared>>
    %dma_wait3A_1936 = arith.constant 4000 : i32
    %dma_wait3A_1937 = tpu.memref_slice %arg11[%dma_wait3A_1936] : memref<8000xf32, #tpu.memory_space<vmem>> -> memref<4000xf32, #tpu.memory_space<vmem>>
    %dma_wait3A_1938 = tpu.memref_slice %arg13[%add3A_1932] : memref<1280000xf32, #tpu.memory_space<vmem_shared>> -> memref<4000xf32, #tpu.memory_space<vmem_shared>>
    tpu.wait_dma2 semaphore(%arg15 : memref<!tpu.dma_semaphore, #tpu.memory_space<semaphore_mem>>) src(%dma_wait3A_1938 : memref<4000xf32, #tpu.memory_space<vmem_shared>>) dst(%dma_wait3A_1937 : memref<4000xf32, #tpu.memory_space<vmem>>)
    %mul3A_1939 = arith.constant 1280000 : i32
    %mul3A_1940 = arith.muli %arg0, %mul3A_1939 : i32
    %mul3A_1941 = arith.constant 80000 : i32
    %mul3A_1942 = arith.muli %arg1, %mul3A_1941 : i32
    %add3A_1943 = arith.addi %mul3A_1940, %mul3A_1942 : i32
    %add3A_1944 = arith.constant 72000 : i32
    %add3A_1945 = arith.addi %add3A_1943, %add3A_1944 : i32
    %dma_wait3A_1946 = arith.constant 0 : i32
    %dma_wait3A_1947 = tpu.memref_slice %arg11[%dma_wait3A_1946] : memref<8000xf32, #tpu.memory_space<vmem>> -> memref<4000xf32, #tpu.memory_space<vmem>>
    %dma_wait3A_1948 = tpu.memref_slice %arg4[%add3A_1945] : memref<2560000xf32, #tpu.memory_space<hbm>> -> memref<4000xf32, #tpu.memory_space<hbm>>
    %dma_wait3A_1949 = tpu.memref_slice %arg4[%add3A_1945] : memref<2560000xf32, #tpu.memory_space<hbm>> -> memref<4000xf32, #tpu.memory_space<hbm>>
    %dma_wait3A_1950 = arith.constant 0 : i32
    %dma_wait3A_1951 = tpu.memref_slice %arg11[%dma_wait3A_1950] : memref<8000xf32, #tpu.memory_space<vmem>> -> memref<4000xf32, #tpu.memory_space<vmem>>
    tpu.wait_dma2 semaphore(%arg16 : memref<!tpu.dma_semaphore, #tpu.memory_space<semaphore_mem>>) src(%dma_wait3A_1951 : memref<4000xf32, #tpu.memory_space<vmem>>) dst(%dma_wait3A_1949 : memref<4000xf32, #tpu.memory_space<hbm>>)
    %mul3A_1952 = arith.constant 1280000 : i32
    %mul3A_1953 = arith.muli %arg0, %mul3A_1952 : i32
    %mul3A_1954 = arith.constant 80000 : i32
    %mul3A_1955 = arith.muli %arg1, %mul3A_1954 : i32
    %add3A_1956 = arith.addi %mul3A_1953, %mul3A_1955 : i32
    %add3A_1957 = arith.constant 76000 : i32
    %add3A_1958 = arith.addi %add3A_1956, %add3A_1957 : i32
    %dma_start3A_1959 = arith.constant 4000 : i32
    %dma_start3A_1960 = tpu.memref_slice %arg11[%dma_start3A_1959] : memref<8000xf32, #tpu.memory_space<vmem>> -> memref<4000xf32, #tpu.memory_space<vmem>>
    %dma_start3A_1961 = tpu.memref_slice %arg4[%add3A_1958] : memref<2560000xf32, #tpu.memory_space<hbm>> -> memref<4000xf32, #tpu.memory_space<hbm>>
    %dma_start3A_1962 = tpu.memref_slice %arg4[%add3A_1958] : memref<2560000xf32, #tpu.memory_space<hbm>> -> memref<4000xf32, #tpu.memory_space<hbm>>
    %dma_start3A_1963 = arith.constant 4000 : i32
    %dma_start3A_1964 = tpu.memref_slice %arg11[%dma_start3A_1963] : memref<8000xf32, #tpu.memory_space<vmem>> -> memref<4000xf32, #tpu.memory_space<vmem>>
    tpu.enqueue_dma source(%dma_start3A_1964 : memref<4000xf32, #tpu.memory_space<vmem>>) target(%dma_start3A_1962 : memref<4000xf32, #tpu.memory_space<hbm>>) target_semaphore(%arg16 : memref<!tpu.dma_semaphore, #tpu.memory_space<semaphore_mem>>)
    %mul3A_1965 = arith.constant 1280000 : i32
    %mul3A_1966 = arith.muli %arg0, %mul3A_1965 : i32
    %mul3A_1967 = arith.constant 80000 : i32
    %mul3A_1968 = arith.muli %arg1, %mul3A_1967 : i32
    %add3A_1969 = arith.addi %mul3A_1966, %mul3A_1968 : i32
    %add3A_1970 = arith.constant 76000 : i32
    %add3A_1971 = arith.addi %add3A_1969, %add3A_1970 : i32
    %dma_wait3A_1972 = arith.constant 4000 : i32
    %dma_wait3A_1973 = tpu.memref_slice %arg11[%dma_wait3A_1972] : memref<8000xf32, #tpu.memory_space<vmem>> -> memref<4000xf32, #tpu.memory_space<vmem>>
    %dma_wait3A_1974 = tpu.memref_slice %arg4[%add3A_1971] : memref<2560000xf32, #tpu.memory_space<hbm>> -> memref<4000xf32, #tpu.memory_space<hbm>>
    %dma_wait3A_1975 = tpu.memref_slice %arg4[%add3A_1971] : memref<2560000xf32, #tpu.memory_space<hbm>> -> memref<4000xf32, #tpu.memory_space<hbm>>
    %dma_wait3A_1976 = arith.constant 4000 : i32
    %dma_wait3A_1977 = tpu.memref_slice %arg11[%dma_wait3A_1976] : memref<8000xf32, #tpu.memory_space<vmem>> -> memref<4000xf32, #tpu.memory_space<vmem>>
    tpu.wait_dma2 semaphore(%arg16 : memref<!tpu.dma_semaphore, #tpu.memory_space<semaphore_mem>>) src(%dma_wait3A_1977 : memref<4000xf32, #tpu.memory_space<vmem>>) dst(%dma_wait3A_1975 : memref<4000xf32, #tpu.memory_space<hbm>>)
    return
  }
}

module attributes {stable_mosaic.version = 14 : i64} {
  func.func @_tc_body(%arg0: i32, %arg1: memref<2x2000x128xf32, #tpu.memory_space<vmem>>, %arg2: memref<1x32x2000xf32, #tpu.memory_space<vmem>>, %arg3: memref<2000x1xi32, #tpu.memory_space<vmem>>, %arg4: memref<128x128xf32, #tpu.memory_space<vmem>>, %arg5: memref<128x128xf32, #tpu.memory_space<vmem>>, %arg6: memref<1x128xf32, #tpu.memory_space<vmem>>, %arg7: memref<128x128xf32, #tpu.memory_space<vmem>>, %arg8: memref<1x128xf32, #tpu.memory_space<vmem>>, %arg9: memref<1x128xf32, #tpu.memory_space<vmem>>, %arg10: memref<1x128xf32, #tpu.memory_space<vmem>>) attributes {dimension_semantics = [#tpu.dimension_semantics<arbitrary>], iteration_bounds = array<i64: 5>, scalar_prefetch = 0 : i64, scratch_operands = 1 : i64, tpu.core_type = #tpu.core_type<tc>, window_params = [{transform_indices = @transform_0, window_bounds = array<i64: 2, 2000, 128>}, {transform_indices = @transform_1, window_bounds = array<i64: 1, 32, 2000>}, {transform_indices = @transform_2, window_bounds = array<i64: 2000, 1>}, {pipeline_mode = #tpu.pipeline_mode<synchronous>, transform_indices = @transform_3, window_bounds = array<i64: 128, 128>}, {pipeline_mode = #tpu.pipeline_mode<synchronous>, transform_indices = @transform_4, window_bounds = array<i64: 128, 128>}, {pipeline_mode = #tpu.pipeline_mode<synchronous>, transform_indices = @transform_5, window_bounds = array<i64: 1, 128>}, {pipeline_mode = #tpu.pipeline_mode<synchronous>, transform_indices = @transform_6, window_bounds = array<i64: 128, 128>}, {pipeline_mode = #tpu.pipeline_mode<synchronous>, transform_indices = @transform_7, window_bounds = array<i64: 1, 128>}, {pipeline_mode = #tpu.pipeline_mode<synchronous>, transform_indices = @transform_8, window_bounds = array<i64: 1, 128>}]} {
    %get3A = arith.constant 0 : index
    %get3A_0 = arith.constant 0 : index
    %get3A_1 = vector.load %arg4[%get3A, %get3A_0] : memref<128x128xf32, #tpu.memory_space<vmem>>, vector<128x128xf32>
    %get3A_2 = arith.constant 0 : index
    %get3A_3 = arith.constant 0 : index
    %get3A_4 = vector.load %arg5[%get3A_2, %get3A_3] : memref<128x128xf32, #tpu.memory_space<vmem>>, vector<128x128xf32>
    %dot_general3A = arith.constant dense<0.000000e+00> : vector<128x128xf32>
    %dot_general3A_5 = tpu.matmul %get3A_1, %get3A_4, %dot_general3A {dimension_numbers = #tpu.dot_dimension_numbers<[1], [0], [0], [1], [0, 0, 1, 1], [], []>, precision = #tpu.contract_precision<fp32>, transpose_lhs_hint = false} : vector<128x128xf32>, vector<128x128xf32>, vector<128x128xf32> -> vector<128x128xf32>
    %iota3A = tpu.iota {dimensions = array<i32: 1>} : vector<2000x128xi32>
    %get3A_6 = arith.constant 0 : index
    %get3A_7 = arith.constant 0 : index
    %get3A_8 = vector.load %arg3[%get3A_6, %get3A_7] : memref<2000x1xi32, #tpu.memory_space<vmem>>, vector<2000x1xi32>
    %eq3A = vector.broadcast %get3A_8 : vector<2000x1xi32> to vector<2000x128xi32>
    %eq3A_9 = arith.cmpi eq, %eq3A, %iota3A : vector<2000x128xi32>
    %convert_element_type3A = arith.extui %eq3A_9 : vector<2000x128xi1> to vector<2000x128xi32>
    %convert_element_type3A_10 = arith.sitofp %convert_element_type3A : vector<2000x128xi32> to vector<2000x128xf32>
    %get3A_11 = arith.constant 0 : index
    %get3A_12 = arith.constant 0 : index
    %get3A_13 = arith.constant 0 : index
    %get3A_14 = vector.load %arg1[%get3A_11, %get3A_12, %get3A_13] : memref<2x2000x128xf32, #tpu.memory_space<vmem>>, vector<1x2000x128xf32>
    %get3A_15 = vector.shape_cast %get3A_14 : vector<1x2000x128xf32> to vector<2000x128xf32>
    %get3A_16 = arith.constant 1 : index
    %get3A_17 = arith.constant 0 : index
    %get3A_18 = arith.constant 0 : index
    %get3A_19 = vector.load %arg1[%get3A_16, %get3A_17, %get3A_18] : memref<2x2000x128xf32, #tpu.memory_space<vmem>>, vector<1x2000x128xf32>
    %get3A_20 = vector.shape_cast %get3A_19 : vector<1x2000x128xf32> to vector<2000x128xf32>
    %add3A = arith.addf %get3A_15, %get3A_20 : vector<2000x128xf32>
    %add3A_21 = arith.addf %add3A, %convert_element_type3A_10 : vector<2000x128xf32>
    %dot_general3A_22 = arith.constant dense<0.000000e+00> : vector<2000x128xf32>
    %dot_general3A_23 = tpu.matmul %add3A_21, %dot_general3A_5, %dot_general3A_22 {dimension_numbers = #tpu.dot_dimension_numbers<[1], [0], [0], [1], [0, 0, 1, 1], [], []>, precision = #tpu.contract_precision<fp32>, transpose_lhs_hint = false} : vector<2000x128xf32>, vector<128x128xf32>, vector<2000x128xf32> -> vector<2000x128xf32>
    %get3A_24 = arith.constant 0 : index
    %get3A_25 = arith.constant 0 : index
    %get3A_26 = vector.load %arg6[%get3A_24, %get3A_25] : memref<1x128xf32, #tpu.memory_space<vmem>>, vector<1x128xf32>
    %add3A_27 = vector.broadcast %get3A_26 : vector<1x128xf32> to vector<2000x128xf32>
    %add3A_28 = arith.addf %dot_general3A_23, %add3A_27 : vector<2000x128xf32>
    %max3A = arith.constant 0.000000e+00 : f32
    %max3A_29 = vector.broadcast %max3A : f32 to vector<2000x128xf32>
    %max3A_30 = arith.maximumf %add3A_28, %max3A_29 : vector<2000x128xf32>
    %get3A_31 = arith.constant 0 : index
    %get3A_32 = arith.constant 0 : index
    %get3A_33 = arith.constant 0 : index
    %get3A_34 = vector.load %arg2[%get3A_31, %get3A_32, %get3A_33] : memref<1x32x2000xf32, #tpu.memory_space<vmem>>, vector<1x32x2000xf32>
    %get3A_35 = vector.shape_cast %get3A_34 : vector<1x32x2000xf32> to vector<32x2000xf32>
    %reduce_sum3A = arith.constant dense<0.000000e+00> : vector<2000xf32>
    %reduce_sum3A_36 = vector.multi_reduction <add>, %get3A_35, %reduce_sum3A [0] : vector<32x2000xf32> to vector<2000xf32>
    %broadcast_in_dim3A = vector.shape_cast %reduce_sum3A_36 : vector<2000xf32> to vector<1x2000xf32>
    %add3A_37 = arith.constant 1.000000e+00 : f32
    %add3A_38 = vector.broadcast %add3A_37 : f32 to vector<1x2000xf32>
    %add3A_39 = arith.addf %broadcast_in_dim3A, %add3A_38 : vector<1x2000xf32>
    %mul3A = arith.constant 9.99999974E-5 : f32
    %mul3A_40 = vector.broadcast %mul3A : f32 to vector<1x2000xf32>
    %mul3A_41 = arith.mulf %add3A_39, %mul3A_40 : vector<1x2000xf32>
    %dot_general3A_42 = arith.constant dense<0.000000e+00> : vector<1x128xf32>
    %dot_general3A_43 = tpu.matmul %mul3A_41, %max3A_30, %dot_general3A_42 {dimension_numbers = #tpu.dot_dimension_numbers<[1], [0], [0], [1], [0, 0, 1, 1], [], []>, precision = #tpu.contract_precision<fp32>, transpose_lhs_hint = false} : vector<1x2000xf32>, vector<2000x128xf32>, vector<1x128xf32> -> vector<1x128xf32>
    %eq3A_44 = arith.constant 0 : i32
    %eq3A_45 = arith.cmpi eq, %arg0, %eq3A_44 : i32
    %convert_element_type3A_46 = arith.extui %eq3A_45 : i1 to i32
    %cond3A = arith.constant 0 : i32
    %cond3A_47 = arith.cmpi ne, %convert_element_type3A_46, %cond3A : i32
    scf.if %cond3A_47 {
      %swap3A = arith.constant 0 : index
      %swap3A_57 = arith.constant 0 : index
      %swap3A_58 = vector.load %arg10[%swap3A, %swap3A_57] : memref<1x128xf32, #tpu.memory_space<vmem>>, vector<1x128xf32>
      tpu.vector_store %arg10[%swap3A, %swap3A_57], %dot_general3A_43 {strides = array<i32>} : memref<1x128xf32, #tpu.memory_space<vmem>>, vector<1x128xf32>,
    } else {
    }
    %gt3A = arith.constant 0 : i32
    %gt3A_48 = arith.cmpi sgt, %arg0, %gt3A : i32
    %convert_element_type3A_49 = arith.extui %gt3A_48 : i1 to i32
    %cond3A_50 = arith.constant 0 : i32
    %cond3A_51 = arith.cmpi ne, %convert_element_type3A_49, %cond3A_50 : i32
    scf.if %cond3A_51 {
      %get3A_57 = arith.constant 0 : index
      %get3A_58 = arith.constant 0 : index
      %get3A_59 = vector.load %arg10[%get3A_57, %get3A_58] : memref<1x128xf32, #tpu.memory_space<vmem>>, vector<1x128xf32>
      %add3A_60 = arith.addf %get3A_59, %dot_general3A_43 : vector<1x128xf32>
      %swap3A = arith.constant 0 : index
      %swap3A_61 = arith.constant 0 : index
      %swap3A_62 = vector.load %arg10[%swap3A, %swap3A_61] : memref<1x128xf32, #tpu.memory_space<vmem>>, vector<1x128xf32>
      tpu.vector_store %arg10[%swap3A, %swap3A_61], %add3A_60 {strides = array<i32>} : memref<1x128xf32, #tpu.memory_space<vmem>>, vector<1x128xf32>,
    } else {
    }
    %eq3A_52 = arith.constant 4 : i32
    %eq3A_53 = arith.cmpi eq, %arg0, %eq3A_52 : i32
    %convert_element_type3A_54 = arith.extui %eq3A_53 : i1 to i32
    %cond3A_55 = arith.constant 0 : i32
    %cond3A_56 = arith.cmpi ne, %convert_element_type3A_54, %cond3A_55 : i32
    scf.if %cond3A_56 {
      %get3A_57 = arith.constant 0 : index
      %get3A_58 = arith.constant 0 : index
      %get3A_59 = vector.load %arg10[%get3A_57, %get3A_58] : memref<1x128xf32, #tpu.memory_space<vmem>>, vector<1x128xf32>
      %get3A_60 = arith.constant 0 : index
      %get3A_61 = arith.constant 0 : index
      %get3A_62 = vector.load %arg7[%get3A_60, %get3A_61] : memref<128x128xf32, #tpu.memory_space<vmem>>, vector<128x128xf32>
      %dot_general3A_63 = arith.constant dense<0.000000e+00> : vector<1x128xf32>
      %dot_general3A_64 = tpu.matmul %get3A_59, %get3A_62, %dot_general3A_63 {dimension_numbers = #tpu.dot_dimension_numbers<[1], [0], [0], [1], [0, 0, 1, 1], [], []>, precision = #tpu.contract_precision<fp32>, transpose_lhs_hint = false} : vector<1x128xf32>, vector<128x128xf32>, vector<1x128xf32> -> vector<1x128xf32>
      %get3A_65 = arith.constant 0 : index
      %get3A_66 = arith.constant 0 : index
      %get3A_67 = vector.load %arg8[%get3A_65, %get3A_66] : memref<1x128xf32, #tpu.memory_space<vmem>>, vector<1x128xf32>
      %add3A_68 = arith.addf %dot_general3A_64, %get3A_67 : vector<1x128xf32>
      %swap3A = arith.constant 0 : index
      %swap3A_69 = arith.constant 0 : index
      %swap3A_70 = vector.load %arg9[%swap3A, %swap3A_69] : memref<1x128xf32, #tpu.memory_space<vmem>>, vector<1x128xf32>
      tpu.vector_store %arg9[%swap3A, %swap3A_69], %add3A_68 {strides = array<i32>} : memref<1x128xf32, #tpu.memory_space<vmem>>, vector<1x128xf32>,
    } else {
    }
    return
  }
  func.func @transform_0(%arg0: i32) -> (i32, i32, i32) {
    %c0_i32 = arith.constant 0 : i32
    %c0_i32_0 = arith.constant 0 : i32
    %c0_i32_1 = arith.constant 0 : i32
    return %c0_i32, %arg0, %c0_i32_0 : i32, i32, i32
  }
  func.func @transform_1(%arg0: i32) -> (i32, i32, i32) {
    %c0_i32 = arith.constant 0 : i32
    %c0_i32_0 = arith.constant 0 : i32
    %c0_i32_1 = arith.constant 0 : i32
    return %arg0, %c0_i32, %c0_i32_0 : i32, i32, i32
  }
  func.func @transform_2(%arg0: i32) -> (i32, i32) {
    %c0_i32 = arith.constant 0 : i32
    %c0_i32_0 = arith.constant 0 : i32
    return %arg0, %c0_i32 : i32, i32
  }
  func.func @transform_3(%arg0: i32) -> (i32, i32) {
    %c0_i32 = arith.constant 0 : i32
    %c0_i32_0 = arith.constant 0 : i32
    %c0_i32_1 = arith.constant 0 : i32
    return %c0_i32, %c0_i32_0 : i32, i32
  }
  func.func @transform_4(%arg0: i32) -> (i32, i32) {
    %c0_i32 = arith.constant 0 : i32
    %c0_i32_0 = arith.constant 0 : i32
    %c0_i32_1 = arith.constant 0 : i32
    return %c0_i32, %c0_i32_0 : i32, i32
  }
  func.func @transform_5(%arg0: i32) -> (i32, i32) {
    %c0_i32 = arith.constant 0 : i32
    %c0_i32_0 = arith.constant 0 : i32
    %c0_i32_1 = arith.constant 0 : i32
    return %c0_i32, %c0_i32_0 : i32, i32
  }
  func.func @transform_6(%arg0: i32) -> (i32, i32) {
    %c0_i32 = arith.constant 0 : i32
    %c0_i32_0 = arith.constant 0 : i32
    %c0_i32_1 = arith.constant 0 : i32
    return %c0_i32, %c0_i32_0 : i32, i32
  }
  func.func @transform_7(%arg0: i32) -> (i32, i32) {
    %c0_i32 = arith.constant 0 : i32
    %c0_i32_0 = arith.constant 0 : i32
    %c0_i32_1 = arith.constant 0 : i32
    return %c0_i32, %c0_i32_0 : i32, i32
  }
  func.func @transform_8(%arg0: i32) -> (i32, i32) {
    %c0_i32 = arith.constant 0 : i32
    %c0_i32_0 = arith.constant 0 : i32
    %c0_i32_1 = arith.constant 0 : i32
    return %c0_i32, %c0_i32_0 : i32, i32
  }
}

</mosaic_0001>

<sc_bundles>
// kernel: kernel.4.cloned.1.call-start
scs
__scs_entry_jumppad:
0x0: {  	(pc) =	sbr.rel $0x88, $3  }
0x1: {  	(tag) =	ssettag $0x0;
	lr =	simm.s32 $0x1  }
0x2: {  	[smem:$0x3F9A] =	sst lr;
	_ =	strace $0xD0000000  }
0x3: {  	_ = 	snop  }
0x4: {  	_ = 	snop  }
0x5: {  	_ = 	snop  }
0x6: {  	_ = 	snop  }
0x7: {  	_ = 	snop  }
__scs_overlays_trampoline_lowered:
0x8: {  	[smem:$0x3FA9] =	sst s0  }
0x9: {  	[smem:$0x3FAA] =	sst s1  }
0xa: {  	[smem:$0x3FAB] =	sst s2  }
0xb: {  	[smem:$0x3FAC] =	sst s3  }
0xc: {  	[smem:$0x3FAD] =	sst s4  }
0xd: {  	[smem:$0x3FAE] =	sst s5  }
0xe: {  	[smem:$0x3FAF] =	sst s6  }
0xf: {  	[smem:$0x3FB0] =	sst s7  }
0x10: {  	[smem:$0x3FB1] =	sst s8  }
0x11: {  	[smem:$0x3FB2] =	sst s9;
	s0 =	simm.s32 @!p0 $0x0  }
0x12: {  	s1 =	sld [smem:$0x3F98];
	s0 =	simm.s32 @p0 $0x1  }
0x13: {  	[smem:$0x3FB3] =	sst s0;
	s0 =	simm.s32 @!p1 $0x0  }
0x14: {  	s2 =	sld [smem:$0x3F97];
	s0 =	simm.s32 @p1 $0x1  }
0x15: {  	[smem:$0x3FB4] =	sst s0;
	s0 =	simm.s32 @!p2 $0x0  }
0x16: {  	s3 =	sld [smem:$0x3FDB];
	s0 =	simm.s32 @p2 $0x1  }
0x17: {  	s4 =	simm.s32 $0x1BF5;
	[smem:$0x3FB6] =	sst s0  }
0x18: {  	s0 =	sld [smem:$0x3F99];
	_ =	swait.ge [sflag:s4], $0x0  }
0x19: {  	s7 =	sld [smem:$0x3F9A]  }
0x1a: {  	s8 =	sadd.s32 $0xFFFFE003, lr  }
0x1b: {  	s9 =	sadd.s32 $0xFFFFFEF7, lr;
	s5 =	simm.s32 $0xFFFFFFFF;
	p2 =	slt.u32 s8, $0xFFFFF086  }
0x1c: {  	p1 =	slt.u32 s9, $0xF7A;
	s5 =	simm.s32 @!p2 $0x0  }
0x1d: {  	s5 =	simm.s32 @p1 $0x1;
	p0 =	seq.s32 s7, s2  }
0x1e: {  	s7 =	smul.u32 @!p0 $0xF7A, s2;
	p2 =	seq.s32 @!p0 s5, $0x0  }
0x1f: {  	s9 =	smul.u32 $0xF7A, s1;
	s8 =	simm.s32 @!p0 $0x1BF5;
	p2 =	por !p2, p0  }
0x20: {  	[sflag:s8] =	ssyncset.s32 @!p0 $0xFFFFF086;
	s6 =	sadd.s32 @!p0 s3, s7;
	s7 =	simm.s32 @!p0 $0x108  }
0x21: {  	s3 =	sadd.s32 s3, s9;
	s6 =	sadd.s32 @!p0 $0x88, s6;
	s7 =	simm.s32 @p2 $0x1082  }
0x22: {  	[simem:s7], [sflag:s8] =	dma.local @!p0 [hbm:s6], $0xF7A  }
0x23: {  	s9 =	sor.u32 $0xD0000000, s2;
	s6 =	simm.s32 $0x108;
	_ =	swait.ge @!p0 [sflag:s8], $0x0  }
0x24: {  	s3 =	sadd.s32 $0x88, s3;
	s6 =	simm.s32 @!p1 $0x1082;
	[sflag:s4] =	ssyncset.s32 $0xFFFFF086  }
0x25: {  	[simem:s6], [sflag:s4] =	dma.local [hbm:s3], $0xF7A  }
0x26: {  	[smem:$0x3F9A] =	sst s1;
	(tag) =	ssettag s2;
	_ =	strace s9  }
0x27: {  	s1 =	sld [smem:$0x3FAA]  }
0x28: {  	s2 =	sld [smem:$0x3FAB]  }
0x29: {  	s4 =	sld [smem:$0x3FAD]  }
0x2a: {  	p0 =	seq.s32 s5, $0x0;
	s5 =	sld [smem:$0x3FAE]  }
0x2b: {  	s6 =	sld [smem:$0x3FAF]  }
0x2c: {  	s7 =	sld [smem:$0x3FB0]  }
0x2d: {  	s3 =	simm.s32 $0x108;
	s8 =	sld [smem:$0x3FB1]  }
0x2e: {  	s3 =	simm.s32 @!p0 $0x1082;
	s9 =	sld [smem:$0x3FB2]  }
0x2f: {  	lr =	sadd.s32 s0, s3;
	s0 =	sld [smem:$0x3FA9]  }
0x30: {  	s3 =	sld [smem:$0x3FAC]  }
0x31: {  	[smem:$0x3FB5] =	sst s10  }
0x32: {  	s10 =	sld [smem:$0x3FB3];
	_ =	sdelay $0x3  }
0x33: {  	p0 =	seq.s32 s10, $0x1;
	s10 =	sld [smem:$0x3FB5];
	_ =	sdelay $0x3  }
0x34: {  	[smem:$0x3FB5] =	sst s10  }
0x35: {  	s10 =	sld [smem:$0x3FB4];
	_ =	sdelay $0x3  }
0x36: {  	p1 =	seq.s32 s10, $0x1;
	s10 =	sld [smem:$0x3FB5];
	_ =	sdelay $0x3  }
0x37: {  	[smem:$0x3FB5] =	sst s10  }
0x38: {  	s10 =	sld [smem:$0x3FB6]  }
0x39: {  	_ = 	snop;
	(pc) =	sbr.ind lr, $3  }
0x3a: {  	_ = 	snop  }
0x3b: {  	_ = 	snop  }
0x3c: {  	p2 =	seq.s32 s10, $0x1;
	s10 =	sld [smem:$0x3FB5]  }
0x3d: {  	_ =	shalt  }
0x3e: {  	_ =	shalt  }
0x3f: {  	_ =	shalt  }
0x40: {  	_ =	shalt  }
0x41: {  	_ =	shalt  }
0x42: {  	_ =	shalt  }
0x43: {  	_ =	shalt  }
0x44: {  	_ =	shalt  }
0x45: {  	_ =	shalt  }
0x46: {  	_ =	shalt  }
0x47: {  	_ =	shalt  }
0x48: {  	_ =	shalt  }
0x49: {  	_ =	shalt  }
0x4a: {  	_ =	shalt  }
0x4b: {  	_ =	shalt  }
0x4c: {  	_ =	shalt  }
0x4d: {  	_ =	shalt  }
0x4e: {  	_ =	shalt  }
0x4f: {  	_ =	shalt  }
0x50: {  	_ =	shalt  }
0x51: {  	_ =	shalt  }
0x52: {  	_ =	shalt  }
0x53: {  	_ =	shalt  }
0x54: {  	_ =	shalt  }
0x55: {  	_ =	shalt  }
0x56: {  	_ =	shalt  }
0x57: {  	_ =	shalt  }
0x58: {  	_ =	shalt  }
0x59: {  	_ =	shalt  }
0x5a: {  	_ =	shalt  }
0x5b: {  	_ =	shalt  }
0x5c: {  	_ =	shalt  }
0x5d: {  	_ =	shalt  }
0x5e: {  	_ =	shalt  }
0x5f: {  	_ =	shalt  }
0x60: {  	_ =	shalt  }
0x61: {  	_ =	shalt  }
0x62: {  	_ =	shalt  }
0x63: {  	_ =	shalt  }
0x64: {  	_ =	shalt  }
0x65: {  	_ =	shalt  }
0x66: {  	_ =	shalt  }
0x67: {  	_ =	shalt  }
0x68: {  	_ =	shalt  }
0x69: {  	_ =	shalt  }
0x6a: {  	_ =	shalt  }
0x6b: {  	_ =	shalt  }
0x6c: {  	_ =	shalt  }
0x6d: {  	_ =	shalt  }
0x6e: {  	_ =	shalt  }
0x6f: {  	_ =	shalt  }
0x70: {  	_ =	shalt  }
0x71: {  	_ =	shalt  }
0x72: {  	_ =	shalt  }
0x73: {  	_ =	shalt  }
0x74: {  	_ =	shalt  }
0x75: {  	_ =	shalt  }
0x76: {  	_ =	shalt  }
0x77: {  	_ =	shalt  }
0x78: {  	_ =	shalt  }
0x79: {  	_ =	shalt  }
0x7a: {  	_ =	shalt  }
0x7b: {  	_ =	shalt  }
0x7c: {  	_ =	shalt  }
0x7d: {  	_ =	shalt  }
0x7e: {  	_ =	shalt  }
0x7f: {  	_ =	shalt  }
0x80: {  	_ =	shalt  }
0x81: {  	_ =	shalt  }
0x82: {  	_ =	shalt  }
0x83: {  	_ =	shalt  }
0x84: {  	_ =	shalt  }
0x85: {  	_ =	shalt  }
0x86: {  	_ =	shalt  }
0x87: {  	_ =	shalt  }
.Lfunc_end0:
.L_simem_size_0:
called_computation_lowered:
.L_overlay_start_0:
0x88: {  	s2 =	sld [smem:$0x3FD9]  }
0x89: {  	s3 =	sld [smem:$0x3FFE];
	_ =	sdelay $0x1  }
0x8a: {  	s1 =	srdreg.scid  }
0x8b: {  	s0 =	sand.u32 $0x1, s1  }
0x8c: {  	s17 =	sshll.u32 s0, $0xA;
	s2 =	sadd.s32 s3, s2  }
0x8d: {  	s2 =	sadd.s32 s2, s17  }
0x8e: {  	[smem:$0x3FC1] =	sst s2  }
0x8f: {  	_ = 	snop  }
0x90: {  	s2 =	sld [smem:$0x3FC9];
	(tm) =	ssettm $0x1  }
0x91: {  	s18 =	sld [smem:$0x3FFB];
	_ =	sdelay $0x3  }
0x92: {  	_ =	strace s18  }
0x93: {  	s3 =	sld [smem:$0x3FFC];
	_ =	sdelay $0x3  }
0x94: {  	_ =	strace s3  }
0x95: {  	s3 =	sld [smem:$0x3FFD];
	_ =	sdelay $0x3  }
0x96: {  	_ =	strace s3  }
0x97: {  	_ =	strace $0x8FFFFFFF  }
0x98: {  	s19 =	sld [smem:$0x3FDB];
	_ =	sdelay $0x1  }
0x99: {  	s4 =	simm.s32 $_scs_section_size  }
0x9a: {  	s5 =	simm.s32 $_size__tile_overlayer_lowered;
	s6 =	simm.s32 $_tile_overlayer_lowered  }
0x9b: {  	s22 =	simm.s32 $0x1BFF;
	s21 =	sshll.u32 s6, $0x1;
	s3 =	sadd.s32 s4, s19  }
0x9c: {  	s7 =	simm.s32 $0x0;
	s20 =	sshll.u32 s5, $0x1;
	s5 =	sadd.s32 s21, s3  }
0x9d: {  	[timem:s7], [sflag:s22] =	dma.local [hbm:s5], s20  }
0x9e: {  	_ =	swait.ge [sflag:s22], s20  }
0x9f: {  	s4 =	ssub.s32 $0x0, s20;
	[sflag:s22] =	ssyncset.done $0x0  }
0xa0: {  	[sflag:s22] =	ssyncadd.s32 s4;
	_ =	sdelay $0x1  }
0xa1: {  	s23 =	simm.s32 $0x1B8B  }
0xa2: {  	_ =	swait.ge [sflag:s23], $0x1  }
0xa3: {  	[sflag:s23] =	ssyncset.done $0x0  }
0xa4: {  	s25 =	simm.s32 $0x1B8E;
	s24 =	sld [smem:$0x3FFE];
	[sflag:s23] =	ssyncadd.s32 $0xFFFFFFFF  }
0xa5: {  	s26 =	simm.s32 $execute0_lowered;
	[smem:$0x3FD2] =	sst s25  }
0xa6: {  	s5 =	sshll.u32 s26, $0x1;
	_ =	strace $0x80000046;
	[dreg:$0x1] =	wrdreg $0xFFFFFFFF  }
0xa7: {  	s28 =	simm.s32 $_size_execute0_lowered;
	s3 =	sadd.s32 s3, s5;
	[dreg:$0x0] =	wrdreg $0x0  }
0xa8: {  	s5 =	sshll.u32 s28, $0x1;
	[dreg:$0x2] =	wrdreg s3  }
0xa9: {  	[dreg:$0x3] =	wrdreg s5  }
0xaa: {  	[dreg:$0x4] =	wrdreg $0xC0  }
0xab: {  	_ =	task [dreg:s7], $0x5FFFF  }
0xac: {  	[dreg:$0x1] =	wrdreg $0xFFFFFFFF  }
0xad: {  	[dreg:$0x0] =	wrdreg $0x60  }
0xae: {  	[dreg:$0x2] =	wrdreg s24  }
0xaf: {  	[dreg:$0x3] =	wrdreg s2  }
0xb0: {  	[dreg:$0x4] =	wrdreg $0xC2000  }
0xb1: {  	[dreg:$0x5] =	wrdreg $0x9  }
0xb2: {  	_ =	task.clear_ibuf [dreg:s7], $0x6FFFF;
	_ =	strace $0x90000046  }
0xb3: {  	s29 =	simm.s32 $0x9;
	_ =	strace $0x80000048  }
0xb4: {  	_ =	swait.ge [sflag:s29], $0x1  }
0xb5: {  	[sflag:s29] =	ssyncadd.s32 $0xFFFFFFFF  }
0xb6: {  	_ =	strace $0x90000048  }
0xb7: {  	_ =	sfence  }
0xb8: {  	s30 =	sld [smem:$0x0];
	_ =	sdelay $0x2  }
0xb9: {  	s31 =	sshll.u32 s1, $0xD;
	s1 =	sshrl.u32 s1, $0x2  }
0xba: {  	s3 =	sand.u32 $0x4000, s31;
	s1 =	sadd.s32 s1, s30  }
0xbb: {  	s0 =	sor.u32 s3, s0;
	s1 =	sshll.u32 s1, $0x11  }
0xbc: {  	s0 =	sor.u32 s1, s0  }
0xbd: {  	s0 =	sadd.s32 $0x8F2B, s0  }
0xbe: {  	[sflag:s0] =	ssyncadd.remote.s32 $0x1  }
0xbf: {  	_ =	sfence.sel $0xFFFF  }
0xc0: {  	[dreg:$0x0] =	wrdreg $0xFFFFFFFF;
	(pc) =	sbr.abs _section_cstart, $3  }
0xc1: {  	[dreg:$0x1] =	wrdreg $0xFFFFFFFF  }
0xc2: {  	_ =	task.clear_ibuf [dreg:s7], $0x2FFFF;
	_ =	strace $0x9FFFFFFF  }
0xc3: {  	(tm) =	ssettm $0x7FFFFFFF  }
tec
execute0_lowered:
.L_overlay_start_1:
0x0: {  	(tag) =	ssettag $0x1  }
0x1: {  	s1 =	srdreg.scid;
	s7 =	stileid.u32  }
0x2: {  	s1 =	sand.u32 $0x1, s1;
	s2 =	smul.u32 $0x13880, s7  }
0x3: {  	s5 =	smul.u32 $0x138800, s1;
	_ =	sdelay $0x1  }
0x4: {  	s5 =	sadd.s32 s2, s5  }
0x5: {  	s0 =	rddreg [dreg:$0x0];
	s5 =	sshrl.u32 s5, $0x3  }
0x6: {  	s3 =	rddreg [dreg:$0x2];
	s4 =	simm.s32 $0x0;
	s8 =	sadd.s32 s5, s0  }
0x7: {  	[smem:$0x7FF] =	sst s4;
	s11 =	sadd.s32 $0x1EE00, s8  }
0x8: {  	_ =	strace $0x80000047;
	s12 =	sadd.s32 $0x1EFF4, s8;
	[dreg:$0x7] =	wrdreg s11  }
0x9: {  	s13 =	sadd.s32 $0x1F1E8, s8;
	[dreg:$0x8] =	wrdreg s12  }
0xa: {  	s14 =	sadd.s32 $0x1F3DC, s8;
	[dreg:$0x9] =	wrdreg s13  }
0xb: {  	s15 =	sadd.s32 $0x1F5D0, s8;
	[dreg:$0xa] =	wrdreg s14  }
0xc: {  	s16 =	sadd.s32 $0x1F7C4, s8;
	[dreg:$0xb] =	wrdreg s15  }
0xd: {  	s17 =	sadd.s32 $0x1F9B8, s8;
	[dreg:$0xc] =	wrdreg s16  }
0xe: {  	s6 =	sshll.u32 s1, $0x4;
	s18 =	sadd.s32 $0x1FBAC, s8;
	[dreg:$0xd] =	wrdreg s17  }
0xf: {  	s1 =	ssub.s32 $0x2, s1;
	s19 =	sadd.s32 $0x1FDA0, s8;
	[dreg:$0xe] =	wrdreg s18  }
0x10: {  	s6 =	sor.u32 s7, s6;
	s20 =	sadd.s32 $0x1FF94, s8;
	[dreg:$0xf] =	wrdreg s19  }
0x11: {  	s7 =	smul.u32 $0x4E200, s7;
	s21 =	sadd.s32 $0x20188, s8;
	[dreg:$0x10] =	wrdreg s20  }
0x12: {  	s6 =	smul.u32 $0x2710, s6;
	s22 =	sadd.s32 $0x2037C, s8;
	[dreg:$0x11] =	wrdreg s21  }
0x13: {  	s26 =	sshrl.u32 s1, $0x1;
	s23 =	sadd.s32 $0x20570, s8;
	[dreg:$0x12] =	wrdreg s22  }
0x14: {  	s25 =	sshrl.u32 s6, $0x3;
	s24 =	sadd.s32 $0x20764, s8;
	[dreg:$0x13] =	wrdreg s23  }
0x15: {  	s0 =	sadd.s32 s25, s0;
	s25 =	sadd.s32 $0x20958, s8;
	[dreg:$0x14] =	wrdreg s24  }
0x16: {  	s1 =	ssub.s32 s1, s26;
	s26 =	sadd.s32 $0x20B4C, s8;
	[dreg:$0x15] =	wrdreg s25  }
0x17: {  	s7 =	sshrl.u32 s7, $0x2;
	s6 =	sadd.s32 $0x20F34, s8;
	[dreg:$0x16] =	wrdreg s26  }
0x18: {  	s5 =	sadd.s32 s7, s3;
	s7 =	sadd.s32 $0x21128, s8;
	[dreg:$0x18] =	wrdreg s6  }
0x19: {  	s9 =	sadd.s32 $0x1600, s0;
	[dreg:$0x19] =	wrdreg s7  }
0x1a: {  	s10 =	sadd.s32 $0xB240, s0;
	[dreg:$0x4] =	wrdreg s9  }
0x1b: {  	s0 =	sadd.s32 $0x15000, s0;
	[dreg:$0x5] =	wrdreg s10  }
0x1c: {  	[dreg:$0x6] =	wrdreg s0;
	s9 =	sadd.s32 s2, s3;
	s2 =	sadd.s32 $0x20D40, s8  }
0x1d: {  	s8 =	sadd.s32 $0x2131C, s8;
	[dreg:$0x17] =	wrdreg s2  }
0x1e: {  	s10 =	smax.u32 s1, $0x1;
	[dreg:$0x1a] =	wrdreg s8  }
0x1f: {  	[dreg:$0x1b] =	wrdreg s10;
	s11 =	sadd.s32 $0xFA0, s9  }
0x20: {  	s12 =	sadd.s32 $0x1F40, s9;
	[dreg:$0x1c] =	wrdreg s11  }
0x21: {  	s13 =	sadd.s32 $0x2EE0, s9;
	[dreg:$0x1d] =	wrdreg s12  }
0x22: {  	s14 =	sadd.s32 $0x3E80, s9;
	[dreg:$0x1e] =	wrdreg s13  }
0x23: {  	s15 =	sadd.s32 $0x4E20, s9;
	[dreg:$0x1f] =	wrdreg s14  }
0x24: {  	s16 =	sadd.s32 $0x5DC0, s9;
	[smem:$0x7F2] =	sst s15  }
0x25: {  	s17 =	sadd.s32 $0x6D60, s9;
	[smem:$0x7F3] =	sst s16  }
0x26: {  	s28 =	sadd.s32 $0x9C40, s5;
	s18 =	sadd.s32 $0x7D00, s9;
	[smem:$0x7F4] =	sst s17  }
0x27: {  	s29 =	sadd.s32 $0xBB80, s5;
	s19 =	sadd.s32 $0x8CA0, s9;
	[smem:$0x7F5] =	sst s18  }
0x28: {  	s30 =	sadd.s32 $0xDAC0, s5;
	s20 =	sadd.s32 $0x9C40, s9;
	[smem:$0x7F6] =	sst s19  }
0x29: {  	s31 =	sadd.s32 $0xFA00, s5;
	s21 =	sadd.s32 $0xABE0, s9;
	[smem:$0x7F7] =	sst s20  }
0x2a: {  	s6 =	simm.s32 $0x9A80;
	s22 =	sadd.s32 $0xBB80, s9;
	[smem:$0x7F8] =	sst s21  }
0x2b: {  	s7 =	simm.s32 $0x2;
	s23 =	sadd.s32 $0xCB20, s9;
	[smem:$0x7F9] =	sst s22  }
0x2c: {  	s0 =	sadd.s32 $0x11940, s5;
	s24 =	sadd.s32 $0xDAC0, s9;
	[smem:$0x7FA] =	sst s23  }
0x2d: {  	s1 =	simm.s32 $0x7B00;
	s25 =	sadd.s32 $0xEA60, s9;
	[smem:$0x7FB] =	sst s24  }
0x2e: {  	s26 =	sadd.s32 $0xFA00, s9;
	s2 =	simm.s32 $0x4;
	[smem:$0x7FC] =	sst s25  }
0x2f: {  	s8 =	simm.s32 $0x80;
	s10 =	simm.s32 $0x7A00;
	[smem:$0x7FD] =	sst s26  }
0x30: {  	s20 =	sadd.s32 $0x109A0, s9;
	s21 =	sadd.s32 $0x11940, s9;
	s22 =	sadd.s32 $0x128E0, s9  }
0x31: {  	s23 =	sadd.s32 $0x1F40, s5;
	s24 =	sadd.s32 $0x3E80, s5;
	s25 =	sadd.s32 $0x5DC0, s5  }
0x32: {  	s26 =	sadd.s32 $0x7D00, s5;
	s11 =	simm.s32 $0x7900;
	s12 =	simm.s32 $0x1  }
0x33: {  	v0 =	vimm.f32 $0.0e+00;
	v1 =	vimm.f32 $1.000000000e+00;
	v2 =	vimm.s32 $0x0;
	s13 =	simm.s32 $0x8AA0;
	s14 =	simm.s32 $0x3;
	s15 =	simm.s32 $0x0  }
.LBB2_1:
0x34: {  	s16 =	simm.s32 $0x0  }
.LBB2_2:
0x35: {  	p0 =	sne.s32 s16, $0x7CC0  }
.Ltmp0:
0x36: {  	_ = 	snop;
	(pc) =	sbr.rel @p0 .LBB2_2-.Ltmp0, $3  }
0x37: {  	_ =	sdelay $0x1  }
0x38: {  	s17 =	sshra.s32 s16, $0x2  }
0x39: {  	s16 =	sadd.s32 $0x40, s16;
	[tilespmem:s17+$0x7B00] =	vst v0  }
0x3a: {  	s16 =	simm.s32 $0x40;
	s17 =	simm.s32 $0x0  }
.LBB2_4:
0x3b: {  	p0 =	sne.s32 s16, $0x9C40;
	[tilespmem:s17+$0x9A80] =	vst v0;
	s17 =	smov.u32 s16;
	s16 =	sadd.s32 $0x40, s16  }
.Ltmp1:
0x3c: {  	(pc) =	sbr.rel @p0 .LBB2_4-.Ltmp1, $2  }
0x3d: {  	_ =	sdelay $0x2  }
0x3e: {  	s17 =	sshra.s32 s17, $0x2  }
0x3f: {  	[tilespmem:s17+$0x9A80] =	vst v0  }
0x40: {  	[tilespmem:$0x7A00] =	vst v1  }
0x41: {  	[tilespmem:$0x7A80] =	vst v1  }
0x42: {  	[tilespmem:$0x7A10] =	vst v1  }
0x43: {  	[tilespmem:$0x7A90] =	vst v0  }
0x44: {  	[tilespmem:$0x7A20] =	vst v1  }
0x45: {  	[tilespmem:$0x7AA0] =	vst v0  }
0x46: {  	[tilespmem:$0x7A30] =	vst v1  }
0x47: {  	[tilespmem:$0x7AB0] =	vst v0  }
0x48: {  	[tilespmem:$0x7A40] =	vst v1  }
0x49: {  	[tilespmem:$0x7AC0] =	vst v0  }
0x4a: {  	[tilespmem:$0x7A50] =	vst v1  }
0x4b: {  	[tilespmem:$0x7AD0] =	vst v0  }
0x4c: {  	[tilespmem:$0x7A60] =	vst v1  }
0x4d: {  	[tilespmem:$0x7AE0] =	vst v0  }
0x4e: {  	[tilespmem:$0x7A70] =	vst v1  }
0x4f: {  	[tilespmem:$0x7AF0] =	vst v0  }
0x50: {  	[spmem:s5] =	stream.linear.scatter [tilespmem:s1], [sflag:$0x2], $0x1F40, $0x38;
	[tilespmem:$0x1FA80] =	vst v63  }
0x51: {  	_ = 	snop  }
0x52: {  	[spmem:s23] =	stream.linear.scatter [tilespmem:s1], [sflag:$0x2], $0x1F40, $0x38;
	[tilespmem:$0x1FA80] =	vst v63  }
0x53: {  	_ = 	snop  }
0x54: {  	[spmem:s24] =	stream.linear.scatter [tilespmem:s1], [sflag:$0x2], $0x1F40, $0x38;
	[tilespmem:$0x1FA80] =	vst v63  }
0x55: {  	_ = 	snop  }
0x56: {  	[spmem:s25] =	stream.linear.scatter [tilespmem:s1], [sflag:$0x2], $0x1F40, $0x38;
	[tilespmem:$0x1FA80] =	vst v63  }
0x57: {  	_ = 	snop  }
0x58: {  	[spmem:s26] =	stream.linear.scatter [tilespmem:s1], [sflag:$0x2], $0x1F40, $0x38;
	[tilespmem:$0x1FA80] =	vst v63  }
0x59: {  	_ = 	snop  }
0x5a: {  	[spmem:s28] =	stream.linear.scatter [tilespmem:s1], [sflag:$0x2], $0x1F40, $0x38;
	[tilespmem:$0x1FA80] =	vst v63  }
0x5b: {  	_ = 	snop  }
0x5c: {  	[spmem:s29] =	stream.linear.scatter [tilespmem:s1], [sflag:$0x2], $0x1F40, $0x38;
	[tilespmem:$0x1FA80] =	vst v63  }
0x5d: {  	_ = 	snop  }
0x5e: {  	[spmem:s30] =	stream.linear.scatter [tilespmem:s1], [sflag:$0x2], $0x1F40, $0x38;
	[tilespmem:$0x1FA80] =	vst v63  }
0x5f: {  	_ = 	snop  }
0x60: {  	[spmem:s31] =	stream.linear.scatter [tilespmem:s1], [sflag:$0x2], $0x1F40, $0x38;
	[tilespmem:$0x1FA80] =	vst v63  }
0x61: {  	_ = 	snop  }
0x62: {  	[spmem:s0] =	stream.linear.scatter [tilespmem:s1], [sflag:$0x2], $0x1F40, $0x38;
	[tilespmem:$0x1FA80] =	vst v63  }
0x63: {  	s16 =	simm.s32 $0x0;
	s18 =	rddreg [dreg:$0x1]  }
0x64: {  	[tilespmem:s16], [sflag:$0x4] =	stream.linear.gather [hbm4b:s18+s16], $0x2780, $0x38;
	[tilespmem:$0x1FA80] =	vst v63  }
0x65: {  	_ =	swait.ge [sflag:s2], $0x2780  }
0x66: {  	[sflag:s2] =	ssyncset.done $0x0  }
0x67: {  	s18 =	simm.s32 $0x2780;
	s19 =	rddreg [dreg:$0x4];
	[sflag:s2] =	ssyncadd.s32 $0xFFFFD880  }
0x68: {  	[tilespmem:s18], [sflag:$0x4] =	stream.linear.gather [hbm4b:s19+s16], $0x2710, $0x38;
	[tilespmem:$0x1FA80] =	vst v63  }
0x69: {  	_ =	swait.ge [sflag:s2], $0x2710  }
0x6a: {  	[sflag:s2] =	ssyncset.done $0x0  }
0x6b: {  	s19 =	simm.s32 $0x4E90;
	s18 =	rddreg [dreg:$0x5];
	[sflag:s2] =	ssyncadd.s32 $0xFFFFD8F0  }
0x6c: {  	[tilespmem:s19], [sflag:$0x4] =	stream.linear.gather [hbm4b:s18+s16], $0x2710, $0x38;
	[tilespmem:$0x1FA80] =	vst v63  }
0x6d: {  	_ =	swait.ge [sflag:s2], $0x2710  }
0x6e: {  	[sflag:s2] =	ssyncset.done $0x0  }
0x6f: {  	s17 =	simm.s32 $0x0;
	s16 =	simm.s32 $0x40;
	[sflag:s2] =	ssyncadd.s32 $0xFFFFD8F0  }
.LBB2_6:
0x70: {  	p0 =	sne.s32 s16, $0x9C00;
	v3 =	vld [tilespmem:s17+$0x2780];
	_ =	sdelay $0x4  }
0x71: {  	(xrf1) =	vunique.msk.u32 $0xffff, v3;
	_ =	sdelay $0xd  }
0x72: {  	_, v4, vm0 =	vpop (xrf1);
	_ =	sdelay $0x1  }
.Ltmp2:
0x73: {  	(pc) =	sbr.rel @p0 .LBB2_6-.Ltmp2, $3  }
0x74: {  	_ = 	snop  }
0x75: {  	v4 =	vcvt.s32.f32 v4;
	_ =	sdelay $0x1  }
0x76: {  	s17 =	sshra.s32 s16, $0x2;
	s16 =	sadd.s32 $0x40, s16;
	[tilespmem:v3+s6+$0x0] =	vst.idx.add.f32.msk vm0, v4  }
0x77: {  	v3 =	vld [tilespmem:s17+$0x2780];
	_ =	sdelay $0x4  }
0x78: {  	(xrf1) =	vunique.msk.u32 $0xffff, v3;
	_ =	sdelay $0xd  }
0x79: {  	_, v4, vm0 =	vpop (xrf1);
	_ =	sdelay $0x3  }
0x7a: {  	v4 =	vcvt.s32.f32 v4;
	_ =	sdelay $0x1  }
0x7b: {  	[tilespmem:v3+s6+$0x0] =	vst.idx.add.f32.msk vm0, v4  }
0x7c: {  	_ =	swait.ge [sflag:s7], $0x1F40  }
0x7d: {  	[sflag:s7] =	ssyncset.done $0x0  }
0x7e: {  	[sflag:s7] =	ssyncadd.s32 $0xFFFFE0C0  }
0x7f: {  	_ =	swait.ge [sflag:s7], $0x1F40  }
0x80: {  	[sflag:s7] =	ssyncset.done $0x0  }
0x81: {  	[sflag:s7] =	ssyncadd.s32 $0xFFFFE0C0  }
0x82: {  	_ =	swait.ge [sflag:s7], $0x1F40  }
0x83: {  	[sflag:s7] =	ssyncset.done $0x0  }
0x84: {  	[sflag:s7] =	ssyncadd.s32 $0xFFFFE0C0  }
0x85: {  	_ =	swait.ge [sflag:s7], $0x1F40  }
0x86: {  	[sflag:s7] =	ssyncset.done $0x0  }
0x87: {  	[sflag:s7] =	ssyncadd.s32 $0xFFFFE0C0  }
0x88: {  	_ =	swait.ge [sflag:s7], $0x1F40  }
0x89: {  	[sflag:s7] =	ssyncset.done $0x0  }
0x8a: {  	[sflag:s7] =	ssyncadd.s32 $0xFFFFE0C0  }
0x8b: {  	_ =	swait.ge [sflag:s7], $0x1F40  }
0x8c: {  	[sflag:s7] =	ssyncset.done $0x0  }
0x8d: {  	[sflag:s7] =	ssyncadd.s32 $0xFFFFE0C0  }
0x8e: {  	_ =	swait.ge [sflag:s7], $0x1F40  }
0x8f: {  	[sflag:s7] =	ssyncset.done $0x0  }
0x90: {  	[sflag:s7] =	ssyncadd.s32 $0xFFFFE0C0  }
0x91: {  	_ =	swait.ge [sflag:s7], $0x1F40  }
0x92: {  	[sflag:s7] =	ssyncset.done $0x0  }
0x93: {  	[sflag:s7] =	ssyncadd.s32 $0xFFFFE0C0  }
0x94: {  	_ =	swait.ge [sflag:s7], $0x1F40  }
0x95: {  	[sflag:s7] =	ssyncset.done $0x0  }
0x96: {  	[sflag:s7] =	ssyncadd.s32 $0xFFFFE0C0  }
0x97: {  	_ =	swait.ge [sflag:s7], $0x1F40  }
0x98: {  	[sflag:s7] =	ssyncset.done $0x0  }
0x99: {  	[sflag:s7] =	ssyncadd.s32 $0xFFFFE0C0  }
0x9a: {  	[bflag:$0x0] =	sbarrier.arrive $0xFFFF  }
0x9b: {  	v3 =	vld [tilespmem:$0x2780];
	_ =	sdelay $0x5  }
0x9c: {  	v33 =	vld [tilespmem:$0x4E90]  }
0x9d: {  	v5 =	vld [tilespmem:$0x2790]  }
0x9e: {  	v3 =	vld.idx.msk [tilespmem:v3+s4+$0x0], $0xffff;
	_ =	sdelay $0x3  }
0x9f: {  	v4 =	vshll.u32 v33, $0x7  }
0xa0: {  	v34 =	vld [tilespmem:$0x4EA0];
	v3 =	vadd.s32 v3, v4  }
0xa1: {  	[tilespmem:$0x7600] =	vst v3;
	v3 =	vld [tilespmem:$0x27A0]  }
0xa2: {  	v5 =	vld.idx.msk [tilespmem:v5+s4+$0x0], $0xffff;
	_ =	sdelay $0x3  }
0xa3: {  	v4 =	vshll.u32 v34, $0x7  }
0xa4: {  	v35 =	vld [tilespmem:$0x4EB0];
	v4 =	vadd.s32 v5, v4  }
0xa5: {  	v36 =	vld [tilespmem:$0x27B0];
	[tilespmem:$0x7610] =	vst v4  }
0xa6: {  	v3 =	vld.idx.msk [tilespmem:v3+s4+$0x0], $0xffff;
	_ =	sdelay $0x3  }
0xa7: {  	v5 =	vshll.u32 v35, $0x7  }
0xa8: {  	v37 =	vld [tilespmem:$0x4EC0];
	v3 =	vadd.s32 v3, v5  }
0xa9: {  	[tilespmem:$0x7620] =	vst v3;
	v3 =	vld [tilespmem:$0x27C0]  }
0xaa: {  	v4 =	vld.idx.msk [tilespmem:v36+s4+$0x0], $0xffff;
	_ =	sdelay $0x3  }
0xab: {  	v5 =	vshll.u32 v37, $0x7  }
0xac: {  	v38 =	vld [tilespmem:$0x4ED0];
	v4 =	vadd.s32 v4, v5  }
0xad: {  	v39 =	vld [tilespmem:$0x27D0];
	[tilespmem:$0x7630] =	vst v4  }
0xae: {  	v3 =	vld.idx.msk [tilespmem:v3+s4+$0x0], $0xffff;
	_ =	sdelay $0x3  }
0xaf: {  	v5 =	vshll.u32 v38, $0x7  }
0xb0: {  	v40 =	vld [tilespmem:$0x4EE0];
	v3 =	vadd.s32 v3, v5  }
0xb1: {  	[tilespmem:$0x7640] =	vst v3;
	v3 =	vld [tilespmem:$0x27E0]  }
0xb2: {  	v4 =	vld.idx.msk [tilespmem:v39+s4+$0x0], $0xffff;
	_ =	sdelay $0x3  }
0xb3: {  	v5 =	vshll.u32 v40, $0x7  }
0xb4: {  	v41 =	vld [tilespmem:$0x4EF0];
	v4 =	vadd.s32 v4, v5  }
0xb5: {  	v42 =	vld [tilespmem:$0x27F0];
	[tilespmem:$0x7650] =	vst v4  }
0xb6: {  	v3 =	vld.idx.msk [tilespmem:v3+s4+$0x0], $0xffff;
	_ =	sdelay $0x3  }
0xb7: {  	v5 =	vshll.u32 v41, $0x7  }
0xb8: {  	v3 =	vadd.s32 v3, v5  }
0xb9: {  	[tilespmem:$0x7660] =	vst v3;
	v3 =	vld [tilespmem:$0x4F00]  }
0xba: {  	v4 =	vld.idx.msk [tilespmem:v42+s4+$0x0], $0xffff;
	_ =	sdelay $0x3  }
0xbb: {  	v3 =	vshll.u32 v3, $0x7  }
0xbc: {  	v3 =	vadd.s32 v4, v3  }
0xbd: {  	s16 =	simm.s32 $0x7600;
	[tilespmem:$0x7670] =	vst v3  }
0xbe: {  	[spmem:s3] =	stream.indirect.scatter.add.f32 [tilespmem:s10], [sflag:$0x1], $0x1, s16, s8, $0xb8;
	[tilespmem:$0x1FA80] =	vst v63  }
0xbf: {  	v3 =	vld [tilespmem:$0x2800];
	_ =	sdelay $0x5  }
0xc0: {  	v43 =	vld [tilespmem:$0x4F10]  }
0xc1: {  	v44 =	vld [tilespmem:$0x2810]  }
0xc2: {  	v3 =	vld.idx.msk [tilespmem:v3+s4+$0x0], $0xffff;
	_ =	sdelay $0x3  }
0xc3: {  	v4 =	vshll.u32 v43, $0x7  }
0xc4: {  	v45 =	vld [tilespmem:$0x4F20];
	v3 =	vadd.s32 v3, v4  }
0xc5: {  	[tilespmem:$0x7680] =	vst v3;
	v3 =	vld [tilespmem:$0x2820]  }
0xc6: {  	v5 =	vld.idx.msk [tilespmem:v44+s4+$0x0], $0xffff;
	_ =	sdelay $0x3  }
0xc7: {  	v4 =	vshll.u32 v45, $0x7  }
0xc8: {  	v46 =	vld [tilespmem:$0x4F30];
	v4 =	vadd.s32 v5, v4  }
0xc9: {  	v47 =	vld [tilespmem:$0x2830];
	[tilespmem:$0x7690] =	vst v4  }
0xca: {  	v3 =	vld.idx.msk [tilespmem:v3+s4+$0x0], $0xffff;
	_ =	sdelay $0x3  }
0xcb: {  	v5 =	vshll.u32 v46, $0x7  }
0xcc: {  	v48 =	vld [tilespmem:$0x4F40];
	v3 =	vadd.s32 v3, v5  }
0xcd: {  	[tilespmem:$0x76A0] =	vst v3;
	v3 =	vld [tilespmem:$0x2840]  }
0xce: {  	v4 =	vld.idx.msk [tilespmem:v47+s4+$0x0], $0xffff;
	_ =	sdelay $0x3  }
0xcf: {  	v5 =	vshll.u32 v48, $0x7  }
0xd0: {  	v49 =	vld [tilespmem:$0x4F50];
	v4 =	vadd.s32 v4, v5  }
0xd1: {  	v50 =	vld [tilespmem:$0x2850];
	[tilespmem:$0x76B0] =	vst v4  }
0xd2: {  	v3 =	vld.idx.msk [tilespmem:v3+s4+$0x0], $0xffff;
	_ =	sdelay $0x3  }
0xd3: {  	v5 =	vshll.u32 v49, $0x7  }
0xd4: {  	v51 =	vld [tilespmem:$0x4F60];
	v3 =	vadd.s32 v3, v5  }
0xd5: {  	[tilespmem:$0x76C0] =	vst v3;
	v3 =	vld [tilespmem:$0x2860]  }
0xd6: {  	v4 =	vld.idx.msk [tilespmem:v50+s4+$0x0], $0xffff;
	_ =	sdelay $0x3  }
0xd7: {  	v5 =	vshll.u32 v51, $0x7  }
0xd8: {  	v52 =	vld [tilespmem:$0x4F70];
	v4 =	vadd.s32 v4, v5  }
0xd9: {  	v53 =	vld [tilespmem:$0x2870];
	[tilespmem:$0x76D0] =	vst v4  }
0xda: {  	v3 =	vld.idx.msk [tilespmem:v3+s4+$0x0], $0xffff;
	_ =	sdelay $0x3  }
0xdb: {  	v5 =	vshll.u32 v52, $0x7  }
0xdc: {  	v3 =	vadd.s32 v3, v5  }
0xdd: {  	[tilespmem:$0x76E0] =	vst v3;
	v3 =	vld [tilespmem:$0x4F80]  }
0xde: {  	v4 =	vld.idx.msk [tilespmem:v53+s4+$0x0], $0xffff;
	_ =	sdelay $0x3  }
0xdf: {  	v3 =	vshll.u32 v3, $0x7  }
0xe0: {  	v3 =	vadd.s32 v4, v3  }
0xe1: {  	s17 =	simm.s32 $0x7680;
	[tilespmem:$0x76F0] =	vst v3  }
0xe2: {  	[spmem:s3] =	stream.indirect.scatter.add.f32 [tilespmem:s10], [sflag:$0x1], $0x1, s17, s8, $0xb8;
	[tilespmem:$0x1FA80] =	vst v63  }
0xe3: {  	v3 =	vld [tilespmem:$0x2880];
	_ =	sdelay $0x5  }
0xe4: {  	v54 =	vld [tilespmem:$0x4F90]  }
0xe5: {  	v55 =	vld [tilespmem:$0x2890]  }
0xe6: {  	v3 =	vld.idx.msk [tilespmem:v3+s4+$0x0], $0xffff;
	_ =	sdelay $0x3  }
0xe7: {  	v4 =	vshll.u32 v54, $0x7  }
0xe8: {  	v56 =	vld [tilespmem:$0x4FA0];
	v3 =	vadd.s32 v3, v4  }
0xe9: {  	[tilespmem:$0x7700] =	vst v3;
	v3 =	vld [tilespmem:$0x28A0]  }
0xea: {  	v5 =	vld.idx.msk [tilespmem:v55+s4+$0x0], $0xffff;
	_ =	sdelay $0x3  }
0xeb: {  	v4 =	vshll.u32 v56, $0x7  }
0xec: {  	v57 =	vld [tilespmem:$0x4FB0];
	v4 =	vadd.s32 v5, v4  }
0xed: {  	v58 =	vld [tilespmem:$0x28B0];
	[tilespmem:$0x7710] =	vst v4  }
0xee: {  	v3 =	vld.idx.msk [tilespmem:v3+s4+$0x0], $0xffff;
	_ =	sdelay $0x3  }
0xef: {  	v5 =	vshll.u32 v57, $0x7  }
0xf0: {  	v59 =	vld [tilespmem:$0x4FC0];
	v3 =	vadd.s32 v3, v5  }
0xf1: {  	[tilespmem:$0x7720] =	vst v3;
	v3 =	vld [tilespmem:$0x28C0]  }
0xf2: {  	v4 =	vld.idx.msk [tilespmem:v58+s4+$0x0], $0xffff;
	_ =	sdelay $0x3  }
0xf3: {  	v5 =	vshll.u32 v59, $0x7  }
0xf4: {  	v60 =	vld [tilespmem:$0x4FD0];
	v4 =	vadd.s32 v4, v5  }
0xf5: {  	v61 =	vld [tilespmem:$0x28D0];
	[tilespmem:$0x7730] =	vst v4  }
0xf6: {  	v3 =	vld.idx.msk [tilespmem:v3+s4+$0x0], $0xffff;
	_ =	sdelay $0x3  }
0xf7: {  	v5 =	vshll.u32 v60, $0x7  }
0xf8: {  	v62 =	vld [tilespmem:$0x4FE0];
	v3 =	vadd.s32 v3, v5  }
0xf9: {  	[tilespmem:$0x7740] =	vst v3;
	v3 =	vld [tilespmem:$0x28E0]  }
0xfa: {  	v4 =	vld.idx.msk [tilespmem:v61+s4+$0x0], $0xffff;
	_ =	sdelay $0x3  }
0xfb: {  	v5 =	vshll.u32 v62, $0x7  }
0xfc: {  	v63 =	vld [tilespmem:$0x4FF0];
	v4 =	vadd.s32 v4, v5  }
0xfd: {  	v8 =	vld [tilespmem:$0x28F0];
	[tilespmem:$0x7750] =	vst v4  }
0xfe: {  	v3 =	vld.idx.msk [tilespmem:v3+s4+$0x0], $0xffff;
	_ =	sdelay $0x3  }
0xff: {  	v5 =	vshll.u32 v63, $0x7  }
0x100: {  	v3 =	vadd.s32 v3, v5  }
0x101: {  	[tilespmem:$0x7760] =	vst v3;
	v3 =	vld [tilespmem:$0x5000]  }
0x102: {  	v4 =	vld.idx.msk [tilespmem:v8+s4+$0x0], $0xffff;
	_ =	sdelay $0x3  }
0x103: {  	v3 =	vshll.u32 v3, $0x7  }
0x104: {  	v3 =	vadd.s32 v4, v3  }
0x105: {  	s18 =	simm.s32 $0x7700;
	[tilespmem:$0x7770] =	vst v3  }
0x106: {  	[spmem:s3] =	stream.indirect.scatter.add.f32 [tilespmem:s10], [sflag:$0x1], $0x1, s18, s8, $0xb8;
	[tilespmem:$0x1FA80] =	vst v63  }
0x107: {  	v3 =	vld [tilespmem:$0x2900];
	_ =	sdelay $0x5  }
0x108: {  	v9 =	vld [tilespmem:$0x5010]  }
0x109: {  	v10 =	vld [tilespmem:$0x2910]  }
0x10a: {  	v3 =	vld.idx.msk [tilespmem:v3+s4+$0x0], $0xffff;
	_ =	sdelay $0x3  }
0x10b: {  	v4 =	vshll.u32 v9, $0x7  }
0x10c: {  	v11 =	vld [tilespmem:$0x5020];
	v3 =	vadd.s32 v3, v4  }
0x10d: {  	[tilespmem:$0x7780] =	vst v3;
	v3 =	vld [tilespmem:$0x2920]  }
0x10e: {  	v5 =	vld.idx.msk [tilespmem:v10+s4+$0x0], $0xffff;
	_ =	sdelay $0x3  }
0x10f: {  	v4 =	vshll.u32 v11, $0x7  }
0x110: {  	v12 =	vld [tilespmem:$0x5030];
	v4 =	vadd.s32 v5, v4  }
0x111: {  	v13 =	vld [tilespmem:$0x2930];
	[tilespmem:$0x7790] =	vst v4  }
0x112: {  	v3 =	vld.idx.msk [tilespmem:v3+s4+$0x0], $0xffff;
	_ =	sdelay $0x3  }
0x113: {  	v5 =	vshll.u32 v12, $0x7  }
0x114: {  	v14 =	vld [tilespmem:$0x5040];
	v3 =	vadd.s32 v3, v5  }
0x115: {  	[tilespmem:$0x77A0] =	vst v3;
	v3 =	vld [tilespmem:$0x2940]  }
0x116: {  	v4 =	vld.idx.msk [tilespmem:v13+s4+$0x0], $0xffff;
	_ =	sdelay $0x3  }
0x117: {  	v5 =	vshll.u32 v14, $0x7  }
0x118: {  	v15 =	vld [tilespmem:$0x5050];
	v4 =	vadd.s32 v4, v5  }
0x119: {  	v16 =	vld [tilespmem:$0x2950];
	[tilespmem:$0x77B0] =	vst v4  }
0x11a: {  	v3 =	vld.idx.msk [tilespmem:v3+s4+$0x0], $0xffff;
	_ =	sdelay $0x3  }
0x11b: {  	v5 =	vshll.u32 v15, $0x7  }
0x11c: {  	v17 =	vld [tilespmem:$0x5060];
	v3 =	vadd.s32 v3, v5  }
0x11d: {  	[tilespmem:$0x77C0] =	vst v3;
	v3 =	vld [tilespmem:$0x2960]  }
0x11e: {  	v4 =	vld.idx.msk [tilespmem:v16+s4+$0x0], $0xffff;
	_ =	sdelay $0x3  }
0x11f: {  	v5 =	vshll.u32 v17, $0x7  }
0x120: {  	v18 =	vld [tilespmem:$0x5070];
	v4 =	vadd.s32 v4, v5  }
0x121: {  	v19 =	vld [tilespmem:$0x2970];
	[tilespmem:$0x77D0] =	vst v4  }
0x122: {  	v3 =	vld.idx.msk [tilespmem:v3+s4+$0x0], $0xffff;
	_ =	sdelay $0x3  }
0x123: {  	v5 =	vshll.u32 v18, $0x7  }
0x124: {  	v3 =	vadd.s32 v3, v5  }
0x125: {  	[tilespmem:$0x77E0] =	vst v3;
	v3 =	vld [tilespmem:$0x5080]  }
0x126: {  	v4 =	vld.idx.msk [tilespmem:v19+s4+$0x0], $0xffff;
	_ =	sdelay $0x3  }
0x127: {  	v3 =	vshll.u32 v3, $0x7  }
0x128: {  	v3 =	vadd.s32 v4, v3  }
0x129: {  	s19 =	simm.s32 $0x7780;
	[tilespmem:$0x77F0] =	vst v3  }
0x12a: {  	[spmem:s3] =	stream.indirect.scatter.add.f32 [tilespmem:s10], [sflag:$0x1], $0x1, s19, s8, $0xb8;
	[tilespmem:$0x1FA80] =	vst v63  }
0x12b: {  	v3 =	vld [tilespmem:$0x2980];
	_ =	sdelay $0x5  }
0x12c: {  	v20 =	vld [tilespmem:$0x5090]  }
0x12d: {  	v21 =	vld [tilespmem:$0x2990]  }
0x12e: {  	v3 =	vld.idx.msk [tilespmem:v3+s4+$0x0], $0xffff;
	_ =	sdelay $0x3  }
0x12f: {  	v4 =	vshll.u32 v20, $0x7  }
0x130: {  	v22 =	vld [tilespmem:$0x50A0];
	v3 =	vadd.s32 v3, v4  }
0x131: {  	[tilespmem:$0x7800] =	vst v3;
	v3 =	vld [tilespmem:$0x29A0]  }
0x132: {  	v5 =	vld.idx.msk [tilespmem:v21+s4+$0x0], $0xffff;
	_ =	sdelay $0x3  }
0x133: {  	v4 =	vshll.u32 v22, $0x7  }
0x134: {  	v23 =	vld [tilespmem:$0x50B0];
	v4 =	vadd.s32 v5, v4  }
0x135: {  	v24 =	vld [tilespmem:$0x29B0];
	[tilespmem:$0x7810] =	vst v4  }
0x136: {  	v3 =	vld.idx.msk [tilespmem:v3+s4+$0x0], $0xffff;
	_ =	sdelay $0x3  }
0x137: {  	v5 =	vshll.u32 v23, $0x7  }
0x138: {  	v25 =	vld [tilespmem:$0x50C0];
	v3 =	vadd.s32 v3, v5  }
0x139: {  	[tilespmem:$0x7820] =	vst v3;
	v3 =	vld [tilespmem:$0x29C0]  }
0x13a: {  	v4 =	vld.idx.msk [tilespmem:v24+s4+$0x0], $0xffff;
	_ =	sdelay $0x3  }
0x13b: {  	v5 =	vshll.u32 v25, $0x7  }
0x13c: {  	v26 =	vld [tilespmem:$0x50D0];
	v4 =	vadd.s32 v4, v5  }
0x13d: {  	v27 =	vld [tilespmem:$0x29D0];
	[tilespmem:$0x7830] =	vst v4  }
0x13e: {  	v3 =	vld.idx.msk [tilespmem:v3+s4+$0x0], $0xffff;
	_ =	sdelay $0x3  }
0x13f: {  	v5 =	vshll.u32 v26, $0x7  }
0x140: {  	v28 =	vld [tilespmem:$0x50E0];
	v3 =	vadd.s32 v3, v5  }
0x141: {  	[tilespmem:$0x7840] =	vst v3;
	v3 =	vld [tilespmem:$0x29E0]  }
0x142: {  	v4 =	vld.idx.msk [tilespmem:v27+s4+$0x0], $0xffff;
	_ =	sdelay $0x3  }
0x143: {  	v5 =	vshll.u32 v28, $0x7  }
0x144: {  	v29 =	vld [tilespmem:$0x50F0];
	v4 =	vadd.s32 v4, v5  }
0x145: {  	v30 =	vld [tilespmem:$0x29F0];
	[tilespmem:$0x7850] =	vst v4  }
0x146: {  	v3 =	vld.idx.msk [tilespmem:v3+s4+$0x0], $0xffff;
	_ =	sdelay $0x3  }
0x147: {  	v5 =	vshll.u32 v29, $0x7  }
0x148: {  	v3 =	vadd.s32 v3, v5  }
0x149: {  	[tilespmem:$0x7860] =	vst v3;
	v3 =	vld [tilespmem:$0x5100]  }
0x14a: {  	v4 =	vld.idx.msk [tilespmem:v30+s4+$0x0], $0xffff;
	_ =	sdelay $0x3  }
0x14b: {  	v3 =	vshll.u32 v3, $0x7  }
0x14c: {  	v3 =	vadd.s32 v4, v3  }
0x14d: {  	s17 =	simm.s32 $0x7800;
	[tilespmem:$0x7870] =	vst v3  }
0x14e: {  	[spmem:s3] =	stream.indirect.scatter.add.f32 [tilespmem:s10], [sflag:$0x1], $0x1, s17, s8, $0xb8;
	[tilespmem:$0x1FA80] =	vst v63  }
0x14f: {  	v3 =	vld [tilespmem:$0x2A00];
	_ =	sdelay $0x5  }
0x150: {  	v31 =	vld [tilespmem:$0x5110]  }
0x151: {  	v32 =	vld [tilespmem:$0x2A10]  }
0x152: {  	v3 =	vld.idx.msk [tilespmem:v3+s4+$0x0], $0xffff;
	_ =	sdelay $0x3  }
0x153: {  	v4 =	vshll.u32 v31, $0x7  }
0x154: {  	v33 =	vld [tilespmem:$0x5120];
	v3 =	vadd.s32 v3, v4  }
0x155: {  	[tilespmem:$0x7880] =	vst v3;
	v3 =	vld [tilespmem:$0x2A20]  }
0x156: {  	v5 =	vld.idx.msk [tilespmem:v32+s4+$0x0], $0xffff;
	_ =	sdelay $0x3  }
0x157: {  	v4 =	vshll.u32 v33, $0x7  }
0x158: {  	v34 =	vld [tilespmem:$0x5130];
	v4 =	vadd.s32 v5, v4  }
0x159: {  	v35 =	vld [tilespmem:$0x2A30];
	[tilespmem:$0x7890] =	vst v4  }
0x15a: {  	v3 =	vld.idx.msk [tilespmem:v3+s4+$0x0], $0xffff;
	_ =	sdelay $0x3  }
0x15b: {  	v5 =	vshll.u32 v34, $0x7  }
0x15c: {  	v36 =	vld [tilespmem:$0x5140];
	v3 =	vadd.s32 v3, v5  }
0x15d: {  	[tilespmem:$0x78A0] =	vst v3;
	v3 =	vld [tilespmem:$0x2A40]  }
0x15e: {  	v4 =	vld.idx.msk [tilespmem:v35+s4+$0x0], $0xffff;
	_ =	sdelay $0x3  }
0x15f: {  	v5 =	vshll.u32 v36, $0x7  }
0x160: {  	v37 =	vld [tilespmem:$0x5150];
	v4 =	vadd.s32 v4, v5  }
0x161: {  	v38 =	vld [tilespmem:$0x2A50];
	[tilespmem:$0x78B0] =	vst v4  }
0x162: {  	v3 =	vld.idx.msk [tilespmem:v3+s4+$0x0], $0xffff;
	_ =	sdelay $0x3  }
0x163: {  	v5 =	vshll.u32 v37, $0x7  }
0x164: {  	v39 =	vld [tilespmem:$0x5160];
	v3 =	vadd.s32 v3, v5  }
0x165: {  	[tilespmem:$0x78C0] =	vst v3;
	v3 =	vld [tilespmem:$0x2A60]  }
0x166: {  	v4 =	vld.idx.msk [tilespmem:v38+s4+$0x0], $0xffff;
	_ =	sdelay $0x3  }
0x167: {  	v5 =	vshll.u32 v39, $0x7  }
0x168: {  	v40 =	vld [tilespmem:$0x5170];
	v4 =	vadd.s32 v4, v5  }
0x169: {  	v41 =	vld [tilespmem:$0x2A70];
	[tilespmem:$0x78D0] =	vst v4  }
0x16a: {  	v3 =	vld.idx.msk [tilespmem:v3+s4+$0x0], $0xffff;
	_ =	sdelay $0x3  }
0x16b: {  	v5 =	vshll.u32 v40, $0x7  }
0x16c: {  	v3 =	vadd.s32 v3, v5  }
0x16d: {  	[tilespmem:$0x78E0] =	vst v3;
	v3 =	vld [tilespmem:$0x5180]  }
0x16e: {  	v4 =	vld.idx.msk [tilespmem:v41+s4+$0x0], $0xffff;
	_ =	sdelay $0x3  }
0x16f: {  	v3 =	vshll.u32 v3, $0x7  }
0x170: {  	v3 =	vadd.s32 v4, v3  }
0x171: {  	s18 =	simm.s32 $0x7880;
	[tilespmem:$0x78F0] =	vst v3  }
0x172: {  	[spmem:s3] =	stream.indirect.scatter.add.f32 [tilespmem:s10], [sflag:$0x1], $0x1, s18, s8, $0xb8;
	[tilespmem:$0x1FA80] =	vst v63  }
0x173: {  	v3 =	vld [tilespmem:$0x2A80];
	_ =	sdelay $0x5  }
0x174: {  	v42 =	vld [tilespmem:$0x5190]  }
0x175: {  	v43 =	vld [tilespmem:$0x2A90]  }
0x176: {  	v3 =	vld.idx.msk [tilespmem:v3+s4+$0x0], $0xffff;
	_ =	sdelay $0x3  }
0x177: {  	v4 =	vshll.u32 v42, $0x7  }
0x178: {  	v44 =	vld [tilespmem:$0x51A0];
	v3 =	vadd.s32 v3, v4  }
0x179: {  	[tilespmem:$0x7900] =	vst v3;
	v3 =	vld [tilespmem:$0x2AA0]  }
0x17a: {  	v5 =	vld.idx.msk [tilespmem:v43+s4+$0x0], $0xffff;
	_ =	sdelay $0x3  }
0x17b: {  	v4 =	vshll.u32 v44, $0x7  }
0x17c: {  	v45 =	vld [tilespmem:$0x51B0];
	v4 =	vadd.s32 v5, v4  }
0x17d: {  	v46 =	vld [tilespmem:$0x2AB0];
	[tilespmem:$0x7910] =	vst v4  }
0x17e: {  	v3 =	vld.idx.msk [tilespmem:v3+s4+$0x0], $0xffff;
	_ =	sdelay $0x3  }
0x17f: {  	v5 =	vshll.u32 v45, $0x7  }
0x180: {  	v47 =	vld [tilespmem:$0x51C0];
	v3 =	vadd.s32 v3, v5  }
0x181: {  	[tilespmem:$0x7920] =	vst v3;
	v3 =	vld [tilespmem:$0x2AC0]  }
0x182: {  	v4 =	vld.idx.msk [tilespmem:v46+s4+$0x0], $0xffff;
	_ =	sdelay $0x3  }
0x183: {  	v5 =	vshll.u32 v47, $0x7  }
0x184: {  	v48 =	vld [tilespmem:$0x51D0];
	v4 =	vadd.s32 v4, v5  }
0x185: {  	v49 =	vld [tilespmem:$0x2AD0];
	[tilespmem:$0x7930] =	vst v4  }
0x186: {  	v3 =	vld.idx.msk [tilespmem:v3+s4+$0x0], $0xffff;
	_ =	sdelay $0x3  }
0x187: {  	v5 =	vshll.u32 v48, $0x7  }
0x188: {  	v50 =	vld [tilespmem:$0x51E0];
	v3 =	vadd.s32 v3, v5  }
0x189: {  	[tilespmem:$0x7940] =	vst v3;
	v3 =	vld [tilespmem:$0x2AE0]  }
0x18a: {  	v4 =	vld.idx.msk [tilespmem:v49+s4+$0x0], $0xffff;
	_ =	sdelay $0x3  }
0x18b: {  	v5 =	vshll.u32 v50, $0x7  }
0x18c: {  	v51 =	vld [tilespmem:$0x51F0];
	v4 =	vadd.s32 v4, v5  }
0x18d: {  	v52 =	vld [tilespmem:$0x2AF0];
	[tilespmem:$0x7950] =	vst v4  }
0x18e: {  	v3 =	vld.idx.msk [tilespmem:v3+s4+$0x0], $0xffff;
	_ =	sdelay $0x3  }
0x18f: {  	v5 =	vshll.u32 v51, $0x7  }
0x190: {  	v3 =	vadd.s32 v3, v5  }
0x191: {  	[tilespmem:$0x7960] =	vst v3;
	v3 =	vld [tilespmem:$0x5200]  }
0x192: {  	v4 =	vld.idx.msk [tilespmem:v52+s4+$0x0], $0xffff;
	_ =	sdelay $0x3  }
0x193: {  	v3 =	vshll.u32 v3, $0x7  }
0x194: {  	v3 =	vadd.s32 v4, v3  }
0x195: {  	[tilespmem:$0x7970] =	vst v3  }
0x196: {  	[spmem:s3] =	stream.indirect.scatter.add.f32 [tilespmem:s10], [sflag:$0x1], $0x1, s11, s8, $0xb8;
	[tilespmem:$0x1FA80] =	vst v63  }
0x197: {  	v3 =	vld [tilespmem:$0x2B00];
	_ =	sdelay $0x5  }
0x198: {  	v53 =	vld [tilespmem:$0x5210]  }
0x199: {  	v54 =	vld [tilespmem:$0x2B10]  }
0x19a: {  	v3 =	vld.idx.msk [tilespmem:v3+s4+$0x0], $0xffff;
	_ =	sdelay $0x3  }
0x19b: {  	v4 =	vshll.u32 v53, $0x7  }
0x19c: {  	v55 =	vld [tilespmem:$0x5220];
	v3 =	vadd.s32 v3, v4  }
0x19d: {  	[tilespmem:$0x7980] =	vst v3;
	v3 =	vld [tilespmem:$0x2B20]  }
0x19e: {  	v5 =	vld.idx.msk [tilespmem:v54+s4+$0x0], $0xffff;
	_ =	sdelay $0x3  }
0x19f: {  	v4 =	vshll.u32 v55, $0x7  }
0x1a0: {  	v56 =	vld [tilespmem:$0x5230];
	v4 =	vadd.s32 v5, v4  }
0x1a1: {  	v57 =	vld [tilespmem:$0x2B30];
	[tilespmem:$0x7990] =	vst v4  }
0x1a2: {  	v3 =	vld.idx.msk [tilespmem:v3+s4+$0x0], $0xffff;
	_ =	sdelay $0x3  }
0x1a3: {  	v5 =	vshll.u32 v56, $0x7  }
0x1a4: {  	v58 =	vld [tilespmem:$0x5240];
	v3 =	vadd.s32 v3, v5  }
0x1a5: {  	[tilespmem:$0x79A0] =	vst v3;
	v3 =	vld [tilespmem:$0x2B40]  }
0x1a6: {  	v4 =	vld.idx.msk [tilespmem:v57+s4+$0x0], $0xffff;
	_ =	sdelay $0x3  }
0x1a7: {  	v5 =	vshll.u32 v58, $0x7  }
0x1a8: {  	v59 =	vld [tilespmem:$0x5250];
	v4 =	vadd.s32 v4, v5  }
0x1a9: {  	v60 =	vld [tilespmem:$0x2B50];
	[tilespmem:$0x79B0] =	vst v4  }
0x1aa: {  	v3 =	vld.idx.msk [tilespmem:v3+s4+$0x0], $0xffff;
	_ =	sdelay $0x3  }
0x1ab: {  	v5 =	vshll.u32 v59, $0x7  }
0x1ac: {  	v61 =	vld [tilespmem:$0x5260];
	v3 =	vadd.s32 v3, v5  }
0x1ad: {  	[tilespmem:$0x79C0] =	vst v3;
	v3 =	vld [tilespmem:$0x2B60]  }
0x1ae: {  	v4 =	vld.idx.msk [tilespmem:v60+s4+$0x0], $0xffff;
	_ =	sdelay $0x3  }
0x1af: {  	v5 =	vshll.u32 v61, $0x7  }
0x1b0: {  	v62 =	vld [tilespmem:$0x5270];
	v4 =	vadd.s32 v4, v5  }
0x1b1: {  	v63 =	vld [tilespmem:$0x2B70];
	[tilespmem:$0x79D0] =	vst v4  }
0x1b2: {  	v3 =	vld.idx.msk [tilespmem:v3+s4+$0x0], $0xffff;
	_ =	sdelay $0x3  }
0x1b3: {  	v5 =	vshll.u32 v62, $0x7  }
0x1b4: {  	v3 =	vadd.s32 v3, v5  }
0x1b5: {  	[tilespmem:$0x79E0] =	vst v3;
	v3 =	vld [tilespmem:$0x5280]  }
0x1b6: {  	v4 =	vld.idx.msk [tilespmem:v63+s4+$0x0], $0xffff;
	_ =	sdelay $0x3  }
0x1b7: {  	v3 =	vshll.u32 v3, $0x7  }
0x1b8: {  	v3 =	vadd.s32 v4, v3  }
0x1b9: {  	s16 =	simm.s32 $0x400;
	s19 =	simm.s32 $0x7980;
	s17 =	simm.s32 $0x5300;
	[tilespmem:$0x79F0] =	vst v3  }
0x1ba: {  	[spmem:s3] =	stream.indirect.scatter.add.f32 [tilespmem:s10], [sflag:$0x1], $0x1, s19, s8, $0xb8;
	[tilespmem:$0x1FA80] =	vst v63  }
.LBB2_8:
0x1bb: {  	_ =	swait.ge [sflag:s12], $0x80  }
0x1bc: {  	[sflag:s12] =	ssyncset.done $0x0  }
0x1bd: {  	[sflag:s12] =	ssyncadd.s32 $0xFFFFFF80  }
0x1be: {  	v3 =	vld [tilespmem:s17+$0xFFFFD880];
	_ =	sdelay $0x6  }
0x1bf: {  	v4 =	vld [tilespmem:s17+$0xFFFFFF90]  }
0x1c0: {  	v3 =	vld.idx.msk [tilespmem:v3+s4+$0x0], $0xffff;
	_ =	sdelay $0x3  }
0x1c1: {  	v4 =	vshll.u32 v4, $0x7  }
0x1c2: {  	s18 =	sand.u32 $0x380, s16;
	v3 =	vadd.s32 v3, v4  }
0x1c3: {  	[tilespmem:s18+$0x7600] =	vst v3  }
0x1c4: {  	v3 =	vld [tilespmem:s17+$0xFFFFD890];
	_ =	sdelay $0x6  }
0x1c5: {  	v57 =	vld [tilespmem:s17+$0xFFFFFFA0]  }
0x1c6: {  	v3 =	vld.idx.msk [tilespmem:v3+s4+$0x0], $0xffff;
	_ =	sdelay $0x3  }
0x1c7: {  	v4 =	vshll.u32 v57, $0x7  }
0x1c8: {  	v3 =	vadd.s32 v3, v4  }
0x1c9: {  	[tilespmem:s18+$0x7610] =	vst v3  }
0x1ca: {  	v3 =	vld [tilespmem:s17+$0xFFFFD8A0];
	_ =	sdelay $0x6  }
0x1cb: {  	v58 =	vld [tilespmem:s17+$0xFFFFFFB0]  }
0x1cc: {  	v3 =	vld.idx.msk [tilespmem:v3+s4+$0x0], $0xffff;
	_ =	sdelay $0x3  }
0x1cd: {  	v4 =	vshll.u32 v58, $0x7  }
0x1ce: {  	v3 =	vadd.s32 v3, v4  }
0x1cf: {  	[tilespmem:s18+$0x7620] =	vst v3  }
0x1d0: {  	v3 =	vld [tilespmem:s17+$0xFFFFD8B0];
	_ =	sdelay $0x6  }
0x1d1: {  	v59 =	vld [tilespmem:s17+$0xFFFFFFC0]  }
0x1d2: {  	v3 =	vld.idx.msk [tilespmem:v3+s4+$0x0], $0xffff;
	_ =	sdelay $0x3  }
0x1d3: {  	v4 =	vshll.u32 v59, $0x7  }
0x1d4: {  	v3 =	vadd.s32 v3, v4  }
0x1d5: {  	[tilespmem:s18+$0x7630] =	vst v3  }
0x1d6: {  	v3 =	vld [tilespmem:s17+$0xFFFFD8C0];
	_ =	sdelay $0x6  }
0x1d7: {  	v60 =	vld [tilespmem:s17+$0xFFFFFFD0]  }
0x1d8: {  	v3 =	vld.idx.msk [tilespmem:v3+s4+$0x0], $0xffff;
	_ =	sdelay $0x3  }
0x1d9: {  	v4 =	vshll.u32 v60, $0x7  }
0x1da: {  	v3 =	vadd.s32 v3, v4  }
0x1db: {  	[tilespmem:s18+$0x7640] =	vst v3  }
0x1dc: {  	v3 =	vld [tilespmem:s17+$0xFFFFD8D0];
	_ =	sdelay $0x6  }
0x1dd: {  	v61 =	vld [tilespmem:s17+$0xFFFFFFE0]  }
0x1de: {  	v3 =	vld.idx.msk [tilespmem:v3+s4+$0x0], $0xffff;
	_ =	sdelay $0x3  }
0x1df: {  	v4 =	vshll.u32 v61, $0x7  }
0x1e0: {  	v3 =	vadd.s32 v3, v4  }
0x1e1: {  	[tilespmem:s18+$0x7650] =	vst v3  }
0x1e2: {  	v3 =	vld [tilespmem:s17+$0xFFFFD8E0];
	_ =	sdelay $0x6  }
0x1e3: {  	v62 =	vld [tilespmem:s17+$0xFFFFFFF0]  }
0x1e4: {  	v3 =	vld.idx.msk [tilespmem:v3+s4+$0x0], $0xffff;
	_ =	sdelay $0x3  }
0x1e5: {  	v4 =	vshll.u32 v62, $0x7  }
0x1e6: {  	v3 =	vadd.s32 v3, v4  }
0x1e7: {  	[tilespmem:s18+$0x7660] =	vst v3  }
0x1e8: {  	v3 =	vld [tilespmem:s17+$0xFFFFD8F0];
	_ =	sdelay $0x6  }
0x1e9: {  	v63 =	vld [tilespmem:s17+$0x0]  }
0x1ea: {  	v3 =	vld.idx.msk [tilespmem:v3+s4+$0x0], $0xffff;
	_ =	sdelay $0x1  }
0x1eb: {  	p0 =	sne.s32 s16, $0x2680  }
.Ltmp3:
0x1ec: {  	_ = 	snop;
	(pc) =	sbr.rel @p0 .LBB2_8-.Ltmp3, $4  }
0x1ed: {  	v4 =	vshll.u32 v63, $0x7  }
0x1ee: {  	v3 =	vadd.s32 v3, v4  }
0x1ef: {  	s16 =	sadd.s32 $0x80, s16;
	s19 =	sadd.s32 $0x7600, s18;
	s17 =	sadd.s32 $0x80, s17;
	[tilespmem:s18+$0x7670] =	vst v3  }
0x1f0: {  	[spmem:s3] =	stream.indirect.scatter.add.f32 [tilespmem:s10], [sflag:$0x1], $0x1, s19, s8, $0xb8;
	[tilespmem:$0x1FA80] =	vst v63  }
0x1f1: {  	_ =	swait.ge [sflag:s12], $0x80  }
0x1f2: {  	[sflag:s12] =	ssyncset.done $0x0  }
0x1f3: {  	[sflag:s12] =	ssyncadd.s32 $0xFFFFFF80  }
0x1f4: {  	v3 =	vld [tilespmem:$0x4E80];
	_ =	sdelay $0x6  }
0x1f5: {  	v4 =	vld [tilespmem:$0x7590]  }
0x1f6: {  	v3 =	vld.idx.msk [tilespmem:v3+s4+$0x0], $0xffff;
	[tilespmem:$0x7910] =	vst v2  }
0x1f7: {  	[tilespmem:$0x7920] =	vst v2  }
0x1f8: {  	[tilespmem:$0x7930] =	vst v2  }
0x1f9: {  	[tilespmem:$0x7940] =	vst v2  }
0x1fa: {  	[tilespmem:$0x7950] =	vst v2  }
0x1fb: {  	v4 =	vshll.u32 v4, $0x7;
	[tilespmem:$0x7960] =	vst v2  }
0x1fc: {  	[tilespmem:$0x7970] =	vst v2;
	v3 =	vadd.s32 v3, v4  }
0x1fd: {  	s16 =	simm.s32 $0x7A80;
	[tilespmem:$0x7900] =	vst v3  }
0x1fe: {  	[spmem:s3] =	stream.indirect.scatter.add.f32 [tilespmem:s16], [sflag:$0x1], $0x1, s11, s8, $0xb8;
	[tilespmem:$0x1FA80] =	vst v63  }
0x1ff: {  	_ =	swait.ge [sflag:s12], $0x80  }
0x200: {  	[sflag:s12] =	ssyncset.done $0x0  }
0x201: {  	[sflag:s12] =	ssyncadd.s32 $0xFFFFFF80  }
0x202: {  	_ =	swait.ge [sflag:s12], $0x80  }
0x203: {  	[sflag:s12] =	ssyncset.done $0x0  }
0x204: {  	[sflag:s12] =	ssyncadd.s32 $0xFFFFFF80  }
0x205: {  	_ =	swait.ge [sflag:s12], $0x80  }
0x206: {  	[sflag:s12] =	ssyncset.done $0x0  }
0x207: {  	[sflag:s12] =	ssyncadd.s32 $0xFFFFFF80  }
0x208: {  	_ =	swait.ge [sflag:s12], $0x80  }
0x209: {  	[sflag:s12] =	ssyncset.done $0x0  }
0x20a: {  	[sflag:s12] =	ssyncadd.s32 $0xFFFFFF80  }
0x20b: {  	_ =	swait.ge [sflag:s12], $0x80  }
0x20c: {  	[sflag:s12] =	ssyncset.done $0x0  }
0x20d: {  	[sflag:s12] =	ssyncadd.s32 $0xFFFFFF80  }
0x20e: {  	_ =	swait.ge [sflag:s12], $0x80  }
0x20f: {  	[sflag:s12] =	ssyncset.done $0x0  }
0x210: {  	[sflag:s12] =	ssyncadd.s32 $0xFFFFFF80  }
0x211: {  	_ =	swait.ge [sflag:s12], $0x80  }
0x212: {  	[sflag:s12] =	ssyncset.done $0x0  }
0x213: {  	[sflag:s12] =	ssyncadd.s32 $0xFFFFFF80  }
0x214: {  	_ =	swait.ge [sflag:s12], $0x80  }
0x215: {  	[sflag:s12] =	ssyncset.done $0x0  }
0x216: {  	[sflag:s12] =	ssyncadd.s32 $0xFFFFFF80  }
0x217: {  	[bflag:$0x0] =	sbarrier.arrive $0xFFFF  }
0x218: {  	s18 =	rddreg [dreg:$0x6]  }
0x219: {  	[hbm4b:s18+s4] =	stream.linear.scatter [tilespmem:s6], [sflag:$0x4], $0x2710, $0x38;
	[tilespmem:$0x1FA80] =	vst v63  }
0x21a: {  	_ =	swait.ge [sflag:s2], $0x2710  }
0x21b: {  	[sflag:s2] =	ssyncset.done $0x0  }
0x21c: {  	[sflag:s2] =	ssyncadd.s32 $0xFFFFD8F0  }
0x21d: {  	[tilespmem:s1], [sflag:$0x2] =	stream.linear.gather [spmem:s9], $0xFA0, $0x38;
	[tilespmem:$0x1FA80] =	vst v63  }
0x21e: {  	_ =	swait.ge [sflag:s7], $0xFA0  }
0x21f: {  	[sflag:s7] =	ssyncset.done $0x0  }
0x220: {  	s19 =	rddreg [dreg:$0x1c];
	[sflag:s7] =	ssyncadd.s32 $0xFFFFF060  }
0x221: {  	[tilespmem:s13], [sflag:$0x2] =	stream.linear.gather [spmem:s19], $0xFA0, $0x38;
	[tilespmem:$0x1FA80] =	vst v63  }
0x222: {  	s17 =	rddreg [dreg:$0x7]  }
0x223: {  	[hbm4b:s17+s4] =	stream.linear.scatter [tilespmem:s1], [sflag:$0x3], $0xFA0, $0x38;
	[tilespmem:$0x1FA80] =	vst v63  }
0x224: {  	_ =	swait.ge [sflag:s7], $0xFA0  }
0x225: {  	[sflag:s7] =	ssyncset.done $0x0  }
0x226: {  	[sflag:s7] =	ssyncadd.s32 $0xFFFFF060  }
0x227: {  	_ =	swait.ge [sflag:s14], $0xFA0  }
0x228: {  	[sflag:s14] =	ssyncset.done $0x0  }
0x229: {  	s18 =	rddreg [dreg:$0x1d];
	[sflag:s14] =	ssyncadd.s32 $0xFFFFF060  }
0x22a: {  	[tilespmem:s1], [sflag:$0x2] =	stream.linear.gather [spmem:s18], $0xFA0, $0x38;
	[tilespmem:$0x1FA80] =	vst v63  }
0x22b: {  	s19 =	rddreg [dreg:$0x8]  }
0x22c: {  	[hbm4b:s19+s4] =	stream.linear.scatter [tilespmem:s13], [sflag:$0x3], $0xFA0, $0x38;
	[tilespmem:$0x1FA80] =	vst v63  }
0x22d: {  	_ =	swait.ge [sflag:s7], $0xFA0  }
0x22e: {  	[sflag:s7] =	ssyncset.done $0x0  }
0x22f: {  	[sflag:s7] =	ssyncadd.s32 $0xFFFFF060  }
0x230: {  	_ =	swait.ge [sflag:s14], $0xFA0  }
0x231: {  	[sflag:s14] =	ssyncset.done $0x0  }
0x232: {  	s17 =	rddreg [dreg:$0x1e];
	[sflag:s14] =	ssyncadd.s32 $0xFFFFF060  }
0x233: {  	[tilespmem:s13], [sflag:$0x2] =	stream.linear.gather [spmem:s17], $0xFA0, $0x38;
	[tilespmem:$0x1FA80] =	vst v63  }
0x234: {  	s18 =	rddreg [dreg:$0x9]  }
0x235: {  	[hbm4b:s18+s4] =	stream.linear.scatter [tilespmem:s1], [sflag:$0x3], $0xFA0, $0x38;
	[tilespmem:$0x1FA80] =	vst v63  }
0x236: {  	_ =	swait.ge [sflag:s7], $0xFA0  }
0x237: {  	[sflag:s7] =	ssyncset.done $0x0  }
0x238: {  	[sflag:s7] =	ssyncadd.s32 $0xFFFFF060  }
0x239: {  	_ =	swait.ge [sflag:s14], $0xFA0  }
0x23a: {  	[sflag:s14] =	ssyncset.done $0x0  }
0x23b: {  	s19 =	rddreg [dreg:$0x1f];
	[sflag:s14] =	ssyncadd.s32 $0xFFFFF060  }
0x23c: {  	[tilespmem:s1], [sflag:$0x2] =	stream.linear.gather [spmem:s19], $0xFA0, $0x38;
	[tilespmem:$0x1FA80] =	vst v63  }
0x23d: {  	s17 =	rddreg [dreg:$0xa]  }
0x23e: {  	[hbm4b:s17+s4] =	stream.linear.scatter [tilespmem:s13], [sflag:$0x3], $0xFA0, $0x38;
	[tilespmem:$0x1FA80] =	vst v63  }
0x23f: {  	_ =	swait.ge [sflag:s7], $0xFA0  }
0x240: {  	[sflag:s7] =	ssyncset.done $0x0  }
0x241: {  	[sflag:s7] =	ssyncadd.s32 $0xFFFFF060  }
0x242: {  	_ =	swait.ge [sflag:s14], $0xFA0  }
0x243: {  	s18 =	sld [smem:$0x7F2]  }
0x244: {  	[sflag:s14] =	ssyncset.done $0x0  }
0x245: {  	[sflag:s14] =	ssyncadd.s32 $0xFFFFF060  }
0x246: {  	[tilespmem:s13], [sflag:$0x2] =	stream.linear.gather [spmem:s18], $0xFA0, $0x38;
	[tilespmem:$0x1FA80] =	vst v63  }
0x247: {  	s19 =	rddreg [dreg:$0xb]  }
0x248: {  	[hbm4b:s19+s4] =	stream.linear.scatter [tilespmem:s1], [sflag:$0x3], $0xFA0, $0x38;
	[tilespmem:$0x1FA80] =	vst v63  }
0x249: {  	_ =	swait.ge [sflag:s7], $0xFA0  }
0x24a: {  	[sflag:s7] =	ssyncset.done $0x0  }
0x24b: {  	[sflag:s7] =	ssyncadd.s32 $0xFFFFF060  }
0x24c: {  	_ =	swait.ge [sflag:s14], $0xFA0  }
0x24d: {  	s17 =	sld [smem:$0x7F3]  }
0x24e: {  	[sflag:s14] =	ssyncset.done $0x0  }
0x24f: {  	[sflag:s14] =	ssyncadd.s32 $0xFFFFF060  }
0x250: {  	[tilespmem:s1], [sflag:$0x2] =	stream.linear.gather [spmem:s17], $0xFA0, $0x38;
	[tilespmem:$0x1FA80] =	vst v63  }
0x251: {  	s18 =	rddreg [dreg:$0xc]  }
0x252: {  	[hbm4b:s18+s4] =	stream.linear.scatter [tilespmem:s13], [sflag:$0x3], $0xFA0, $0x38;
	[tilespmem:$0x1FA80] =	vst v63  }
0x253: {  	_ =	swait.ge [sflag:s7], $0xFA0  }
0x254: {  	[sflag:s7] =	ssyncset.done $0x0  }
0x255: {  	[sflag:s7] =	ssyncadd.s32 $0xFFFFF060  }
0x256: {  	_ =	swait.ge [sflag:s14], $0xFA0  }
0x257: {  	s19 =	sld [smem:$0x7F4]  }
0x258: {  	[sflag:s14] =	ssyncset.done $0x0  }
0x259: {  	[sflag:s14] =	ssyncadd.s32 $0xFFFFF060  }
0x25a: {  	[tilespmem:s13], [sflag:$0x2] =	stream.linear.gather [spmem:s19], $0xFA0, $0x38;
	[tilespmem:$0x1FA80] =	vst v63  }
0x25b: {  	s17 =	rddreg [dreg:$0xd]  }
0x25c: {  	[hbm4b:s17+s4] =	stream.linear.scatter [tilespmem:s1], [sflag:$0x3], $0xFA0, $0x38;
	[tilespmem:$0x1FA80] =	vst v63  }
0x25d: {  	_ =	swait.ge [sflag:s7], $0xFA0  }
0x25e: {  	[sflag:s7] =	ssyncset.done $0x0  }
0x25f: {  	[sflag:s7] =	ssyncadd.s32 $0xFFFFF060  }
0x260: {  	_ =	swait.ge [sflag:s14], $0xFA0  }
0x261: {  	s18 =	sld [smem:$0x7F5]  }
0x262: {  	[sflag:s14] =	ssyncset.done $0x0  }
0x263: {  	[sflag:s14] =	ssyncadd.s32 $0xFFFFF060  }
0x264: {  	[tilespmem:s1], [sflag:$0x2] =	stream.linear.gather [spmem:s18], $0xFA0, $0x38;
	[tilespmem:$0x1FA80] =	vst v63  }
0x265: {  	s19 =	rddreg [dreg:$0xe]  }
0x266: {  	[hbm4b:s19+s4] =	stream.linear.scatter [tilespmem:s13], [sflag:$0x3], $0xFA0, $0x38;
	[tilespmem:$0x1FA80] =	vst v63  }
0x267: {  	_ =	swait.ge [sflag:s7], $0xFA0  }
0x268: {  	[sflag:s7] =	ssyncset.done $0x0  }
0x269: {  	[sflag:s7] =	ssyncadd.s32 $0xFFFFF060  }
0x26a: {  	_ =	swait.ge [sflag:s14], $0xFA0  }
0x26b: {  	s17 =	sld [smem:$0x7F6]  }
0x26c: {  	[sflag:s14] =	ssyncset.done $0x0  }
0x26d: {  	[sflag:s14] =	ssyncadd.s32 $0xFFFFF060  }
0x26e: {  	[tilespmem:s13], [sflag:$0x2] =	stream.linear.gather [spmem:s17], $0xFA0, $0x38;
	[tilespmem:$0x1FA80] =	vst v63  }
0x26f: {  	s18 =	rddreg [dreg:$0xf]  }
0x270: {  	[hbm4b:s18+s4] =	stream.linear.scatter [tilespmem:s1], [sflag:$0x3], $0xFA0, $0x38;
	[tilespmem:$0x1FA80] =	vst v63  }
0x271: {  	_ =	swait.ge [sflag:s7], $0xFA0  }
0x272: {  	[sflag:s7] =	ssyncset.done $0x0  }
0x273: {  	[sflag:s7] =	ssyncadd.s32 $0xFFFFF060  }
0x274: {  	_ =	swait.ge [sflag:s14], $0xFA0  }
0x275: {  	s19 =	sld [smem:$0x7F7]  }
0x276: {  	[sflag:s14] =	ssyncset.done $0x0  }
0x277: {  	[sflag:s14] =	ssyncadd.s32 $0xFFFFF060  }
0x278: {  	[tilespmem:s1], [sflag:$0x2] =	stream.linear.gather [spmem:s19], $0xFA0, $0x38;
	[tilespmem:$0x1FA80] =	vst v63  }
0x279: {  	s17 =	rddreg [dreg:$0x10]  }
0x27a: {  	[hbm4b:s17+s4] =	stream.linear.scatter [tilespmem:s13], [sflag:$0x3], $0xFA0, $0x38;
	[tilespmem:$0x1FA80] =	vst v63  }
0x27b: {  	_ =	swait.ge [sflag:s7], $0xFA0  }
0x27c: {  	[sflag:s7] =	ssyncset.done $0x0  }
0x27d: {  	[sflag:s7] =	ssyncadd.s32 $0xFFFFF060  }
0x27e: {  	_ =	swait.ge [sflag:s14], $0xFA0  }
0x27f: {  	s18 =	sld [smem:$0x7F8]  }
0x280: {  	[sflag:s14] =	ssyncset.done $0x0  }
0x281: {  	[sflag:s14] =	ssyncadd.s32 $0xFFFFF060  }
0x282: {  	[tilespmem:s13], [sflag:$0x2] =	stream.linear.gather [spmem:s18], $0xFA0, $0x38;
	[tilespmem:$0x1FA80] =	vst v63  }
0x283: {  	s19 =	rddreg [dreg:$0x11]  }
0x284: {  	[hbm4b:s19+s4] =	stream.linear.scatter [tilespmem:s1], [sflag:$0x3], $0xFA0, $0x38;
	[tilespmem:$0x1FA80] =	vst v63  }
0x285: {  	_ =	swait.ge [sflag:s7], $0xFA0  }
0x286: {  	[sflag:s7] =	ssyncset.done $0x0  }
0x287: {  	[sflag:s7] =	ssyncadd.s32 $0xFFFFF060  }
0x288: {  	_ =	swait.ge [sflag:s14], $0xFA0  }
0x289: {  	s17 =	sld [smem:$0x7F9]  }
0x28a: {  	[sflag:s14] =	ssyncset.done $0x0  }
0x28b: {  	[sflag:s14] =	ssyncadd.s32 $0xFFFFF060  }
0x28c: {  	[tilespmem:s1], [sflag:$0x2] =	stream.linear.gather [spmem:s17], $0xFA0, $0x38;
	[tilespmem:$0x1FA80] =	vst v63  }
0x28d: {  	s18 =	rddreg [dreg:$0x12]  }
0x28e: {  	[hbm4b:s18+s4] =	stream.linear.scatter [tilespmem:s13], [sflag:$0x3], $0xFA0, $0x38;
	[tilespmem:$0x1FA80] =	vst v63  }
0x28f: {  	_ =	swait.ge [sflag:s7], $0xFA0  }
0x290: {  	[sflag:s7] =	ssyncset.done $0x0  }
0x291: {  	[sflag:s7] =	ssyncadd.s32 $0xFFFFF060  }
0x292: {  	_ =	swait.ge [sflag:s14], $0xFA0  }
0x293: {  	s19 =	sld [smem:$0x7FA]  }
0x294: {  	[sflag:s14] =	ssyncset.done $0x0  }
0x295: {  	[sflag:s14] =	ssyncadd.s32 $0xFFFFF060  }
0x296: {  	[tilespmem:s13], [sflag:$0x2] =	stream.linear.gather [spmem:s19], $0xFA0, $0x38;
	[tilespmem:$0x1FA80] =	vst v63  }
0x297: {  	s17 =	rddreg [dreg:$0x13]  }
0x298: {  	[hbm4b:s17+s4] =	stream.linear.scatter [tilespmem:s1], [sflag:$0x3], $0xFA0, $0x38;
	[tilespmem:$0x1FA80] =	vst v63  }
0x299: {  	_ =	swait.ge [sflag:s7], $0xFA0  }
0x29a: {  	[sflag:s7] =	ssyncset.done $0x0  }
0x29b: {  	[sflag:s7] =	ssyncadd.s32 $0xFFFFF060  }
0x29c: {  	_ =	swait.ge [sflag:s14], $0xFA0  }
0x29d: {  	s18 =	sld [smem:$0x7FB]  }
0x29e: {  	[sflag:s14] =	ssyncset.done $0x0  }
0x29f: {  	[sflag:s14] =	ssyncadd.s32 $0xFFFFF060  }
0x2a0: {  	[tilespmem:s1], [sflag:$0x2] =	stream.linear.gather [spmem:s18], $0xFA0, $0x38;
	[tilespmem:$0x1FA80] =	vst v63  }
0x2a1: {  	s19 =	rddreg [dreg:$0x14]  }
0x2a2: {  	[hbm4b:s19+s4] =	stream.linear.scatter [tilespmem:s13], [sflag:$0x3], $0xFA0, $0x38;
	[tilespmem:$0x1FA80] =	vst v63  }
0x2a3: {  	_ =	swait.ge [sflag:s7], $0xFA0  }
0x2a4: {  	[sflag:s7] =	ssyncset.done $0x0  }
0x2a5: {  	[sflag:s7] =	ssyncadd.s32 $0xFFFFF060  }
0x2a6: {  	_ =	swait.ge [sflag:s14], $0xFA0  }
0x2a7: {  	s17 =	sld [smem:$0x7FC]  }
0x2a8: {  	[sflag:s14] =	ssyncset.done $0x0  }
0x2a9: {  	[sflag:s14] =	ssyncadd.s32 $0xFFFFF060  }
0x2aa: {  	[tilespmem:s13], [sflag:$0x2] =	stream.linear.gather [spmem:s17], $0xFA0, $0x38;
	[tilespmem:$0x1FA80] =	vst v63  }
0x2ab: {  	s18 =	rddreg [dreg:$0x15]  }
0x2ac: {  	[hbm4b:s18+s4] =	stream.linear.scatter [tilespmem:s1], [sflag:$0x3], $0xFA0, $0x38;
	[tilespmem:$0x1FA80] =	vst v63  }
0x2ad: {  	_ =	swait.ge [sflag:s7], $0xFA0  }
0x2ae: {  	[sflag:s7] =	ssyncset.done $0x0  }
0x2af: {  	[sflag:s7] =	ssyncadd.s32 $0xFFFFF060  }
0x2b0: {  	_ =	swait.ge [sflag:s14], $0xFA0  }
0x2b1: {  	s19 =	sld [smem:$0x7FD]  }
0x2b2: {  	[sflag:s14] =	ssyncset.done $0x0  }
0x2b3: {  	[sflag:s14] =	ssyncadd.s32 $0xFFFFF060  }
0x2b4: {  	[tilespmem:s1], [sflag:$0x2] =	stream.linear.gather [spmem:s19], $0xFA0, $0x38;
	[tilespmem:$0x1FA80] =	vst v63  }
0x2b5: {  	s17 =	rddreg [dreg:$0x16]  }
0x2b6: {  	[hbm4b:s17+s4] =	stream.linear.scatter [tilespmem:s13], [sflag:$0x3], $0xFA0, $0x38;
	[tilespmem:$0x1FA80] =	vst v63  }
0x2b7: {  	_ =	swait.ge [sflag:s7], $0xFA0  }
0x2b8: {  	[sflag:s7] =	ssyncset.done $0x0  }
0x2b9: {  	[sflag:s7] =	ssyncadd.s32 $0xFFFFF060  }
0x2ba: {  	_ =	swait.ge [sflag:s14], $0xFA0  }
0x2bb: {  	[sflag:s14] =	ssyncset.done $0x0  }
0x2bc: {  	[sflag:s14] =	ssyncadd.s32 $0xFFFFF060  }
0x2bd: {  	[tilespmem:s13], [sflag:$0x2] =	stream.linear.gather [spmem:s20], $0xFA0, $0x38;
	[tilespmem:$0x1FA80] =	vst v63  }
0x2be: {  	s18 =	rddreg [dreg:$0x17]  }
0x2bf: {  	[hbm4b:s18+s4] =	stream.linear.scatter [tilespmem:s1], [sflag:$0x3], $0xFA0, $0x38;
	[tilespmem:$0x1FA80] =	vst v63  }
0x2c0: {  	_ =	swait.ge [sflag:s7], $0xFA0  }
0x2c1: {  	[sflag:s7] =	ssyncset.done $0x0  }
0x2c2: {  	[sflag:s7] =	ssyncadd.s32 $0xFFFFF060  }
0x2c3: {  	_ =	swait.ge [sflag:s14], $0xFA0  }
0x2c4: {  	[sflag:s14] =	ssyncset.done $0x0  }
0x2c5: {  	[sflag:s14] =	ssyncadd.s32 $0xFFFFF060  }
0x2c6: {  	[tilespmem:s1], [sflag:$0x2] =	stream.linear.gather [spmem:s21], $0xFA0, $0x38;
	[tilespmem:$0x1FA80] =	vst v63  }
0x2c7: {  	s19 =	rddreg [dreg:$0x18]  }
0x2c8: {  	[hbm4b:s19+s4] =	stream.linear.scatter [tilespmem:s13], [sflag:$0x3], $0xFA0, $0x38;
	[tilespmem:$0x1FA80] =	vst v63  }
0x2c9: {  	_ =	swait.ge [sflag:s7], $0xFA0  }
0x2ca: {  	[sflag:s7] =	ssyncset.done $0x0  }
0x2cb: {  	[sflag:s7] =	ssyncadd.s32 $0xFFFFF060  }
0x2cc: {  	_ =	swait.ge [sflag:s14], $0xFA0  }
0x2cd: {  	[sflag:s14] =	ssyncset.done $0x0  }
0x2ce: {  	[sflag:s14] =	ssyncadd.s32 $0xFFFFF060  }
0x2cf: {  	[tilespmem:s13], [sflag:$0x2] =	stream.linear.gather [spmem:s22], $0xFA0, $0x38;
	[tilespmem:$0x1FA80] =	vst v63  }
0x2d0: {  	s17 =	rddreg [dreg:$0x19]  }
0x2d1: {  	[hbm4b:s17+s4] =	stream.linear.scatter [tilespmem:s1], [sflag:$0x3], $0xFA0, $0x38;
	[tilespmem:$0x1FA80] =	vst v63  }
0x2d2: {  	_ =	swait.ge [sflag:s7], $0xFA0  }
0x2d3: {  	[sflag:s7] =	ssyncset.done $0x0  }
0x2d4: {  	[sflag:s7] =	ssyncadd.s32 $0xFFFFF060  }
0x2d5: {  	_ =	swait.ge [sflag:s14], $0xFA0  }
0x2d6: {  	[sflag:s14] =	ssyncset.done $0x0  }
0x2d7: {  	s18 =	rddreg [dreg:$0x1a];
	[sflag:s14] =	ssyncadd.s32 $0xFFFFF060  }
0x2d8: {  	[hbm4b:s18+s4] =	stream.linear.scatter [tilespmem:s13], [sflag:$0x3], $0xFA0, $0x38;
	[tilespmem:$0x1FA80] =	vst v63  }
0x2d9: {  	_ =	swait.ge [sflag:s14], $0xFA0  }
0x2da: {  	s15 =	sadd.s32 $0x1, s15;
	s19 =	rddreg [dreg:$0x1b]  }
0x2db: {  	p0 =	sne.s32 s15, s19  }
.Ltmp4:
0x2dc: {  	_ = 	snop;
	(pc) =	sbr.rel @p0 .LBB2_1-.Ltmp4, $3  }
0x2dd: {  	_ =	sdelay $0x1  }
0x2de: {  	[sflag:s14] =	ssyncset.done $0x0  }
0x2df: {  	[sflag:s14] =	ssyncadd.s32 $0xFFFFF060  }
0x2e0: {  	_ =	sfence.sel $0x180000  }
0x2e1: {  	[bflag:$0x0] =	sbarrier.arrive $0xFFFF  }
0x2e2: {  	_ =	strace $0x90000047  }
0x2e3: {  	s0 =	stileid.u32;
	[bflag:$0x2] =	sbarrier.arrive $0xFFFF  }
0x2e4: {  	p0 =	sne.s32 s0, $0x0;
	s0 =	rddreg [dreg:$0x3]  }
0x2e5: {  	s0 =	sadd.s32 @!p0 $0x100000, s0  }
0x2e6: {  	[sflag:s0] =	ssyncadd.tile.s32 @!p0 $0x1;
	_ =	shalt  }
.Lfunc_end2:
_tile_overlayer_lowered:
.L_overlay_start_2:
0x2e7: {  	(tag) =	ssettag $0x2  }
0x2e8: {  	s0 =	rddreg [dreg:$0x0];
	s2 =	stileid.u32  }
0x2e9: {  	s1 =	rddreg [dreg:$0x1];
	p0 =	sne.s32 s2, $0x0  }
0x2ea: {  	s3 =	rddreg [dreg:$0x2];
	[bflag:$0x3] =	sbarrier.arrive $0xFFFF;
	s2 =	simm.s32 @!p0 $0x1C04  }
0x2eb: {  	[timem:s3], [sflag:s2] =	dma.local @!p0 [hbm:s0], s1  }
0x2ec: {  	s0 =	simm.s32 @!p0 $0x4  }
0x2ed: {  	_ =	swait.ge @!p0 [sflag:s0], s1  }
0x2ee: {  	s1 =	ssub.s32 @!p0 $0x0, s1;
	[sflag:s0] =	ssyncset.done @!p0 $0x0  }
0x2ef: {  	[sflag:s0] =	ssyncadd.s32 @!p0 s1  }
0x2f0: {  	[bflag:$0x3] =	sbarrier.arrive $0xFFFF  }
0x2f1: {  	_ =	shalt  }

</sc_bundles>
